<compile_context>
chip_gen: v7x
topology: tpu7x:2x2x1
jax: 0.10.2.dev20260603
libtpu: 0.0.44.dev20260713+nightly
codegen_flags: <defaults>
</compile_context>

<pallas_src>
import functools

import jax
import jax.numpy as jnp
from jax import lax
from jax.experimental import pallas as pl
from jax.experimental.pallas import tpu as pltpu
import jax.experimental.pallas.tpu_sc as plsc

_N, _E, _F, _H, _B = 5000, 30000, 128, 64, 256
_NC, _NS = 2, 16
_NW = _NC * _NS
_CW = 120
_CH = 8
_BPW = _CW * _CH
_EP = _BPW * _NW
_NP = 5120
_NPS = _NP // _NS
_MB = 1536



def _prep_body(x_ref, w0_ref, b0_ref, ea_ref, w1_ref, b1_ref, s0_ref, eh_ref):
    s0_ref[0:_N, 0:_H] = jax.nn.relu(
        jnp.dot(x_ref[...], w0_ref[...], preferred_element_type=jnp.float32)
        + b0_ref[...])
    s0_ref[0:_N, _H:128] = jnp.zeros((_N, 128 - _H), jnp.float32)
    s0_ref[_N:_NP, :] = jnp.zeros((_NP - _N, 128), jnp.float32)
    ehT = jax.nn.relu(
        lax.dot_general(w1_ref[...], ea_ref[...], (((0,), (1,)), ((), ())),
                        preferred_element_type=jnp.float32)
        + b1_ref[...][:, None])
    eh_ref[:, 0:_E] = ehT.astype(jnp.bfloat16)
    eh_ref[:, _E:_EP] = jnp.zeros((128, _EP - _E), jnp.bfloat16)


def _prep(x, w0, b0, ea_p, enw1, enb1):
    return pl.pallas_call(
        _prep_body,
        out_shape=(jax.ShapeDtypeStruct((_NP, 128), jnp.float32),
                   jax.ShapeDtypeStruct((128, _EP), jnp.bfloat16)),
    )(x, w0, b0, ea_p, enw1, enb1)



def _gather_body(nodes_hbm, idx_hbm, g_hbm, idx_v, rows_v, tab_sh, sem):
    c = lax.axis_index("c")
    s = lax.axis_index("s")
    wid = s * _NC + c
    r0 = s * _NPS
    pltpu.sync_copy(nodes_hbm.at[pl.ds(r0, _NPS), 0:_H],
                    rows_v.at[pl.ds(0, _NPS)])
    pltpu.sync_copy(rows_v.at[pl.ds(0, _NPS)], tab_sh.at[pl.ds(r0, _NPS)])
    plsc.subcore_barrier()
    pltpu.sync_copy(idx_hbm.at[wid], idx_v)
    cps = [
        pltpu.async_copy(tab_sh.at[idx_v.at[j]],
                         rows_v.at[pl.ds(j * _CW, _CW)], sem)
        for j in range(_CH)
    ]
    for cp in cps:
        cp.wait()
    pltpu.sync_copy(rows_v, g_hbm.at[pl.ds(wid * _BPW, _BPW), 0:_H])


def _sc_gather(nodes, src_idx):
    mesh = plsc.VectorSubcoreMesh(core_axis_name="c", subcore_axis_name="s")
    return pl.kernel(
        _gather_body,
        out_type=jax.ShapeDtypeStruct((_EP, 128), jnp.float32),
        mesh=mesh,
        compiler_params=pltpu.CompilerParams(use_tc_tiling_on_sc=False),
        scratch_types=[
            pltpu.VMEM((_CH, _CW), jnp.int32),
            pltpu.VMEM((_BPW, _H), jnp.float32),
            pltpu.VMEM_SHARED((_NP, _H), jnp.float32),
            pltpu.SemaphoreType.DMA,
        ],
    )(nodes, src_idx)



def _msg_body(eh_ref, g_ref, w_ref, b_ref, o_ref):
    g32 = g_ref[:, 0:_H]
    gT = g32.T.astype(jnp.bfloat16)
    ehT = eh_ref[...]
    p2 = (gT[:, None, :] * ehT[None, :, :]).reshape(_H * 128, _MB)
    msgT = jnp.dot(w_ref[...], p2, preferred_element_type=jnp.float32)
    acc = msgT.T + jnp.dot(g32, b_ref[...], preferred_element_type=jnp.float32)
    o_ref[:, 0:_H] = acc
    o_ref[:, _H:128] = jnp.zeros((_MB, 128 - _H), jnp.float32)


def _tc_msg(ehb, g, w2rb, b0m):
    grid = _EP // _MB
    return pl.pallas_call(
        _msg_body,
        grid=(grid,),
        in_specs=[
            pl.BlockSpec((128, _MB), lambda i: (0, i)),
            pl.BlockSpec((_MB, 128), lambda i: (i, 0)),
            pl.BlockSpec((_H, _H * 128), lambda i: (0, 0)),
            pl.BlockSpec((_H, _H), lambda i: (0, 0)),
        ],
        out_specs=pl.BlockSpec((_MB, 128), lambda i: (i, 0)),
        out_shape=jax.ShapeDtypeStruct((_EP, 128), jnp.float32),
    )(ehb, g, w2rb, b0m)



def _scatter_body(msg_hbm, idx_hbm, z64_hbm, agg_hbm, idx_v, msg_v, agg_sh,
                  sem):
    c = lax.axis_index("c")
    s = lax.axis_index("s")
    wid = s * _NC + c
    row0 = s * _NPS
    cp_i = pltpu.async_copy(idx_hbm.at[wid], idx_v, sem)
    cp_m = pltpu.async_copy(msg_hbm.at[pl.ds(wid * _BPW, _BPW), 0:_H],
                            msg_v, sem)
    pltpu.sync_copy(z64_hbm.at[pl.ds(0, _NPS)], agg_sh.at[pl.ds(row0, _NPS)])
    plsc.subcore_barrier()
    cp_i.wait()
    cp_m.wait()
    for j in range(_CH):
        pltpu.sync_copy(msg_v.at[pl.ds(j * _CW, _CW)],
                        agg_sh.at[idx_v.at[j]], add=True)
    plsc.subcore_barrier()
    pltpu.sync_copy(agg_sh.at[pl.ds(row0, _NPS)],
                    agg_hbm.at[pl.ds(c * _NP + row0, _NPS)])


def _deg_body(idx_hbm, z16_hbm, ones_hbm, deg_hbm, idx_v, ones_v, deg_sh):
    c = lax.axis_index("c")
    s = lax.axis_index("s")
    wid = s * _NC + c
    row0 = s * _NPS
    pltpu.sync_copy(z16_hbm, deg_sh.at[pl.ds(row0, _NPS)])
    pltpu.sync_copy(ones_hbm, ones_v)
    plsc.subcore_barrier()
    pltpu.sync_copy(idx_hbm.at[wid], idx_v)
    for j in range(_CH):
        pltpu.sync_copy(ones_v, deg_sh.at[idx_v.at[j]], add=True)
    plsc.subcore_barrier()
    pltpu.sync_copy(deg_sh.at[pl.ds(row0, _NPS)],
                    deg_hbm.at[pl.ds(c * _NP + row0, _NPS)])


def _sc_scatter(msg, dst_idx, z64):
    mesh = plsc.VectorSubcoreMesh(core_axis_name="c", subcore_axis_name="s")
    return pl.kernel(
        _scatter_body,
        out_type=jax.ShapeDtypeStruct((_NC * _NP, _H), jnp.float32),
        mesh=mesh,
        compiler_params=pltpu.CompilerParams(use_tc_tiling_on_sc=False),
        scratch_types=[
            pltpu.VMEM((_CH, _CW), jnp.int32),
            pltpu.VMEM((_BPW, _H), jnp.float32),
            pltpu.VMEM_SHARED((_NP, _H), jnp.float32),
            pltpu.SemaphoreType.DMA,
        ],
    )(msg, dst_idx, z64)


def _sc_deg(dst_idx, z16, ones):
    mesh = plsc.VectorSubcoreMesh(core_axis_name="c", subcore_axis_name="s")
    return pl.kernel(
        _deg_body,
        out_type=jax.ShapeDtypeStruct((_NC * _NP, 16), jnp.float32),
        mesh=mesh,
        compiler_params=pltpu.CompilerParams(use_tc_tiling_on_sc=False),
        scratch_types=[
            pltpu.VMEM((_CH, _CW), jnp.int32),
            pltpu.VMEM((_CW, 16), jnp.float32),
            pltpu.VMEM_SHARED((_NP, 16), jnp.float32),
        ],
    )(dst_idx, z16, ones)



def _gru_math(agg_ref, deg_ref, s, root_ref, cb_ref, wih_ref, bih_ref,
              whh_ref, bhh_ref):
    deg = jnp.clip(deg_ref[0:_N, 0:1] + deg_ref[_NP:_NP + _N, 0:1], 1.0, None)
    agg = (agg_ref[0:_N, :] + agg_ref[_NP:_NP + _N, :]) / deg
    m = jax.nn.relu(
        agg + jnp.dot(s, root_ref[...], preferred_element_type=jnp.float32)
        + cb_ref[...])
    gi = jnp.dot(m, wih_ref[...], preferred_element_type=jnp.float32) + bih_ref[...]
    gh = jnp.dot(s, whh_ref[...], preferred_element_type=jnp.float32) + bhh_ref[...]
    r = jax.nn.sigmoid(gi[:, 0:_H] + gh[:, 0:_H])
    z = jax.nn.sigmoid(gi[:, _H:2 * _H] + gh[:, _H:2 * _H])
    n = jnp.tanh(gi[:, 2 * _H:3 * _H] + r * gh[:, 2 * _H:3 * _H])
    return (1.0 - z) * n + z * s


def _gru_body(agg_ref, deg_ref, s_ref, root_ref, cb_ref, wih_ref, bih_ref,
              whh_ref, bhh_ref, o_ref):
    o_ref[0:_N, 0:_H] = _gru_math(agg_ref, deg_ref, s_ref[0:_N, 0:_H],
                                  root_ref, cb_ref, wih_ref, bih_ref,
                                  whh_ref, bhh_ref)
    o_ref[0:_N, _H:128] = jnp.zeros((_N, 128 - _H), jnp.float32)
    o_ref[_N:_NP, :] = jnp.zeros((_NP - _N, 128), jnp.float32)


def _tc_gru(aggp, degp, s, root, cb, wihT, bih, whhT, bhh):
    return pl.pallas_call(
        _gru_body,
        out_shape=jax.ShapeDtypeStruct((_NP, 128), jnp.float32),
    )(aggp, degp, s, root, cb, wihT, bih, whhT, bhh)



def _s2s_body(agg_ref, deg_ref, s_ref, root_ref, cb_ref, gwih_ref, gbih_ref,
              gwhh_ref, gbhh_ref, b_ref, wih_ref, bih_ref, whh_ref, bhh_ref,
              w1_ref, b1_ref, w2_ref, b2_ref, o_ref):
    s = _gru_math(agg_ref, deg_ref, s_ref[0:_N, 0:_H], root_ref, cb_ref,
                  gwih_ref, gbih_ref, gwhh_ref, gbhh_ref)
    bids = b_ref[...]
    iota = lax.broadcasted_iota(jnp.int32, (_N, _B), 1)
    msk = bids == iota
    mf = msk.astype(jnp.float32)
    q = jnp.zeros((_B, 2 * _H), jnp.float32)
    hh = jnp.zeros((_B, _H), jnp.float32)
    cc = jnp.zeros((_B, _H), jnp.float32)
    for _ in range(3):
        gates = (jnp.dot(q, wih_ref[...], preferred_element_type=jnp.float32)
                 + bih_ref[...]
                 + jnp.dot(hh, whh_ref[...], preferred_element_type=jnp.float32)
                 + bhh_ref[...])
        i_ = jax.nn.sigmoid(gates[:, 0:_H])
        f_ = jax.nn.sigmoid(gates[:, _H:2 * _H])
        g_ = jnp.tanh(gates[:, 2 * _H:3 * _H])
        o_ = jax.nn.sigmoid(gates[:, 3 * _H:4 * _H])
        cc = f_ * cc + i_ * g_
        hh = o_ * jnp.tanh(cc)
        hb = jnp.dot(mf, hh, preferred_element_type=jnp.float32)
        e = jnp.sum(s * hb, axis=1, keepdims=True)
        em = jnp.max(jnp.where(msk, e, -1e38), axis=0, keepdims=True)
        em = jnp.where(em < -1e37, 0.0, em)
        a = jnp.exp(e - jnp.sum(mf * em, axis=1, keepdims=True))
        asum = jnp.sum(mf * a, axis=0, keepdims=True)
        an = a / (jnp.sum(mf * asum, axis=1, keepdims=True) + 1e-16)
        r_ = lax.dot_general(mf * an, s, (((0,), (0,)), ((), ())),
                             preferred_element_type=jnp.float32)
        q = jnp.concatenate([hh, r_], axis=1)
    z1 = jax.nn.relu(
        jnp.dot(q, w1_ref[...], preferred_element_type=jnp.float32) + b1_ref[...])
    o_ref[...] = jnp.dot(z1, w2_ref[...], preferred_element_type=jnp.float32) + b2_ref[...]


def _tc_s2s(aggp, degp, s, root, cb, gwihT, gbih, gwhhT, gbhh,
            batch2d, lsWihT, lsbih, lsWhhT, lsbhh, w1, b1, w2, b2):
    return pl.pallas_call(
        _s2s_body,
        out_shape=jax.ShapeDtypeStruct((_B, 1), jnp.float32),
    )(aggp, degp, s, root, cb, gwihT, gbih, gwhhT, gbhh,
      batch2d, lsWihT, lsbih, lsWhhT, lsbhh, w1, b1, w2, b2)



def kernel(x, edge_index, batch, edge_attr, W0, b0, enW1, enb1, enW2, enb2,
           root, conv_bias, gru_Wih, gru_Whh, gru_bih, gru_bhh,
           ls_Wih, ls_Whh, ls_bih, ls_bhh, W1, b1, W2, b2):
    src = edge_index[0].astype(jnp.int32)
    dst = edge_index[1].astype(jnp.int32)
    src_p = jnp.concatenate([src, jnp.zeros((_EP - _E,), jnp.int32)])
    dst_p = jnp.concatenate([dst, jnp.full((_EP - _E,), _N, jnp.int32)])
    src_w = src_p.reshape(_NW, _CH, _CW)
    dst_w = dst_p.reshape(_NW, _CH, _CW)

    w2rb = (enW2.reshape(128, _H, _H).transpose(2, 1, 0)
            .reshape(_H, _H * 128).astype(jnp.bfloat16))
    b0m = enb2.reshape(_H, _H)
    z64 = jnp.zeros((_NPS, _H), jnp.float32)
    z16 = jnp.zeros((_NPS, 16), jnp.float32)
    ones = jnp.ones((_CW, 16), jnp.float32)

    s, ehb = _prep(x, W0, b0, edge_attr, enW1, enb1)

    wihT = gru_Wih.T
    whhT = gru_Whh.T
    degp = _sc_deg(dst_w, z16, ones)
    for it in range(3):
        g = _sc_gather(s, src_w)
        msg = _tc_msg(ehb, g, w2rb, b0m)
        aggp = _sc_scatter(msg, dst_w, z64)
        if it < 2:
            s = _tc_gru(aggp, degp, s, root, conv_bias, wihT, gru_bih,
                        whhT, gru_bhh)

    out = _tc_s2s(aggp, degp, s, root, conv_bias, wihT, gru_bih, whhT,
                  gru_bhh, batch.astype(jnp.int32).reshape(_N, 1),
                  ls_Wih.T, ls_bih, ls_Whh.T, ls_bhh, W1, b1, W2, b2)
    return out.reshape(-1)

# --- scband reference (transcript-rebuilt; emitter-appended) ---
"""Pipeline reference for scband-clone-net-2396591751946 (READ-ONLY COPY).

The authoritative reference and input builder live on the scoring server;
editing this copy changes nothing except your own understanding.
"""

import jax, jax.numpy as jnp
import numpy as np


def setup_inputs(seed: int = 0):
    key = jax.random.key(seed)
    ks = jax.random.split(key, 20)
    N, E, F, H, B = 5000, 30000, 128, 64, 256
    s = 0.05
    inp = {}
    inp['x'] = jax.random.normal(ks[0], (N, F), dtype=jnp.float32)
    inp['edge_index'] = jax.random.randint(ks[1], (2, E), 0, N)
    inp['batch'] = jnp.sort(jax.random.randint(ks[2], (N,), 0, B))
    inp['edge_attr'] = jax.random.normal(ks[3], (E, H), dtype=jnp.float32)
    inp['W0'] = s * jax.random.normal(ks[4], (F, H))
    inp['b0'] = jnp.zeros((H,))
    inp['enW1'] = s * jax.random.normal(ks[5], (H, 128))
    inp['enb1'] = jnp.zeros((128,))
    inp['enW2'] = s * jax.random.normal(ks[6], (128, H * H))
    inp['enb2'] = jnp.zeros((H * H,))
    inp['root'] = s * jax.random.normal(ks[7], (H, H))
    inp['conv_bias'] = jnp.zeros((H,))
    inp['gru_Wih'] = s * jax.random.normal(ks[8], (3 * H, H))
    inp['gru_Whh'] = s * jax.random.normal(ks[9], (3 * H, H))
    inp['gru_bih'] = jnp.zeros((3 * H,))
    inp['gru_bhh'] = jnp.zeros((3 * H,))
    inp['ls_Wih'] = s * jax.random.normal(ks[10], (4 * H, 2 * H))
    inp['ls_Whh'] = s * jax.random.normal(ks[11], (4 * H, H))
    inp['ls_bih'] = jnp.zeros((4 * H,))
    inp['ls_bhh'] = jnp.zeros((4 * H,))
    inp['W1'] = s * jax.random.normal(ks[12], (2 * H, H))
    inp['b1'] = jnp.zeros((H,))
    inp['W2'] = s * jax.random.normal(ks[13], (H, 1))
    inp['b2'] = jnp.zeros((1,))
    return inp


def reference(x, edge_index, batch, edge_attr, W0, b0, enW1, enb1, enW2, enb2,
              root, conv_bias, gru_Wih, gru_Whh, gru_bih, gru_bhh,
              ls_Wih, ls_Whh, ls_bih, ls_bhh, W1, b1, W2, b2):
    N = x.shape[0]
    H = W0.shape[1]
    B = 256
    src = edge_index[0]
    dst = edge_index[1]
    # lin0 + relu
    out = jax.nn.relu(x @ W0 + b0)
    h = out
    # NNConv edge network: per-edge [H, H] weight matrices (same every iteration)
    eh = jax.nn.relu(edge_attr @ enW1 + enb1)
    We = (eh @ enW2 + enb2).reshape(-1, H, H)
    deg = jnp.clip(jax.ops.segment_sum(jnp.ones(src.shape[0], dtype=jnp.float32), dst, num_segments=N), 1.0, None)
    for _ in range(3):
        # message: x_src @ W_e, aggregated by mean at dst; plus root weight and bias
        msg = jnp.einsum('eh,eho->eo', out[src], We)
        agg = jax.ops.segment_sum(msg, dst, num_segments=N) / deg[:, None]
        m = jax.nn.relu(agg + out @ root + conv_bias)
        # GRU step (seq len 1)
        gi = m @ gru_Wih.T + gru_bih
        gh = h @ gru_Whh.T + gru_bhh
        ir, iz, inn = jnp.split(gi, 3, axis=-1)
        hr, hz, hn = jnp.split(gh, 3, axis=-1)
        r = jax.nn.sigmoid(ir + hr)
        z = jax.nn.sigmoid(iz + hz)
        n = jnp.tanh(inn + r * hn)
        h = (1.0 - z) * n + z * h
        out = h
    # Set2Set with 3 processing steps
    q_star = jnp.zeros((B, 2 * H), dtype=x.dtype)
    hh = jnp.zeros((B, H), dtype=x.dtype)
    cc = jnp.zeros((B, H), dtype=x.dtype)
    for _ in range(3):
        gates = q_star @ ls_Wih.T + ls_bih + hh @ ls_Whh.T + ls_bhh
        i_, f_, g_, o_ = jnp.split(gates, 4, axis=-1)
        i_ = jax.nn.sigmoid(i_)
        f_ = jax.nn.sigmoid(f_)
        g_ = jnp.tanh(g_)
        o_ = jax.nn.sigmoid(o_)
        cc = f_ * cc + i_ * g_
        hh = o_ * jnp.tanh(cc)
        e = jnp.sum(out * hh[batch], axis=-1)
        emax = jax.ops.segment_max(e, batch, num_segments=B)
        emax = jax.lax.stop_gradient(jnp.where(jnp.isfinite(emax), emax, 0.0))
        a = jnp.exp(e - emax[batch])
        asum = jax.ops.segment_sum(a, batch, num_segments=B)
        a = a / (asum[batch] + 1e-16)
        r_ = jax.ops.segment_sum(a[:, None] * out, batch, num_segments=B)
        q_star = jnp.concatenate([hh, r_], axis=-1)
    z1 = jax.nn.relu(q_star @ W1 + b1)
    z2 = z1 @ W2 + b2
    return z2.reshape(-1)

if __name__ == "__main__":
    import jax
    _d = setup_inputs()
    print(jax.jit(kernel)(*tuple(_d.values())))

</pallas_src>

<mosaic_0001>
#map = affine_map<(d0, d1) -> (0, 0)>
#map1 = affine_map<(d0, d1) -> (0, 0, 0)>
module attributes {stable_mosaic.version = 14 : i64} {
  func.func @_gather_body(%arg0: i32, %arg1: i32, %arg2: memref<5120x128xf32, #tpu.memory_space<hbm>>, %arg3: memref<32x8x120xi32, #tpu.memory_space<hbm>>, %arg4: memref<30720x128xf32, #tpu.memory_space<hbm>>, %arg5: memref<8x120xi32, #tpu.memory_space<vmem>>, %arg6: memref<960x64xf32, #tpu.memory_space<vmem>>, %arg7: memref<5120x64xf32, #tpu.memory_space<vmem_shared>>, %arg8: memref<!tpu.dma_semaphore, #tpu.memory_space<semaphore_mem>>) attributes {dimension_semantics = [#tpu.dimension_semantics<core_parallel>, #tpu.dimension_semantics<subcore_parallel>], iteration_bounds = array<i64: 2, 16>, scalar_prefetch = 0 : i64, scratch_operands = 4 : i64, tpu.core_type = #tpu.core_type<sc_vector_subcore>, window_params = [{transform_indices = #map}, {transform_indices = #map1}, {transform_indices = #map}]} {
    %mul3A = arith.constant 2 : i32
    %mul3A_0 = arith.muli %arg1, %mul3A : i32
    %add3A = arith.addi %mul3A_0, %arg0 : i32
    %mul3A_1 = arith.constant 320 : i32
    %mul3A_2 = arith.muli %arg1, %mul3A_1 : i32
    "tpu.region"() ({
      %run_scoped3A = tpu.sem_alloc : memref<!tpu.dma_semaphore, #tpu.memory_space<semaphore_mem>>
      %dma_start3A_163 = arith.constant 0 : i32
      %dma_start3A_164 = arith.constant 0 : i32
      %dma_start3A_165 = tpu.memref_slice %arg6[%dma_start3A_163, %dma_start3A_164] : memref<960x64xf32, #tpu.memory_space<vmem>> -> memref<320x64xf32, #tpu.memory_space<vmem>>
      %dma_start3A_166 = arith.constant 0 : i32
      %dma_start3A_167 = tpu.memref_slice %arg2[%mul3A_2, %dma_start3A_166] : memref<5120x128xf32, #tpu.memory_space<hbm>> -> memref<320x64xf32, #tpu.memory_space<hbm>>
      %dma_start3A_168 = arith.constant 0 : i32
      %dma_start3A_169 = arith.constant 0 : i32
      %dma_start3A_170 = tpu.memref_slice %arg6[%dma_start3A_168, %dma_start3A_169] : memref<960x64xf32, #tpu.memory_space<vmem>> -> memref<320x64xf32, #tpu.memory_space<vmem>>
      %dma_start3A_171 = arith.constant 0 : i32
      %dma_start3A_172 = tpu.memref_slice %arg2[%mul3A_2, %dma_start3A_171] : memref<5120x128xf32, #tpu.memory_space<hbm>> -> memref<320x64xf32, #tpu.memory_space<hbm>>
      tpu.enqueue_dma source(%dma_start3A_172 : memref<320x64xf32, #tpu.memory_space<hbm>>) target(%dma_start3A_170 : memref<320x64xf32, #tpu.memory_space<vmem>>) target_semaphore(%run_scoped3A : memref<!tpu.dma_semaphore, #tpu.memory_space<semaphore_mem>>)
      %dma_wait3A_173 = arith.constant 0 : i32
      %dma_wait3A_174 = arith.constant 0 : i32
      %dma_wait3A_175 = tpu.memref_slice %arg6[%dma_wait3A_173, %dma_wait3A_174] : memref<960x64xf32, #tpu.memory_space<vmem>> -> memref<320x64xf32, #tpu.memory_space<vmem>>
      %dma_wait3A_176 = arith.constant 0 : i32
      %dma_wait3A_177 = tpu.memref_slice %arg2[%mul3A_2, %dma_wait3A_176] : memref<5120x128xf32, #tpu.memory_space<hbm>> -> memref<320x64xf32, #tpu.memory_space<hbm>>
      %dma_wait3A_178 = arith.constant 0 : i32
      %dma_wait3A_179 = arith.constant 0 : i32
      %dma_wait3A_180 = tpu.memref_slice %arg6[%dma_wait3A_178, %dma_wait3A_179] : memref<960x64xf32, #tpu.memory_space<vmem>> -> memref<320x64xf32, #tpu.memory_space<vmem>>
      %dma_wait3A_181 = arith.constant 0 : i32
      %dma_wait3A_182 = tpu.memref_slice %arg2[%mul3A_2, %dma_wait3A_181] : memref<5120x128xf32, #tpu.memory_space<hbm>> -> memref<320x64xf32, #tpu.memory_space<hbm>>
      tpu.wait_dma2 semaphore(%run_scoped3A : memref<!tpu.dma_semaphore, #tpu.memory_space<semaphore_mem>>) src(%dma_wait3A_182 : memref<320x64xf32, #tpu.memory_space<hbm>>) dst(%dma_wait3A_180 : memref<320x64xf32, #tpu.memory_space<vmem>>)
      tpu.yield
    }) : () -> ()
    "tpu.region"() ({
      %run_scoped3A = tpu.sem_alloc : memref<!tpu.dma_semaphore, #tpu.memory_space<semaphore_mem>>
      %dma_start3A_163 = arith.constant 0 : i32
      %dma_start3A_164 = arith.constant 0 : i32
      %dma_start3A_165 = tpu.memref_slice %arg6[%dma_start3A_163, %dma_start3A_164] : memref<960x64xf32, #tpu.memory_space<vmem>> -> memref<320x64xf32, #tpu.memory_space<vmem>>
      %dma_start3A_166 = arith.constant 0 : i32
      %dma_start3A_167 = tpu.memref_slice %arg7[%mul3A_2, %dma_start3A_166] : memref<5120x64xf32, #tpu.memory_space<vmem_shared>> -> memref<320x64xf32, #tpu.memory_space<vmem_shared>>
      %dma_start3A_168 = arith.constant 0 : i32
      %dma_start3A_169 = tpu.memref_slice %arg7[%mul3A_2, %dma_start3A_168] : memref<5120x64xf32, #tpu.memory_space<vmem_shared>> -> memref<320x64xf32, #tpu.memory_space<vmem_shared>>
      %dma_start3A_170 = arith.constant 0 : i32
      %dma_start3A_171 = arith.constant 0 : i32
      %dma_start3A_172 = tpu.memref_slice %arg6[%dma_start3A_170, %dma_start3A_171] : memref<960x64xf32, #tpu.memory_space<vmem>> -> memref<320x64xf32, #tpu.memory_space<vmem>>
      tpu.enqueue_dma source(%dma_start3A_172 : memref<320x64xf32, #tpu.memory_space<vmem>>) target(%dma_start3A_169 : memref<320x64xf32, #tpu.memory_space<vmem_shared>>) target_semaphore(%run_scoped3A : memref<!tpu.dma_semaphore, #tpu.memory_space<semaphore_mem>>)
      %dma_wait3A_173 = arith.constant 0 : i32
      %dma_wait3A_174 = arith.constant 0 : i32
      %dma_wait3A_175 = tpu.memref_slice %arg6[%dma_wait3A_173, %dma_wait3A_174] : memref<960x64xf32, #tpu.memory_space<vmem>> -> memref<320x64xf32, #tpu.memory_space<vmem>>
      %dma_wait3A_176 = arith.constant 0 : i32
      %dma_wait3A_177 = tpu.memref_slice %arg7[%mul3A_2, %dma_wait3A_176] : memref<5120x64xf32, #tpu.memory_space<vmem_shared>> -> memref<320x64xf32, #tpu.memory_space<vmem_shared>>
      %dma_wait3A_178 = arith.constant 0 : i32
      %dma_wait3A_179 = tpu.memref_slice %arg7[%mul3A_2, %dma_wait3A_178] : memref<5120x64xf32, #tpu.memory_space<vmem_shared>> -> memref<320x64xf32, #tpu.memory_space<vmem_shared>>
      %dma_wait3A_180 = arith.constant 0 : i32
      %dma_wait3A_181 = arith.constant 0 : i32
      %dma_wait3A_182 = tpu.memref_slice %arg6[%dma_wait3A_180, %dma_wait3A_181] : memref<960x64xf32, #tpu.memory_space<vmem>> -> memref<320x64xf32, #tpu.memory_space<vmem>>
      tpu.wait_dma2 semaphore(%run_scoped3A : memref<!tpu.dma_semaphore, #tpu.memory_space<semaphore_mem>>) src(%dma_wait3A_182 : memref<320x64xf32, #tpu.memory_space<vmem>>) dst(%dma_wait3A_179 : memref<320x64xf32, #tpu.memory_space<vmem_shared>>)
      tpu.yield
    }) : () -> ()
    %barrier3A = arith.constant 0 : index
    tpu.barrier barrier_id(%barrier3A)
    "tpu.region"() ({
      %run_scoped3A = tpu.sem_alloc : memref<!tpu.dma_semaphore, #tpu.memory_space<semaphore_mem>>
      %dma_start3A_163 = arith.constant 0 : i32
      %dma_start3A_164 = arith.constant 0 : i32
      %dma_start3A_165 = tpu.memref_slice %arg3[%add3A, %dma_start3A_163, %dma_start3A_164] : memref<32x8x120xi32, #tpu.memory_space<hbm>> -> memref<1x8x120xi32, #tpu.memory_space<hbm>>
      %dma_start3A_166 = tpu.memref_squeeze %dma_start3A_165 : memref<1x8x120xi32, #tpu.memory_space<hbm>> -> memref<8x120xi32, #tpu.memory_space<hbm>>
      %dma_start3A_167 = arith.constant 0 : i32
      %dma_start3A_168 = arith.constant 0 : i32
      %dma_start3A_169 = tpu.memref_slice %arg3[%add3A, %dma_start3A_167, %dma_start3A_168] : memref<32x8x120xi32, #tpu.memory_space<hbm>> -> memref<1x8x120xi32, #tpu.memory_space<hbm>>
      %dma_start3A_170 = tpu.memref_squeeze %dma_start3A_169 : memref<1x8x120xi32, #tpu.memory_space<hbm>> -> memref<8x120xi32, #tpu.memory_space<hbm>>
      tpu.enqueue_dma source(%dma_start3A_170 : memref<8x120xi32, #tpu.memory_space<hbm>>) target(%arg5 : memref<8x120xi32, #tpu.memory_space<vmem>>) target_semaphore(%run_scoped3A : memref<!tpu.dma_semaphore, #tpu.memory_space<semaphore_mem>>)
      %dma_wait3A_171 = arith.constant 0 : i32
      %dma_wait3A_172 = arith.constant 0 : i32
      %dma_wait3A_173 = tpu.memref_slice %arg3[%add3A, %dma_wait3A_171, %dma_wait3A_172] : memref<32x8x120xi32, #tpu.memory_space<hbm>> -> memref<1x8x120xi32, #tpu.memory_space<hbm>>
      %dma_wait3A_174 = tpu.memref_squeeze %dma_wait3A_173 : memref<1x8x120xi32, #tpu.memory_space<hbm>> -> memref<8x120xi32, #tpu.memory_space<hbm>>
      %dma_wait3A_175 = arith.constant 0 : i32
      %dma_wait3A_176 = arith.constant 0 : i32
      %dma_wait3A_177 = tpu.memref_slice %arg3[%add3A, %dma_wait3A_175, %dma_wait3A_176] : memref<32x8x120xi32, #tpu.memory_space<hbm>> -> memref<1x8x120xi32, #tpu.memory_space<hbm>>
      %dma_wait3A_178 = tpu.memref_squeeze %dma_wait3A_177 : memref<1x8x120xi32, #tpu.memory_space<hbm>> -> memref<8x120xi32, #tpu.memory_space<hbm>>
      tpu.wait_dma2 semaphore(%run_scoped3A : memref<!tpu.dma_semaphore, #tpu.memory_space<semaphore_mem>>) src(%dma_wait3A_178 : memref<8x120xi32, #tpu.memory_space<hbm>>) dst(%arg5 : memref<8x120xi32, #tpu.memory_space<vmem>>)
      tpu.yield
    }) : () -> ()
    %dma_start3A = arith.constant 0 : i32
    %dma_start3A_3 = arith.constant 0 : i32
    %dma_start3A_4 = arith.constant 0 : i32
    %dma_start3A_5 = tpu.memref_slice %arg6[%dma_start3A_3, %dma_start3A_4] : memref<960x64xf32, #tpu.memory_space<vmem>> -> memref<120x64xf32, #tpu.memory_space<vmem>>
    %dma_start3A_6 = arith.constant 0 : i32
    %dma_start3A_7 = tpu.memref_slice %arg5[%dma_start3A, %dma_start3A_6] : memref<8x120xi32, #tpu.memory_space<vmem>> -> memref<1x120xi32, #tpu.memory_space<vmem>>
    %dma_start3A_8 = tpu.memref_squeeze %dma_start3A_7 : memref<1x120xi32, #tpu.memory_space<vmem>> -> memref<120xi32, #tpu.memory_space<vmem>>
    %dma_start3A_9 = arith.constant 0 : i32
    %dma_start3A_10 = arith.constant 0 : i32
    %dma_start3A_11 = tpu.memref_slice %arg7[%dma_start3A_9, %dma_start3A_10] : memref<5120x64xf32, #tpu.memory_space<vmem_shared>> -> memref<5120x64xf32, #tpu.memory_space<vmem_shared>>
    tpu.enqueue_indirect_dma source(%dma_start3A_11 : memref<5120x64xf32, #tpu.memory_space<vmem_shared>>) target(%dma_start3A_5 : memref<120x64xf32, #tpu.memory_space<vmem>>) offsets(%dma_start3A_8 : memref<120xi32, #tpu.memory_space<vmem>>) semaphore(%arg8 : memref<!tpu.dma_semaphore, #tpu.memory_space<semaphore_mem>>)
    %dma_start3A_12 = arith.constant 1 : i32
    %dma_start3A_13 = arith.constant 120 : i32
    %dma_start3A_14 = arith.constant 0 : i32
    %dma_start3A_15 = tpu.memref_slice %arg6[%dma_start3A_13, %dma_start3A_14] : memref<960x64xf32, #tpu.memory_space<vmem>> -> memref<120x64xf32, #tpu.memory_space<vmem>>
    %dma_start3A_16 = arith.constant 0 : i32
    %dma_start3A_17 = tpu.memref_slice %arg5[%dma_start3A_12, %dma_start3A_16] : memref<8x120xi32, #tpu.memory_space<vmem>> -> memref<1x120xi32, #tpu.memory_space<vmem>>
    %dma_start3A_18 = tpu.memref_squeeze %dma_start3A_17 : memref<1x120xi32, #tpu.memory_space<vmem>> -> memref<120xi32, #tpu.memory_space<vmem>>
    %dma_start3A_19 = arith.constant 0 : i32
    %dma_start3A_20 = arith.constant 0 : i32
    %dma_start3A_21 = tpu.memref_slice %arg7[%dma_start3A_19, %dma_start3A_20] : memref<5120x64xf32, #tpu.memory_space<vmem_shared>> -> memref<5120x64xf32, #tpu.memory_space<vmem_shared>>
    tpu.enqueue_indirect_dma source(%dma_start3A_21 : memref<5120x64xf32, #tpu.memory_space<vmem_shared>>) target(%dma_start3A_15 : memref<120x64xf32, #tpu.memory_space<vmem>>) offsets(%dma_start3A_18 : memref<120xi32, #tpu.memory_space<vmem>>) semaphore(%arg8 : memref<!tpu.dma_semaphore, #tpu.memory_space<semaphore_mem>>)
    %dma_start3A_22 = arith.constant 2 : i32
    %dma_start3A_23 = arith.constant 240 : i32
    %dma_start3A_24 = arith.constant 0 : i32
    %dma_start3A_25 = tpu.memref_slice %arg6[%dma_start3A_23, %dma_start3A_24] : memref<960x64xf32, #tpu.memory_space<vmem>> -> memref<120x64xf32, #tpu.memory_space<vmem>>
    %dma_start3A_26 = arith.constant 0 : i32
    %dma_start3A_27 = tpu.memref_slice %arg5[%dma_start3A_22, %dma_start3A_26] : memref<8x120xi32, #tpu.memory_space<vmem>> -> memref<1x120xi32, #tpu.memory_space<vmem>>
    %dma_start3A_28 = tpu.memref_squeeze %dma_start3A_27 : memref<1x120xi32, #tpu.memory_space<vmem>> -> memref<120xi32, #tpu.memory_space<vmem>>
    %dma_start3A_29 = arith.constant 0 : i32
    %dma_start3A_30 = arith.constant 0 : i32
    %dma_start3A_31 = tpu.memref_slice %arg7[%dma_start3A_29, %dma_start3A_30] : memref<5120x64xf32, #tpu.memory_space<vmem_shared>> -> memref<5120x64xf32, #tpu.memory_space<vmem_shared>>
    tpu.enqueue_indirect_dma source(%dma_start3A_31 : memref<5120x64xf32, #tpu.memory_space<vmem_shared>>) target(%dma_start3A_25 : memref<120x64xf32, #tpu.memory_space<vmem>>) offsets(%dma_start3A_28 : memref<120xi32, #tpu.memory_space<vmem>>) semaphore(%arg8 : memref<!tpu.dma_semaphore, #tpu.memory_space<semaphore_mem>>)
    %dma_start3A_32 = arith.constant 3 : i32
    %dma_start3A_33 = arith.constant 360 : i32
    %dma_start3A_34 = arith.constant 0 : i32
    %dma_start3A_35 = tpu.memref_slice %arg6[%dma_start3A_33, %dma_start3A_34] : memref<960x64xf32, #tpu.memory_space<vmem>> -> memref<120x64xf32, #tpu.memory_space<vmem>>
    %dma_start3A_36 = arith.constant 0 : i32
    %dma_start3A_37 = tpu.memref_slice %arg5[%dma_start3A_32, %dma_start3A_36] : memref<8x120xi32, #tpu.memory_space<vmem>> -> memref<1x120xi32, #tpu.memory_space<vmem>>
    %dma_start3A_38 = tpu.memref_squeeze %dma_start3A_37 : memref<1x120xi32, #tpu.memory_space<vmem>> -> memref<120xi32, #tpu.memory_space<vmem>>
    %dma_start3A_39 = arith.constant 0 : i32
    %dma_start3A_40 = arith.constant 0 : i32
    %dma_start3A_41 = tpu.memref_slice %arg7[%dma_start3A_39, %dma_start3A_40] : memref<5120x64xf32, #tpu.memory_space<vmem_shared>> -> memref<5120x64xf32, #tpu.memory_space<vmem_shared>>
    tpu.enqueue_indirect_dma source(%dma_start3A_41 : memref<5120x64xf32, #tpu.memory_space<vmem_shared>>) target(%dma_start3A_35 : memref<120x64xf32, #tpu.memory_space<vmem>>) offsets(%dma_start3A_38 : memref<120xi32, #tpu.memory_space<vmem>>) semaphore(%arg8 : memref<!tpu.dma_semaphore, #tpu.memory_space<semaphore_mem>>)
    %dma_start3A_42 = arith.constant 4 : i32
    %dma_start3A_43 = arith.constant 480 : i32
    %dma_start3A_44 = arith.constant 0 : i32
    %dma_start3A_45 = tpu.memref_slice %arg6[%dma_start3A_43, %dma_start3A_44] : memref<960x64xf32, #tpu.memory_space<vmem>> -> memref<120x64xf32, #tpu.memory_space<vmem>>
    %dma_start3A_46 = arith.constant 0 : i32
    %dma_start3A_47 = tpu.memref_slice %arg5[%dma_start3A_42, %dma_start3A_46] : memref<8x120xi32, #tpu.memory_space<vmem>> -> memref<1x120xi32, #tpu.memory_space<vmem>>
    %dma_start3A_48 = tpu.memref_squeeze %dma_start3A_47 : memref<1x120xi32, #tpu.memory_space<vmem>> -> memref<120xi32, #tpu.memory_space<vmem>>
    %dma_start3A_49 = arith.constant 0 : i32
    %dma_start3A_50 = arith.constant 0 : i32
    %dma_start3A_51 = tpu.memref_slice %arg7[%dma_start3A_49, %dma_start3A_50] : memref<5120x64xf32, #tpu.memory_space<vmem_shared>> -> memref<5120x64xf32, #tpu.memory_space<vmem_shared>>
    tpu.enqueue_indirect_dma source(%dma_start3A_51 : memref<5120x64xf32, #tpu.memory_space<vmem_shared>>) target(%dma_start3A_45 : memref<120x64xf32, #tpu.memory_space<vmem>>) offsets(%dma_start3A_48 : memref<120xi32, #tpu.memory_space<vmem>>) semaphore(%arg8 : memref<!tpu.dma_semaphore, #tpu.memory_space<semaphore_mem>>)
    %dma_start3A_52 = arith.constant 5 : i32
    %dma_start3A_53 = arith.constant 600 : i32
    %dma_start3A_54 = arith.constant 0 : i32
    %dma_start3A_55 = tpu.memref_slice %arg6[%dma_start3A_53, %dma_start3A_54] : memref<960x64xf32, #tpu.memory_space<vmem>> -> memref<120x64xf32, #tpu.memory_space<vmem>>
    %dma_start3A_56 = arith.constant 0 : i32
    %dma_start3A_57 = tpu.memref_slice %arg5[%dma_start3A_52, %dma_start3A_56] : memref<8x120xi32, #tpu.memory_space<vmem>> -> memref<1x120xi32, #tpu.memory_space<vmem>>
    %dma_start3A_58 = tpu.memref_squeeze %dma_start3A_57 : memref<1x120xi32, #tpu.memory_space<vmem>> -> memref<120xi32, #tpu.memory_space<vmem>>
    %dma_start3A_59 = arith.constant 0 : i32
    %dma_start3A_60 = arith.constant 0 : i32
    %dma_start3A_61 = tpu.memref_slice %arg7[%dma_start3A_59, %dma_start3A_60] : memref<5120x64xf32, #tpu.memory_space<vmem_shared>> -> memref<5120x64xf32, #tpu.memory_space<vmem_shared>>
    tpu.enqueue_indirect_dma source(%dma_start3A_61 : memref<5120x64xf32, #tpu.memory_space<vmem_shared>>) target(%dma_start3A_55 : memref<120x64xf32, #tpu.memory_space<vmem>>) offsets(%dma_start3A_58 : memref<120xi32, #tpu.memory_space<vmem>>) semaphore(%arg8 : memref<!tpu.dma_semaphore, #tpu.memory_space<semaphore_mem>>)
    %dma_start3A_62 = arith.constant 6 : i32
    %dma_start3A_63 = arith.constant 720 : i32
    %dma_start3A_64 = arith.constant 0 : i32
    %dma_start3A_65 = tpu.memref_slice %arg6[%dma_start3A_63, %dma_start3A_64] : memref<960x64xf32, #tpu.memory_space<vmem>> -> memref<120x64xf32, #tpu.memory_space<vmem>>
    %dma_start3A_66 = arith.constant 0 : i32
    %dma_start3A_67 = tpu.memref_slice %arg5[%dma_start3A_62, %dma_start3A_66] : memref<8x120xi32, #tpu.memory_space<vmem>> -> memref<1x120xi32, #tpu.memory_space<vmem>>
    %dma_start3A_68 = tpu.memref_squeeze %dma_start3A_67 : memref<1x120xi32, #tpu.memory_space<vmem>> -> memref<120xi32, #tpu.memory_space<vmem>>
    %dma_start3A_69 = arith.constant 0 : i32
    %dma_start3A_70 = arith.constant 0 : i32
    %dma_start3A_71 = tpu.memref_slice %arg7[%dma_start3A_69, %dma_start3A_70] : memref<5120x64xf32, #tpu.memory_space<vmem_shared>> -> memref<5120x64xf32, #tpu.memory_space<vmem_shared>>
    tpu.enqueue_indirect_dma source(%dma_start3A_71 : memref<5120x64xf32, #tpu.memory_space<vmem_shared>>) target(%dma_start3A_65 : memref<120x64xf32, #tpu.memory_space<vmem>>) offsets(%dma_start3A_68 : memref<120xi32, #tpu.memory_space<vmem>>) semaphore(%arg8 : memref<!tpu.dma_semaphore, #tpu.memory_space<semaphore_mem>>)
    %dma_start3A_72 = arith.constant 7 : i32
    %dma_start3A_73 = arith.constant 840 : i32
    %dma_start3A_74 = arith.constant 0 : i32
    %dma_start3A_75 = tpu.memref_slice %arg6[%dma_start3A_73, %dma_start3A_74] : memref<960x64xf32, #tpu.memory_space<vmem>> -> memref<120x64xf32, #tpu.memory_space<vmem>>
    %dma_start3A_76 = arith.constant 0 : i32
    %dma_start3A_77 = tpu.memref_slice %arg5[%dma_start3A_72, %dma_start3A_76] : memref<8x120xi32, #tpu.memory_space<vmem>> -> memref<1x120xi32, #tpu.memory_space<vmem>>
    %dma_start3A_78 = tpu.memref_squeeze %dma_start3A_77 : memref<1x120xi32, #tpu.memory_space<vmem>> -> memref<120xi32, #tpu.memory_space<vmem>>
    %dma_start3A_79 = arith.constant 0 : i32
    %dma_start3A_80 = arith.constant 0 : i32
    %dma_start3A_81 = tpu.memref_slice %arg7[%dma_start3A_79, %dma_start3A_80] : memref<5120x64xf32, #tpu.memory_space<vmem_shared>> -> memref<5120x64xf32, #tpu.memory_space<vmem_shared>>
    tpu.enqueue_indirect_dma source(%dma_start3A_81 : memref<5120x64xf32, #tpu.memory_space<vmem_shared>>) target(%dma_start3A_75 : memref<120x64xf32, #tpu.memory_space<vmem>>) offsets(%dma_start3A_78 : memref<120xi32, #tpu.memory_space<vmem>>) semaphore(%arg8 : memref<!tpu.dma_semaphore, #tpu.memory_space<semaphore_mem>>)
    %dma_wait3A = arith.constant 0 : i32
    %dma_wait3A_82 = arith.constant 0 : i32
    %dma_wait3A_83 = arith.constant 0 : i32
    %dma_wait3A_84 = tpu.memref_slice %arg6[%dma_wait3A_82, %dma_wait3A_83] : memref<960x64xf32, #tpu.memory_space<vmem>> -> memref<120x64xf32, #tpu.memory_space<vmem>>
    %dma_wait3A_85 = arith.constant 0 : i32
    %dma_wait3A_86 = tpu.memref_slice %arg5[%dma_wait3A, %dma_wait3A_85] : memref<8x120xi32, #tpu.memory_space<vmem>> -> memref<1x120xi32, #tpu.memory_space<vmem>>
    %dma_wait3A_87 = tpu.memref_squeeze %dma_wait3A_86 : memref<1x120xi32, #tpu.memory_space<vmem>> -> memref<120xi32, #tpu.memory_space<vmem>>
    %dma_wait3A_88 = arith.constant 0 : i32
    %dma_wait3A_89 = arith.constant 0 : i32
    %dma_wait3A_90 = tpu.memref_slice %arg7[%dma_wait3A_88, %dma_wait3A_89] : memref<5120x64xf32, #tpu.memory_space<vmem_shared>> -> memref<5120x64xf32, #tpu.memory_space<vmem_shared>>
    tpu.wait_indirect_dma semaphore(%arg8 : memref<!tpu.dma_semaphore, #tpu.memory_space<semaphore_mem>>) src(%dma_wait3A_90 : memref<5120x64xf32, #tpu.memory_space<vmem_shared>>) dst(%dma_wait3A_84 : memref<120x64xf32, #tpu.memory_space<vmem>>)
    %dma_wait3A_91 = arith.constant 1 : i32
    %dma_wait3A_92 = arith.constant 120 : i32
    %dma_wait3A_93 = arith.constant 0 : i32
    %dma_wait3A_94 = tpu.memref_slice %arg6[%dma_wait3A_92, %dma_wait3A_93] : memref<960x64xf32, #tpu.memory_space<vmem>> -> memref<120x64xf32, #tpu.memory_space<vmem>>
    %dma_wait3A_95 = arith.constant 0 : i32
    %dma_wait3A_96 = tpu.memref_slice %arg5[%dma_wait3A_91, %dma_wait3A_95] : memref<8x120xi32, #tpu.memory_space<vmem>> -> memref<1x120xi32, #tpu.memory_space<vmem>>
    %dma_wait3A_97 = tpu.memref_squeeze %dma_wait3A_96 : memref<1x120xi32, #tpu.memory_space<vmem>> -> memref<120xi32, #tpu.memory_space<vmem>>
    %dma_wait3A_98 = arith.constant 0 : i32
    %dma_wait3A_99 = arith.constant 0 : i32
    %dma_wait3A_100 = tpu.memref_slice %arg7[%dma_wait3A_98, %dma_wait3A_99] : memref<5120x64xf32, #tpu.memory_space<vmem_shared>> -> memref<5120x64xf32, #tpu.memory_space<vmem_shared>>
    tpu.wait_indirect_dma semaphore(%arg8 : memref<!tpu.dma_semaphore, #tpu.memory_space<semaphore_mem>>) src(%dma_wait3A_100 : memref<5120x64xf32, #tpu.memory_space<vmem_shared>>) dst(%dma_wait3A_94 : memref<120x64xf32, #tpu.memory_space<vmem>>)
    %dma_wait3A_101 = arith.constant 2 : i32
    %dma_wait3A_102 = arith.constant 240 : i32
    %dma_wait3A_103 = arith.constant 0 : i32
    %dma_wait3A_104 = tpu.memref_slice %arg6[%dma_wait3A_102, %dma_wait3A_103] : memref<960x64xf32, #tpu.memory_space<vmem>> -> memref<120x64xf32, #tpu.memory_space<vmem>>
    %dma_wait3A_105 = arith.constant 0 : i32
    %dma_wait3A_106 = tpu.memref_slice %arg5[%dma_wait3A_101, %dma_wait3A_105] : memref<8x120xi32, #tpu.memory_space<vmem>> -> memref<1x120xi32, #tpu.memory_space<vmem>>
    %dma_wait3A_107 = tpu.memref_squeeze %dma_wait3A_106 : memref<1x120xi32, #tpu.memory_space<vmem>> -> memref<120xi32, #tpu.memory_space<vmem>>
    %dma_wait3A_108 = arith.constant 0 : i32
    %dma_wait3A_109 = arith.constant 0 : i32
    %dma_wait3A_110 = tpu.memref_slice %arg7[%dma_wait3A_108, %dma_wait3A_109] : memref<5120x64xf32, #tpu.memory_space<vmem_shared>> -> memref<5120x64xf32, #tpu.memory_space<vmem_shared>>
    tpu.wait_indirect_dma semaphore(%arg8 : memref<!tpu.dma_semaphore, #tpu.memory_space<semaphore_mem>>) src(%dma_wait3A_110 : memref<5120x64xf32, #tpu.memory_space<vmem_shared>>) dst(%dma_wait3A_104 : memref<120x64xf32, #tpu.memory_space<vmem>>)
    %dma_wait3A_111 = arith.constant 3 : i32
    %dma_wait3A_112 = arith.constant 360 : i32
    %dma_wait3A_113 = arith.constant 0 : i32
    %dma_wait3A_114 = tpu.memref_slice %arg6[%dma_wait3A_112, %dma_wait3A_113] : memref<960x64xf32, #tpu.memory_space<vmem>> -> memref<120x64xf32, #tpu.memory_space<vmem>>
    %dma_wait3A_115 = arith.constant 0 : i32
    %dma_wait3A_116 = tpu.memref_slice %arg5[%dma_wait3A_111, %dma_wait3A_115] : memref<8x120xi32, #tpu.memory_space<vmem>> -> memref<1x120xi32, #tpu.memory_space<vmem>>
    %dma_wait3A_117 = tpu.memref_squeeze %dma_wait3A_116 : memref<1x120xi32, #tpu.memory_space<vmem>> -> memref<120xi32, #tpu.memory_space<vmem>>
    %dma_wait3A_118 = arith.constant 0 : i32
    %dma_wait3A_119 = arith.constant 0 : i32
    %dma_wait3A_120 = tpu.memref_slice %arg7[%dma_wait3A_118, %dma_wait3A_119] : memref<5120x64xf32, #tpu.memory_space<vmem_shared>> -> memref<5120x64xf32, #tpu.memory_space<vmem_shared>>
    tpu.wait_indirect_dma semaphore(%arg8 : memref<!tpu.dma_semaphore, #tpu.memory_space<semaphore_mem>>) src(%dma_wait3A_120 : memref<5120x64xf32, #tpu.memory_space<vmem_shared>>) dst(%dma_wait3A_114 : memref<120x64xf32, #tpu.memory_space<vmem>>)
    %dma_wait3A_121 = arith.constant 4 : i32
    %dma_wait3A_122 = arith.constant 480 : i32
    %dma_wait3A_123 = arith.constant 0 : i32
    %dma_wait3A_124 = tpu.memref_slice %arg6[%dma_wait3A_122, %dma_wait3A_123] : memref<960x64xf32, #tpu.memory_space<vmem>> -> memref<120x64xf32, #tpu.memory_space<vmem>>
    %dma_wait3A_125 = arith.constant 0 : i32
    %dma_wait3A_126 = tpu.memref_slice %arg5[%dma_wait3A_121, %dma_wait3A_125] : memref<8x120xi32, #tpu.memory_space<vmem>> -> memref<1x120xi32, #tpu.memory_space<vmem>>
    %dma_wait3A_127 = tpu.memref_squeeze %dma_wait3A_126 : memref<1x120xi32, #tpu.memory_space<vmem>> -> memref<120xi32, #tpu.memory_space<vmem>>
    %dma_wait3A_128 = arith.constant 0 : i32
    %dma_wait3A_129 = arith.constant 0 : i32
    %dma_wait3A_130 = tpu.memref_slice %arg7[%dma_wait3A_128, %dma_wait3A_129] : memref<5120x64xf32, #tpu.memory_space<vmem_shared>> -> memref<5120x64xf32, #tpu.memory_space<vmem_shared>>
    tpu.wait_indirect_dma semaphore(%arg8 : memref<!tpu.dma_semaphore, #tpu.memory_space<semaphore_mem>>) src(%dma_wait3A_130 : memref<5120x64xf32, #tpu.memory_space<vmem_shared>>) dst(%dma_wait3A_124 : memref<120x64xf32, #tpu.memory_space<vmem>>)
    %dma_wait3A_131 = arith.constant 5 : i32
    %dma_wait3A_132 = arith.constant 600 : i32
    %dma_wait3A_133 = arith.constant 0 : i32
    %dma_wait3A_134 = tpu.memref_slice %arg6[%dma_wait3A_132, %dma_wait3A_133] : memref<960x64xf32, #tpu.memory_space<vmem>> -> memref<120x64xf32, #tpu.memory_space<vmem>>
    %dma_wait3A_135 = arith.constant 0 : i32
    %dma_wait3A_136 = tpu.memref_slice %arg5[%dma_wait3A_131, %dma_wait3A_135] : memref<8x120xi32, #tpu.memory_space<vmem>> -> memref<1x120xi32, #tpu.memory_space<vmem>>
    %dma_wait3A_137 = tpu.memref_squeeze %dma_wait3A_136 : memref<1x120xi32, #tpu.memory_space<vmem>> -> memref<120xi32, #tpu.memory_space<vmem>>
    %dma_wait3A_138 = arith.constant 0 : i32
    %dma_wait3A_139 = arith.constant 0 : i32
    %dma_wait3A_140 = tpu.memref_slice %arg7[%dma_wait3A_138, %dma_wait3A_139] : memref<5120x64xf32, #tpu.memory_space<vmem_shared>> -> memref<5120x64xf32, #tpu.memory_space<vmem_shared>>
    tpu.wait_indirect_dma semaphore(%arg8 : memref<!tpu.dma_semaphore, #tpu.memory_space<semaphore_mem>>) src(%dma_wait3A_140 : memref<5120x64xf32, #tpu.memory_space<vmem_shared>>) dst(%dma_wait3A_134 : memref<120x64xf32, #tpu.memory_space<vmem>>)
    %dma_wait3A_141 = arith.constant 6 : i32
    %dma_wait3A_142 = arith.constant 720 : i32
    %dma_wait3A_143 = arith.constant 0 : i32
    %dma_wait3A_144 = tpu.memref_slice %arg6[%dma_wait3A_142, %dma_wait3A_143] : memref<960x64xf32, #tpu.memory_space<vmem>> -> memref<120x64xf32, #tpu.memory_space<vmem>>
    %dma_wait3A_145 = arith.constant 0 : i32
    %dma_wait3A_146 = tpu.memref_slice %arg5[%dma_wait3A_141, %dma_wait3A_145] : memref<8x120xi32, #tpu.memory_space<vmem>> -> memref<1x120xi32, #tpu.memory_space<vmem>>
    %dma_wait3A_147 = tpu.memref_squeeze %dma_wait3A_146 : memref<1x120xi32, #tpu.memory_space<vmem>> -> memref<120xi32, #tpu.memory_space<vmem>>
    %dma_wait3A_148 = arith.constant 0 : i32
    %dma_wait3A_149 = arith.constant 0 : i32
    %dma_wait3A_150 = tpu.memref_slice %arg7[%dma_wait3A_148, %dma_wait3A_149] : memref<5120x64xf32, #tpu.memory_space<vmem_shared>> -> memref<5120x64xf32, #tpu.memory_space<vmem_shared>>
    tpu.wait_indirect_dma semaphore(%arg8 : memref<!tpu.dma_semaphore, #tpu.memory_space<semaphore_mem>>) src(%dma_wait3A_150 : memref<5120x64xf32, #tpu.memory_space<vmem_shared>>) dst(%dma_wait3A_144 : memref<120x64xf32, #tpu.memory_space<vmem>>)
    %dma_wait3A_151 = arith.constant 7 : i32
    %dma_wait3A_152 = arith.constant 840 : i32
    %dma_wait3A_153 = arith.constant 0 : i32
    %dma_wait3A_154 = tpu.memref_slice %arg6[%dma_wait3A_152, %dma_wait3A_153] : memref<960x64xf32, #tpu.memory_space<vmem>> -> memref<120x64xf32, #tpu.memory_space<vmem>>
    %dma_wait3A_155 = arith.constant 0 : i32
    %dma_wait3A_156 = tpu.memref_slice %arg5[%dma_wait3A_151, %dma_wait3A_155] : memref<8x120xi32, #tpu.memory_space<vmem>> -> memref<1x120xi32, #tpu.memory_space<vmem>>
    %dma_wait3A_157 = tpu.memref_squeeze %dma_wait3A_156 : memref<1x120xi32, #tpu.memory_space<vmem>> -> memref<120xi32, #tpu.memory_space<vmem>>
    %dma_wait3A_158 = arith.constant 0 : i32
    %dma_wait3A_159 = arith.constant 0 : i32
    %dma_wait3A_160 = tpu.memref_slice %arg7[%dma_wait3A_158, %dma_wait3A_159] : memref<5120x64xf32, #tpu.memory_space<vmem_shared>> -> memref<5120x64xf32, #tpu.memory_space<vmem_shared>>
    tpu.wait_indirect_dma semaphore(%arg8 : memref<!tpu.dma_semaphore, #tpu.memory_space<semaphore_mem>>) src(%dma_wait3A_160 : memref<5120x64xf32, #tpu.memory_space<vmem_shared>>) dst(%dma_wait3A_154 : memref<120x64xf32, #tpu.memory_space<vmem>>)
    %mul3A_161 = arith.constant 960 : i32
    %mul3A_162 = arith.muli %add3A, %mul3A_161 : i32
    "tpu.region"() ({
      %run_scoped3A = tpu.sem_alloc : memref<!tpu.dma_semaphore, #tpu.memory_space<semaphore_mem>>
      %dma_start3A_163 = arith.constant 0 : i32
      %dma_start3A_164 = tpu.memref_slice %arg4[%mul3A_162, %dma_start3A_163] : memref<30720x128xf32, #tpu.memory_space<hbm>> -> memref<960x64xf32, #tpu.memory_space<hbm>>
      %dma_start3A_165 = arith.constant 0 : i32
      %dma_start3A_166 = tpu.memref_slice %arg4[%mul3A_162, %dma_start3A_165] : memref<30720x128xf32, #tpu.memory_space<hbm>> -> memref<960x64xf32, #tpu.memory_space<hbm>>
      tpu.enqueue_dma source(%arg6 : memref<960x64xf32, #tpu.memory_space<vmem>>) target(%dma_start3A_166 : memref<960x64xf32, #tpu.memory_space<hbm>>) target_semaphore(%run_scoped3A : memref<!tpu.dma_semaphore, #tpu.memory_space<semaphore_mem>>)
      %dma_wait3A_167 = arith.constant 0 : i32
      %dma_wait3A_168 = tpu.memref_slice %arg4[%mul3A_162, %dma_wait3A_167] : memref<30720x128xf32, #tpu.memory_space<hbm>> -> memref<960x64xf32, #tpu.memory_space<hbm>>
      %dma_wait3A_169 = arith.constant 0 : i32
      %dma_wait3A_170 = tpu.memref_slice %arg4[%mul3A_162, %dma_wait3A_169] : memref<30720x128xf32, #tpu.memory_space<hbm>> -> memref<960x64xf32, #tpu.memory_space<hbm>>
      tpu.wait_dma2 semaphore(%run_scoped3A : memref<!tpu.dma_semaphore, #tpu.memory_space<semaphore_mem>>) src(%arg6 : memref<960x64xf32, #tpu.memory_space<vmem>>) dst(%dma_wait3A_170 : memref<960x64xf32, #tpu.memory_space<hbm>>)
      tpu.yield
    }) : () -> ()
    return
  }
}

#map = affine_map<(d0, d1) -> (0, 0)>
#map1 = affine_map<(d0, d1) -> (0, 0, 0)>
module attributes {stable_mosaic.version = 14 : i64} {
  func.func @_scatter_body(%arg0: i32, %arg1: i32, %arg2: memref<30720x128xf32, #tpu.memory_space<hbm>>, %arg3: memref<32x8x120xi32, #tpu.memory_space<hbm>>, %arg4: memref<320x64xf32, #tpu.memory_space<hbm>>, %arg5: memref<10240x64xf32, #tpu.memory_space<hbm>>, %arg6: memref<8x120xi32, #tpu.memory_space<vmem>>, %arg7: memref<960x64xf32, #tpu.memory_space<vmem>>, %arg8: memref<5120x64xf32, #tpu.memory_space<vmem_shared>>, %arg9: memref<!tpu.dma_semaphore, #tpu.memory_space<semaphore_mem>>) attributes {dimension_semantics = [#tpu.dimension_semantics<core_parallel>, #tpu.dimension_semantics<subcore_parallel>], iteration_bounds = array<i64: 2, 16>, scalar_prefetch = 0 : i64, scratch_operands = 4 : i64, tpu.core_type = #tpu.core_type<sc_vector_subcore>, window_params = [{transform_indices = #map}, {transform_indices = #map1}, {transform_indices = #map}, {transform_indices = #map}]} {
    %mul3A = arith.constant 2 : i32
    %mul3A_0 = arith.muli %arg1, %mul3A : i32
    %add3A = arith.addi %mul3A_0, %arg0 : i32
    %mul3A_1 = arith.constant 320 : i32
    %mul3A_2 = arith.muli %arg1, %mul3A_1 : i32
    %dma_start3A = arith.constant 0 : i32
    %dma_start3A_3 = arith.constant 0 : i32
    %dma_start3A_4 = tpu.memref_slice %arg3[%add3A, %dma_start3A, %dma_start3A_3] : memref<32x8x120xi32, #tpu.memory_space<hbm>> -> memref<1x8x120xi32, #tpu.memory_space<hbm>>
    %dma_start3A_5 = tpu.memref_squeeze %dma_start3A_4 : memref<1x8x120xi32, #tpu.memory_space<hbm>> -> memref<8x120xi32, #tpu.memory_space<hbm>>
    %dma_start3A_6 = arith.constant 0 : i32
    %dma_start3A_7 = arith.constant 0 : i32
    %dma_start3A_8 = tpu.memref_slice %arg3[%add3A, %dma_start3A_6, %dma_start3A_7] : memref<32x8x120xi32, #tpu.memory_space<hbm>> -> memref<1x8x120xi32, #tpu.memory_space<hbm>>
    %dma_start3A_9 = tpu.memref_squeeze %dma_start3A_8 : memref<1x8x120xi32, #tpu.memory_space<hbm>> -> memref<8x120xi32, #tpu.memory_space<hbm>>
    tpu.enqueue_dma source(%dma_start3A_9 : memref<8x120xi32, #tpu.memory_space<hbm>>) target(%arg6 : memref<8x120xi32, #tpu.memory_space<vmem>>) target_semaphore(%arg9 : memref<!tpu.dma_semaphore, #tpu.memory_space<semaphore_mem>>)
    %mul3A_10 = arith.constant 960 : i32
    %mul3A_11 = arith.muli %add3A, %mul3A_10 : i32
    %dma_start3A_12 = arith.constant 0 : i32
    %dma_start3A_13 = tpu.memref_slice %arg2[%mul3A_11, %dma_start3A_12] : memref<30720x128xf32, #tpu.memory_space<hbm>> -> memref<960x64xf32, #tpu.memory_space<hbm>>
    %dma_start3A_14 = arith.constant 0 : i32
    %dma_start3A_15 = tpu.memref_slice %arg2[%mul3A_11, %dma_start3A_14] : memref<30720x128xf32, #tpu.memory_space<hbm>> -> memref<960x64xf32, #tpu.memory_space<hbm>>
    tpu.enqueue_dma source(%dma_start3A_15 : memref<960x64xf32, #tpu.memory_space<hbm>>) target(%arg7 : memref<960x64xf32, #tpu.memory_space<vmem>>) target_semaphore(%arg9 : memref<!tpu.dma_semaphore, #tpu.memory_space<semaphore_mem>>)
    "tpu.region"() ({
      %run_scoped3A_38 = tpu.sem_alloc : memref<!tpu.dma_semaphore, #tpu.memory_space<semaphore_mem>>
      %dma_start3A_39 = arith.constant 0 : i32
      %dma_start3A_40 = tpu.memref_slice %arg8[%mul3A_2, %dma_start3A_39] : memref<5120x64xf32, #tpu.memory_space<vmem_shared>> -> memref<320x64xf32, #tpu.memory_space<vmem_shared>>
      %dma_start3A_41 = arith.constant 0 : i32
      %dma_start3A_42 = arith.constant 0 : i32
      %dma_start3A_43 = tpu.memref_slice %arg4[%dma_start3A_41, %dma_start3A_42] : memref<320x64xf32, #tpu.memory_space<hbm>> -> memref<320x64xf32, #tpu.memory_space<hbm>>
      tpu.enqueue_dma source(%dma_start3A_43 : memref<320x64xf32, #tpu.memory_space<hbm>>) target(%dma_start3A_40 : memref<320x64xf32, #tpu.memory_space<vmem_shared>>) target_semaphore(%run_scoped3A_38 : memref<!tpu.dma_semaphore, #tpu.memory_space<semaphore_mem>>)
      %dma_wait3A_44 = arith.constant 0 : i32
      %dma_wait3A_45 = tpu.memref_slice %arg8[%mul3A_2, %dma_wait3A_44] : memref<5120x64xf32, #tpu.memory_space<vmem_shared>> -> memref<320x64xf32, #tpu.memory_space<vmem_shared>>
      %dma_wait3A_46 = arith.constant 0 : i32
      %dma_wait3A_47 = arith.constant 0 : i32
      %dma_wait3A_48 = tpu.memref_slice %arg4[%dma_wait3A_46, %dma_wait3A_47] : memref<320x64xf32, #tpu.memory_space<hbm>> -> memref<320x64xf32, #tpu.memory_space<hbm>>
      tpu.wait_dma2 semaphore(%run_scoped3A_38 : memref<!tpu.dma_semaphore, #tpu.memory_space<semaphore_mem>>) src(%dma_wait3A_48 : memref<320x64xf32, #tpu.memory_space<hbm>>) dst(%dma_wait3A_45 : memref<320x64xf32, #tpu.memory_space<vmem_shared>>)
      tpu.yield
    }) : () -> ()
    %barrier3A = arith.constant 0 : index
    tpu.barrier barrier_id(%barrier3A)
    %dma_wait3A = arith.constant 0 : i32
    %dma_wait3A_16 = arith.constant 0 : i32
    %dma_wait3A_17 = tpu.memref_slice %arg3[%add3A, %dma_wait3A, %dma_wait3A_16] : memref<32x8x120xi32, #tpu.memory_space<hbm>> -> memref<1x8x120xi32, #tpu.memory_space<hbm>>
    %dma_wait3A_18 = tpu.memref_squeeze %dma_wait3A_17 : memref<1x8x120xi32, #tpu.memory_space<hbm>> -> memref<8x120xi32, #tpu.memory_space<hbm>>
    %dma_wait3A_19 = arith.constant 0 : i32
    %dma_wait3A_20 = arith.constant 0 : i32
    %dma_wait3A_21 = tpu.memref_slice %arg3[%add3A, %dma_wait3A_19, %dma_wait3A_20] : memref<32x8x120xi32, #tpu.memory_space<hbm>> -> memref<1x8x120xi32, #tpu.memory_space<hbm>>
    %dma_wait3A_22 = tpu.memref_squeeze %dma_wait3A_21 : memref<1x8x120xi32, #tpu.memory_space<hbm>> -> memref<8x120xi32, #tpu.memory_space<hbm>>
    tpu.wait_dma2 semaphore(%arg9 : memref<!tpu.dma_semaphore, #tpu.memory_space<semaphore_mem>>) src(%dma_wait3A_22 : memref<8x120xi32, #tpu.memory_space<hbm>>) dst(%arg6 : memref<8x120xi32, #tpu.memory_space<vmem>>)
    %dma_wait3A_23 = arith.constant 0 : i32
    %dma_wait3A_24 = tpu.memref_slice %arg2[%mul3A_11, %dma_wait3A_23] : memref<30720x128xf32, #tpu.memory_space<hbm>> -> memref<960x64xf32, #tpu.memory_space<hbm>>
    %dma_wait3A_25 = arith.constant 0 : i32
    %dma_wait3A_26 = tpu.memref_slice %arg2[%mul3A_11, %dma_wait3A_25] : memref<30720x128xf32, #tpu.memory_space<hbm>> -> memref<960x64xf32, #tpu.memory_space<hbm>>
    tpu.wait_dma2 semaphore(%arg9 : memref<!tpu.dma_semaphore, #tpu.memory_space<semaphore_mem>>) src(%dma_wait3A_26 : memref<960x64xf32, #tpu.memory_space<hbm>>) dst(%arg7 : memref<960x64xf32, #tpu.memory_space<vmem>>)
    %run_scoped3A = arith.constant 0 : i32
    "tpu.region"() ({
      %run_scoped3A_38 = tpu.sem_alloc : memref<!tpu.dma_semaphore, #tpu.memory_space<semaphore_mem>>
      %dma_start3A_39 = arith.constant 0 : i32
      %dma_start3A_40 = arith.constant 0 : i32
      %dma_start3A_41 = tpu.memref_slice %arg7[%dma_start3A_39, %dma_start3A_40] : memref<960x64xf32, #tpu.memory_space<vmem>> -> memref<120x64xf32, #tpu.memory_space<vmem>>
      %dma_start3A_42 = arith.constant 0 : i32
      %dma_start3A_43 = tpu.memref_slice %arg6[%run_scoped3A, %dma_start3A_42] : memref<8x120xi32, #tpu.memory_space<vmem>> -> memref<1x120xi32, #tpu.memory_space<vmem>>
      %dma_start3A_44 = tpu.memref_squeeze %dma_start3A_43 : memref<1x120xi32, #tpu.memory_space<vmem>> -> memref<120xi32, #tpu.memory_space<vmem>>
      %dma_start3A_45 = arith.constant 0 : i32
      %dma_start3A_46 = arith.constant 0 : i32
      %dma_start3A_47 = tpu.memref_slice %arg8[%dma_start3A_45, %dma_start3A_46] : memref<5120x64xf32, #tpu.memory_space<vmem_shared>> -> memref<5120x64xf32, #tpu.memory_space<vmem_shared>>
      tpu.enqueue_indirect_dma source(%dma_start3A_41 : memref<120x64xf32, #tpu.memory_space<vmem>>) target(%dma_start3A_47 : memref<5120x64xf32, #tpu.memory_space<vmem_shared>>) offsets(%dma_start3A_44 : memref<120xi32, #tpu.memory_space<vmem>>) semaphore(%run_scoped3A_38 : memref<!tpu.dma_semaphore, #tpu.memory_space<semaphore_mem>>) {add = true}
      %dma_wait3A_48 = arith.constant 0 : i32
      %dma_wait3A_49 = arith.constant 0 : i32
      %dma_wait3A_50 = tpu.memref_slice %arg7[%dma_wait3A_48, %dma_wait3A_49] : memref<960x64xf32, #tpu.memory_space<vmem>> -> memref<120x64xf32, #tpu.memory_space<vmem>>
      %dma_wait3A_51 = arith.constant 0 : i32
      %dma_wait3A_52 = tpu.memref_slice %arg6[%run_scoped3A, %dma_wait3A_51] : memref<8x120xi32, #tpu.memory_space<vmem>> -> memref<1x120xi32, #tpu.memory_space<vmem>>
      %dma_wait3A_53 = tpu.memref_squeeze %dma_wait3A_52 : memref<1x120xi32, #tpu.memory_space<vmem>> -> memref<120xi32, #tpu.memory_space<vmem>>
      %dma_wait3A_54 = arith.constant 0 : i32
      %dma_wait3A_55 = arith.constant 0 : i32
      %dma_wait3A_56 = tpu.memref_slice %arg8[%dma_wait3A_54, %dma_wait3A_55] : memref<5120x64xf32, #tpu.memory_space<vmem_shared>> -> memref<5120x64xf32, #tpu.memory_space<vmem_shared>>
      tpu.wait_indirect_dma semaphore(%run_scoped3A_38 : memref<!tpu.dma_semaphore, #tpu.memory_space<semaphore_mem>>) src(%dma_wait3A_50 : memref<120x64xf32, #tpu.memory_space<vmem>>) dst(%dma_wait3A_56 : memref<5120x64xf32, #tpu.memory_space<vmem_shared>>)
      tpu.yield
    }) : () -> ()
    %run_scoped3A_27 = arith.constant 1 : i32
    "tpu.region"() ({
      %run_scoped3A_38 = tpu.sem_alloc : memref<!tpu.dma_semaphore, #tpu.memory_space<semaphore_mem>>
      %dma_start3A_39 = arith.constant 120 : i32
      %dma_start3A_40 = arith.constant 0 : i32
      %dma_start3A_41 = tpu.memref_slice %arg7[%dma_start3A_39, %dma_start3A_40] : memref<960x64xf32, #tpu.memory_space<vmem>> -> memref<120x64xf32, #tpu.memory_space<vmem>>
      %dma_start3A_42 = arith.constant 0 : i32
      %dma_start3A_43 = tpu.memref_slice %arg6[%run_scoped3A_27, %dma_start3A_42] : memref<8x120xi32, #tpu.memory_space<vmem>> -> memref<1x120xi32, #tpu.memory_space<vmem>>
      %dma_start3A_44 = tpu.memref_squeeze %dma_start3A_43 : memref<1x120xi32, #tpu.memory_space<vmem>> -> memref<120xi32, #tpu.memory_space<vmem>>
      %dma_start3A_45 = arith.constant 0 : i32
      %dma_start3A_46 = arith.constant 0 : i32
      %dma_start3A_47 = tpu.memref_slice %arg8[%dma_start3A_45, %dma_start3A_46] : memref<5120x64xf32, #tpu.memory_space<vmem_shared>> -> memref<5120x64xf32, #tpu.memory_space<vmem_shared>>
      tpu.enqueue_indirect_dma source(%dma_start3A_41 : memref<120x64xf32, #tpu.memory_space<vmem>>) target(%dma_start3A_47 : memref<5120x64xf32, #tpu.memory_space<vmem_shared>>) offsets(%dma_start3A_44 : memref<120xi32, #tpu.memory_space<vmem>>) semaphore(%run_scoped3A_38 : memref<!tpu.dma_semaphore, #tpu.memory_space<semaphore_mem>>) {add = true}
      %dma_wait3A_48 = arith.constant 120 : i32
      %dma_wait3A_49 = arith.constant 0 : i32
      %dma_wait3A_50 = tpu.memref_slice %arg7[%dma_wait3A_48, %dma_wait3A_49] : memref<960x64xf32, #tpu.memory_space<vmem>> -> memref<120x64xf32, #tpu.memory_space<vmem>>
      %dma_wait3A_51 = arith.constant 0 : i32
      %dma_wait3A_52 = tpu.memref_slice %arg6[%run_scoped3A_27, %dma_wait3A_51] : memref<8x120xi32, #tpu.memory_space<vmem>> -> memref<1x120xi32, #tpu.memory_space<vmem>>
      %dma_wait3A_53 = tpu.memref_squeeze %dma_wait3A_52 : memref<1x120xi32, #tpu.memory_space<vmem>> -> memref<120xi32, #tpu.memory_space<vmem>>
      %dma_wait3A_54 = arith.constant 0 : i32
      %dma_wait3A_55 = arith.constant 0 : i32
      %dma_wait3A_56 = tpu.memref_slice %arg8[%dma_wait3A_54, %dma_wait3A_55] : memref<5120x64xf32, #tpu.memory_space<vmem_shared>> -> memref<5120x64xf32, #tpu.memory_space<vmem_shared>>
      tpu.wait_indirect_dma semaphore(%run_scoped3A_38 : memref<!tpu.dma_semaphore, #tpu.memory_space<semaphore_mem>>) src(%dma_wait3A_50 : memref<120x64xf32, #tpu.memory_space<vmem>>) dst(%dma_wait3A_56 : memref<5120x64xf32, #tpu.memory_space<vmem_shared>>)
      tpu.yield
    }) : () -> ()
    %run_scoped3A_28 = arith.constant 2 : i32
    "tpu.region"() ({
      %run_scoped3A_38 = tpu.sem_alloc : memref<!tpu.dma_semaphore, #tpu.memory_space<semaphore_mem>>
      %dma_start3A_39 = arith.constant 240 : i32
      %dma_start3A_40 = arith.constant 0 : i32
      %dma_start3A_41 = tpu.memref_slice %arg7[%dma_start3A_39, %dma_start3A_40] : memref<960x64xf32, #tpu.memory_space<vmem>> -> memref<120x64xf32, #tpu.memory_space<vmem>>
      %dma_start3A_42 = arith.constant 0 : i32
      %dma_start3A_43 = tpu.memref_slice %arg6[%run_scoped3A_28, %dma_start3A_42] : memref<8x120xi32, #tpu.memory_space<vmem>> -> memref<1x120xi32, #tpu.memory_space<vmem>>
      %dma_start3A_44 = tpu.memref_squeeze %dma_start3A_43 : memref<1x120xi32, #tpu.memory_space<vmem>> -> memref<120xi32, #tpu.memory_space<vmem>>
      %dma_start3A_45 = arith.constant 0 : i32
      %dma_start3A_46 = arith.constant 0 : i32
      %dma_start3A_47 = tpu.memref_slice %arg8[%dma_start3A_45, %dma_start3A_46] : memref<5120x64xf32, #tpu.memory_space<vmem_shared>> -> memref<5120x64xf32, #tpu.memory_space<vmem_shared>>
      tpu.enqueue_indirect_dma source(%dma_start3A_41 : memref<120x64xf32, #tpu.memory_space<vmem>>) target(%dma_start3A_47 : memref<5120x64xf32, #tpu.memory_space<vmem_shared>>) offsets(%dma_start3A_44 : memref<120xi32, #tpu.memory_space<vmem>>) semaphore(%run_scoped3A_38 : memref<!tpu.dma_semaphore, #tpu.memory_space<semaphore_mem>>) {add = true}
      %dma_wait3A_48 = arith.constant 240 : i32
      %dma_wait3A_49 = arith.constant 0 : i32
      %dma_wait3A_50 = tpu.memref_slice %arg7[%dma_wait3A_48, %dma_wait3A_49] : memref<960x64xf32, #tpu.memory_space<vmem>> -> memref<120x64xf32, #tpu.memory_space<vmem>>
      %dma_wait3A_51 = arith.constant 0 : i32
      %dma_wait3A_52 = tpu.memref_slice %arg6[%run_scoped3A_28, %dma_wait3A_51] : memref<8x120xi32, #tpu.memory_space<vmem>> -> memref<1x120xi32, #tpu.memory_space<vmem>>
      %dma_wait3A_53 = tpu.memref_squeeze %dma_wait3A_52 : memref<1x120xi32, #tpu.memory_space<vmem>> -> memref<120xi32, #tpu.memory_space<vmem>>
      %dma_wait3A_54 = arith.constant 0 : i32
      %dma_wait3A_55 = arith.constant 0 : i32
      %dma_wait3A_56 = tpu.memref_slice %arg8[%dma_wait3A_54, %dma_wait3A_55] : memref<5120x64xf32, #tpu.memory_space<vmem_shared>> -> memref<5120x64xf32, #tpu.memory_space<vmem_shared>>
      tpu.wait_indirect_dma semaphore(%run_scoped3A_38 : memref<!tpu.dma_semaphore, #tpu.memory_space<semaphore_mem>>) src(%dma_wait3A_50 : memref<120x64xf32, #tpu.memory_space<vmem>>) dst(%dma_wait3A_56 : memref<5120x64xf32, #tpu.memory_space<vmem_shared>>)
      tpu.yield
    }) : () -> ()
    %run_scoped3A_29 = arith.constant 3 : i32
    "tpu.region"() ({
      %run_scoped3A_38 = tpu.sem_alloc : memref<!tpu.dma_semaphore, #tpu.memory_space<semaphore_mem>>
      %dma_start3A_39 = arith.constant 360 : i32
      %dma_start3A_40 = arith.constant 0 : i32
      %dma_start3A_41 = tpu.memref_slice %arg7[%dma_start3A_39, %dma_start3A_40] : memref<960x64xf32, #tpu.memory_space<vmem>> -> memref<120x64xf32, #tpu.memory_space<vmem>>
      %dma_start3A_42 = arith.constant 0 : i32
      %dma_start3A_43 = tpu.memref_slice %arg6[%run_scoped3A_29, %dma_start3A_42] : memref<8x120xi32, #tpu.memory_space<vmem>> -> memref<1x120xi32, #tpu.memory_space<vmem>>
      %dma_start3A_44 = tpu.memref_squeeze %dma_start3A_43 : memref<1x120xi32, #tpu.memory_space<vmem>> -> memref<120xi32, #tpu.memory_space<vmem>>
      %dma_start3A_45 = arith.constant 0 : i32
      %dma_start3A_46 = arith.constant 0 : i32
      %dma_start3A_47 = tpu.memref_slice %arg8[%dma_start3A_45, %dma_start3A_46] : memref<5120x64xf32, #tpu.memory_space<vmem_shared>> -> memref<5120x64xf32, #tpu.memory_space<vmem_shared>>
      tpu.enqueue_indirect_dma source(%dma_start3A_41 : memref<120x64xf32, #tpu.memory_space<vmem>>) target(%dma_start3A_47 : memref<5120x64xf32, #tpu.memory_space<vmem_shared>>) offsets(%dma_start3A_44 : memref<120xi32, #tpu.memory_space<vmem>>) semaphore(%run_scoped3A_38 : memref<!tpu.dma_semaphore, #tpu.memory_space<semaphore_mem>>) {add = true}
      %dma_wait3A_48 = arith.constant 360 : i32
      %dma_wait3A_49 = arith.constant 0 : i32
      %dma_wait3A_50 = tpu.memref_slice %arg7[%dma_wait3A_48, %dma_wait3A_49] : memref<960x64xf32, #tpu.memory_space<vmem>> -> memref<120x64xf32, #tpu.memory_space<vmem>>
      %dma_wait3A_51 = arith.constant 0 : i32
      %dma_wait3A_52 = tpu.memref_slice %arg6[%run_scoped3A_29, %dma_wait3A_51] : memref<8x120xi32, #tpu.memory_space<vmem>> -> memref<1x120xi32, #tpu.memory_space<vmem>>
      %dma_wait3A_53 = tpu.memref_squeeze %dma_wait3A_52 : memref<1x120xi32, #tpu.memory_space<vmem>> -> memref<120xi32, #tpu.memory_space<vmem>>
      %dma_wait3A_54 = arith.constant 0 : i32
      %dma_wait3A_55 = arith.constant 0 : i32
      %dma_wait3A_56 = tpu.memref_slice %arg8[%dma_wait3A_54, %dma_wait3A_55] : memref<5120x64xf32, #tpu.memory_space<vmem_shared>> -> memref<5120x64xf32, #tpu.memory_space<vmem_shared>>
      tpu.wait_indirect_dma semaphore(%run_scoped3A_38 : memref<!tpu.dma_semaphore, #tpu.memory_space<semaphore_mem>>) src(%dma_wait3A_50 : memref<120x64xf32, #tpu.memory_space<vmem>>) dst(%dma_wait3A_56 : memref<5120x64xf32, #tpu.memory_space<vmem_shared>>)
      tpu.yield
    }) : () -> ()
    %run_scoped3A_30 = arith.constant 4 : i32
    "tpu.region"() ({
      %run_scoped3A_38 = tpu.sem_alloc : memref<!tpu.dma_semaphore, #tpu.memory_space<semaphore_mem>>
      %dma_start3A_39 = arith.constant 480 : i32
      %dma_start3A_40 = arith.constant 0 : i32
      %dma_start3A_41 = tpu.memref_slice %arg7[%dma_start3A_39, %dma_start3A_40] : memref<960x64xf32, #tpu.memory_space<vmem>> -> memref<120x64xf32, #tpu.memory_space<vmem>>
      %dma_start3A_42 = arith.constant 0 : i32
      %dma_start3A_43 = tpu.memref_slice %arg6[%run_scoped3A_30, %dma_start3A_42] : memref<8x120xi32, #tpu.memory_space<vmem>> -> memref<1x120xi32, #tpu.memory_space<vmem>>
      %dma_start3A_44 = tpu.memref_squeeze %dma_start3A_43 : memref<1x120xi32, #tpu.memory_space<vmem>> -> memref<120xi32, #tpu.memory_space<vmem>>
      %dma_start3A_45 = arith.constant 0 : i32
      %dma_start3A_46 = arith.constant 0 : i32
      %dma_start3A_47 = tpu.memref_slice %arg8[%dma_start3A_45, %dma_start3A_46] : memref<5120x64xf32, #tpu.memory_space<vmem_shared>> -> memref<5120x64xf32, #tpu.memory_space<vmem_shared>>
      tpu.enqueue_indirect_dma source(%dma_start3A_41 : memref<120x64xf32, #tpu.memory_space<vmem>>) target(%dma_start3A_47 : memref<5120x64xf32, #tpu.memory_space<vmem_shared>>) offsets(%dma_start3A_44 : memref<120xi32, #tpu.memory_space<vmem>>) semaphore(%run_scoped3A_38 : memref<!tpu.dma_semaphore, #tpu.memory_space<semaphore_mem>>) {add = true}
      %dma_wait3A_48 = arith.constant 480 : i32
      %dma_wait3A_49 = arith.constant 0 : i32
      %dma_wait3A_50 = tpu.memref_slice %arg7[%dma_wait3A_48, %dma_wait3A_49] : memref<960x64xf32, #tpu.memory_space<vmem>> -> memref<120x64xf32, #tpu.memory_space<vmem>>
      %dma_wait3A_51 = arith.constant 0 : i32
      %dma_wait3A_52 = tpu.memref_slice %arg6[%run_scoped3A_30, %dma_wait3A_51] : memref<8x120xi32, #tpu.memory_space<vmem>> -> memref<1x120xi32, #tpu.memory_space<vmem>>
      %dma_wait3A_53 = tpu.memref_squeeze %dma_wait3A_52 : memref<1x120xi32, #tpu.memory_space<vmem>> -> memref<120xi32, #tpu.memory_space<vmem>>
      %dma_wait3A_54 = arith.constant 0 : i32
      %dma_wait3A_55 = arith.constant 0 : i32
      %dma_wait3A_56 = tpu.memref_slice %arg8[%dma_wait3A_54, %dma_wait3A_55] : memref<5120x64xf32, #tpu.memory_space<vmem_shared>> -> memref<5120x64xf32, #tpu.memory_space<vmem_shared>>
      tpu.wait_indirect_dma semaphore(%run_scoped3A_38 : memref<!tpu.dma_semaphore, #tpu.memory_space<semaphore_mem>>) src(%dma_wait3A_50 : memref<120x64xf32, #tpu.memory_space<vmem>>) dst(%dma_wait3A_56 : memref<5120x64xf32, #tpu.memory_space<vmem_shared>>)
      tpu.yield
    }) : () -> ()
    %run_scoped3A_31 = arith.constant 5 : i32
    "tpu.region"() ({
      %run_scoped3A_38 = tpu.sem_alloc : memref<!tpu.dma_semaphore, #tpu.memory_space<semaphore_mem>>
      %dma_start3A_39 = arith.constant 600 : i32
      %dma_start3A_40 = arith.constant 0 : i32
      %dma_start3A_41 = tpu.memref_slice %arg7[%dma_start3A_39, %dma_start3A_40] : memref<960x64xf32, #tpu.memory_space<vmem>> -> memref<120x64xf32, #tpu.memory_space<vmem>>
      %dma_start3A_42 = arith.constant 0 : i32
      %dma_start3A_43 = tpu.memref_slice %arg6[%run_scoped3A_31, %dma_start3A_42] : memref<8x120xi32, #tpu.memory_space<vmem>> -> memref<1x120xi32, #tpu.memory_space<vmem>>
      %dma_start3A_44 = tpu.memref_squeeze %dma_start3A_43 : memref<1x120xi32, #tpu.memory_space<vmem>> -> memref<120xi32, #tpu.memory_space<vmem>>
      %dma_start3A_45 = arith.constant 0 : i32
      %dma_start3A_46 = arith.constant 0 : i32
      %dma_start3A_47 = tpu.memref_slice %arg8[%dma_start3A_45, %dma_start3A_46] : memref<5120x64xf32, #tpu.memory_space<vmem_shared>> -> memref<5120x64xf32, #tpu.memory_space<vmem_shared>>
      tpu.enqueue_indirect_dma source(%dma_start3A_41 : memref<120x64xf32, #tpu.memory_space<vmem>>) target(%dma_start3A_47 : memref<5120x64xf32, #tpu.memory_space<vmem_shared>>) offsets(%dma_start3A_44 : memref<120xi32, #tpu.memory_space<vmem>>) semaphore(%run_scoped3A_38 : memref<!tpu.dma_semaphore, #tpu.memory_space<semaphore_mem>>) {add = true}
      %dma_wait3A_48 = arith.constant 600 : i32
      %dma_wait3A_49 = arith.constant 0 : i32
      %dma_wait3A_50 = tpu.memref_slice %arg7[%dma_wait3A_48, %dma_wait3A_49] : memref<960x64xf32, #tpu.memory_space<vmem>> -> memref<120x64xf32, #tpu.memory_space<vmem>>
      %dma_wait3A_51 = arith.constant 0 : i32
      %dma_wait3A_52 = tpu.memref_slice %arg6[%run_scoped3A_31, %dma_wait3A_51] : memref<8x120xi32, #tpu.memory_space<vmem>> -> memref<1x120xi32, #tpu.memory_space<vmem>>
      %dma_wait3A_53 = tpu.memref_squeeze %dma_wait3A_52 : memref<1x120xi32, #tpu.memory_space<vmem>> -> memref<120xi32, #tpu.memory_space<vmem>>
      %dma_wait3A_54 = arith.constant 0 : i32
      %dma_wait3A_55 = arith.constant 0 : i32
      %dma_wait3A_56 = tpu.memref_slice %arg8[%dma_wait3A_54, %dma_wait3A_55] : memref<5120x64xf32, #tpu.memory_space<vmem_shared>> -> memref<5120x64xf32, #tpu.memory_space<vmem_shared>>
      tpu.wait_indirect_dma semaphore(%run_scoped3A_38 : memref<!tpu.dma_semaphore, #tpu.memory_space<semaphore_mem>>) src(%dma_wait3A_50 : memref<120x64xf32, #tpu.memory_space<vmem>>) dst(%dma_wait3A_56 : memref<5120x64xf32, #tpu.memory_space<vmem_shared>>)
      tpu.yield
    }) : () -> ()
    %run_scoped3A_32 = arith.constant 6 : i32
    "tpu.region"() ({
      %run_scoped3A_38 = tpu.sem_alloc : memref<!tpu.dma_semaphore, #tpu.memory_space<semaphore_mem>>
      %dma_start3A_39 = arith.constant 720 : i32
      %dma_start3A_40 = arith.constant 0 : i32
      %dma_start3A_41 = tpu.memref_slice %arg7[%dma_start3A_39, %dma_start3A_40] : memref<960x64xf32, #tpu.memory_space<vmem>> -> memref<120x64xf32, #tpu.memory_space<vmem>>
      %dma_start3A_42 = arith.constant 0 : i32
      %dma_start3A_43 = tpu.memref_slice %arg6[%run_scoped3A_32, %dma_start3A_42] : memref<8x120xi32, #tpu.memory_space<vmem>> -> memref<1x120xi32, #tpu.memory_space<vmem>>
      %dma_start3A_44 = tpu.memref_squeeze %dma_start3A_43 : memref<1x120xi32, #tpu.memory_space<vmem>> -> memref<120xi32, #tpu.memory_space<vmem>>
      %dma_start3A_45 = arith.constant 0 : i32
      %dma_start3A_46 = arith.constant 0 : i32
      %dma_start3A_47 = tpu.memref_slice %arg8[%dma_start3A_45, %dma_start3A_46] : memref<5120x64xf32, #tpu.memory_space<vmem_shared>> -> memref<5120x64xf32, #tpu.memory_space<vmem_shared>>
      tpu.enqueue_indirect_dma source(%dma_start3A_41 : memref<120x64xf32, #tpu.memory_space<vmem>>) target(%dma_start3A_47 : memref<5120x64xf32, #tpu.memory_space<vmem_shared>>) offsets(%dma_start3A_44 : memref<120xi32, #tpu.memory_space<vmem>>) semaphore(%run_scoped3A_38 : memref<!tpu.dma_semaphore, #tpu.memory_space<semaphore_mem>>) {add = true}
      %dma_wait3A_48 = arith.constant 720 : i32
      %dma_wait3A_49 = arith.constant 0 : i32
      %dma_wait3A_50 = tpu.memref_slice %arg7[%dma_wait3A_48, %dma_wait3A_49] : memref<960x64xf32, #tpu.memory_space<vmem>> -> memref<120x64xf32, #tpu.memory_space<vmem>>
      %dma_wait3A_51 = arith.constant 0 : i32
      %dma_wait3A_52 = tpu.memref_slice %arg6[%run_scoped3A_32, %dma_wait3A_51] : memref<8x120xi32, #tpu.memory_space<vmem>> -> memref<1x120xi32, #tpu.memory_space<vmem>>
      %dma_wait3A_53 = tpu.memref_squeeze %dma_wait3A_52 : memref<1x120xi32, #tpu.memory_space<vmem>> -> memref<120xi32, #tpu.memory_space<vmem>>
      %dma_wait3A_54 = arith.constant 0 : i32
      %dma_wait3A_55 = arith.constant 0 : i32
      %dma_wait3A_56 = tpu.memref_slice %arg8[%dma_wait3A_54, %dma_wait3A_55] : memref<5120x64xf32, #tpu.memory_space<vmem_shared>> -> memref<5120x64xf32, #tpu.memory_space<vmem_shared>>
      tpu.wait_indirect_dma semaphore(%run_scoped3A_38 : memref<!tpu.dma_semaphore, #tpu.memory_space<semaphore_mem>>) src(%dma_wait3A_50 : memref<120x64xf32, #tpu.memory_space<vmem>>) dst(%dma_wait3A_56 : memref<5120x64xf32, #tpu.memory_space<vmem_shared>>)
      tpu.yield
    }) : () -> ()
    %run_scoped3A_33 = arith.constant 7 : i32
    "tpu.region"() ({
      %run_scoped3A_38 = tpu.sem_alloc : memref<!tpu.dma_semaphore, #tpu.memory_space<semaphore_mem>>
      %dma_start3A_39 = arith.constant 840 : i32
      %dma_start3A_40 = arith.constant 0 : i32
      %dma_start3A_41 = tpu.memref_slice %arg7[%dma_start3A_39, %dma_start3A_40] : memref<960x64xf32, #tpu.memory_space<vmem>> -> memref<120x64xf32, #tpu.memory_space<vmem>>
      %dma_start3A_42 = arith.constant 0 : i32
      %dma_start3A_43 = tpu.memref_slice %arg6[%run_scoped3A_33, %dma_start3A_42] : memref<8x120xi32, #tpu.memory_space<vmem>> -> memref<1x120xi32, #tpu.memory_space<vmem>>
      %dma_start3A_44 = tpu.memref_squeeze %dma_start3A_43 : memref<1x120xi32, #tpu.memory_space<vmem>> -> memref<120xi32, #tpu.memory_space<vmem>>
      %dma_start3A_45 = arith.constant 0 : i32
      %dma_start3A_46 = arith.constant 0 : i32
      %dma_start3A_47 = tpu.memref_slice %arg8[%dma_start3A_45, %dma_start3A_46] : memref<5120x64xf32, #tpu.memory_space<vmem_shared>> -> memref<5120x64xf32, #tpu.memory_space<vmem_shared>>
      tpu.enqueue_indirect_dma source(%dma_start3A_41 : memref<120x64xf32, #tpu.memory_space<vmem>>) target(%dma_start3A_47 : memref<5120x64xf32, #tpu.memory_space<vmem_shared>>) offsets(%dma_start3A_44 : memref<120xi32, #tpu.memory_space<vmem>>) semaphore(%run_scoped3A_38 : memref<!tpu.dma_semaphore, #tpu.memory_space<semaphore_mem>>) {add = true}
      %dma_wait3A_48 = arith.constant 840 : i32
      %dma_wait3A_49 = arith.constant 0 : i32
      %dma_wait3A_50 = tpu.memref_slice %arg7[%dma_wait3A_48, %dma_wait3A_49] : memref<960x64xf32, #tpu.memory_space<vmem>> -> memref<120x64xf32, #tpu.memory_space<vmem>>
      %dma_wait3A_51 = arith.constant 0 : i32
      %dma_wait3A_52 = tpu.memref_slice %arg6[%run_scoped3A_33, %dma_wait3A_51] : memref<8x120xi32, #tpu.memory_space<vmem>> -> memref<1x120xi32, #tpu.memory_space<vmem>>
      %dma_wait3A_53 = tpu.memref_squeeze %dma_wait3A_52 : memref<1x120xi32, #tpu.memory_space<vmem>> -> memref<120xi32, #tpu.memory_space<vmem>>
      %dma_wait3A_54 = arith.constant 0 : i32
      %dma_wait3A_55 = arith.constant 0 : i32
      %dma_wait3A_56 = tpu.memref_slice %arg8[%dma_wait3A_54, %dma_wait3A_55] : memref<5120x64xf32, #tpu.memory_space<vmem_shared>> -> memref<5120x64xf32, #tpu.memory_space<vmem_shared>>
      tpu.wait_indirect_dma semaphore(%run_scoped3A_38 : memref<!tpu.dma_semaphore, #tpu.memory_space<semaphore_mem>>) src(%dma_wait3A_50 : memref<120x64xf32, #tpu.memory_space<vmem>>) dst(%dma_wait3A_56 : memref<5120x64xf32, #tpu.memory_space<vmem_shared>>)
      tpu.yield
    }) : () -> ()
    %barrier3A_34 = arith.constant 0 : index
    tpu.barrier barrier_id(%barrier3A_34)
    %mul3A_35 = arith.constant 5120 : i32
    %mul3A_36 = arith.muli %arg0, %mul3A_35 : i32
    %add3A_37 = arith.addi %mul3A_36, %mul3A_2 : i32
    "tpu.region"() ({
      %run_scoped3A_38 = tpu.sem_alloc : memref<!tpu.dma_semaphore, #tpu.memory_space<semaphore_mem>>
      %dma_start3A_39 = arith.constant 0 : i32
      %dma_start3A_40 = tpu.memref_slice %arg5[%add3A_37, %dma_start3A_39] : memref<10240x64xf32, #tpu.memory_space<hbm>> -> memref<320x64xf32, #tpu.memory_space<hbm>>
      %dma_start3A_41 = arith.constant 0 : i32
      %dma_start3A_42 = tpu.memref_slice %arg8[%mul3A_2, %dma_start3A_41] : memref<5120x64xf32, #tpu.memory_space<vmem_shared>> -> memref<320x64xf32, #tpu.memory_space<vmem_shared>>
      tpu.enqueue_dma source(%dma_start3A_42 : memref<320x64xf32, #tpu.memory_space<vmem_shared>>) target(%dma_start3A_40 : memref<320x64xf32, #tpu.memory_space<hbm>>) target_semaphore(%run_scoped3A_38 : memref<!tpu.dma_semaphore, #tpu.memory_space<semaphore_mem>>)
      %dma_wait3A_43 = arith.constant 0 : i32
      %dma_wait3A_44 = tpu.memref_slice %arg5[%add3A_37, %dma_wait3A_43] : memref<10240x64xf32, #tpu.memory_space<hbm>> -> memref<320x64xf32, #tpu.memory_space<hbm>>
      %dma_wait3A_45 = arith.constant 0 : i32
      %dma_wait3A_46 = tpu.memref_slice %arg8[%mul3A_2, %dma_wait3A_45] : memref<5120x64xf32, #tpu.memory_space<vmem_shared>> -> memref<320x64xf32, #tpu.memory_space<vmem_shared>>
      tpu.wait_dma2 semaphore(%run_scoped3A_38 : memref<!tpu.dma_semaphore, #tpu.memory_space<semaphore_mem>>) src(%dma_wait3A_46 : memref<320x64xf32, #tpu.memory_space<vmem_shared>>) dst(%dma_wait3A_44 : memref<320x64xf32, #tpu.memory_space<hbm>>)
      tpu.yield
    }) : () -> ()
    return
  }
}

#map = affine_map<(d0, d1) -> (0, 0)>
#map1 = affine_map<(d0, d1) -> (0, 0, 0)>
module attributes {stable_mosaic.version = 14 : i64} {
  func.func @_gather_body(%arg0: i32, %arg1: i32, %arg2: memref<5120x128xf32, #tpu.memory_space<hbm>>, %arg3: memref<32x8x120xi32, #tpu.memory_space<hbm>>, %arg4: memref<30720x128xf32, #tpu.memory_space<hbm>>, %arg5: memref<8x120xi32, #tpu.memory_space<vmem>>, %arg6: memref<960x64xf32, #tpu.memory_space<vmem>>, %arg7: memref<5120x64xf32, #tpu.memory_space<vmem_shared>>, %arg8: memref<!tpu.dma_semaphore, #tpu.memory_space<semaphore_mem>>) attributes {dimension_semantics = [#tpu.dimension_semantics<core_parallel>, #tpu.dimension_semantics<subcore_parallel>], iteration_bounds = array<i64: 2, 16>, scalar_prefetch = 0 : i64, scratch_operands = 4 : i64, tpu.core_type = #tpu.core_type<sc_vector_subcore>, window_params = [{transform_indices = #map}, {transform_indices = #map1}, {transform_indices = #map}]} {
    %mul3A = arith.constant 2 : i32
    %mul3A_0 = arith.muli %arg1, %mul3A : i32
    %add3A = arith.addi %mul3A_0, %arg0 : i32
    %mul3A_1 = arith.constant 320 : i32
    %mul3A_2 = arith.muli %arg1, %mul3A_1 : i32
    "tpu.region"() ({
      %run_scoped3A = tpu.sem_alloc : memref<!tpu.dma_semaphore, #tpu.memory_space<semaphore_mem>>
      %dma_start3A_163 = arith.constant 0 : i32
      %dma_start3A_164 = arith.constant 0 : i32
      %dma_start3A_165 = tpu.memref_slice %arg6[%dma_start3A_163, %dma_start3A_164] : memref<960x64xf32, #tpu.memory_space<vmem>> -> memref<320x64xf32, #tpu.memory_space<vmem>>
      %dma_start3A_166 = arith.constant 0 : i32
      %dma_start3A_167 = tpu.memref_slice %arg2[%mul3A_2, %dma_start3A_166] : memref<5120x128xf32, #tpu.memory_space<hbm>> -> memref<320x64xf32, #tpu.memory_space<hbm>>
      %dma_start3A_168 = arith.constant 0 : i32
      %dma_start3A_169 = arith.constant 0 : i32
      %dma_start3A_170 = tpu.memref_slice %arg6[%dma_start3A_168, %dma_start3A_169] : memref<960x64xf32, #tpu.memory_space<vmem>> -> memref<320x64xf32, #tpu.memory_space<vmem>>
      %dma_start3A_171 = arith.constant 0 : i32
      %dma_start3A_172 = tpu.memref_slice %arg2[%mul3A_2, %dma_start3A_171] : memref<5120x128xf32, #tpu.memory_space<hbm>> -> memref<320x64xf32, #tpu.memory_space<hbm>>
      tpu.enqueue_dma source(%dma_start3A_172 : memref<320x64xf32, #tpu.memory_space<hbm>>) target(%dma_start3A_170 : memref<320x64xf32, #tpu.memory_space<vmem>>) target_semaphore(%run_scoped3A : memref<!tpu.dma_semaphore, #tpu.memory_space<semaphore_mem>>)
      %dma_wait3A_173 = arith.constant 0 : i32
      %dma_wait3A_174 = arith.constant 0 : i32
      %dma_wait3A_175 = tpu.memref_slice %arg6[%dma_wait3A_173, %dma_wait3A_174] : memref<960x64xf32, #tpu.memory_space<vmem>> -> memref<320x64xf32, #tpu.memory_space<vmem>>
      %dma_wait3A_176 = arith.constant 0 : i32
      %dma_wait3A_177 = tpu.memref_slice %arg2[%mul3A_2, %dma_wait3A_176] : memref<5120x128xf32, #tpu.memory_space<hbm>> -> memref<320x64xf32, #tpu.memory_space<hbm>>
      %dma_wait3A_178 = arith.constant 0 : i32
      %dma_wait3A_179 = arith.constant 0 : i32
      %dma_wait3A_180 = tpu.memref_slice %arg6[%dma_wait3A_178, %dma_wait3A_179] : memref<960x64xf32, #tpu.memory_space<vmem>> -> memref<320x64xf32, #tpu.memory_space<vmem>>
      %dma_wait3A_181 = arith.constant 0 : i32
      %dma_wait3A_182 = tpu.memref_slice %arg2[%mul3A_2, %dma_wait3A_181] : memref<5120x128xf32, #tpu.memory_space<hbm>> -> memref<320x64xf32, #tpu.memory_space<hbm>>
      tpu.wait_dma2 semaphore(%run_scoped3A : memref<!tpu.dma_semaphore, #tpu.memory_space<semaphore_mem>>) src(%dma_wait3A_182 : memref<320x64xf32, #tpu.memory_space<hbm>>) dst(%dma_wait3A_180 : memref<320x64xf32, #tpu.memory_space<vmem>>)
      tpu.yield
    }) : () -> ()
    "tpu.region"() ({
      %run_scoped3A = tpu.sem_alloc : memref<!tpu.dma_semaphore, #tpu.memory_space<semaphore_mem>>
      %dma_start3A_163 = arith.constant 0 : i32
      %dma_start3A_164 = arith.constant 0 : i32
      %dma_start3A_165 = tpu.memref_slice %arg6[%dma_start3A_163, %dma_start3A_164] : memref<960x64xf32, #tpu.memory_space<vmem>> -> memref<320x64xf32, #tpu.memory_space<vmem>>
      %dma_start3A_166 = arith.constant 0 : i32
      %dma_start3A_167 = tpu.memref_slice %arg7[%mul3A_2, %dma_start3A_166] : memref<5120x64xf32, #tpu.memory_space<vmem_shared>> -> memref<320x64xf32, #tpu.memory_space<vmem_shared>>
      %dma_start3A_168 = arith.constant 0 : i32
      %dma_start3A_169 = tpu.memref_slice %arg7[%mul3A_2, %dma_start3A_168] : memref<5120x64xf32, #tpu.memory_space<vmem_shared>> -> memref<320x64xf32, #tpu.memory_space<vmem_shared>>
      %dma_start3A_170 = arith.constant 0 : i32
      %dma_start3A_171 = arith.constant 0 : i32
      %dma_start3A_172 = tpu.memref_slice %arg6[%dma_start3A_170, %dma_start3A_171] : memref<960x64xf32, #tpu.memory_space<vmem>> -> memref<320x64xf32, #tpu.memory_space<vmem>>
      tpu.enqueue_dma source(%dma_start3A_172 : memref<320x64xf32, #tpu.memory_space<vmem>>) target(%dma_start3A_169 : memref<320x64xf32, #tpu.memory_space<vmem_shared>>) target_semaphore(%run_scoped3A : memref<!tpu.dma_semaphore, #tpu.memory_space<semaphore_mem>>)
      %dma_wait3A_173 = arith.constant 0 : i32
      %dma_wait3A_174 = arith.constant 0 : i32
      %dma_wait3A_175 = tpu.memref_slice %arg6[%dma_wait3A_173, %dma_wait3A_174] : memref<960x64xf32, #tpu.memory_space<vmem>> -> memref<320x64xf32, #tpu.memory_space<vmem>>
      %dma_wait3A_176 = arith.constant 0 : i32
      %dma_wait3A_177 = tpu.memref_slice %arg7[%mul3A_2, %dma_wait3A_176] : memref<5120x64xf32, #tpu.memory_space<vmem_shared>> -> memref<320x64xf32, #tpu.memory_space<vmem_shared>>
      %dma_wait3A_178 = arith.constant 0 : i32
      %dma_wait3A_179 = tpu.memref_slice %arg7[%mul3A_2, %dma_wait3A_178] : memref<5120x64xf32, #tpu.memory_space<vmem_shared>> -> memref<320x64xf32, #tpu.memory_space<vmem_shared>>
      %dma_wait3A_180 = arith.constant 0 : i32
      %dma_wait3A_181 = arith.constant 0 : i32
      %dma_wait3A_182 = tpu.memref_slice %arg6[%dma_wait3A_180, %dma_wait3A_181] : memref<960x64xf32, #tpu.memory_space<vmem>> -> memref<320x64xf32, #tpu.memory_space<vmem>>
      tpu.wait_dma2 semaphore(%run_scoped3A : memref<!tpu.dma_semaphore, #tpu.memory_space<semaphore_mem>>) src(%dma_wait3A_182 : memref<320x64xf32, #tpu.memory_space<vmem>>) dst(%dma_wait3A_179 : memref<320x64xf32, #tpu.memory_space<vmem_shared>>)
      tpu.yield
    }) : () -> ()
    %barrier3A = arith.constant 0 : index
    tpu.barrier barrier_id(%barrier3A)
    "tpu.region"() ({
      %run_scoped3A = tpu.sem_alloc : memref<!tpu.dma_semaphore, #tpu.memory_space<semaphore_mem>>
      %dma_start3A_163 = arith.constant 0 : i32
      %dma_start3A_164 = arith.constant 0 : i32
      %dma_start3A_165 = tpu.memref_slice %arg3[%add3A, %dma_start3A_163, %dma_start3A_164] : memref<32x8x120xi32, #tpu.memory_space<hbm>> -> memref<1x8x120xi32, #tpu.memory_space<hbm>>
      %dma_start3A_166 = tpu.memref_squeeze %dma_start3A_165 : memref<1x8x120xi32, #tpu.memory_space<hbm>> -> memref<8x120xi32, #tpu.memory_space<hbm>>
      %dma_start3A_167 = arith.constant 0 : i32
      %dma_start3A_168 = arith.constant 0 : i32
      %dma_start3A_169 = tpu.memref_slice %arg3[%add3A, %dma_start3A_167, %dma_start3A_168] : memref<32x8x120xi32, #tpu.memory_space<hbm>> -> memref<1x8x120xi32, #tpu.memory_space<hbm>>
      %dma_start3A_170 = tpu.memref_squeeze %dma_start3A_169 : memref<1x8x120xi32, #tpu.memory_space<hbm>> -> memref<8x120xi32, #tpu.memory_space<hbm>>
      tpu.enqueue_dma source(%dma_start3A_170 : memref<8x120xi32, #tpu.memory_space<hbm>>) target(%arg5 : memref<8x120xi32, #tpu.memory_space<vmem>>) target_semaphore(%run_scoped3A : memref<!tpu.dma_semaphore, #tpu.memory_space<semaphore_mem>>)
      %dma_wait3A_171 = arith.constant 0 : i32
      %dma_wait3A_172 = arith.constant 0 : i32
      %dma_wait3A_173 = tpu.memref_slice %arg3[%add3A, %dma_wait3A_171, %dma_wait3A_172] : memref<32x8x120xi32, #tpu.memory_space<hbm>> -> memref<1x8x120xi32, #tpu.memory_space<hbm>>
      %dma_wait3A_174 = tpu.memref_squeeze %dma_wait3A_173 : memref<1x8x120xi32, #tpu.memory_space<hbm>> -> memref<8x120xi32, #tpu.memory_space<hbm>>
      %dma_wait3A_175 = arith.constant 0 : i32
      %dma_wait3A_176 = arith.constant 0 : i32
      %dma_wait3A_177 = tpu.memref_slice %arg3[%add3A, %dma_wait3A_175, %dma_wait3A_176] : memref<32x8x120xi32, #tpu.memory_space<hbm>> -> memref<1x8x120xi32, #tpu.memory_space<hbm>>
      %dma_wait3A_178 = tpu.memref_squeeze %dma_wait3A_177 : memref<1x8x120xi32, #tpu.memory_space<hbm>> -> memref<8x120xi32, #tpu.memory_space<hbm>>
      tpu.wait_dma2 semaphore(%run_scoped3A : memref<!tpu.dma_semaphore, #tpu.memory_space<semaphore_mem>>) src(%dma_wait3A_178 : memref<8x120xi32, #tpu.memory_space<hbm>>) dst(%arg5 : memref<8x120xi32, #tpu.memory_space<vmem>>)
      tpu.yield
    }) : () -> ()
    %dma_start3A = arith.constant 0 : i32
    %dma_start3A_3 = arith.constant 0 : i32
    %dma_start3A_4 = arith.constant 0 : i32
    %dma_start3A_5 = tpu.memref_slice %arg6[%dma_start3A_3, %dma_start3A_4] : memref<960x64xf32, #tpu.memory_space<vmem>> -> memref<120x64xf32, #tpu.memory_space<vmem>>
    %dma_start3A_6 = arith.constant 0 : i32
    %dma_start3A_7 = tpu.memref_slice %arg5[%dma_start3A, %dma_start3A_6] : memref<8x120xi32, #tpu.memory_space<vmem>> -> memref<1x120xi32, #tpu.memory_space<vmem>>
    %dma_start3A_8 = tpu.memref_squeeze %dma_start3A_7 : memref<1x120xi32, #tpu.memory_space<vmem>> -> memref<120xi32, #tpu.memory_space<vmem>>
    %dma_start3A_9 = arith.constant 0 : i32
    %dma_start3A_10 = arith.constant 0 : i32
    %dma_start3A_11 = tpu.memref_slice %arg7[%dma_start3A_9, %dma_start3A_10] : memref<5120x64xf32, #tpu.memory_space<vmem_shared>> -> memref<5120x64xf32, #tpu.memory_space<vmem_shared>>
    tpu.enqueue_indirect_dma source(%dma_start3A_11 : memref<5120x64xf32, #tpu.memory_space<vmem_shared>>) target(%dma_start3A_5 : memref<120x64xf32, #tpu.memory_space<vmem>>) offsets(%dma_start3A_8 : memref<120xi32, #tpu.memory_space<vmem>>) semaphore(%arg8 : memref<!tpu.dma_semaphore, #tpu.memory_space<semaphore_mem>>)
    %dma_start3A_12 = arith.constant 1 : i32
    %dma_start3A_13 = arith.constant 120 : i32
    %dma_start3A_14 = arith.constant 0 : i32
    %dma_start3A_15 = tpu.memref_slice %arg6[%dma_start3A_13, %dma_start3A_14] : memref<960x64xf32, #tpu.memory_space<vmem>> -> memref<120x64xf32, #tpu.memory_space<vmem>>
    %dma_start3A_16 = arith.constant 0 : i32
    %dma_start3A_17 = tpu.memref_slice %arg5[%dma_start3A_12, %dma_start3A_16] : memref<8x120xi32, #tpu.memory_space<vmem>> -> memref<1x120xi32, #tpu.memory_space<vmem>>
    %dma_start3A_18 = tpu.memref_squeeze %dma_start3A_17 : memref<1x120xi32, #tpu.memory_space<vmem>> -> memref<120xi32, #tpu.memory_space<vmem>>
    %dma_start3A_19 = arith.constant 0 : i32
    %dma_start3A_20 = arith.constant 0 : i32
    %dma_start3A_21 = tpu.memref_slice %arg7[%dma_start3A_19, %dma_start3A_20] : memref<5120x64xf32, #tpu.memory_space<vmem_shared>> -> memref<5120x64xf32, #tpu.memory_space<vmem_shared>>
    tpu.enqueue_indirect_dma source(%dma_start3A_21 : memref<5120x64xf32, #tpu.memory_space<vmem_shared>>) target(%dma_start3A_15 : memref<120x64xf32, #tpu.memory_space<vmem>>) offsets(%dma_start3A_18 : memref<120xi32, #tpu.memory_space<vmem>>) semaphore(%arg8 : memref<!tpu.dma_semaphore, #tpu.memory_space<semaphore_mem>>)
    %dma_start3A_22 = arith.constant 2 : i32
    %dma_start3A_23 = arith.constant 240 : i32
    %dma_start3A_24 = arith.constant 0 : i32
    %dma_start3A_25 = tpu.memref_slice %arg6[%dma_start3A_23, %dma_start3A_24] : memref<960x64xf32, #tpu.memory_space<vmem>> -> memref<120x64xf32, #tpu.memory_space<vmem>>
    %dma_start3A_26 = arith.constant 0 : i32
    %dma_start3A_27 = tpu.memref_slice %arg5[%dma_start3A_22, %dma_start3A_26] : memref<8x120xi32, #tpu.memory_space<vmem>> -> memref<1x120xi32, #tpu.memory_space<vmem>>
    %dma_start3A_28 = tpu.memref_squeeze %dma_start3A_27 : memref<1x120xi32, #tpu.memory_space<vmem>> -> memref<120xi32, #tpu.memory_space<vmem>>
    %dma_start3A_29 = arith.constant 0 : i32
    %dma_start3A_30 = arith.constant 0 : i32
    %dma_start3A_31 = tpu.memref_slice %arg7[%dma_start3A_29, %dma_start3A_30] : memref<5120x64xf32, #tpu.memory_space<vmem_shared>> -> memref<5120x64xf32, #tpu.memory_space<vmem_shared>>
    tpu.enqueue_indirect_dma source(%dma_start3A_31 : memref<5120x64xf32, #tpu.memory_space<vmem_shared>>) target(%dma_start3A_25 : memref<120x64xf32, #tpu.memory_space<vmem>>) offsets(%dma_start3A_28 : memref<120xi32, #tpu.memory_space<vmem>>) semaphore(%arg8 : memref<!tpu.dma_semaphore, #tpu.memory_space<semaphore_mem>>)
    %dma_start3A_32 = arith.constant 3 : i32
    %dma_start3A_33 = arith.constant 360 : i32
    %dma_start3A_34 = arith.constant 0 : i32
    %dma_start3A_35 = tpu.memref_slice %arg6[%dma_start3A_33, %dma_start3A_34] : memref<960x64xf32, #tpu.memory_space<vmem>> -> memref<120x64xf32, #tpu.memory_space<vmem>>
    %dma_start3A_36 = arith.constant 0 : i32
    %dma_start3A_37 = tpu.memref_slice %arg5[%dma_start3A_32, %dma_start3A_36] : memref<8x120xi32, #tpu.memory_space<vmem>> -> memref<1x120xi32, #tpu.memory_space<vmem>>
    %dma_start3A_38 = tpu.memref_squeeze %dma_start3A_37 : memref<1x120xi32, #tpu.memory_space<vmem>> -> memref<120xi32, #tpu.memory_space<vmem>>
    %dma_start3A_39 = arith.constant 0 : i32
    %dma_start3A_40 = arith.constant 0 : i32
    %dma_start3A_41 = tpu.memref_slice %arg7[%dma_start3A_39, %dma_start3A_40] : memref<5120x64xf32, #tpu.memory_space<vmem_shared>> -> memref<5120x64xf32, #tpu.memory_space<vmem_shared>>
    tpu.enqueue_indirect_dma source(%dma_start3A_41 : memref<5120x64xf32, #tpu.memory_space<vmem_shared>>) target(%dma_start3A_35 : memref<120x64xf32, #tpu.memory_space<vmem>>) offsets(%dma_start3A_38 : memref<120xi32, #tpu.memory_space<vmem>>) semaphore(%arg8 : memref<!tpu.dma_semaphore, #tpu.memory_space<semaphore_mem>>)
    %dma_start3A_42 = arith.constant 4 : i32
    %dma_start3A_43 = arith.constant 480 : i32
    %dma_start3A_44 = arith.constant 0 : i32
    %dma_start3A_45 = tpu.memref_slice %arg6[%dma_start3A_43, %dma_start3A_44] : memref<960x64xf32, #tpu.memory_space<vmem>> -> memref<120x64xf32, #tpu.memory_space<vmem>>
    %dma_start3A_46 = arith.constant 0 : i32
    %dma_start3A_47 = tpu.memref_slice %arg5[%dma_start3A_42, %dma_start3A_46] : memref<8x120xi32, #tpu.memory_space<vmem>> -> memref<1x120xi32, #tpu.memory_space<vmem>>
    %dma_start3A_48 = tpu.memref_squeeze %dma_start3A_47 : memref<1x120xi32, #tpu.memory_space<vmem>> -> memref<120xi32, #tpu.memory_space<vmem>>
    %dma_start3A_49 = arith.constant 0 : i32
    %dma_start3A_50 = arith.constant 0 : i32
    %dma_start3A_51 = tpu.memref_slice %arg7[%dma_start3A_49, %dma_start3A_50] : memref<5120x64xf32, #tpu.memory_space<vmem_shared>> -> memref<5120x64xf32, #tpu.memory_space<vmem_shared>>
    tpu.enqueue_indirect_dma source(%dma_start3A_51 : memref<5120x64xf32, #tpu.memory_space<vmem_shared>>) target(%dma_start3A_45 : memref<120x64xf32, #tpu.memory_space<vmem>>) offsets(%dma_start3A_48 : memref<120xi32, #tpu.memory_space<vmem>>) semaphore(%arg8 : memref<!tpu.dma_semaphore, #tpu.memory_space<semaphore_mem>>)
    %dma_start3A_52 = arith.constant 5 : i32
    %dma_start3A_53 = arith.constant 600 : i32
    %dma_start3A_54 = arith.constant 0 : i32
    %dma_start3A_55 = tpu.memref_slice %arg6[%dma_start3A_53, %dma_start3A_54] : memref<960x64xf32, #tpu.memory_space<vmem>> -> memref<120x64xf32, #tpu.memory_space<vmem>>
    %dma_start3A_56 = arith.constant 0 : i32
    %dma_start3A_57 = tpu.memref_slice %arg5[%dma_start3A_52, %dma_start3A_56] : memref<8x120xi32, #tpu.memory_space<vmem>> -> memref<1x120xi32, #tpu.memory_space<vmem>>
    %dma_start3A_58 = tpu.memref_squeeze %dma_start3A_57 : memref<1x120xi32, #tpu.memory_space<vmem>> -> memref<120xi32, #tpu.memory_space<vmem>>
    %dma_start3A_59 = arith.constant 0 : i32
    %dma_start3A_60 = arith.constant 0 : i32
    %dma_start3A_61 = tpu.memref_slice %arg7[%dma_start3A_59, %dma_start3A_60] : memref<5120x64xf32, #tpu.memory_space<vmem_shared>> -> memref<5120x64xf32, #tpu.memory_space<vmem_shared>>
    tpu.enqueue_indirect_dma source(%dma_start3A_61 : memref<5120x64xf32, #tpu.memory_space<vmem_shared>>) target(%dma_start3A_55 : memref<120x64xf32, #tpu.memory_space<vmem>>) offsets(%dma_start3A_58 : memref<120xi32, #tpu.memory_space<vmem>>) semaphore(%arg8 : memref<!tpu.dma_semaphore, #tpu.memory_space<semaphore_mem>>)
    %dma_start3A_62 = arith.constant 6 : i32
    %dma_start3A_63 = arith.constant 720 : i32
    %dma_start3A_64 = arith.constant 0 : i32
    %dma_start3A_65 = tpu.memref_slice %arg6[%dma_start3A_63, %dma_start3A_64] : memref<960x64xf32, #tpu.memory_space<vmem>> -> memref<120x64xf32, #tpu.memory_space<vmem>>
    %dma_start3A_66 = arith.constant 0 : i32
    %dma_start3A_67 = tpu.memref_slice %arg5[%dma_start3A_62, %dma_start3A_66] : memref<8x120xi32, #tpu.memory_space<vmem>> -> memref<1x120xi32, #tpu.memory_space<vmem>>
    %dma_start3A_68 = tpu.memref_squeeze %dma_start3A_67 : memref<1x120xi32, #tpu.memory_space<vmem>> -> memref<120xi32, #tpu.memory_space<vmem>>
    %dma_start3A_69 = arith.constant 0 : i32
    %dma_start3A_70 = arith.constant 0 : i32
    %dma_start3A_71 = tpu.memref_slice %arg7[%dma_start3A_69, %dma_start3A_70] : memref<5120x64xf32, #tpu.memory_space<vmem_shared>> -> memref<5120x64xf32, #tpu.memory_space<vmem_shared>>
    tpu.enqueue_indirect_dma source(%dma_start3A_71 : memref<5120x64xf32, #tpu.memory_space<vmem_shared>>) target(%dma_start3A_65 : memref<120x64xf32, #tpu.memory_space<vmem>>) offsets(%dma_start3A_68 : memref<120xi32, #tpu.memory_space<vmem>>) semaphore(%arg8 : memref<!tpu.dma_semaphore, #tpu.memory_space<semaphore_mem>>)
    %dma_start3A_72 = arith.constant 7 : i32
    %dma_start3A_73 = arith.constant 840 : i32
    %dma_start3A_74 = arith.constant 0 : i32
    %dma_start3A_75 = tpu.memref_slice %arg6[%dma_start3A_73, %dma_start3A_74] : memref<960x64xf32, #tpu.memory_space<vmem>> -> memref<120x64xf32, #tpu.memory_space<vmem>>
    %dma_start3A_76 = arith.constant 0 : i32
    %dma_start3A_77 = tpu.memref_slice %arg5[%dma_start3A_72, %dma_start3A_76] : memref<8x120xi32, #tpu.memory_space<vmem>> -> memref<1x120xi32, #tpu.memory_space<vmem>>
    %dma_start3A_78 = tpu.memref_squeeze %dma_start3A_77 : memref<1x120xi32, #tpu.memory_space<vmem>> -> memref<120xi32, #tpu.memory_space<vmem>>
    %dma_start3A_79 = arith.constant 0 : i32
    %dma_start3A_80 = arith.constant 0 : i32
    %dma_start3A_81 = tpu.memref_slice %arg7[%dma_start3A_79, %dma_start3A_80] : memref<5120x64xf32, #tpu.memory_space<vmem_shared>> -> memref<5120x64xf32, #tpu.memory_space<vmem_shared>>
    tpu.enqueue_indirect_dma source(%dma_start3A_81 : memref<5120x64xf32, #tpu.memory_space<vmem_shared>>) target(%dma_start3A_75 : memref<120x64xf32, #tpu.memory_space<vmem>>) offsets(%dma_start3A_78 : memref<120xi32, #tpu.memory_space<vmem>>) semaphore(%arg8 : memref<!tpu.dma_semaphore, #tpu.memory_space<semaphore_mem>>)
    %dma_wait3A = arith.constant 0 : i32
    %dma_wait3A_82 = arith.constant 0 : i32
    %dma_wait3A_83 = arith.constant 0 : i32
    %dma_wait3A_84 = tpu.memref_slice %arg6[%dma_wait3A_82, %dma_wait3A_83] : memref<960x64xf32, #tpu.memory_space<vmem>> -> memref<120x64xf32, #tpu.memory_space<vmem>>
    %dma_wait3A_85 = arith.constant 0 : i32
    %dma_wait3A_86 = tpu.memref_slice %arg5[%dma_wait3A, %dma_wait3A_85] : memref<8x120xi32, #tpu.memory_space<vmem>> -> memref<1x120xi32, #tpu.memory_space<vmem>>
    %dma_wait3A_87 = tpu.memref_squeeze %dma_wait3A_86 : memref<1x120xi32, #tpu.memory_space<vmem>> -> memref<120xi32, #tpu.memory_space<vmem>>
    %dma_wait3A_88 = arith.constant 0 : i32
    %dma_wait3A_89 = arith.constant 0 : i32
    %dma_wait3A_90 = tpu.memref_slice %arg7[%dma_wait3A_88, %dma_wait3A_89] : memref<5120x64xf32, #tpu.memory_space<vmem_shared>> -> memref<5120x64xf32, #tpu.memory_space<vmem_shared>>
    tpu.wait_indirect_dma semaphore(%arg8 : memref<!tpu.dma_semaphore, #tpu.memory_space<semaphore_mem>>) src(%dma_wait3A_90 : memref<5120x64xf32, #tpu.memory_space<vmem_shared>>) dst(%dma_wait3A_84 : memref<120x64xf32, #tpu.memory_space<vmem>>)
    %dma_wait3A_91 = arith.constant 1 : i32
    %dma_wait3A_92 = arith.constant 120 : i32
    %dma_wait3A_93 = arith.constant 0 : i32
    %dma_wait3A_94 = tpu.memref_slice %arg6[%dma_wait3A_92, %dma_wait3A_93] : memref<960x64xf32, #tpu.memory_space<vmem>> -> memref<120x64xf32, #tpu.memory_space<vmem>>
    %dma_wait3A_95 = arith.constant 0 : i32
    %dma_wait3A_96 = tpu.memref_slice %arg5[%dma_wait3A_91, %dma_wait3A_95] : memref<8x120xi32, #tpu.memory_space<vmem>> -> memref<1x120xi32, #tpu.memory_space<vmem>>
    %dma_wait3A_97 = tpu.memref_squeeze %dma_wait3A_96 : memref<1x120xi32, #tpu.memory_space<vmem>> -> memref<120xi32, #tpu.memory_space<vmem>>
    %dma_wait3A_98 = arith.constant 0 : i32
    %dma_wait3A_99 = arith.constant 0 : i32
    %dma_wait3A_100 = tpu.memref_slice %arg7[%dma_wait3A_98, %dma_wait3A_99] : memref<5120x64xf32, #tpu.memory_space<vmem_shared>> -> memref<5120x64xf32, #tpu.memory_space<vmem_shared>>
    tpu.wait_indirect_dma semaphore(%arg8 : memref<!tpu.dma_semaphore, #tpu.memory_space<semaphore_mem>>) src(%dma_wait3A_100 : memref<5120x64xf32, #tpu.memory_space<vmem_shared>>) dst(%dma_wait3A_94 : memref<120x64xf32, #tpu.memory_space<vmem>>)
    %dma_wait3A_101 = arith.constant 2 : i32
    %dma_wait3A_102 = arith.constant 240 : i32
    %dma_wait3A_103 = arith.constant 0 : i32
    %dma_wait3A_104 = tpu.memref_slice %arg6[%dma_wait3A_102, %dma_wait3A_103] : memref<960x64xf32, #tpu.memory_space<vmem>> -> memref<120x64xf32, #tpu.memory_space<vmem>>
    %dma_wait3A_105 = arith.constant 0 : i32
    %dma_wait3A_106 = tpu.memref_slice %arg5[%dma_wait3A_101, %dma_wait3A_105] : memref<8x120xi32, #tpu.memory_space<vmem>> -> memref<1x120xi32, #tpu.memory_space<vmem>>
    %dma_wait3A_107 = tpu.memref_squeeze %dma_wait3A_106 : memref<1x120xi32, #tpu.memory_space<vmem>> -> memref<120xi32, #tpu.memory_space<vmem>>
    %dma_wait3A_108 = arith.constant 0 : i32
    %dma_wait3A_109 = arith.constant 0 : i32
    %dma_wait3A_110 = tpu.memref_slice %arg7[%dma_wait3A_108, %dma_wait3A_109] : memref<5120x64xf32, #tpu.memory_space<vmem_shared>> -> memref<5120x64xf32, #tpu.memory_space<vmem_shared>>
    tpu.wait_indirect_dma semaphore(%arg8 : memref<!tpu.dma_semaphore, #tpu.memory_space<semaphore_mem>>) src(%dma_wait3A_110 : memref<5120x64xf32, #tpu.memory_space<vmem_shared>>) dst(%dma_wait3A_104 : memref<120x64xf32, #tpu.memory_space<vmem>>)
    %dma_wait3A_111 = arith.constant 3 : i32
    %dma_wait3A_112 = arith.constant 360 : i32
    %dma_wait3A_113 = arith.constant 0 : i32
    %dma_wait3A_114 = tpu.memref_slice %arg6[%dma_wait3A_112, %dma_wait3A_113] : memref<960x64xf32, #tpu.memory_space<vmem>> -> memref<120x64xf32, #tpu.memory_space<vmem>>
    %dma_wait3A_115 = arith.constant 0 : i32
    %dma_wait3A_116 = tpu.memref_slice %arg5[%dma_wait3A_111, %dma_wait3A_115] : memref<8x120xi32, #tpu.memory_space<vmem>> -> memref<1x120xi32, #tpu.memory_space<vmem>>
    %dma_wait3A_117 = tpu.memref_squeeze %dma_wait3A_116 : memref<1x120xi32, #tpu.memory_space<vmem>> -> memref<120xi32, #tpu.memory_space<vmem>>
    %dma_wait3A_118 = arith.constant 0 : i32
    %dma_wait3A_119 = arith.constant 0 : i32
    %dma_wait3A_120 = tpu.memref_slice %arg7[%dma_wait3A_118, %dma_wait3A_119] : memref<5120x64xf32, #tpu.memory_space<vmem_shared>> -> memref<5120x64xf32, #tpu.memory_space<vmem_shared>>
    tpu.wait_indirect_dma semaphore(%arg8 : memref<!tpu.dma_semaphore, #tpu.memory_space<semaphore_mem>>) src(%dma_wait3A_120 : memref<5120x64xf32, #tpu.memory_space<vmem_shared>>) dst(%dma_wait3A_114 : memref<120x64xf32, #tpu.memory_space<vmem>>)
    %dma_wait3A_121 = arith.constant 4 : i32
    %dma_wait3A_122 = arith.constant 480 : i32
    %dma_wait3A_123 = arith.constant 0 : i32
    %dma_wait3A_124 = tpu.memref_slice %arg6[%dma_wait3A_122, %dma_wait3A_123] : memref<960x64xf32, #tpu.memory_space<vmem>> -> memref<120x64xf32, #tpu.memory_space<vmem>>
    %dma_wait3A_125 = arith.constant 0 : i32
    %dma_wait3A_126 = tpu.memref_slice %arg5[%dma_wait3A_121, %dma_wait3A_125] : memref<8x120xi32, #tpu.memory_space<vmem>> -> memref<1x120xi32, #tpu.memory_space<vmem>>
    %dma_wait3A_127 = tpu.memref_squeeze %dma_wait3A_126 : memref<1x120xi32, #tpu.memory_space<vmem>> -> memref<120xi32, #tpu.memory_space<vmem>>
    %dma_wait3A_128 = arith.constant 0 : i32
    %dma_wait3A_129 = arith.constant 0 : i32
    %dma_wait3A_130 = tpu.memref_slice %arg7[%dma_wait3A_128, %dma_wait3A_129] : memref<5120x64xf32, #tpu.memory_space<vmem_shared>> -> memref<5120x64xf32, #tpu.memory_space<vmem_shared>>
    tpu.wait_indirect_dma semaphore(%arg8 : memref<!tpu.dma_semaphore, #tpu.memory_space<semaphore_mem>>) src(%dma_wait3A_130 : memref<5120x64xf32, #tpu.memory_space<vmem_shared>>) dst(%dma_wait3A_124 : memref<120x64xf32, #tpu.memory_space<vmem>>)
    %dma_wait3A_131 = arith.constant 5 : i32
    %dma_wait3A_132 = arith.constant 600 : i32
    %dma_wait3A_133 = arith.constant 0 : i32
    %dma_wait3A_134 = tpu.memref_slice %arg6[%dma_wait3A_132, %dma_wait3A_133] : memref<960x64xf32, #tpu.memory_space<vmem>> -> memref<120x64xf32, #tpu.memory_space<vmem>>
    %dma_wait3A_135 = arith.constant 0 : i32
    %dma_wait3A_136 = tpu.memref_slice %arg5[%dma_wait3A_131, %dma_wait3A_135] : memref<8x120xi32, #tpu.memory_space<vmem>> -> memref<1x120xi32, #tpu.memory_space<vmem>>
    %dma_wait3A_137 = tpu.memref_squeeze %dma_wait3A_136 : memref<1x120xi32, #tpu.memory_space<vmem>> -> memref<120xi32, #tpu.memory_space<vmem>>
    %dma_wait3A_138 = arith.constant 0 : i32
    %dma_wait3A_139 = arith.constant 0 : i32
    %dma_wait3A_140 = tpu.memref_slice %arg7[%dma_wait3A_138, %dma_wait3A_139] : memref<5120x64xf32, #tpu.memory_space<vmem_shared>> -> memref<5120x64xf32, #tpu.memory_space<vmem_shared>>
    tpu.wait_indirect_dma semaphore(%arg8 : memref<!tpu.dma_semaphore, #tpu.memory_space<semaphore_mem>>) src(%dma_wait3A_140 : memref<5120x64xf32, #tpu.memory_space<vmem_shared>>) dst(%dma_wait3A_134 : memref<120x64xf32, #tpu.memory_space<vmem>>)
    %dma_wait3A_141 = arith.constant 6 : i32
    %dma_wait3A_142 = arith.constant 720 : i32
    %dma_wait3A_143 = arith.constant 0 : i32
    %dma_wait3A_144 = tpu.memref_slice %arg6[%dma_wait3A_142, %dma_wait3A_143] : memref<960x64xf32, #tpu.memory_space<vmem>> -> memref<120x64xf32, #tpu.memory_space<vmem>>
    %dma_wait3A_145 = arith.constant 0 : i32
    %dma_wait3A_146 = tpu.memref_slice %arg5[%dma_wait3A_141, %dma_wait3A_145] : memref<8x120xi32, #tpu.memory_space<vmem>> -> memref<1x120xi32, #tpu.memory_space<vmem>>
    %dma_wait3A_147 = tpu.memref_squeeze %dma_wait3A_146 : memref<1x120xi32, #tpu.memory_space<vmem>> -> memref<120xi32, #tpu.memory_space<vmem>>
    %dma_wait3A_148 = arith.constant 0 : i32
    %dma_wait3A_149 = arith.constant 0 : i32
    %dma_wait3A_150 = tpu.memref_slice %arg7[%dma_wait3A_148, %dma_wait3A_149] : memref<5120x64xf32, #tpu.memory_space<vmem_shared>> -> memref<5120x64xf32, #tpu.memory_space<vmem_shared>>
    tpu.wait_indirect_dma semaphore(%arg8 : memref<!tpu.dma_semaphore, #tpu.memory_space<semaphore_mem>>) src(%dma_wait3A_150 : memref<5120x64xf32, #tpu.memory_space<vmem_shared>>) dst(%dma_wait3A_144 : memref<120x64xf32, #tpu.memory_space<vmem>>)
    %dma_wait3A_151 = arith.constant 7 : i32
    %dma_wait3A_152 = arith.constant 840 : i32
    %dma_wait3A_153 = arith.constant 0 : i32
    %dma_wait3A_154 = tpu.memref_slice %arg6[%dma_wait3A_152, %dma_wait3A_153] : memref<960x64xf32, #tpu.memory_space<vmem>> -> memref<120x64xf32, #tpu.memory_space<vmem>>
    %dma_wait3A_155 = arith.constant 0 : i32
    %dma_wait3A_156 = tpu.memref_slice %arg5[%dma_wait3A_151, %dma_wait3A_155] : memref<8x120xi32, #tpu.memory_space<vmem>> -> memref<1x120xi32, #tpu.memory_space<vmem>>
    %dma_wait3A_157 = tpu.memref_squeeze %dma_wait3A_156 : memref<1x120xi32, #tpu.memory_space<vmem>> -> memref<120xi32, #tpu.memory_space<vmem>>
    %dma_wait3A_158 = arith.constant 0 : i32
    %dma_wait3A_159 = arith.constant 0 : i32
    %dma_wait3A_160 = tpu.memref_slice %arg7[%dma_wait3A_158, %dma_wait3A_159] : memref<5120x64xf32, #tpu.memory_space<vmem_shared>> -> memref<5120x64xf32, #tpu.memory_space<vmem_shared>>
    tpu.wait_indirect_dma semaphore(%arg8 : memref<!tpu.dma_semaphore, #tpu.memory_space<semaphore_mem>>) src(%dma_wait3A_160 : memref<5120x64xf32, #tpu.memory_space<vmem_shared>>) dst(%dma_wait3A_154 : memref<120x64xf32, #tpu.memory_space<vmem>>)
    %mul3A_161 = arith.constant 960 : i32
    %mul3A_162 = arith.muli %add3A, %mul3A_161 : i32
    "tpu.region"() ({
      %run_scoped3A = tpu.sem_alloc : memref<!tpu.dma_semaphore, #tpu.memory_space<semaphore_mem>>
      %dma_start3A_163 = arith.constant 0 : i32
      %dma_start3A_164 = tpu.memref_slice %arg4[%mul3A_162, %dma_start3A_163] : memref<30720x128xf32, #tpu.memory_space<hbm>> -> memref<960x64xf32, #tpu.memory_space<hbm>>
      %dma_start3A_165 = arith.constant 0 : i32
      %dma_start3A_166 = tpu.memref_slice %arg4[%mul3A_162, %dma_start3A_165] : memref<30720x128xf32, #tpu.memory_space<hbm>> -> memref<960x64xf32, #tpu.memory_space<hbm>>
      tpu.enqueue_dma source(%arg6 : memref<960x64xf32, #tpu.memory_space<vmem>>) target(%dma_start3A_166 : memref<960x64xf32, #tpu.memory_space<hbm>>) target_semaphore(%run_scoped3A : memref<!tpu.dma_semaphore, #tpu.memory_space<semaphore_mem>>)
      %dma_wait3A_167 = arith.constant 0 : i32
      %dma_wait3A_168 = tpu.memref_slice %arg4[%mul3A_162, %dma_wait3A_167] : memref<30720x128xf32, #tpu.memory_space<hbm>> -> memref<960x64xf32, #tpu.memory_space<hbm>>
      %dma_wait3A_169 = arith.constant 0 : i32
      %dma_wait3A_170 = tpu.memref_slice %arg4[%mul3A_162, %dma_wait3A_169] : memref<30720x128xf32, #tpu.memory_space<hbm>> -> memref<960x64xf32, #tpu.memory_space<hbm>>
      tpu.wait_dma2 semaphore(%run_scoped3A : memref<!tpu.dma_semaphore, #tpu.memory_space<semaphore_mem>>) src(%arg6 : memref<960x64xf32, #tpu.memory_space<vmem>>) dst(%dma_wait3A_170 : memref<960x64xf32, #tpu.memory_space<hbm>>)
      tpu.yield
    }) : () -> ()
    return
  }
}

#map = affine_map<(d0, d1) -> (0, 0, 0)>
#map1 = affine_map<(d0, d1) -> (0, 0)>
module attributes {stable_mosaic.version = 14 : i64} {
  func.func @_deg_body(%arg0: i32, %arg1: i32, %arg2: memref<32x8x120xi32, #tpu.memory_space<hbm>>, %arg3: memref<320x16xf32, #tpu.memory_space<hbm>>, %arg4: memref<120x16xf32, #tpu.memory_space<hbm>>, %arg5: memref<10240x16xf32, #tpu.memory_space<hbm>>, %arg6: memref<8x120xi32, #tpu.memory_space<vmem>>, %arg7: memref<120x16xf32, #tpu.memory_space<vmem>>, %arg8: memref<5120x16xf32, #tpu.memory_space<vmem_shared>>) attributes {dimension_semantics = [#tpu.dimension_semantics<core_parallel>, #tpu.dimension_semantics<subcore_parallel>], iteration_bounds = array<i64: 2, 16>, scalar_prefetch = 0 : i64, scratch_operands = 3 : i64, tpu.core_type = #tpu.core_type<sc_vector_subcore>, window_params = [{transform_indices = #map}, {transform_indices = #map1}, {transform_indices = #map1}, {transform_indices = #map1}]} {
    %mul3A = arith.constant 2 : i32
    %mul3A_0 = arith.muli %arg1, %mul3A : i32
    %add3A = arith.addi %mul3A_0, %arg0 : i32
    %mul3A_1 = arith.constant 320 : i32
    %mul3A_2 = arith.muli %arg1, %mul3A_1 : i32
    "tpu.region"() ({
      %run_scoped3A_14 = tpu.sem_alloc : memref<!tpu.dma_semaphore, #tpu.memory_space<semaphore_mem>>
      %dma_start3A = arith.constant 0 : i32
      %dma_start3A_15 = tpu.memref_slice %arg8[%mul3A_2, %dma_start3A] : memref<5120x16xf32, #tpu.memory_space<vmem_shared>> -> memref<320x16xf32, #tpu.memory_space<vmem_shared>>
      tpu.enqueue_dma source(%arg3 : memref<320x16xf32, #tpu.memory_space<hbm>>) target(%dma_start3A_15 : memref<320x16xf32, #tpu.memory_space<vmem_shared>>) target_semaphore(%run_scoped3A_14 : memref<!tpu.dma_semaphore, #tpu.memory_space<semaphore_mem>>)
      %dma_wait3A = arith.constant 0 : i32
      %dma_wait3A_16 = tpu.memref_slice %arg8[%mul3A_2, %dma_wait3A] : memref<5120x16xf32, #tpu.memory_space<vmem_shared>> -> memref<320x16xf32, #tpu.memory_space<vmem_shared>>
      tpu.wait_dma2 semaphore(%run_scoped3A_14 : memref<!tpu.dma_semaphore, #tpu.memory_space<semaphore_mem>>) src(%arg3 : memref<320x16xf32, #tpu.memory_space<hbm>>) dst(%dma_wait3A_16 : memref<320x16xf32, #tpu.memory_space<vmem_shared>>)
      tpu.yield
    }) : () -> ()
    "tpu.region"() ({
      %run_scoped3A_14 = tpu.sem_alloc : memref<!tpu.dma_semaphore, #tpu.memory_space<semaphore_mem>>
      tpu.enqueue_dma source(%arg4 : memref<120x16xf32, #tpu.memory_space<hbm>>) target(%arg7 : memref<120x16xf32, #tpu.memory_space<vmem>>) target_semaphore(%run_scoped3A_14 : memref<!tpu.dma_semaphore, #tpu.memory_space<semaphore_mem>>)
      tpu.wait_dma2 semaphore(%run_scoped3A_14 : memref<!tpu.dma_semaphore, #tpu.memory_space<semaphore_mem>>) src(%arg4 : memref<120x16xf32, #tpu.memory_space<hbm>>) dst(%arg7 : memref<120x16xf32, #tpu.memory_space<vmem>>)
      tpu.yield
    }) : () -> ()
    %barrier3A = arith.constant 0 : index
    tpu.barrier barrier_id(%barrier3A)
    "tpu.region"() ({
      %run_scoped3A_14 = tpu.sem_alloc : memref<!tpu.dma_semaphore, #tpu.memory_space<semaphore_mem>>
      %dma_start3A = arith.constant 0 : i32
      %dma_start3A_15 = arith.constant 0 : i32
      %dma_start3A_16 = tpu.memref_slice %arg2[%add3A, %dma_start3A, %dma_start3A_15] : memref<32x8x120xi32, #tpu.memory_space<hbm>> -> memref<1x8x120xi32, #tpu.memory_space<hbm>>
      %dma_start3A_17 = tpu.memref_squeeze %dma_start3A_16 : memref<1x8x120xi32, #tpu.memory_space<hbm>> -> memref<8x120xi32, #tpu.memory_space<hbm>>
      %dma_start3A_18 = arith.constant 0 : i32
      %dma_start3A_19 = arith.constant 0 : i32
      %dma_start3A_20 = tpu.memref_slice %arg2[%add3A, %dma_start3A_18, %dma_start3A_19] : memref<32x8x120xi32, #tpu.memory_space<hbm>> -> memref<1x8x120xi32, #tpu.memory_space<hbm>>
      %dma_start3A_21 = tpu.memref_squeeze %dma_start3A_20 : memref<1x8x120xi32, #tpu.memory_space<hbm>> -> memref<8x120xi32, #tpu.memory_space<hbm>>
      tpu.enqueue_dma source(%dma_start3A_21 : memref<8x120xi32, #tpu.memory_space<hbm>>) target(%arg6 : memref<8x120xi32, #tpu.memory_space<vmem>>) target_semaphore(%run_scoped3A_14 : memref<!tpu.dma_semaphore, #tpu.memory_space<semaphore_mem>>)
      %dma_wait3A = arith.constant 0 : i32
      %dma_wait3A_22 = arith.constant 0 : i32
      %dma_wait3A_23 = tpu.memref_slice %arg2[%add3A, %dma_wait3A, %dma_wait3A_22] : memref<32x8x120xi32, #tpu.memory_space<hbm>> -> memref<1x8x120xi32, #tpu.memory_space<hbm>>
      %dma_wait3A_24 = tpu.memref_squeeze %dma_wait3A_23 : memref<1x8x120xi32, #tpu.memory_space<hbm>> -> memref<8x120xi32, #tpu.memory_space<hbm>>
      %dma_wait3A_25 = arith.constant 0 : i32
      %dma_wait3A_26 = arith.constant 0 : i32
      %dma_wait3A_27 = tpu.memref_slice %arg2[%add3A, %dma_wait3A_25, %dma_wait3A_26] : memref<32x8x120xi32, #tpu.memory_space<hbm>> -> memref<1x8x120xi32, #tpu.memory_space<hbm>>
      %dma_wait3A_28 = tpu.memref_squeeze %dma_wait3A_27 : memref<1x8x120xi32, #tpu.memory_space<hbm>> -> memref<8x120xi32, #tpu.memory_space<hbm>>
      tpu.wait_dma2 semaphore(%run_scoped3A_14 : memref<!tpu.dma_semaphore, #tpu.memory_space<semaphore_mem>>) src(%dma_wait3A_28 : memref<8x120xi32, #tpu.memory_space<hbm>>) dst(%arg6 : memref<8x120xi32, #tpu.memory_space<vmem>>)
      tpu.yield
    }) : () -> ()
    %run_scoped3A = arith.constant 0 : i32
    "tpu.region"() ({
      %run_scoped3A_14 = tpu.sem_alloc : memref<!tpu.dma_semaphore, #tpu.memory_space<semaphore_mem>>
      %dma_start3A = arith.constant 0 : i32
      %dma_start3A_15 = tpu.memref_slice %arg6[%run_scoped3A, %dma_start3A] : memref<8x120xi32, #tpu.memory_space<vmem>> -> memref<1x120xi32, #tpu.memory_space<vmem>>
      %dma_start3A_16 = tpu.memref_squeeze %dma_start3A_15 : memref<1x120xi32, #tpu.memory_space<vmem>> -> memref<120xi32, #tpu.memory_space<vmem>>
      %dma_start3A_17 = arith.constant 0 : i32
      %dma_start3A_18 = arith.constant 0 : i32
      %dma_start3A_19 = tpu.memref_slice %arg8[%dma_start3A_17, %dma_start3A_18] : memref<5120x16xf32, #tpu.memory_space<vmem_shared>> -> memref<5120x16xf32, #tpu.memory_space<vmem_shared>>
      tpu.enqueue_indirect_dma source(%arg7 : memref<120x16xf32, #tpu.memory_space<vmem>>) target(%dma_start3A_19 : memref<5120x16xf32, #tpu.memory_space<vmem_shared>>) offsets(%dma_start3A_16 : memref<120xi32, #tpu.memory_space<vmem>>) semaphore(%run_scoped3A_14 : memref<!tpu.dma_semaphore, #tpu.memory_space<semaphore_mem>>) {add = true}
      %dma_wait3A = arith.constant 0 : i32
      %dma_wait3A_20 = tpu.memref_slice %arg6[%run_scoped3A, %dma_wait3A] : memref<8x120xi32, #tpu.memory_space<vmem>> -> memref<1x120xi32, #tpu.memory_space<vmem>>
      %dma_wait3A_21 = tpu.memref_squeeze %dma_wait3A_20 : memref<1x120xi32, #tpu.memory_space<vmem>> -> memref<120xi32, #tpu.memory_space<vmem>>
      %dma_wait3A_22 = arith.constant 0 : i32
      %dma_wait3A_23 = arith.constant 0 : i32
      %dma_wait3A_24 = tpu.memref_slice %arg8[%dma_wait3A_22, %dma_wait3A_23] : memref<5120x16xf32, #tpu.memory_space<vmem_shared>> -> memref<5120x16xf32, #tpu.memory_space<vmem_shared>>
      tpu.wait_indirect_dma semaphore(%run_scoped3A_14 : memref<!tpu.dma_semaphore, #tpu.memory_space<semaphore_mem>>) src(%arg7 : memref<120x16xf32, #tpu.memory_space<vmem>>) dst(%dma_wait3A_24 : memref<5120x16xf32, #tpu.memory_space<vmem_shared>>)
      tpu.yield
    }) : () -> ()
    %run_scoped3A_3 = arith.constant 1 : i32
    "tpu.region"() ({
      %run_scoped3A_14 = tpu.sem_alloc : memref<!tpu.dma_semaphore, #tpu.memory_space<semaphore_mem>>
      %dma_start3A = arith.constant 0 : i32
      %dma_start3A_15 = tpu.memref_slice %arg6[%run_scoped3A_3, %dma_start3A] : memref<8x120xi32, #tpu.memory_space<vmem>> -> memref<1x120xi32, #tpu.memory_space<vmem>>
      %dma_start3A_16 = tpu.memref_squeeze %dma_start3A_15 : memref<1x120xi32, #tpu.memory_space<vmem>> -> memref<120xi32, #tpu.memory_space<vmem>>
      %dma_start3A_17 = arith.constant 0 : i32
      %dma_start3A_18 = arith.constant 0 : i32
      %dma_start3A_19 = tpu.memref_slice %arg8[%dma_start3A_17, %dma_start3A_18] : memref<5120x16xf32, #tpu.memory_space<vmem_shared>> -> memref<5120x16xf32, #tpu.memory_space<vmem_shared>>
      tpu.enqueue_indirect_dma source(%arg7 : memref<120x16xf32, #tpu.memory_space<vmem>>) target(%dma_start3A_19 : memref<5120x16xf32, #tpu.memory_space<vmem_shared>>) offsets(%dma_start3A_16 : memref<120xi32, #tpu.memory_space<vmem>>) semaphore(%run_scoped3A_14 : memref<!tpu.dma_semaphore, #tpu.memory_space<semaphore_mem>>) {add = true}
      %dma_wait3A = arith.constant 0 : i32
      %dma_wait3A_20 = tpu.memref_slice %arg6[%run_scoped3A_3, %dma_wait3A] : memref<8x120xi32, #tpu.memory_space<vmem>> -> memref<1x120xi32, #tpu.memory_space<vmem>>
      %dma_wait3A_21 = tpu.memref_squeeze %dma_wait3A_20 : memref<1x120xi32, #tpu.memory_space<vmem>> -> memref<120xi32, #tpu.memory_space<vmem>>
      %dma_wait3A_22 = arith.constant 0 : i32
      %dma_wait3A_23 = arith.constant 0 : i32
      %dma_wait3A_24 = tpu.memref_slice %arg8[%dma_wait3A_22, %dma_wait3A_23] : memref<5120x16xf32, #tpu.memory_space<vmem_shared>> -> memref<5120x16xf32, #tpu.memory_space<vmem_shared>>
      tpu.wait_indirect_dma semaphore(%run_scoped3A_14 : memref<!tpu.dma_semaphore, #tpu.memory_space<semaphore_mem>>) src(%arg7 : memref<120x16xf32, #tpu.memory_space<vmem>>) dst(%dma_wait3A_24 : memref<5120x16xf32, #tpu.memory_space<vmem_shared>>)
      tpu.yield
    }) : () -> ()
    %run_scoped3A_4 = arith.constant 2 : i32
    "tpu.region"() ({
      %run_scoped3A_14 = tpu.sem_alloc : memref<!tpu.dma_semaphore, #tpu.memory_space<semaphore_mem>>
      %dma_start3A = arith.constant 0 : i32
      %dma_start3A_15 = tpu.memref_slice %arg6[%run_scoped3A_4, %dma_start3A] : memref<8x120xi32, #tpu.memory_space<vmem>> -> memref<1x120xi32, #tpu.memory_space<vmem>>
      %dma_start3A_16 = tpu.memref_squeeze %dma_start3A_15 : memref<1x120xi32, #tpu.memory_space<vmem>> -> memref<120xi32, #tpu.memory_space<vmem>>
      %dma_start3A_17 = arith.constant 0 : i32
      %dma_start3A_18 = arith.constant 0 : i32
      %dma_start3A_19 = tpu.memref_slice %arg8[%dma_start3A_17, %dma_start3A_18] : memref<5120x16xf32, #tpu.memory_space<vmem_shared>> -> memref<5120x16xf32, #tpu.memory_space<vmem_shared>>
      tpu.enqueue_indirect_dma source(%arg7 : memref<120x16xf32, #tpu.memory_space<vmem>>) target(%dma_start3A_19 : memref<5120x16xf32, #tpu.memory_space<vmem_shared>>) offsets(%dma_start3A_16 : memref<120xi32, #tpu.memory_space<vmem>>) semaphore(%run_scoped3A_14 : memref<!tpu.dma_semaphore, #tpu.memory_space<semaphore_mem>>) {add = true}
      %dma_wait3A = arith.constant 0 : i32
      %dma_wait3A_20 = tpu.memref_slice %arg6[%run_scoped3A_4, %dma_wait3A] : memref<8x120xi32, #tpu.memory_space<vmem>> -> memref<1x120xi32, #tpu.memory_space<vmem>>
      %dma_wait3A_21 = tpu.memref_squeeze %dma_wait3A_20 : memref<1x120xi32, #tpu.memory_space<vmem>> -> memref<120xi32, #tpu.memory_space<vmem>>
      %dma_wait3A_22 = arith.constant 0 : i32
      %dma_wait3A_23 = arith.constant 0 : i32
      %dma_wait3A_24 = tpu.memref_slice %arg8[%dma_wait3A_22, %dma_wait3A_23] : memref<5120x16xf32, #tpu.memory_space<vmem_shared>> -> memref<5120x16xf32, #tpu.memory_space<vmem_shared>>
      tpu.wait_indirect_dma semaphore(%run_scoped3A_14 : memref<!tpu.dma_semaphore, #tpu.memory_space<semaphore_mem>>) src(%arg7 : memref<120x16xf32, #tpu.memory_space<vmem>>) dst(%dma_wait3A_24 : memref<5120x16xf32, #tpu.memory_space<vmem_shared>>)
      tpu.yield
    }) : () -> ()
    %run_scoped3A_5 = arith.constant 3 : i32
    "tpu.region"() ({
      %run_scoped3A_14 = tpu.sem_alloc : memref<!tpu.dma_semaphore, #tpu.memory_space<semaphore_mem>>
      %dma_start3A = arith.constant 0 : i32
      %dma_start3A_15 = tpu.memref_slice %arg6[%run_scoped3A_5, %dma_start3A] : memref<8x120xi32, #tpu.memory_space<vmem>> -> memref<1x120xi32, #tpu.memory_space<vmem>>
      %dma_start3A_16 = tpu.memref_squeeze %dma_start3A_15 : memref<1x120xi32, #tpu.memory_space<vmem>> -> memref<120xi32, #tpu.memory_space<vmem>>
      %dma_start3A_17 = arith.constant 0 : i32
      %dma_start3A_18 = arith.constant 0 : i32
      %dma_start3A_19 = tpu.memref_slice %arg8[%dma_start3A_17, %dma_start3A_18] : memref<5120x16xf32, #tpu.memory_space<vmem_shared>> -> memref<5120x16xf32, #tpu.memory_space<vmem_shared>>
      tpu.enqueue_indirect_dma source(%arg7 : memref<120x16xf32, #tpu.memory_space<vmem>>) target(%dma_start3A_19 : memref<5120x16xf32, #tpu.memory_space<vmem_shared>>) offsets(%dma_start3A_16 : memref<120xi32, #tpu.memory_space<vmem>>) semaphore(%run_scoped3A_14 : memref<!tpu.dma_semaphore, #tpu.memory_space<semaphore_mem>>) {add = true}
      %dma_wait3A = arith.constant 0 : i32
      %dma_wait3A_20 = tpu.memref_slice %arg6[%run_scoped3A_5, %dma_wait3A] : memref<8x120xi32, #tpu.memory_space<vmem>> -> memref<1x120xi32, #tpu.memory_space<vmem>>
      %dma_wait3A_21 = tpu.memref_squeeze %dma_wait3A_20 : memref<1x120xi32, #tpu.memory_space<vmem>> -> memref<120xi32, #tpu.memory_space<vmem>>
      %dma_wait3A_22 = arith.constant 0 : i32
      %dma_wait3A_23 = arith.constant 0 : i32
      %dma_wait3A_24 = tpu.memref_slice %arg8[%dma_wait3A_22, %dma_wait3A_23] : memref<5120x16xf32, #tpu.memory_space<vmem_shared>> -> memref<5120x16xf32, #tpu.memory_space<vmem_shared>>
      tpu.wait_indirect_dma semaphore(%run_scoped3A_14 : memref<!tpu.dma_semaphore, #tpu.memory_space<semaphore_mem>>) src(%arg7 : memref<120x16xf32, #tpu.memory_space<vmem>>) dst(%dma_wait3A_24 : memref<5120x16xf32, #tpu.memory_space<vmem_shared>>)
      tpu.yield
    }) : () -> ()
    %run_scoped3A_6 = arith.constant 4 : i32
    "tpu.region"() ({
      %run_scoped3A_14 = tpu.sem_alloc : memref<!tpu.dma_semaphore, #tpu.memory_space<semaphore_mem>>
      %dma_start3A = arith.constant 0 : i32
      %dma_start3A_15 = tpu.memref_slice %arg6[%run_scoped3A_6, %dma_start3A] : memref<8x120xi32, #tpu.memory_space<vmem>> -> memref<1x120xi32, #tpu.memory_space<vmem>>
      %dma_start3A_16 = tpu.memref_squeeze %dma_start3A_15 : memref<1x120xi32, #tpu.memory_space<vmem>> -> memref<120xi32, #tpu.memory_space<vmem>>
      %dma_start3A_17 = arith.constant 0 : i32
      %dma_start3A_18 = arith.constant 0 : i32
      %dma_start3A_19 = tpu.memref_slice %arg8[%dma_start3A_17, %dma_start3A_18] : memref<5120x16xf32, #tpu.memory_space<vmem_shared>> -> memref<5120x16xf32, #tpu.memory_space<vmem_shared>>
      tpu.enqueue_indirect_dma source(%arg7 : memref<120x16xf32, #tpu.memory_space<vmem>>) target(%dma_start3A_19 : memref<5120x16xf32, #tpu.memory_space<vmem_shared>>) offsets(%dma_start3A_16 : memref<120xi32, #tpu.memory_space<vmem>>) semaphore(%run_scoped3A_14 : memref<!tpu.dma_semaphore, #tpu.memory_space<semaphore_mem>>) {add = true}
      %dma_wait3A = arith.constant 0 : i32
      %dma_wait3A_20 = tpu.memref_slice %arg6[%run_scoped3A_6, %dma_wait3A] : memref<8x120xi32, #tpu.memory_space<vmem>> -> memref<1x120xi32, #tpu.memory_space<vmem>>
      %dma_wait3A_21 = tpu.memref_squeeze %dma_wait3A_20 : memref<1x120xi32, #tpu.memory_space<vmem>> -> memref<120xi32, #tpu.memory_space<vmem>>
      %dma_wait3A_22 = arith.constant 0 : i32
      %dma_wait3A_23 = arith.constant 0 : i32
      %dma_wait3A_24 = tpu.memref_slice %arg8[%dma_wait3A_22, %dma_wait3A_23] : memref<5120x16xf32, #tpu.memory_space<vmem_shared>> -> memref<5120x16xf32, #tpu.memory_space<vmem_shared>>
      tpu.wait_indirect_dma semaphore(%run_scoped3A_14 : memref<!tpu.dma_semaphore, #tpu.memory_space<semaphore_mem>>) src(%arg7 : memref<120x16xf32, #tpu.memory_space<vmem>>) dst(%dma_wait3A_24 : memref<5120x16xf32, #tpu.memory_space<vmem_shared>>)
      tpu.yield
    }) : () -> ()
    %run_scoped3A_7 = arith.constant 5 : i32
    "tpu.region"() ({
      %run_scoped3A_14 = tpu.sem_alloc : memref<!tpu.dma_semaphore, #tpu.memory_space<semaphore_mem>>
      %dma_start3A = arith.constant 0 : i32
      %dma_start3A_15 = tpu.memref_slice %arg6[%run_scoped3A_7, %dma_start3A] : memref<8x120xi32, #tpu.memory_space<vmem>> -> memref<1x120xi32, #tpu.memory_space<vmem>>
      %dma_start3A_16 = tpu.memref_squeeze %dma_start3A_15 : memref<1x120xi32, #tpu.memory_space<vmem>> -> memref<120xi32, #tpu.memory_space<vmem>>
      %dma_start3A_17 = arith.constant 0 : i32
      %dma_start3A_18 = arith.constant 0 : i32
      %dma_start3A_19 = tpu.memref_slice %arg8[%dma_start3A_17, %dma_start3A_18] : memref<5120x16xf32, #tpu.memory_space<vmem_shared>> -> memref<5120x16xf32, #tpu.memory_space<vmem_shared>>
      tpu.enqueue_indirect_dma source(%arg7 : memref<120x16xf32, #tpu.memory_space<vmem>>) target(%dma_start3A_19 : memref<5120x16xf32, #tpu.memory_space<vmem_shared>>) offsets(%dma_start3A_16 : memref<120xi32, #tpu.memory_space<vmem>>) semaphore(%run_scoped3A_14 : memref<!tpu.dma_semaphore, #tpu.memory_space<semaphore_mem>>) {add = true}
      %dma_wait3A = arith.constant 0 : i32
      %dma_wait3A_20 = tpu.memref_slice %arg6[%run_scoped3A_7, %dma_wait3A] : memref<8x120xi32, #tpu.memory_space<vmem>> -> memref<1x120xi32, #tpu.memory_space<vmem>>
      %dma_wait3A_21 = tpu.memref_squeeze %dma_wait3A_20 : memref<1x120xi32, #tpu.memory_space<vmem>> -> memref<120xi32, #tpu.memory_space<vmem>>
      %dma_wait3A_22 = arith.constant 0 : i32
      %dma_wait3A_23 = arith.constant 0 : i32
      %dma_wait3A_24 = tpu.memref_slice %arg8[%dma_wait3A_22, %dma_wait3A_23] : memref<5120x16xf32, #tpu.memory_space<vmem_shared>> -> memref<5120x16xf32, #tpu.memory_space<vmem_shared>>
      tpu.wait_indirect_dma semaphore(%run_scoped3A_14 : memref<!tpu.dma_semaphore, #tpu.memory_space<semaphore_mem>>) src(%arg7 : memref<120x16xf32, #tpu.memory_space<vmem>>) dst(%dma_wait3A_24 : memref<5120x16xf32, #tpu.memory_space<vmem_shared>>)
      tpu.yield
    }) : () -> ()
    %run_scoped3A_8 = arith.constant 6 : i32
    "tpu.region"() ({
      %run_scoped3A_14 = tpu.sem_alloc : memref<!tpu.dma_semaphore, #tpu.memory_space<semaphore_mem>>
      %dma_start3A = arith.constant 0 : i32
      %dma_start3A_15 = tpu.memref_slice %arg6[%run_scoped3A_8, %dma_start3A] : memref<8x120xi32, #tpu.memory_space<vmem>> -> memref<1x120xi32, #tpu.memory_space<vmem>>
      %dma_start3A_16 = tpu.memref_squeeze %dma_start3A_15 : memref<1x120xi32, #tpu.memory_space<vmem>> -> memref<120xi32, #tpu.memory_space<vmem>>
      %dma_start3A_17 = arith.constant 0 : i32
      %dma_start3A_18 = arith.constant 0 : i32
      %dma_start3A_19 = tpu.memref_slice %arg8[%dma_start3A_17, %dma_start3A_18] : memref<5120x16xf32, #tpu.memory_space<vmem_shared>> -> memref<5120x16xf32, #tpu.memory_space<vmem_shared>>
      tpu.enqueue_indirect_dma source(%arg7 : memref<120x16xf32, #tpu.memory_space<vmem>>) target(%dma_start3A_19 : memref<5120x16xf32, #tpu.memory_space<vmem_shared>>) offsets(%dma_start3A_16 : memref<120xi32, #tpu.memory_space<vmem>>) semaphore(%run_scoped3A_14 : memref<!tpu.dma_semaphore, #tpu.memory_space<semaphore_mem>>) {add = true}
      %dma_wait3A = arith.constant 0 : i32
      %dma_wait3A_20 = tpu.memref_slice %arg6[%run_scoped3A_8, %dma_wait3A] : memref<8x120xi32, #tpu.memory_space<vmem>> -> memref<1x120xi32, #tpu.memory_space<vmem>>
      %dma_wait3A_21 = tpu.memref_squeeze %dma_wait3A_20 : memref<1x120xi32, #tpu.memory_space<vmem>> -> memref<120xi32, #tpu.memory_space<vmem>>
      %dma_wait3A_22 = arith.constant 0 : i32
      %dma_wait3A_23 = arith.constant 0 : i32
      %dma_wait3A_24 = tpu.memref_slice %arg8[%dma_wait3A_22, %dma_wait3A_23] : memref<5120x16xf32, #tpu.memory_space<vmem_shared>> -> memref<5120x16xf32, #tpu.memory_space<vmem_shared>>
      tpu.wait_indirect_dma semaphore(%run_scoped3A_14 : memref<!tpu.dma_semaphore, #tpu.memory_space<semaphore_mem>>) src(%arg7 : memref<120x16xf32, #tpu.memory_space<vmem>>) dst(%dma_wait3A_24 : memref<5120x16xf32, #tpu.memory_space<vmem_shared>>)
      tpu.yield
    }) : () -> ()
    %run_scoped3A_9 = arith.constant 7 : i32
    "tpu.region"() ({
      %run_scoped3A_14 = tpu.sem_alloc : memref<!tpu.dma_semaphore, #tpu.memory_space<semaphore_mem>>
      %dma_start3A = arith.constant 0 : i32
      %dma_start3A_15 = tpu.memref_slice %arg6[%run_scoped3A_9, %dma_start3A] : memref<8x120xi32, #tpu.memory_space<vmem>> -> memref<1x120xi32, #tpu.memory_space<vmem>>
      %dma_start3A_16 = tpu.memref_squeeze %dma_start3A_15 : memref<1x120xi32, #tpu.memory_space<vmem>> -> memref<120xi32, #tpu.memory_space<vmem>>
      %dma_start3A_17 = arith.constant 0 : i32
      %dma_start3A_18 = arith.constant 0 : i32
      %dma_start3A_19 = tpu.memref_slice %arg8[%dma_start3A_17, %dma_start3A_18] : memref<5120x16xf32, #tpu.memory_space<vmem_shared>> -> memref<5120x16xf32, #tpu.memory_space<vmem_shared>>
      tpu.enqueue_indirect_dma source(%arg7 : memref<120x16xf32, #tpu.memory_space<vmem>>) target(%dma_start3A_19 : memref<5120x16xf32, #tpu.memory_space<vmem_shared>>) offsets(%dma_start3A_16 : memref<120xi32, #tpu.memory_space<vmem>>) semaphore(%run_scoped3A_14 : memref<!tpu.dma_semaphore, #tpu.memory_space<semaphore_mem>>) {add = true}
      %dma_wait3A = arith.constant 0 : i32
      %dma_wait3A_20 = tpu.memref_slice %arg6[%run_scoped3A_9, %dma_wait3A] : memref<8x120xi32, #tpu.memory_space<vmem>> -> memref<1x120xi32, #tpu.memory_space<vmem>>
      %dma_wait3A_21 = tpu.memref_squeeze %dma_wait3A_20 : memref<1x120xi32, #tpu.memory_space<vmem>> -> memref<120xi32, #tpu.memory_space<vmem>>
      %dma_wait3A_22 = arith.constant 0 : i32
      %dma_wait3A_23 = arith.constant 0 : i32
      %dma_wait3A_24 = tpu.memref_slice %arg8[%dma_wait3A_22, %dma_wait3A_23] : memref<5120x16xf32, #tpu.memory_space<vmem_shared>> -> memref<5120x16xf32, #tpu.memory_space<vmem_shared>>
      tpu.wait_indirect_dma semaphore(%run_scoped3A_14 : memref<!tpu.dma_semaphore, #tpu.memory_space<semaphore_mem>>) src(%arg7 : memref<120x16xf32, #tpu.memory_space<vmem>>) dst(%dma_wait3A_24 : memref<5120x16xf32, #tpu.memory_space<vmem_shared>>)
      tpu.yield
    }) : () -> ()
    %barrier3A_10 = arith.constant 0 : index
    tpu.barrier barrier_id(%barrier3A_10)
    %mul3A_11 = arith.constant 5120 : i32
    %mul3A_12 = arith.muli %arg0, %mul3A_11 : i32
    %add3A_13 = arith.addi %mul3A_12, %mul3A_2 : i32
    "tpu.region"() ({
      %run_scoped3A_14 = tpu.sem_alloc : memref<!tpu.dma_semaphore, #tpu.memory_space<semaphore_mem>>
      %dma_start3A = arith.constant 0 : i32
      %dma_start3A_15 = tpu.memref_slice %arg5[%add3A_13, %dma_start3A] : memref<10240x16xf32, #tpu.memory_space<hbm>> -> memref<320x16xf32, #tpu.memory_space<hbm>>
      %dma_start3A_16 = arith.constant 0 : i32
      %dma_start3A_17 = tpu.memref_slice %arg8[%mul3A_2, %dma_start3A_16] : memref<5120x16xf32, #tpu.memory_space<vmem_shared>> -> memref<320x16xf32, #tpu.memory_space<vmem_shared>>
      tpu.enqueue_dma source(%dma_start3A_17 : memref<320x16xf32, #tpu.memory_space<vmem_shared>>) target(%dma_start3A_15 : memref<320x16xf32, #tpu.memory_space<hbm>>) target_semaphore(%run_scoped3A_14 : memref<!tpu.dma_semaphore, #tpu.memory_space<semaphore_mem>>)
      %dma_wait3A = arith.constant 0 : i32
      %dma_wait3A_18 = tpu.memref_slice %arg5[%add3A_13, %dma_wait3A] : memref<10240x16xf32, #tpu.memory_space<hbm>> -> memref<320x16xf32, #tpu.memory_space<hbm>>
      %dma_wait3A_19 = arith.constant 0 : i32
      %dma_wait3A_20 = tpu.memref_slice %arg8[%mul3A_2, %dma_wait3A_19] : memref<5120x16xf32, #tpu.memory_space<vmem_shared>> -> memref<320x16xf32, #tpu.memory_space<vmem_shared>>
      tpu.wait_dma2 semaphore(%run_scoped3A_14 : memref<!tpu.dma_semaphore, #tpu.memory_space<semaphore_mem>>) src(%dma_wait3A_20 : memref<320x16xf32, #tpu.memory_space<vmem_shared>>) dst(%dma_wait3A_18 : memref<320x16xf32, #tpu.memory_space<hbm>>)
      tpu.yield
    }) : () -> ()
    return
  }
}

#map = affine_map<(d0, d1) -> (0, 0)>
#map1 = affine_map<(d0, d1) -> (0, 0, 0)>
module attributes {stable_mosaic.version = 14 : i64} {
  func.func @_scatter_body(%arg0: i32, %arg1: i32, %arg2: memref<30720x128xf32, #tpu.memory_space<hbm>>, %arg3: memref<32x8x120xi32, #tpu.memory_space<hbm>>, %arg4: memref<320x64xf32, #tpu.memory_space<hbm>>, %arg5: memref<10240x64xf32, #tpu.memory_space<hbm>>, %arg6: memref<8x120xi32, #tpu.memory_space<vmem>>, %arg7: memref<960x64xf32, #tpu.memory_space<vmem>>, %arg8: memref<5120x64xf32, #tpu.memory_space<vmem_shared>>, %arg9: memref<!tpu.dma_semaphore, #tpu.memory_space<semaphore_mem>>) attributes {dimension_semantics = [#tpu.dimension_semantics<core_parallel>, #tpu.dimension_semantics<subcore_parallel>], iteration_bounds = array<i64: 2, 16>, scalar_prefetch = 0 : i64, scratch_operands = 4 : i64, tpu.core_type = #tpu.core_type<sc_vector_subcore>, window_params = [{transform_indices = #map}, {transform_indices = #map1}, {transform_indices = #map}, {transform_indices = #map}]} {
    %mul3A = arith.constant 2 : i32
    %mul3A_0 = arith.muli %arg1, %mul3A : i32
    %add3A = arith.addi %mul3A_0, %arg0 : i32
    %mul3A_1 = arith.constant 320 : i32
    %mul3A_2 = arith.muli %arg1, %mul3A_1 : i32
    %dma_start3A = arith.constant 0 : i32
    %dma_start3A_3 = arith.constant 0 : i32
    %dma_start3A_4 = tpu.memref_slice %arg3[%add3A, %dma_start3A, %dma_start3A_3] : memref<32x8x120xi32, #tpu.memory_space<hbm>> -> memref<1x8x120xi32, #tpu.memory_space<hbm>>
    %dma_start3A_5 = tpu.memref_squeeze %dma_start3A_4 : memref<1x8x120xi32, #tpu.memory_space<hbm>> -> memref<8x120xi32, #tpu.memory_space<hbm>>
    %dma_start3A_6 = arith.constant 0 : i32
    %dma_start3A_7 = arith.constant 0 : i32
    %dma_start3A_8 = tpu.memref_slice %arg3[%add3A, %dma_start3A_6, %dma_start3A_7] : memref<32x8x120xi32, #tpu.memory_space<hbm>> -> memref<1x8x120xi32, #tpu.memory_space<hbm>>
    %dma_start3A_9 = tpu.memref_squeeze %dma_start3A_8 : memref<1x8x120xi32, #tpu.memory_space<hbm>> -> memref<8x120xi32, #tpu.memory_space<hbm>>
    tpu.enqueue_dma source(%dma_start3A_9 : memref<8x120xi32, #tpu.memory_space<hbm>>) target(%arg6 : memref<8x120xi32, #tpu.memory_space<vmem>>) target_semaphore(%arg9 : memref<!tpu.dma_semaphore, #tpu.memory_space<semaphore_mem>>)
    %mul3A_10 = arith.constant 960 : i32
    %mul3A_11 = arith.muli %add3A, %mul3A_10 : i32
    %dma_start3A_12 = arith.constant 0 : i32
    %dma_start3A_13 = tpu.memref_slice %arg2[%mul3A_11, %dma_start3A_12] : memref<30720x128xf32, #tpu.memory_space<hbm>> -> memref<960x64xf32, #tpu.memory_space<hbm>>
    %dma_start3A_14 = arith.constant 0 : i32
    %dma_start3A_15 = tpu.memref_slice %arg2[%mul3A_11, %dma_start3A_14] : memref<30720x128xf32, #tpu.memory_space<hbm>> -> memref<960x64xf32, #tpu.memory_space<hbm>>
    tpu.enqueue_dma source(%dma_start3A_15 : memref<960x64xf32, #tpu.memory_space<hbm>>) target(%arg7 : memref<960x64xf32, #tpu.memory_space<vmem>>) target_semaphore(%arg9 : memref<!tpu.dma_semaphore, #tpu.memory_space<semaphore_mem>>)
    "tpu.region"() ({
      %run_scoped3A_38 = tpu.sem_alloc : memref<!tpu.dma_semaphore, #tpu.memory_space<semaphore_mem>>
      %dma_start3A_39 = arith.constant 0 : i32
      %dma_start3A_40 = tpu.memref_slice %arg8[%mul3A_2, %dma_start3A_39] : memref<5120x64xf32, #tpu.memory_space<vmem_shared>> -> memref<320x64xf32, #tpu.memory_space<vmem_shared>>
      %dma_start3A_41 = arith.constant 0 : i32
      %dma_start3A_42 = arith.constant 0 : i32
      %dma_start3A_43 = tpu.memref_slice %arg4[%dma_start3A_41, %dma_start3A_42] : memref<320x64xf32, #tpu.memory_space<hbm>> -> memref<320x64xf32, #tpu.memory_space<hbm>>
      tpu.enqueue_dma source(%dma_start3A_43 : memref<320x64xf32, #tpu.memory_space<hbm>>) target(%dma_start3A_40 : memref<320x64xf32, #tpu.memory_space<vmem_shared>>) target_semaphore(%run_scoped3A_38 : memref<!tpu.dma_semaphore, #tpu.memory_space<semaphore_mem>>)
      %dma_wait3A_44 = arith.constant 0 : i32
      %dma_wait3A_45 = tpu.memref_slice %arg8[%mul3A_2, %dma_wait3A_44] : memref<5120x64xf32, #tpu.memory_space<vmem_shared>> -> memref<320x64xf32, #tpu.memory_space<vmem_shared>>
      %dma_wait3A_46 = arith.constant 0 : i32
      %dma_wait3A_47 = arith.constant 0 : i32
      %dma_wait3A_48 = tpu.memref_slice %arg4[%dma_wait3A_46, %dma_wait3A_47] : memref<320x64xf32, #tpu.memory_space<hbm>> -> memref<320x64xf32, #tpu.memory_space<hbm>>
      tpu.wait_dma2 semaphore(%run_scoped3A_38 : memref<!tpu.dma_semaphore, #tpu.memory_space<semaphore_mem>>) src(%dma_wait3A_48 : memref<320x64xf32, #tpu.memory_space<hbm>>) dst(%dma_wait3A_45 : memref<320x64xf32, #tpu.memory_space<vmem_shared>>)
      tpu.yield
    }) : () -> ()
    %barrier3A = arith.constant 0 : index
    tpu.barrier barrier_id(%barrier3A)
    %dma_wait3A = arith.constant 0 : i32
    %dma_wait3A_16 = arith.constant 0 : i32
    %dma_wait3A_17 = tpu.memref_slice %arg3[%add3A, %dma_wait3A, %dma_wait3A_16] : memref<32x8x120xi32, #tpu.memory_space<hbm>> -> memref<1x8x120xi32, #tpu.memory_space<hbm>>
    %dma_wait3A_18 = tpu.memref_squeeze %dma_wait3A_17 : memref<1x8x120xi32, #tpu.memory_space<hbm>> -> memref<8x120xi32, #tpu.memory_space<hbm>>
    %dma_wait3A_19 = arith.constant 0 : i32
    %dma_wait3A_20 = arith.constant 0 : i32
    %dma_wait3A_21 = tpu.memref_slice %arg3[%add3A, %dma_wait3A_19, %dma_wait3A_20] : memref<32x8x120xi32, #tpu.memory_space<hbm>> -> memref<1x8x120xi32, #tpu.memory_space<hbm>>
    %dma_wait3A_22 = tpu.memref_squeeze %dma_wait3A_21 : memref<1x8x120xi32, #tpu.memory_space<hbm>> -> memref<8x120xi32, #tpu.memory_space<hbm>>
    tpu.wait_dma2 semaphore(%arg9 : memref<!tpu.dma_semaphore, #tpu.memory_space<semaphore_mem>>) src(%dma_wait3A_22 : memref<8x120xi32, #tpu.memory_space<hbm>>) dst(%arg6 : memref<8x120xi32, #tpu.memory_space<vmem>>)
    %dma_wait3A_23 = arith.constant 0 : i32
    %dma_wait3A_24 = tpu.memref_slice %arg2[%mul3A_11, %dma_wait3A_23] : memref<30720x128xf32, #tpu.memory_space<hbm>> -> memref<960x64xf32, #tpu.memory_space<hbm>>
    %dma_wait3A_25 = arith.constant 0 : i32
    %dma_wait3A_26 = tpu.memref_slice %arg2[%mul3A_11, %dma_wait3A_25] : memref<30720x128xf32, #tpu.memory_space<hbm>> -> memref<960x64xf32, #tpu.memory_space<hbm>>
    tpu.wait_dma2 semaphore(%arg9 : memref<!tpu.dma_semaphore, #tpu.memory_space<semaphore_mem>>) src(%dma_wait3A_26 : memref<960x64xf32, #tpu.memory_space<hbm>>) dst(%arg7 : memref<960x64xf32, #tpu.memory_space<vmem>>)
    %run_scoped3A = arith.constant 0 : i32
    "tpu.region"() ({
      %run_scoped3A_38 = tpu.sem_alloc : memref<!tpu.dma_semaphore, #tpu.memory_space<semaphore_mem>>
      %dma_start3A_39 = arith.constant 0 : i32
      %dma_start3A_40 = arith.constant 0 : i32
      %dma_start3A_41 = tpu.memref_slice %arg7[%dma_start3A_39, %dma_start3A_40] : memref<960x64xf32, #tpu.memory_space<vmem>> -> memref<120x64xf32, #tpu.memory_space<vmem>>
      %dma_start3A_42 = arith.constant 0 : i32
      %dma_start3A_43 = tpu.memref_slice %arg6[%run_scoped3A, %dma_start3A_42] : memref<8x120xi32, #tpu.memory_space<vmem>> -> memref<1x120xi32, #tpu.memory_space<vmem>>
      %dma_start3A_44 = tpu.memref_squeeze %dma_start3A_43 : memref<1x120xi32, #tpu.memory_space<vmem>> -> memref<120xi32, #tpu.memory_space<vmem>>
      %dma_start3A_45 = arith.constant 0 : i32
      %dma_start3A_46 = arith.constant 0 : i32
      %dma_start3A_47 = tpu.memref_slice %arg8[%dma_start3A_45, %dma_start3A_46] : memref<5120x64xf32, #tpu.memory_space<vmem_shared>> -> memref<5120x64xf32, #tpu.memory_space<vmem_shared>>
      tpu.enqueue_indirect_dma source(%dma_start3A_41 : memref<120x64xf32, #tpu.memory_space<vmem>>) target(%dma_start3A_47 : memref<5120x64xf32, #tpu.memory_space<vmem_shared>>) offsets(%dma_start3A_44 : memref<120xi32, #tpu.memory_space<vmem>>) semaphore(%run_scoped3A_38 : memref<!tpu.dma_semaphore, #tpu.memory_space<semaphore_mem>>) {add = true}
      %dma_wait3A_48 = arith.constant 0 : i32
      %dma_wait3A_49 = arith.constant 0 : i32
      %dma_wait3A_50 = tpu.memref_slice %arg7[%dma_wait3A_48, %dma_wait3A_49] : memref<960x64xf32, #tpu.memory_space<vmem>> -> memref<120x64xf32, #tpu.memory_space<vmem>>
      %dma_wait3A_51 = arith.constant 0 : i32
      %dma_wait3A_52 = tpu.memref_slice %arg6[%run_scoped3A, %dma_wait3A_51] : memref<8x120xi32, #tpu.memory_space<vmem>> -> memref<1x120xi32, #tpu.memory_space<vmem>>
      %dma_wait3A_53 = tpu.memref_squeeze %dma_wait3A_52 : memref<1x120xi32, #tpu.memory_space<vmem>> -> memref<120xi32, #tpu.memory_space<vmem>>
      %dma_wait3A_54 = arith.constant 0 : i32
      %dma_wait3A_55 = arith.constant 0 : i32
      %dma_wait3A_56 = tpu.memref_slice %arg8[%dma_wait3A_54, %dma_wait3A_55] : memref<5120x64xf32, #tpu.memory_space<vmem_shared>> -> memref<5120x64xf32, #tpu.memory_space<vmem_shared>>
      tpu.wait_indirect_dma semaphore(%run_scoped3A_38 : memref<!tpu.dma_semaphore, #tpu.memory_space<semaphore_mem>>) src(%dma_wait3A_50 : memref<120x64xf32, #tpu.memory_space<vmem>>) dst(%dma_wait3A_56 : memref<5120x64xf32, #tpu.memory_space<vmem_shared>>)
      tpu.yield
    }) : () -> ()
    %run_scoped3A_27 = arith.constant 1 : i32
    "tpu.region"() ({
      %run_scoped3A_38 = tpu.sem_alloc : memref<!tpu.dma_semaphore, #tpu.memory_space<semaphore_mem>>
      %dma_start3A_39 = arith.constant 120 : i32
      %dma_start3A_40 = arith.constant 0 : i32
      %dma_start3A_41 = tpu.memref_slice %arg7[%dma_start3A_39, %dma_start3A_40] : memref<960x64xf32, #tpu.memory_space<vmem>> -> memref<120x64xf32, #tpu.memory_space<vmem>>
      %dma_start3A_42 = arith.constant 0 : i32
      %dma_start3A_43 = tpu.memref_slice %arg6[%run_scoped3A_27, %dma_start3A_42] : memref<8x120xi32, #tpu.memory_space<vmem>> -> memref<1x120xi32, #tpu.memory_space<vmem>>
      %dma_start3A_44 = tpu.memref_squeeze %dma_start3A_43 : memref<1x120xi32, #tpu.memory_space<vmem>> -> memref<120xi32, #tpu.memory_space<vmem>>
      %dma_start3A_45 = arith.constant 0 : i32
      %dma_start3A_46 = arith.constant 0 : i32
      %dma_start3A_47 = tpu.memref_slice %arg8[%dma_start3A_45, %dma_start3A_46] : memref<5120x64xf32, #tpu.memory_space<vmem_shared>> -> memref<5120x64xf32, #tpu.memory_space<vmem_shared>>
      tpu.enqueue_indirect_dma source(%dma_start3A_41 : memref<120x64xf32, #tpu.memory_space<vmem>>) target(%dma_start3A_47 : memref<5120x64xf32, #tpu.memory_space<vmem_shared>>) offsets(%dma_start3A_44 : memref<120xi32, #tpu.memory_space<vmem>>) semaphore(%run_scoped3A_38 : memref<!tpu.dma_semaphore, #tpu.memory_space<semaphore_mem>>) {add = true}
      %dma_wait3A_48 = arith.constant 120 : i32
      %dma_wait3A_49 = arith.constant 0 : i32
      %dma_wait3A_50 = tpu.memref_slice %arg7[%dma_wait3A_48, %dma_wait3A_49] : memref<960x64xf32, #tpu.memory_space<vmem>> -> memref<120x64xf32, #tpu.memory_space<vmem>>
      %dma_wait3A_51 = arith.constant 0 : i32
      %dma_wait3A_52 = tpu.memref_slice %arg6[%run_scoped3A_27, %dma_wait3A_51] : memref<8x120xi32, #tpu.memory_space<vmem>> -> memref<1x120xi32, #tpu.memory_space<vmem>>
      %dma_wait3A_53 = tpu.memref_squeeze %dma_wait3A_52 : memref<1x120xi32, #tpu.memory_space<vmem>> -> memref<120xi32, #tpu.memory_space<vmem>>
      %dma_wait3A_54 = arith.constant 0 : i32
      %dma_wait3A_55 = arith.constant 0 : i32
      %dma_wait3A_56 = tpu.memref_slice %arg8[%dma_wait3A_54, %dma_wait3A_55] : memref<5120x64xf32, #tpu.memory_space<vmem_shared>> -> memref<5120x64xf32, #tpu.memory_space<vmem_shared>>
      tpu.wait_indirect_dma semaphore(%run_scoped3A_38 : memref<!tpu.dma_semaphore, #tpu.memory_space<semaphore_mem>>) src(%dma_wait3A_50 : memref<120x64xf32, #tpu.memory_space<vmem>>) dst(%dma_wait3A_56 : memref<5120x64xf32, #tpu.memory_space<vmem_shared>>)
      tpu.yield
    }) : () -> ()
    %run_scoped3A_28 = arith.constant 2 : i32
    "tpu.region"() ({
      %run_scoped3A_38 = tpu.sem_alloc : memref<!tpu.dma_semaphore, #tpu.memory_space<semaphore_mem>>
      %dma_start3A_39 = arith.constant 240 : i32
      %dma_start3A_40 = arith.constant 0 : i32
      %dma_start3A_41 = tpu.memref_slice %arg7[%dma_start3A_39, %dma_start3A_40] : memref<960x64xf32, #tpu.memory_space<vmem>> -> memref<120x64xf32, #tpu.memory_space<vmem>>
      %dma_start3A_42 = arith.constant 0 : i32
      %dma_start3A_43 = tpu.memref_slice %arg6[%run_scoped3A_28, %dma_start3A_42] : memref<8x120xi32, #tpu.memory_space<vmem>> -> memref<1x120xi32, #tpu.memory_space<vmem>>
      %dma_start3A_44 = tpu.memref_squeeze %dma_start3A_43 : memref<1x120xi32, #tpu.memory_space<vmem>> -> memref<120xi32, #tpu.memory_space<vmem>>
      %dma_start3A_45 = arith.constant 0 : i32
      %dma_start3A_46 = arith.constant 0 : i32
      %dma_start3A_47 = tpu.memref_slice %arg8[%dma_start3A_45, %dma_start3A_46] : memref<5120x64xf32, #tpu.memory_space<vmem_shared>> -> memref<5120x64xf32, #tpu.memory_space<vmem_shared>>
      tpu.enqueue_indirect_dma source(%dma_start3A_41 : memref<120x64xf32, #tpu.memory_space<vmem>>) target(%dma_start3A_47 : memref<5120x64xf32, #tpu.memory_space<vmem_shared>>) offsets(%dma_start3A_44 : memref<120xi32, #tpu.memory_space<vmem>>) semaphore(%run_scoped3A_38 : memref<!tpu.dma_semaphore, #tpu.memory_space<semaphore_mem>>) {add = true}
      %dma_wait3A_48 = arith.constant 240 : i32
      %dma_wait3A_49 = arith.constant 0 : i32
      %dma_wait3A_50 = tpu.memref_slice %arg7[%dma_wait3A_48, %dma_wait3A_49] : memref<960x64xf32, #tpu.memory_space<vmem>> -> memref<120x64xf32, #tpu.memory_space<vmem>>
      %dma_wait3A_51 = arith.constant 0 : i32
      %dma_wait3A_52 = tpu.memref_slice %arg6[%run_scoped3A_28, %dma_wait3A_51] : memref<8x120xi32, #tpu.memory_space<vmem>> -> memref<1x120xi32, #tpu.memory_space<vmem>>
      %dma_wait3A_53 = tpu.memref_squeeze %dma_wait3A_52 : memref<1x120xi32, #tpu.memory_space<vmem>> -> memref<120xi32, #tpu.memory_space<vmem>>
      %dma_wait3A_54 = arith.constant 0 : i32
      %dma_wait3A_55 = arith.constant 0 : i32
      %dma_wait3A_56 = tpu.memref_slice %arg8[%dma_wait3A_54, %dma_wait3A_55] : memref<5120x64xf32, #tpu.memory_space<vmem_shared>> -> memref<5120x64xf32, #tpu.memory_space<vmem_shared>>
      tpu.wait_indirect_dma semaphore(%run_scoped3A_38 : memref<!tpu.dma_semaphore, #tpu.memory_space<semaphore_mem>>) src(%dma_wait3A_50 : memref<120x64xf32, #tpu.memory_space<vmem>>) dst(%dma_wait3A_56 : memref<5120x64xf32, #tpu.memory_space<vmem_shared>>)
      tpu.yield
    }) : () -> ()
    %run_scoped3A_29 = arith.constant 3 : i32
    "tpu.region"() ({
      %run_scoped3A_38 = tpu.sem_alloc : memref<!tpu.dma_semaphore, #tpu.memory_space<semaphore_mem>>
      %dma_start3A_39 = arith.constant 360 : i32
      %dma_start3A_40 = arith.constant 0 : i32
      %dma_start3A_41 = tpu.memref_slice %arg7[%dma_start3A_39, %dma_start3A_40] : memref<960x64xf32, #tpu.memory_space<vmem>> -> memref<120x64xf32, #tpu.memory_space<vmem>>
      %dma_start3A_42 = arith.constant 0 : i32
      %dma_start3A_43 = tpu.memref_slice %arg6[%run_scoped3A_29, %dma_start3A_42] : memref<8x120xi32, #tpu.memory_space<vmem>> -> memref<1x120xi32, #tpu.memory_space<vmem>>
      %dma_start3A_44 = tpu.memref_squeeze %dma_start3A_43 : memref<1x120xi32, #tpu.memory_space<vmem>> -> memref<120xi32, #tpu.memory_space<vmem>>
      %dma_start3A_45 = arith.constant 0 : i32
      %dma_start3A_46 = arith.constant 0 : i32
      %dma_start3A_47 = tpu.memref_slice %arg8[%dma_start3A_45, %dma_start3A_46] : memref<5120x64xf32, #tpu.memory_space<vmem_shared>> -> memref<5120x64xf32, #tpu.memory_space<vmem_shared>>
      tpu.enqueue_indirect_dma source(%dma_start3A_41 : memref<120x64xf32, #tpu.memory_space<vmem>>) target(%dma_start3A_47 : memref<5120x64xf32, #tpu.memory_space<vmem_shared>>) offsets(%dma_start3A_44 : memref<120xi32, #tpu.memory_space<vmem>>) semaphore(%run_scoped3A_38 : memref<!tpu.dma_semaphore, #tpu.memory_space<semaphore_mem>>) {add = true}
      %dma_wait3A_48 = arith.constant 360 : i32
      %dma_wait3A_49 = arith.constant 0 : i32
      %dma_wait3A_50 = tpu.memref_slice %arg7[%dma_wait3A_48, %dma_wait3A_49] : memref<960x64xf32, #tpu.memory_space<vmem>> -> memref<120x64xf32, #tpu.memory_space<vmem>>
      %dma_wait3A_51 = arith.constant 0 : i32
      %dma_wait3A_52 = tpu.memref_slice %arg6[%run_scoped3A_29, %dma_wait3A_51] : memref<8x120xi32, #tpu.memory_space<vmem>> -> memref<1x120xi32, #tpu.memory_space<vmem>>
      %dma_wait3A_53 = tpu.memref_squeeze %dma_wait3A_52 : memref<1x120xi32, #tpu.memory_space<vmem>> -> memref<120xi32, #tpu.memory_space<vmem>>
      %dma_wait3A_54 = arith.constant 0 : i32
      %dma_wait3A_55 = arith.constant 0 : i32
      %dma_wait3A_56 = tpu.memref_slice %arg8[%dma_wait3A_54, %dma_wait3A_55] : memref<5120x64xf32, #tpu.memory_space<vmem_shared>> -> memref<5120x64xf32, #tpu.memory_space<vmem_shared>>
      tpu.wait_indirect_dma semaphore(%run_scoped3A_38 : memref<!tpu.dma_semaphore, #tpu.memory_space<semaphore_mem>>) src(%dma_wait3A_50 : memref<120x64xf32, #tpu.memory_space<vmem>>) dst(%dma_wait3A_56 : memref<5120x64xf32, #tpu.memory_space<vmem_shared>>)
      tpu.yield
    }) : () -> ()
    %run_scoped3A_30 = arith.constant 4 : i32
    "tpu.region"() ({
      %run_scoped3A_38 = tpu.sem_alloc : memref<!tpu.dma_semaphore, #tpu.memory_space<semaphore_mem>>
      %dma_start3A_39 = arith.constant 480 : i32
      %dma_start3A_40 = arith.constant 0 : i32
      %dma_start3A_41 = tpu.memref_slice %arg7[%dma_start3A_39, %dma_start3A_40] : memref<960x64xf32, #tpu.memory_space<vmem>> -> memref<120x64xf32, #tpu.memory_space<vmem>>
      %dma_start3A_42 = arith.constant 0 : i32
      %dma_start3A_43 = tpu.memref_slice %arg6[%run_scoped3A_30, %dma_start3A_42] : memref<8x120xi32, #tpu.memory_space<vmem>> -> memref<1x120xi32, #tpu.memory_space<vmem>>
      %dma_start3A_44 = tpu.memref_squeeze %dma_start3A_43 : memref<1x120xi32, #tpu.memory_space<vmem>> -> memref<120xi32, #tpu.memory_space<vmem>>
      %dma_start3A_45 = arith.constant 0 : i32
      %dma_start3A_46 = arith.constant 0 : i32
      %dma_start3A_47 = tpu.memref_slice %arg8[%dma_start3A_45, %dma_start3A_46] : memref<5120x64xf32, #tpu.memory_space<vmem_shared>> -> memref<5120x64xf32, #tpu.memory_space<vmem_shared>>
      tpu.enqueue_indirect_dma source(%dma_start3A_41 : memref<120x64xf32, #tpu.memory_space<vmem>>) target(%dma_start3A_47 : memref<5120x64xf32, #tpu.memory_space<vmem_shared>>) offsets(%dma_start3A_44 : memref<120xi32, #tpu.memory_space<vmem>>) semaphore(%run_scoped3A_38 : memref<!tpu.dma_semaphore, #tpu.memory_space<semaphore_mem>>) {add = true}
      %dma_wait3A_48 = arith.constant 480 : i32
      %dma_wait3A_49 = arith.constant 0 : i32
      %dma_wait3A_50 = tpu.memref_slice %arg7[%dma_wait3A_48, %dma_wait3A_49] : memref<960x64xf32, #tpu.memory_space<vmem>> -> memref<120x64xf32, #tpu.memory_space<vmem>>
      %dma_wait3A_51 = arith.constant 0 : i32
      %dma_wait3A_52 = tpu.memref_slice %arg6[%run_scoped3A_30, %dma_wait3A_51] : memref<8x120xi32, #tpu.memory_space<vmem>> -> memref<1x120xi32, #tpu.memory_space<vmem>>
      %dma_wait3A_53 = tpu.memref_squeeze %dma_wait3A_52 : memref<1x120xi32, #tpu.memory_space<vmem>> -> memref<120xi32, #tpu.memory_space<vmem>>
      %dma_wait3A_54 = arith.constant 0 : i32
      %dma_wait3A_55 = arith.constant 0 : i32
      %dma_wait3A_56 = tpu.memref_slice %arg8[%dma_wait3A_54, %dma_wait3A_55] : memref<5120x64xf32, #tpu.memory_space<vmem_shared>> -> memref<5120x64xf32, #tpu.memory_space<vmem_shared>>
      tpu.wait_indirect_dma semaphore(%run_scoped3A_38 : memref<!tpu.dma_semaphore, #tpu.memory_space<semaphore_mem>>) src(%dma_wait3A_50 : memref<120x64xf32, #tpu.memory_space<vmem>>) dst(%dma_wait3A_56 : memref<5120x64xf32, #tpu.memory_space<vmem_shared>>)
      tpu.yield
    }) : () -> ()
    %run_scoped3A_31 = arith.constant 5 : i32
    "tpu.region"() ({
      %run_scoped3A_38 = tpu.sem_alloc : memref<!tpu.dma_semaphore, #tpu.memory_space<semaphore_mem>>
      %dma_start3A_39 = arith.constant 600 : i32
      %dma_start3A_40 = arith.constant 0 : i32
      %dma_start3A_41 = tpu.memref_slice %arg7[%dma_start3A_39, %dma_start3A_40] : memref<960x64xf32, #tpu.memory_space<vmem>> -> memref<120x64xf32, #tpu.memory_space<vmem>>
      %dma_start3A_42 = arith.constant 0 : i32
      %dma_start3A_43 = tpu.memref_slice %arg6[%run_scoped3A_31, %dma_start3A_42] : memref<8x120xi32, #tpu.memory_space<vmem>> -> memref<1x120xi32, #tpu.memory_space<vmem>>
      %dma_start3A_44 = tpu.memref_squeeze %dma_start3A_43 : memref<1x120xi32, #tpu.memory_space<vmem>> -> memref<120xi32, #tpu.memory_space<vmem>>
      %dma_start3A_45 = arith.constant 0 : i32
      %dma_start3A_46 = arith.constant 0 : i32
      %dma_start3A_47 = tpu.memref_slice %arg8[%dma_start3A_45, %dma_start3A_46] : memref<5120x64xf32, #tpu.memory_space<vmem_shared>> -> memref<5120x64xf32, #tpu.memory_space<vmem_shared>>
      tpu.enqueue_indirect_dma source(%dma_start3A_41 : memref<120x64xf32, #tpu.memory_space<vmem>>) target(%dma_start3A_47 : memref<5120x64xf32, #tpu.memory_space<vmem_shared>>) offsets(%dma_start3A_44 : memref<120xi32, #tpu.memory_space<vmem>>) semaphore(%run_scoped3A_38 : memref<!tpu.dma_semaphore, #tpu.memory_space<semaphore_mem>>) {add = true}
      %dma_wait3A_48 = arith.constant 600 : i32
      %dma_wait3A_49 = arith.constant 0 : i32
      %dma_wait3A_50 = tpu.memref_slice %arg7[%dma_wait3A_48, %dma_wait3A_49] : memref<960x64xf32, #tpu.memory_space<vmem>> -> memref<120x64xf32, #tpu.memory_space<vmem>>
      %dma_wait3A_51 = arith.constant 0 : i32
      %dma_wait3A_52 = tpu.memref_slice %arg6[%run_scoped3A_31, %dma_wait3A_51] : memref<8x120xi32, #tpu.memory_space<vmem>> -> memref<1x120xi32, #tpu.memory_space<vmem>>
      %dma_wait3A_53 = tpu.memref_squeeze %dma_wait3A_52 : memref<1x120xi32, #tpu.memory_space<vmem>> -> memref<120xi32, #tpu.memory_space<vmem>>
      %dma_wait3A_54 = arith.constant 0 : i32
      %dma_wait3A_55 = arith.constant 0 : i32
      %dma_wait3A_56 = tpu.memref_slice %arg8[%dma_wait3A_54, %dma_wait3A_55] : memref<5120x64xf32, #tpu.memory_space<vmem_shared>> -> memref<5120x64xf32, #tpu.memory_space<vmem_shared>>
      tpu.wait_indirect_dma semaphore(%run_scoped3A_38 : memref<!tpu.dma_semaphore, #tpu.memory_space<semaphore_mem>>) src(%dma_wait3A_50 : memref<120x64xf32, #tpu.memory_space<vmem>>) dst(%dma_wait3A_56 : memref<5120x64xf32, #tpu.memory_space<vmem_shared>>)
      tpu.yield
    }) : () -> ()
    %run_scoped3A_32 = arith.constant 6 : i32
    "tpu.region"() ({
      %run_scoped3A_38 = tpu.sem_alloc : memref<!tpu.dma_semaphore, #tpu.memory_space<semaphore_mem>>
      %dma_start3A_39 = arith.constant 720 : i32
      %dma_start3A_40 = arith.constant 0 : i32
      %dma_start3A_41 = tpu.memref_slice %arg7[%dma_start3A_39, %dma_start3A_40] : memref<960x64xf32, #tpu.memory_space<vmem>> -> memref<120x64xf32, #tpu.memory_space<vmem>>
      %dma_start3A_42 = arith.constant 0 : i32
      %dma_start3A_43 = tpu.memref_slice %arg6[%run_scoped3A_32, %dma_start3A_42] : memref<8x120xi32, #tpu.memory_space<vmem>> -> memref<1x120xi32, #tpu.memory_space<vmem>>
      %dma_start3A_44 = tpu.memref_squeeze %dma_start3A_43 : memref<1x120xi32, #tpu.memory_space<vmem>> -> memref<120xi32, #tpu.memory_space<vmem>>
      %dma_start3A_45 = arith.constant 0 : i32
      %dma_start3A_46 = arith.constant 0 : i32
      %dma_start3A_47 = tpu.memref_slice %arg8[%dma_start3A_45, %dma_start3A_46] : memref<5120x64xf32, #tpu.memory_space<vmem_shared>> -> memref<5120x64xf32, #tpu.memory_space<vmem_shared>>
      tpu.enqueue_indirect_dma source(%dma_start3A_41 : memref<120x64xf32, #tpu.memory_space<vmem>>) target(%dma_start3A_47 : memref<5120x64xf32, #tpu.memory_space<vmem_shared>>) offsets(%dma_start3A_44 : memref<120xi32, #tpu.memory_space<vmem>>) semaphore(%run_scoped3A_38 : memref<!tpu.dma_semaphore, #tpu.memory_space<semaphore_mem>>) {add = true}
      %dma_wait3A_48 = arith.constant 720 : i32
      %dma_wait3A_49 = arith.constant 0 : i32
      %dma_wait3A_50 = tpu.memref_slice %arg7[%dma_wait3A_48, %dma_wait3A_49] : memref<960x64xf32, #tpu.memory_space<vmem>> -> memref<120x64xf32, #tpu.memory_space<vmem>>
      %dma_wait3A_51 = arith.constant 0 : i32
      %dma_wait3A_52 = tpu.memref_slice %arg6[%run_scoped3A_32, %dma_wait3A_51] : memref<8x120xi32, #tpu.memory_space<vmem>> -> memref<1x120xi32, #tpu.memory_space<vmem>>
      %dma_wait3A_53 = tpu.memref_squeeze %dma_wait3A_52 : memref<1x120xi32, #tpu.memory_space<vmem>> -> memref<120xi32, #tpu.memory_space<vmem>>
      %dma_wait3A_54 = arith.constant 0 : i32
      %dma_wait3A_55 = arith.constant 0 : i32
      %dma_wait3A_56 = tpu.memref_slice %arg8[%dma_wait3A_54, %dma_wait3A_55] : memref<5120x64xf32, #tpu.memory_space<vmem_shared>> -> memref<5120x64xf32, #tpu.memory_space<vmem_shared>>
      tpu.wait_indirect_dma semaphore(%run_scoped3A_38 : memref<!tpu.dma_semaphore, #tpu.memory_space<semaphore_mem>>) src(%dma_wait3A_50 : memref<120x64xf32, #tpu.memory_space<vmem>>) dst(%dma_wait3A_56 : memref<5120x64xf32, #tpu.memory_space<vmem_shared>>)
      tpu.yield
    }) : () -> ()
    %run_scoped3A_33 = arith.constant 7 : i32
    "tpu.region"() ({
      %run_scoped3A_38 = tpu.sem_alloc : memref<!tpu.dma_semaphore, #tpu.memory_space<semaphore_mem>>
      %dma_start3A_39 = arith.constant 840 : i32
      %dma_start3A_40 = arith.constant 0 : i32
      %dma_start3A_41 = tpu.memref_slice %arg7[%dma_start3A_39, %dma_start3A_40] : memref<960x64xf32, #tpu.memory_space<vmem>> -> memref<120x64xf32, #tpu.memory_space<vmem>>
      %dma_start3A_42 = arith.constant 0 : i32
      %dma_start3A_43 = tpu.memref_slice %arg6[%run_scoped3A_33, %dma_start3A_42] : memref<8x120xi32, #tpu.memory_space<vmem>> -> memref<1x120xi32, #tpu.memory_space<vmem>>
      %dma_start3A_44 = tpu.memref_squeeze %dma_start3A_43 : memref<1x120xi32, #tpu.memory_space<vmem>> -> memref<120xi32, #tpu.memory_space<vmem>>
      %dma_start3A_45 = arith.constant 0 : i32
      %dma_start3A_46 = arith.constant 0 : i32
      %dma_start3A_47 = tpu.memref_slice %arg8[%dma_start3A_45, %dma_start3A_46] : memref<5120x64xf32, #tpu.memory_space<vmem_shared>> -> memref<5120x64xf32, #tpu.memory_space<vmem_shared>>
      tpu.enqueue_indirect_dma source(%dma_start3A_41 : memref<120x64xf32, #tpu.memory_space<vmem>>) target(%dma_start3A_47 : memref<5120x64xf32, #tpu.memory_space<vmem_shared>>) offsets(%dma_start3A_44 : memref<120xi32, #tpu.memory_space<vmem>>) semaphore(%run_scoped3A_38 : memref<!tpu.dma_semaphore, #tpu.memory_space<semaphore_mem>>) {add = true}
      %dma_wait3A_48 = arith.constant 840 : i32
      %dma_wait3A_49 = arith.constant 0 : i32
      %dma_wait3A_50 = tpu.memref_slice %arg7[%dma_wait3A_48, %dma_wait3A_49] : memref<960x64xf32, #tpu.memory_space<vmem>> -> memref<120x64xf32, #tpu.memory_space<vmem>>
      %dma_wait3A_51 = arith.constant 0 : i32
      %dma_wait3A_52 = tpu.memref_slice %arg6[%run_scoped3A_33, %dma_wait3A_51] : memref<8x120xi32, #tpu.memory_space<vmem>> -> memref<1x120xi32, #tpu.memory_space<vmem>>
      %dma_wait3A_53 = tpu.memref_squeeze %dma_wait3A_52 : memref<1x120xi32, #tpu.memory_space<vmem>> -> memref<120xi32, #tpu.memory_space<vmem>>
      %dma_wait3A_54 = arith.constant 0 : i32
      %dma_wait3A_55 = arith.constant 0 : i32
      %dma_wait3A_56 = tpu.memref_slice %arg8[%dma_wait3A_54, %dma_wait3A_55] : memref<5120x64xf32, #tpu.memory_space<vmem_shared>> -> memref<5120x64xf32, #tpu.memory_space<vmem_shared>>
      tpu.wait_indirect_dma semaphore(%run_scoped3A_38 : memref<!tpu.dma_semaphore, #tpu.memory_space<semaphore_mem>>) src(%dma_wait3A_50 : memref<120x64xf32, #tpu.memory_space<vmem>>) dst(%dma_wait3A_56 : memref<5120x64xf32, #tpu.memory_space<vmem_shared>>)
      tpu.yield
    }) : () -> ()
    %barrier3A_34 = arith.constant 0 : index
    tpu.barrier barrier_id(%barrier3A_34)
    %mul3A_35 = arith.constant 5120 : i32
    %mul3A_36 = arith.muli %arg0, %mul3A_35 : i32
    %add3A_37 = arith.addi %mul3A_36, %mul3A_2 : i32
    "tpu.region"() ({
      %run_scoped3A_38 = tpu.sem_alloc : memref<!tpu.dma_semaphore, #tpu.memory_space<semaphore_mem>>
      %dma_start3A_39 = arith.constant 0 : i32
      %dma_start3A_40 = tpu.memref_slice %arg5[%add3A_37, %dma_start3A_39] : memref<10240x64xf32, #tpu.memory_space<hbm>> -> memref<320x64xf32, #tpu.memory_space<hbm>>
      %dma_start3A_41 = arith.constant 0 : i32
      %dma_start3A_42 = tpu.memref_slice %arg8[%mul3A_2, %dma_start3A_41] : memref<5120x64xf32, #tpu.memory_space<vmem_shared>> -> memref<320x64xf32, #tpu.memory_space<vmem_shared>>
      tpu.enqueue_dma source(%dma_start3A_42 : memref<320x64xf32, #tpu.memory_space<vmem_shared>>) target(%dma_start3A_40 : memref<320x64xf32, #tpu.memory_space<hbm>>) target_semaphore(%run_scoped3A_38 : memref<!tpu.dma_semaphore, #tpu.memory_space<semaphore_mem>>)
      %dma_wait3A_43 = arith.constant 0 : i32
      %dma_wait3A_44 = tpu.memref_slice %arg5[%add3A_37, %dma_wait3A_43] : memref<10240x64xf32, #tpu.memory_space<hbm>> -> memref<320x64xf32, #tpu.memory_space<hbm>>
      %dma_wait3A_45 = arith.constant 0 : i32
      %dma_wait3A_46 = tpu.memref_slice %arg8[%mul3A_2, %dma_wait3A_45] : memref<5120x64xf32, #tpu.memory_space<vmem_shared>> -> memref<320x64xf32, #tpu.memory_space<vmem_shared>>
      tpu.wait_dma2 semaphore(%run_scoped3A_38 : memref<!tpu.dma_semaphore, #tpu.memory_space<semaphore_mem>>) src(%dma_wait3A_46 : memref<320x64xf32, #tpu.memory_space<vmem_shared>>) dst(%dma_wait3A_44 : memref<320x64xf32, #tpu.memory_space<hbm>>)
      tpu.yield
    }) : () -> ()
    return
  }
}

#map = affine_map<(d0, d1) -> (0, 0)>
#map1 = affine_map<(d0, d1) -> (0, 0, 0)>
module attributes {stable_mosaic.version = 14 : i64} {
  func.func @_gather_body(%arg0: i32, %arg1: i32, %arg2: memref<5120x128xf32, #tpu.memory_space<hbm>>, %arg3: memref<32x8x120xi32, #tpu.memory_space<hbm>>, %arg4: memref<30720x128xf32, #tpu.memory_space<hbm>>, %arg5: memref<8x120xi32, #tpu.memory_space<vmem>>, %arg6: memref<960x64xf32, #tpu.memory_space<vmem>>, %arg7: memref<5120x64xf32, #tpu.memory_space<vmem_shared>>, %arg8: memref<!tpu.dma_semaphore, #tpu.memory_space<semaphore_mem>>) attributes {dimension_semantics = [#tpu.dimension_semantics<core_parallel>, #tpu.dimension_semantics<subcore_parallel>], iteration_bounds = array<i64: 2, 16>, scalar_prefetch = 0 : i64, scratch_operands = 4 : i64, tpu.core_type = #tpu.core_type<sc_vector_subcore>, window_params = [{transform_indices = #map}, {transform_indices = #map1}, {transform_indices = #map}]} {
    %mul3A = arith.constant 2 : i32
    %mul3A_0 = arith.muli %arg1, %mul3A : i32
    %add3A = arith.addi %mul3A_0, %arg0 : i32
    %mul3A_1 = arith.constant 320 : i32
    %mul3A_2 = arith.muli %arg1, %mul3A_1 : i32
    "tpu.region"() ({
      %run_scoped3A = tpu.sem_alloc : memref<!tpu.dma_semaphore, #tpu.memory_space<semaphore_mem>>
      %dma_start3A_163 = arith.constant 0 : i32
      %dma_start3A_164 = arith.constant 0 : i32
      %dma_start3A_165 = tpu.memref_slice %arg6[%dma_start3A_163, %dma_start3A_164] : memref<960x64xf32, #tpu.memory_space<vmem>> -> memref<320x64xf32, #tpu.memory_space<vmem>>
      %dma_start3A_166 = arith.constant 0 : i32
      %dma_start3A_167 = tpu.memref_slice %arg2[%mul3A_2, %dma_start3A_166] : memref<5120x128xf32, #tpu.memory_space<hbm>> -> memref<320x64xf32, #tpu.memory_space<hbm>>
      %dma_start3A_168 = arith.constant 0 : i32
      %dma_start3A_169 = arith.constant 0 : i32
      %dma_start3A_170 = tpu.memref_slice %arg6[%dma_start3A_168, %dma_start3A_169] : memref<960x64xf32, #tpu.memory_space<vmem>> -> memref<320x64xf32, #tpu.memory_space<vmem>>
      %dma_start3A_171 = arith.constant 0 : i32
      %dma_start3A_172 = tpu.memref_slice %arg2[%mul3A_2, %dma_start3A_171] : memref<5120x128xf32, #tpu.memory_space<hbm>> -> memref<320x64xf32, #tpu.memory_space<hbm>>
      tpu.enqueue_dma source(%dma_start3A_172 : memref<320x64xf32, #tpu.memory_space<hbm>>) target(%dma_start3A_170 : memref<320x64xf32, #tpu.memory_space<vmem>>) target_semaphore(%run_scoped3A : memref<!tpu.dma_semaphore, #tpu.memory_space<semaphore_mem>>)
      %dma_wait3A_173 = arith.constant 0 : i32
      %dma_wait3A_174 = arith.constant 0 : i32
      %dma_wait3A_175 = tpu.memref_slice %arg6[%dma_wait3A_173, %dma_wait3A_174] : memref<960x64xf32, #tpu.memory_space<vmem>> -> memref<320x64xf32, #tpu.memory_space<vmem>>
      %dma_wait3A_176 = arith.constant 0 : i32
      %dma_wait3A_177 = tpu.memref_slice %arg2[%mul3A_2, %dma_wait3A_176] : memref<5120x128xf32, #tpu.memory_space<hbm>> -> memref<320x64xf32, #tpu.memory_space<hbm>>
      %dma_wait3A_178 = arith.constant 0 : i32
      %dma_wait3A_179 = arith.constant 0 : i32
      %dma_wait3A_180 = tpu.memref_slice %arg6[%dma_wait3A_178, %dma_wait3A_179] : memref<960x64xf32, #tpu.memory_space<vmem>> -> memref<320x64xf32, #tpu.memory_space<vmem>>
      %dma_wait3A_181 = arith.constant 0 : i32
      %dma_wait3A_182 = tpu.memref_slice %arg2[%mul3A_2, %dma_wait3A_181] : memref<5120x128xf32, #tpu.memory_space<hbm>> -> memref<320x64xf32, #tpu.memory_space<hbm>>
      tpu.wait_dma2 semaphore(%run_scoped3A : memref<!tpu.dma_semaphore, #tpu.memory_space<semaphore_mem>>) src(%dma_wait3A_182 : memref<320x64xf32, #tpu.memory_space<hbm>>) dst(%dma_wait3A_180 : memref<320x64xf32, #tpu.memory_space<vmem>>)
      tpu.yield
    }) : () -> ()
    "tpu.region"() ({
      %run_scoped3A = tpu.sem_alloc : memref<!tpu.dma_semaphore, #tpu.memory_space<semaphore_mem>>
      %dma_start3A_163 = arith.constant 0 : i32
      %dma_start3A_164 = arith.constant 0 : i32
      %dma_start3A_165 = tpu.memref_slice %arg6[%dma_start3A_163, %dma_start3A_164] : memref<960x64xf32, #tpu.memory_space<vmem>> -> memref<320x64xf32, #tpu.memory_space<vmem>>
      %dma_start3A_166 = arith.constant 0 : i32
      %dma_start3A_167 = tpu.memref_slice %arg7[%mul3A_2, %dma_start3A_166] : memref<5120x64xf32, #tpu.memory_space<vmem_shared>> -> memref<320x64xf32, #tpu.memory_space<vmem_shared>>
      %dma_start3A_168 = arith.constant 0 : i32
      %dma_start3A_169 = tpu.memref_slice %arg7[%mul3A_2, %dma_start3A_168] : memref<5120x64xf32, #tpu.memory_space<vmem_shared>> -> memref<320x64xf32, #tpu.memory_space<vmem_shared>>
      %dma_start3A_170 = arith.constant 0 : i32
      %dma_start3A_171 = arith.constant 0 : i32
      %dma_start3A_172 = tpu.memref_slice %arg6[%dma_start3A_170, %dma_start3A_171] : memref<960x64xf32, #tpu.memory_space<vmem>> -> memref<320x64xf32, #tpu.memory_space<vmem>>
      tpu.enqueue_dma source(%dma_start3A_172 : memref<320x64xf32, #tpu.memory_space<vmem>>) target(%dma_start3A_169 : memref<320x64xf32, #tpu.memory_space<vmem_shared>>) target_semaphore(%run_scoped3A : memref<!tpu.dma_semaphore, #tpu.memory_space<semaphore_mem>>)
      %dma_wait3A_173 = arith.constant 0 : i32
      %dma_wait3A_174 = arith.constant 0 : i32
      %dma_wait3A_175 = tpu.memref_slice %arg6[%dma_wait3A_173, %dma_wait3A_174] : memref<960x64xf32, #tpu.memory_space<vmem>> -> memref<320x64xf32, #tpu.memory_space<vmem>>
      %dma_wait3A_176 = arith.constant 0 : i32
      %dma_wait3A_177 = tpu.memref_slice %arg7[%mul3A_2, %dma_wait3A_176] : memref<5120x64xf32, #tpu.memory_space<vmem_shared>> -> memref<320x64xf32, #tpu.memory_space<vmem_shared>>
      %dma_wait3A_178 = arith.constant 0 : i32
      %dma_wait3A_179 = tpu.memref_slice %arg7[%mul3A_2, %dma_wait3A_178] : memref<5120x64xf32, #tpu.memory_space<vmem_shared>> -> memref<320x64xf32, #tpu.memory_space<vmem_shared>>
      %dma_wait3A_180 = arith.constant 0 : i32
      %dma_wait3A_181 = arith.constant 0 : i32
      %dma_wait3A_182 = tpu.memref_slice %arg6[%dma_wait3A_180, %dma_wait3A_181] : memref<960x64xf32, #tpu.memory_space<vmem>> -> memref<320x64xf32, #tpu.memory_space<vmem>>
      tpu.wait_dma2 semaphore(%run_scoped3A : memref<!tpu.dma_semaphore, #tpu.memory_space<semaphore_mem>>) src(%dma_wait3A_182 : memref<320x64xf32, #tpu.memory_space<vmem>>) dst(%dma_wait3A_179 : memref<320x64xf32, #tpu.memory_space<vmem_shared>>)
      tpu.yield
    }) : () -> ()
    %barrier3A = arith.constant 0 : index
    tpu.barrier barrier_id(%barrier3A)
    "tpu.region"() ({
      %run_scoped3A = tpu.sem_alloc : memref<!tpu.dma_semaphore, #tpu.memory_space<semaphore_mem>>
      %dma_start3A_163 = arith.constant 0 : i32
      %dma_start3A_164 = arith.constant 0 : i32
      %dma_start3A_165 = tpu.memref_slice %arg3[%add3A, %dma_start3A_163, %dma_start3A_164] : memref<32x8x120xi32, #tpu.memory_space<hbm>> -> memref<1x8x120xi32, #tpu.memory_space<hbm>>
      %dma_start3A_166 = tpu.memref_squeeze %dma_start3A_165 : memref<1x8x120xi32, #tpu.memory_space<hbm>> -> memref<8x120xi32, #tpu.memory_space<hbm>>
      %dma_start3A_167 = arith.constant 0 : i32
      %dma_start3A_168 = arith.constant 0 : i32
      %dma_start3A_169 = tpu.memref_slice %arg3[%add3A, %dma_start3A_167, %dma_start3A_168] : memref<32x8x120xi32, #tpu.memory_space<hbm>> -> memref<1x8x120xi32, #tpu.memory_space<hbm>>
      %dma_start3A_170 = tpu.memref_squeeze %dma_start3A_169 : memref<1x8x120xi32, #tpu.memory_space<hbm>> -> memref<8x120xi32, #tpu.memory_space<hbm>>
      tpu.enqueue_dma source(%dma_start3A_170 : memref<8x120xi32, #tpu.memory_space<hbm>>) target(%arg5 : memref<8x120xi32, #tpu.memory_space<vmem>>) target_semaphore(%run_scoped3A : memref<!tpu.dma_semaphore, #tpu.memory_space<semaphore_mem>>)
      %dma_wait3A_171 = arith.constant 0 : i32
      %dma_wait3A_172 = arith.constant 0 : i32
      %dma_wait3A_173 = tpu.memref_slice %arg3[%add3A, %dma_wait3A_171, %dma_wait3A_172] : memref<32x8x120xi32, #tpu.memory_space<hbm>> -> memref<1x8x120xi32, #tpu.memory_space<hbm>>
      %dma_wait3A_174 = tpu.memref_squeeze %dma_wait3A_173 : memref<1x8x120xi32, #tpu.memory_space<hbm>> -> memref<8x120xi32, #tpu.memory_space<hbm>>
      %dma_wait3A_175 = arith.constant 0 : i32
      %dma_wait3A_176 = arith.constant 0 : i32
      %dma_wait3A_177 = tpu.memref_slice %arg3[%add3A, %dma_wait3A_175, %dma_wait3A_176] : memref<32x8x120xi32, #tpu.memory_space<hbm>> -> memref<1x8x120xi32, #tpu.memory_space<hbm>>
      %dma_wait3A_178 = tpu.memref_squeeze %dma_wait3A_177 : memref<1x8x120xi32, #tpu.memory_space<hbm>> -> memref<8x120xi32, #tpu.memory_space<hbm>>
      tpu.wait_dma2 semaphore(%run_scoped3A : memref<!tpu.dma_semaphore, #tpu.memory_space<semaphore_mem>>) src(%dma_wait3A_178 : memref<8x120xi32, #tpu.memory_space<hbm>>) dst(%arg5 : memref<8x120xi32, #tpu.memory_space<vmem>>)
      tpu.yield
    }) : () -> ()
    %dma_start3A = arith.constant 0 : i32
    %dma_start3A_3 = arith.constant 0 : i32
    %dma_start3A_4 = arith.constant 0 : i32
    %dma_start3A_5 = tpu.memref_slice %arg6[%dma_start3A_3, %dma_start3A_4] : memref<960x64xf32, #tpu.memory_space<vmem>> -> memref<120x64xf32, #tpu.memory_space<vmem>>
    %dma_start3A_6 = arith.constant 0 : i32
    %dma_start3A_7 = tpu.memref_slice %arg5[%dma_start3A, %dma_start3A_6] : memref<8x120xi32, #tpu.memory_space<vmem>> -> memref<1x120xi32, #tpu.memory_space<vmem>>
    %dma_start3A_8 = tpu.memref_squeeze %dma_start3A_7 : memref<1x120xi32, #tpu.memory_space<vmem>> -> memref<120xi32, #tpu.memory_space<vmem>>
    %dma_start3A_9 = arith.constant 0 : i32
    %dma_start3A_10 = arith.constant 0 : i32
    %dma_start3A_11 = tpu.memref_slice %arg7[%dma_start3A_9, %dma_start3A_10] : memref<5120x64xf32, #tpu.memory_space<vmem_shared>> -> memref<5120x64xf32, #tpu.memory_space<vmem_shared>>
    tpu.enqueue_indirect_dma source(%dma_start3A_11 : memref<5120x64xf32, #tpu.memory_space<vmem_shared>>) target(%dma_start3A_5 : memref<120x64xf32, #tpu.memory_space<vmem>>) offsets(%dma_start3A_8 : memref<120xi32, #tpu.memory_space<vmem>>) semaphore(%arg8 : memref<!tpu.dma_semaphore, #tpu.memory_space<semaphore_mem>>)
    %dma_start3A_12 = arith.constant 1 : i32
    %dma_start3A_13 = arith.constant 120 : i32
    %dma_start3A_14 = arith.constant 0 : i32
    %dma_start3A_15 = tpu.memref_slice %arg6[%dma_start3A_13, %dma_start3A_14] : memref<960x64xf32, #tpu.memory_space<vmem>> -> memref<120x64xf32, #tpu.memory_space<vmem>>
    %dma_start3A_16 = arith.constant 0 : i32
    %dma_start3A_17 = tpu.memref_slice %arg5[%dma_start3A_12, %dma_start3A_16] : memref<8x120xi32, #tpu.memory_space<vmem>> -> memref<1x120xi32, #tpu.memory_space<vmem>>
    %dma_start3A_18 = tpu.memref_squeeze %dma_start3A_17 : memref<1x120xi32, #tpu.memory_space<vmem>> -> memref<120xi32, #tpu.memory_space<vmem>>
    %dma_start3A_19 = arith.constant 0 : i32
    %dma_start3A_20 = arith.constant 0 : i32
    %dma_start3A_21 = tpu.memref_slice %arg7[%dma_start3A_19, %dma_start3A_20] : memref<5120x64xf32, #tpu.memory_space<vmem_shared>> -> memref<5120x64xf32, #tpu.memory_space<vmem_shared>>
    tpu.enqueue_indirect_dma source(%dma_start3A_21 : memref<5120x64xf32, #tpu.memory_space<vmem_shared>>) target(%dma_start3A_15 : memref<120x64xf32, #tpu.memory_space<vmem>>) offsets(%dma_start3A_18 : memref<120xi32, #tpu.memory_space<vmem>>) semaphore(%arg8 : memref<!tpu.dma_semaphore, #tpu.memory_space<semaphore_mem>>)
    %dma_start3A_22 = arith.constant 2 : i32
    %dma_start3A_23 = arith.constant 240 : i32
    %dma_start3A_24 = arith.constant 0 : i32
    %dma_start3A_25 = tpu.memref_slice %arg6[%dma_start3A_23, %dma_start3A_24] : memref<960x64xf32, #tpu.memory_space<vmem>> -> memref<120x64xf32, #tpu.memory_space<vmem>>
    %dma_start3A_26 = arith.constant 0 : i32
    %dma_start3A_27 = tpu.memref_slice %arg5[%dma_start3A_22, %dma_start3A_26] : memref<8x120xi32, #tpu.memory_space<vmem>> -> memref<1x120xi32, #tpu.memory_space<vmem>>
    %dma_start3A_28 = tpu.memref_squeeze %dma_start3A_27 : memref<1x120xi32, #tpu.memory_space<vmem>> -> memref<120xi32, #tpu.memory_space<vmem>>
    %dma_start3A_29 = arith.constant 0 : i32
    %dma_start3A_30 = arith.constant 0 : i32
    %dma_start3A_31 = tpu.memref_slice %arg7[%dma_start3A_29, %dma_start3A_30] : memref<5120x64xf32, #tpu.memory_space<vmem_shared>> -> memref<5120x64xf32, #tpu.memory_space<vmem_shared>>
    tpu.enqueue_indirect_dma source(%dma_start3A_31 : memref<5120x64xf32, #tpu.memory_space<vmem_shared>>) target(%dma_start3A_25 : memref<120x64xf32, #tpu.memory_space<vmem>>) offsets(%dma_start3A_28 : memref<120xi32, #tpu.memory_space<vmem>>) semaphore(%arg8 : memref<!tpu.dma_semaphore, #tpu.memory_space<semaphore_mem>>)
    %dma_start3A_32 = arith.constant 3 : i32
    %dma_start3A_33 = arith.constant 360 : i32
    %dma_start3A_34 = arith.constant 0 : i32
    %dma_start3A_35 = tpu.memref_slice %arg6[%dma_start3A_33, %dma_start3A_34] : memref<960x64xf32, #tpu.memory_space<vmem>> -> memref<120x64xf32, #tpu.memory_space<vmem>>
    %dma_start3A_36 = arith.constant 0 : i32
    %dma_start3A_37 = tpu.memref_slice %arg5[%dma_start3A_32, %dma_start3A_36] : memref<8x120xi32, #tpu.memory_space<vmem>> -> memref<1x120xi32, #tpu.memory_space<vmem>>
    %dma_start3A_38 = tpu.memref_squeeze %dma_start3A_37 : memref<1x120xi32, #tpu.memory_space<vmem>> -> memref<120xi32, #tpu.memory_space<vmem>>
    %dma_start3A_39 = arith.constant 0 : i32
    %dma_start3A_40 = arith.constant 0 : i32
    %dma_start3A_41 = tpu.memref_slice %arg7[%dma_start3A_39, %dma_start3A_40] : memref<5120x64xf32, #tpu.memory_space<vmem_shared>> -> memref<5120x64xf32, #tpu.memory_space<vmem_shared>>
    tpu.enqueue_indirect_dma source(%dma_start3A_41 : memref<5120x64xf32, #tpu.memory_space<vmem_shared>>) target(%dma_start3A_35 : memref<120x64xf32, #tpu.memory_space<vmem>>) offsets(%dma_start3A_38 : memref<120xi32, #tpu.memory_space<vmem>>) semaphore(%arg8 : memref<!tpu.dma_semaphore, #tpu.memory_space<semaphore_mem>>)
    %dma_start3A_42 = arith.constant 4 : i32
    %dma_start3A_43 = arith.constant 480 : i32
    %dma_start3A_44 = arith.constant 0 : i32
    %dma_start3A_45 = tpu.memref_slice %arg6[%dma_start3A_43, %dma_start3A_44] : memref<960x64xf32, #tpu.memory_space<vmem>> -> memref<120x64xf32, #tpu.memory_space<vmem>>
    %dma_start3A_46 = arith.constant 0 : i32
    %dma_start3A_47 = tpu.memref_slice %arg5[%dma_start3A_42, %dma_start3A_46] : memref<8x120xi32, #tpu.memory_space<vmem>> -> memref<1x120xi32, #tpu.memory_space<vmem>>
    %dma_start3A_48 = tpu.memref_squeeze %dma_start3A_47 : memref<1x120xi32, #tpu.memory_space<vmem>> -> memref<120xi32, #tpu.memory_space<vmem>>
    %dma_start3A_49 = arith.constant 0 : i32
    %dma_start3A_50 = arith.constant 0 : i32
    %dma_start3A_51 = tpu.memref_slice %arg7[%dma_start3A_49, %dma_start3A_50] : memref<5120x64xf32, #tpu.memory_space<vmem_shared>> -> memref<5120x64xf32, #tpu.memory_space<vmem_shared>>
    tpu.enqueue_indirect_dma source(%dma_start3A_51 : memref<5120x64xf32, #tpu.memory_space<vmem_shared>>) target(%dma_start3A_45 : memref<120x64xf32, #tpu.memory_space<vmem>>) offsets(%dma_start3A_48 : memref<120xi32, #tpu.memory_space<vmem>>) semaphore(%arg8 : memref<!tpu.dma_semaphore, #tpu.memory_space<semaphore_mem>>)
    %dma_start3A_52 = arith.constant 5 : i32
    %dma_start3A_53 = arith.constant 600 : i32
    %dma_start3A_54 = arith.constant 0 : i32
    %dma_start3A_55 = tpu.memref_slice %arg6[%dma_start3A_53, %dma_start3A_54] : memref<960x64xf32, #tpu.memory_space<vmem>> -> memref<120x64xf32, #tpu.memory_space<vmem>>
    %dma_start3A_56 = arith.constant 0 : i32
    %dma_start3A_57 = tpu.memref_slice %arg5[%dma_start3A_52, %dma_start3A_56] : memref<8x120xi32, #tpu.memory_space<vmem>> -> memref<1x120xi32, #tpu.memory_space<vmem>>
    %dma_start3A_58 = tpu.memref_squeeze %dma_start3A_57 : memref<1x120xi32, #tpu.memory_space<vmem>> -> memref<120xi32, #tpu.memory_space<vmem>>
    %dma_start3A_59 = arith.constant 0 : i32
    %dma_start3A_60 = arith.constant 0 : i32
    %dma_start3A_61 = tpu.memref_slice %arg7[%dma_start3A_59, %dma_start3A_60] : memref<5120x64xf32, #tpu.memory_space<vmem_shared>> -> memref<5120x64xf32, #tpu.memory_space<vmem_shared>>
    tpu.enqueue_indirect_dma source(%dma_start3A_61 : memref<5120x64xf32, #tpu.memory_space<vmem_shared>>) target(%dma_start3A_55 : memref<120x64xf32, #tpu.memory_space<vmem>>) offsets(%dma_start3A_58 : memref<120xi32, #tpu.memory_space<vmem>>) semaphore(%arg8 : memref<!tpu.dma_semaphore, #tpu.memory_space<semaphore_mem>>)
    %dma_start3A_62 = arith.constant 6 : i32
    %dma_start3A_63 = arith.constant 720 : i32
    %dma_start3A_64 = arith.constant 0 : i32
    %dma_start3A_65 = tpu.memref_slice %arg6[%dma_start3A_63, %dma_start3A_64] : memref<960x64xf32, #tpu.memory_space<vmem>> -> memref<120x64xf32, #tpu.memory_space<vmem>>
    %dma_start3A_66 = arith.constant 0 : i32
    %dma_start3A_67 = tpu.memref_slice %arg5[%dma_start3A_62, %dma_start3A_66] : memref<8x120xi32, #tpu.memory_space<vmem>> -> memref<1x120xi32, #tpu.memory_space<vmem>>
    %dma_start3A_68 = tpu.memref_squeeze %dma_start3A_67 : memref<1x120xi32, #tpu.memory_space<vmem>> -> memref<120xi32, #tpu.memory_space<vmem>>
    %dma_start3A_69 = arith.constant 0 : i32
    %dma_start3A_70 = arith.constant 0 : i32
    %dma_start3A_71 = tpu.memref_slice %arg7[%dma_start3A_69, %dma_start3A_70] : memref<5120x64xf32, #tpu.memory_space<vmem_shared>> -> memref<5120x64xf32, #tpu.memory_space<vmem_shared>>
    tpu.enqueue_indirect_dma source(%dma_start3A_71 : memref<5120x64xf32, #tpu.memory_space<vmem_shared>>) target(%dma_start3A_65 : memref<120x64xf32, #tpu.memory_space<vmem>>) offsets(%dma_start3A_68 : memref<120xi32, #tpu.memory_space<vmem>>) semaphore(%arg8 : memref<!tpu.dma_semaphore, #tpu.memory_space<semaphore_mem>>)
    %dma_start3A_72 = arith.constant 7 : i32
    %dma_start3A_73 = arith.constant 840 : i32
    %dma_start3A_74 = arith.constant 0 : i32
    %dma_start3A_75 = tpu.memref_slice %arg6[%dma_start3A_73, %dma_start3A_74] : memref<960x64xf32, #tpu.memory_space<vmem>> -> memref<120x64xf32, #tpu.memory_space<vmem>>
    %dma_start3A_76 = arith.constant 0 : i32
    %dma_start3A_77 = tpu.memref_slice %arg5[%dma_start3A_72, %dma_start3A_76] : memref<8x120xi32, #tpu.memory_space<vmem>> -> memref<1x120xi32, #tpu.memory_space<vmem>>
    %dma_start3A_78 = tpu.memref_squeeze %dma_start3A_77 : memref<1x120xi32, #tpu.memory_space<vmem>> -> memref<120xi32, #tpu.memory_space<vmem>>
    %dma_start3A_79 = arith.constant 0 : i32
    %dma_start3A_80 = arith.constant 0 : i32
    %dma_start3A_81 = tpu.memref_slice %arg7[%dma_start3A_79, %dma_start3A_80] : memref<5120x64xf32, #tpu.memory_space<vmem_shared>> -> memref<5120x64xf32, #tpu.memory_space<vmem_shared>>
    tpu.enqueue_indirect_dma source(%dma_start3A_81 : memref<5120x64xf32, #tpu.memory_space<vmem_shared>>) target(%dma_start3A_75 : memref<120x64xf32, #tpu.memory_space<vmem>>) offsets(%dma_start3A_78 : memref<120xi32, #tpu.memory_space<vmem>>) semaphore(%arg8 : memref<!tpu.dma_semaphore, #tpu.memory_space<semaphore_mem>>)
    %dma_wait3A = arith.constant 0 : i32
    %dma_wait3A_82 = arith.constant 0 : i32
    %dma_wait3A_83 = arith.constant 0 : i32
    %dma_wait3A_84 = tpu.memref_slice %arg6[%dma_wait3A_82, %dma_wait3A_83] : memref<960x64xf32, #tpu.memory_space<vmem>> -> memref<120x64xf32, #tpu.memory_space<vmem>>
    %dma_wait3A_85 = arith.constant 0 : i32
    %dma_wait3A_86 = tpu.memref_slice %arg5[%dma_wait3A, %dma_wait3A_85] : memref<8x120xi32, #tpu.memory_space<vmem>> -> memref<1x120xi32, #tpu.memory_space<vmem>>
    %dma_wait3A_87 = tpu.memref_squeeze %dma_wait3A_86 : memref<1x120xi32, #tpu.memory_space<vmem>> -> memref<120xi32, #tpu.memory_space<vmem>>
    %dma_wait3A_88 = arith.constant 0 : i32
    %dma_wait3A_89 = arith.constant 0 : i32
    %dma_wait3A_90 = tpu.memref_slice %arg7[%dma_wait3A_88, %dma_wait3A_89] : memref<5120x64xf32, #tpu.memory_space<vmem_shared>> -> memref<5120x64xf32, #tpu.memory_space<vmem_shared>>
    tpu.wait_indirect_dma semaphore(%arg8 : memref<!tpu.dma_semaphore, #tpu.memory_space<semaphore_mem>>) src(%dma_wait3A_90 : memref<5120x64xf32, #tpu.memory_space<vmem_shared>>) dst(%dma_wait3A_84 : memref<120x64xf32, #tpu.memory_space<vmem>>)
    %dma_wait3A_91 = arith.constant 1 : i32
    %dma_wait3A_92 = arith.constant 120 : i32
    %dma_wait3A_93 = arith.constant 0 : i32
    %dma_wait3A_94 = tpu.memref_slice %arg6[%dma_wait3A_92, %dma_wait3A_93] : memref<960x64xf32, #tpu.memory_space<vmem>> -> memref<120x64xf32, #tpu.memory_space<vmem>>
    %dma_wait3A_95 = arith.constant 0 : i32
    %dma_wait3A_96 = tpu.memref_slice %arg5[%dma_wait3A_91, %dma_wait3A_95] : memref<8x120xi32, #tpu.memory_space<vmem>> -> memref<1x120xi32, #tpu.memory_space<vmem>>
    %dma_wait3A_97 = tpu.memref_squeeze %dma_wait3A_96 : memref<1x120xi32, #tpu.memory_space<vmem>> -> memref<120xi32, #tpu.memory_space<vmem>>
    %dma_wait3A_98 = arith.constant 0 : i32
    %dma_wait3A_99 = arith.constant 0 : i32
    %dma_wait3A_100 = tpu.memref_slice %arg7[%dma_wait3A_98, %dma_wait3A_99] : memref<5120x64xf32, #tpu.memory_space<vmem_shared>> -> memref<5120x64xf32, #tpu.memory_space<vmem_shared>>
    tpu.wait_indirect_dma semaphore(%arg8 : memref<!tpu.dma_semaphore, #tpu.memory_space<semaphore_mem>>) src(%dma_wait3A_100 : memref<5120x64xf32, #tpu.memory_space<vmem_shared>>) dst(%dma_wait3A_94 : memref<120x64xf32, #tpu.memory_space<vmem>>)
    %dma_wait3A_101 = arith.constant 2 : i32
    %dma_wait3A_102 = arith.constant 240 : i32
    %dma_wait3A_103 = arith.constant 0 : i32
    %dma_wait3A_104 = tpu.memref_slice %arg6[%dma_wait3A_102, %dma_wait3A_103] : memref<960x64xf32, #tpu.memory_space<vmem>> -> memref<120x64xf32, #tpu.memory_space<vmem>>
    %dma_wait3A_105 = arith.constant 0 : i32
    %dma_wait3A_106 = tpu.memref_slice %arg5[%dma_wait3A_101, %dma_wait3A_105] : memref<8x120xi32, #tpu.memory_space<vmem>> -> memref<1x120xi32, #tpu.memory_space<vmem>>
    %dma_wait3A_107 = tpu.memref_squeeze %dma_wait3A_106 : memref<1x120xi32, #tpu.memory_space<vmem>> -> memref<120xi32, #tpu.memory_space<vmem>>
    %dma_wait3A_108 = arith.constant 0 : i32
    %dma_wait3A_109 = arith.constant 0 : i32
    %dma_wait3A_110 = tpu.memref_slice %arg7[%dma_wait3A_108, %dma_wait3A_109] : memref<5120x64xf32, #tpu.memory_space<vmem_shared>> -> memref<5120x64xf32, #tpu.memory_space<vmem_shared>>
    tpu.wait_indirect_dma semaphore(%arg8 : memref<!tpu.dma_semaphore, #tpu.memory_space<semaphore_mem>>) src(%dma_wait3A_110 : memref<5120x64xf32, #tpu.memory_space<vmem_shared>>) dst(%dma_wait3A_104 : memref<120x64xf32, #tpu.memory_space<vmem>>)
    %dma_wait3A_111 = arith.constant 3 : i32
    %dma_wait3A_112 = arith.constant 360 : i32
    %dma_wait3A_113 = arith.constant 0 : i32
    %dma_wait3A_114 = tpu.memref_slice %arg6[%dma_wait3A_112, %dma_wait3A_113] : memref<960x64xf32, #tpu.memory_space<vmem>> -> memref<120x64xf32, #tpu.memory_space<vmem>>
    %dma_wait3A_115 = arith.constant 0 : i32
    %dma_wait3A_116 = tpu.memref_slice %arg5[%dma_wait3A_111, %dma_wait3A_115] : memref<8x120xi32, #tpu.memory_space<vmem>> -> memref<1x120xi32, #tpu.memory_space<vmem>>
    %dma_wait3A_117 = tpu.memref_squeeze %dma_wait3A_116 : memref<1x120xi32, #tpu.memory_space<vmem>> -> memref<120xi32, #tpu.memory_space<vmem>>
    %dma_wait3A_118 = arith.constant 0 : i32
    %dma_wait3A_119 = arith.constant 0 : i32
    %dma_wait3A_120 = tpu.memref_slice %arg7[%dma_wait3A_118, %dma_wait3A_119] : memref<5120x64xf32, #tpu.memory_space<vmem_shared>> -> memref<5120x64xf32, #tpu.memory_space<vmem_shared>>
    tpu.wait_indirect_dma semaphore(%arg8 : memref<!tpu.dma_semaphore, #tpu.memory_space<semaphore_mem>>) src(%dma_wait3A_120 : memref<5120x64xf32, #tpu.memory_space<vmem_shared>>) dst(%dma_wait3A_114 : memref<120x64xf32, #tpu.memory_space<vmem>>)
    %dma_wait3A_121 = arith.constant 4 : i32
    %dma_wait3A_122 = arith.constant 480 : i32
    %dma_wait3A_123 = arith.constant 0 : i32
    %dma_wait3A_124 = tpu.memref_slice %arg6[%dma_wait3A_122, %dma_wait3A_123] : memref<960x64xf32, #tpu.memory_space<vmem>> -> memref<120x64xf32, #tpu.memory_space<vmem>>
    %dma_wait3A_125 = arith.constant 0 : i32
    %dma_wait3A_126 = tpu.memref_slice %arg5[%dma_wait3A_121, %dma_wait3A_125] : memref<8x120xi32, #tpu.memory_space<vmem>> -> memref<1x120xi32, #tpu.memory_space<vmem>>
    %dma_wait3A_127 = tpu.memref_squeeze %dma_wait3A_126 : memref<1x120xi32, #tpu.memory_space<vmem>> -> memref<120xi32, #tpu.memory_space<vmem>>
    %dma_wait3A_128 = arith.constant 0 : i32
    %dma_wait3A_129 = arith.constant 0 : i32
    %dma_wait3A_130 = tpu.memref_slice %arg7[%dma_wait3A_128, %dma_wait3A_129] : memref<5120x64xf32, #tpu.memory_space<vmem_shared>> -> memref<5120x64xf32, #tpu.memory_space<vmem_shared>>
    tpu.wait_indirect_dma semaphore(%arg8 : memref<!tpu.dma_semaphore, #tpu.memory_space<semaphore_mem>>) src(%dma_wait3A_130 : memref<5120x64xf32, #tpu.memory_space<vmem_shared>>) dst(%dma_wait3A_124 : memref<120x64xf32, #tpu.memory_space<vmem>>)
    %dma_wait3A_131 = arith.constant 5 : i32
    %dma_wait3A_132 = arith.constant 600 : i32
    %dma_wait3A_133 = arith.constant 0 : i32
    %dma_wait3A_134 = tpu.memref_slice %arg6[%dma_wait3A_132, %dma_wait3A_133] : memref<960x64xf32, #tpu.memory_space<vmem>> -> memref<120x64xf32, #tpu.memory_space<vmem>>
    %dma_wait3A_135 = arith.constant 0 : i32
    %dma_wait3A_136 = tpu.memref_slice %arg5[%dma_wait3A_131, %dma_wait3A_135] : memref<8x120xi32, #tpu.memory_space<vmem>> -> memref<1x120xi32, #tpu.memory_space<vmem>>
    %dma_wait3A_137 = tpu.memref_squeeze %dma_wait3A_136 : memref<1x120xi32, #tpu.memory_space<vmem>> -> memref<120xi32, #tpu.memory_space<vmem>>
    %dma_wait3A_138 = arith.constant 0 : i32
    %dma_wait3A_139 = arith.constant 0 : i32
    %dma_wait3A_140 = tpu.memref_slice %arg7[%dma_wait3A_138, %dma_wait3A_139] : memref<5120x64xf32, #tpu.memory_space<vmem_shared>> -> memref<5120x64xf32, #tpu.memory_space<vmem_shared>>
    tpu.wait_indirect_dma semaphore(%arg8 : memref<!tpu.dma_semaphore, #tpu.memory_space<semaphore_mem>>) src(%dma_wait3A_140 : memref<5120x64xf32, #tpu.memory_space<vmem_shared>>) dst(%dma_wait3A_134 : memref<120x64xf32, #tpu.memory_space<vmem>>)
    %dma_wait3A_141 = arith.constant 6 : i32
    %dma_wait3A_142 = arith.constant 720 : i32
    %dma_wait3A_143 = arith.constant 0 : i32
    %dma_wait3A_144 = tpu.memref_slice %arg6[%dma_wait3A_142, %dma_wait3A_143] : memref<960x64xf32, #tpu.memory_space<vmem>> -> memref<120x64xf32, #tpu.memory_space<vmem>>
    %dma_wait3A_145 = arith.constant 0 : i32
    %dma_wait3A_146 = tpu.memref_slice %arg5[%dma_wait3A_141, %dma_wait3A_145] : memref<8x120xi32, #tpu.memory_space<vmem>> -> memref<1x120xi32, #tpu.memory_space<vmem>>
    %dma_wait3A_147 = tpu.memref_squeeze %dma_wait3A_146 : memref<1x120xi32, #tpu.memory_space<vmem>> -> memref<120xi32, #tpu.memory_space<vmem>>
    %dma_wait3A_148 = arith.constant 0 : i32
    %dma_wait3A_149 = arith.constant 0 : i32
    %dma_wait3A_150 = tpu.memref_slice %arg7[%dma_wait3A_148, %dma_wait3A_149] : memref<5120x64xf32, #tpu.memory_space<vmem_shared>> -> memref<5120x64xf32, #tpu.memory_space<vmem_shared>>
    tpu.wait_indirect_dma semaphore(%arg8 : memref<!tpu.dma_semaphore, #tpu.memory_space<semaphore_mem>>) src(%dma_wait3A_150 : memref<5120x64xf32, #tpu.memory_space<vmem_shared>>) dst(%dma_wait3A_144 : memref<120x64xf32, #tpu.memory_space<vmem>>)
    %dma_wait3A_151 = arith.constant 7 : i32
    %dma_wait3A_152 = arith.constant 840 : i32
    %dma_wait3A_153 = arith.constant 0 : i32
    %dma_wait3A_154 = tpu.memref_slice %arg6[%dma_wait3A_152, %dma_wait3A_153] : memref<960x64xf32, #tpu.memory_space<vmem>> -> memref<120x64xf32, #tpu.memory_space<vmem>>
    %dma_wait3A_155 = arith.constant 0 : i32
    %dma_wait3A_156 = tpu.memref_slice %arg5[%dma_wait3A_151, %dma_wait3A_155] : memref<8x120xi32, #tpu.memory_space<vmem>> -> memref<1x120xi32, #tpu.memory_space<vmem>>
    %dma_wait3A_157 = tpu.memref_squeeze %dma_wait3A_156 : memref<1x120xi32, #tpu.memory_space<vmem>> -> memref<120xi32, #tpu.memory_space<vmem>>
    %dma_wait3A_158 = arith.constant 0 : i32
    %dma_wait3A_159 = arith.constant 0 : i32
    %dma_wait3A_160 = tpu.memref_slice %arg7[%dma_wait3A_158, %dma_wait3A_159] : memref<5120x64xf32, #tpu.memory_space<vmem_shared>> -> memref<5120x64xf32, #tpu.memory_space<vmem_shared>>
    tpu.wait_indirect_dma semaphore(%arg8 : memref<!tpu.dma_semaphore, #tpu.memory_space<semaphore_mem>>) src(%dma_wait3A_160 : memref<5120x64xf32, #tpu.memory_space<vmem_shared>>) dst(%dma_wait3A_154 : memref<120x64xf32, #tpu.memory_space<vmem>>)
    %mul3A_161 = arith.constant 960 : i32
    %mul3A_162 = arith.muli %add3A, %mul3A_161 : i32
    "tpu.region"() ({
      %run_scoped3A = tpu.sem_alloc : memref<!tpu.dma_semaphore, #tpu.memory_space<semaphore_mem>>
      %dma_start3A_163 = arith.constant 0 : i32
      %dma_start3A_164 = tpu.memref_slice %arg4[%mul3A_162, %dma_start3A_163] : memref<30720x128xf32, #tpu.memory_space<hbm>> -> memref<960x64xf32, #tpu.memory_space<hbm>>
      %dma_start3A_165 = arith.constant 0 : i32
      %dma_start3A_166 = tpu.memref_slice %arg4[%mul3A_162, %dma_start3A_165] : memref<30720x128xf32, #tpu.memory_space<hbm>> -> memref<960x64xf32, #tpu.memory_space<hbm>>
      tpu.enqueue_dma source(%arg6 : memref<960x64xf32, #tpu.memory_space<vmem>>) target(%dma_start3A_166 : memref<960x64xf32, #tpu.memory_space<hbm>>) target_semaphore(%run_scoped3A : memref<!tpu.dma_semaphore, #tpu.memory_space<semaphore_mem>>)
      %dma_wait3A_167 = arith.constant 0 : i32
      %dma_wait3A_168 = tpu.memref_slice %arg4[%mul3A_162, %dma_wait3A_167] : memref<30720x128xf32, #tpu.memory_space<hbm>> -> memref<960x64xf32, #tpu.memory_space<hbm>>
      %dma_wait3A_169 = arith.constant 0 : i32
      %dma_wait3A_170 = tpu.memref_slice %arg4[%mul3A_162, %dma_wait3A_169] : memref<30720x128xf32, #tpu.memory_space<hbm>> -> memref<960x64xf32, #tpu.memory_space<hbm>>
      tpu.wait_dma2 semaphore(%run_scoped3A : memref<!tpu.dma_semaphore, #tpu.memory_space<semaphore_mem>>) src(%arg6 : memref<960x64xf32, #tpu.memory_space<vmem>>) dst(%dma_wait3A_170 : memref<960x64xf32, #tpu.memory_space<hbm>>)
      tpu.yield
    }) : () -> ()
    return
  }
}

#map = affine_map<(d0, d1) -> (0, 0)>
#map1 = affine_map<(d0, d1) -> (0, 0, 0)>
module attributes {stable_mosaic.version = 14 : i64} {
  func.func @_scatter_body(%arg0: i32, %arg1: i32, %arg2: memref<30720x128xf32, #tpu.memory_space<hbm>>, %arg3: memref<32x8x120xi32, #tpu.memory_space<hbm>>, %arg4: memref<320x64xf32, #tpu.memory_space<hbm>>, %arg5: memref<10240x64xf32, #tpu.memory_space<hbm>>, %arg6: memref<8x120xi32, #tpu.memory_space<vmem>>, %arg7: memref<960x64xf32, #tpu.memory_space<vmem>>, %arg8: memref<5120x64xf32, #tpu.memory_space<vmem_shared>>, %arg9: memref<!tpu.dma_semaphore, #tpu.memory_space<semaphore_mem>>) attributes {dimension_semantics = [#tpu.dimension_semantics<core_parallel>, #tpu.dimension_semantics<subcore_parallel>], iteration_bounds = array<i64: 2, 16>, scalar_prefetch = 0 : i64, scratch_operands = 4 : i64, tpu.core_type = #tpu.core_type<sc_vector_subcore>, window_params = [{transform_indices = #map}, {transform_indices = #map1}, {transform_indices = #map}, {transform_indices = #map}]} {
    %mul3A = arith.constant 2 : i32
    %mul3A_0 = arith.muli %arg1, %mul3A : i32
    %add3A = arith.addi %mul3A_0, %arg0 : i32
    %mul3A_1 = arith.constant 320 : i32
    %mul3A_2 = arith.muli %arg1, %mul3A_1 : i32
    %dma_start3A = arith.constant 0 : i32
    %dma_start3A_3 = arith.constant 0 : i32
    %dma_start3A_4 = tpu.memref_slice %arg3[%add3A, %dma_start3A, %dma_start3A_3] : memref<32x8x120xi32, #tpu.memory_space<hbm>> -> memref<1x8x120xi32, #tpu.memory_space<hbm>>
    %dma_start3A_5 = tpu.memref_squeeze %dma_start3A_4 : memref<1x8x120xi32, #tpu.memory_space<hbm>> -> memref<8x120xi32, #tpu.memory_space<hbm>>
    %dma_start3A_6 = arith.constant 0 : i32
    %dma_start3A_7 = arith.constant 0 : i32
    %dma_start3A_8 = tpu.memref_slice %arg3[%add3A, %dma_start3A_6, %dma_start3A_7] : memref<32x8x120xi32, #tpu.memory_space<hbm>> -> memref<1x8x120xi32, #tpu.memory_space<hbm>>
    %dma_start3A_9 = tpu.memref_squeeze %dma_start3A_8 : memref<1x8x120xi32, #tpu.memory_space<hbm>> -> memref<8x120xi32, #tpu.memory_space<hbm>>
    tpu.enqueue_dma source(%dma_start3A_9 : memref<8x120xi32, #tpu.memory_space<hbm>>) target(%arg6 : memref<8x120xi32, #tpu.memory_space<vmem>>) target_semaphore(%arg9 : memref<!tpu.dma_semaphore, #tpu.memory_space<semaphore_mem>>)
    %mul3A_10 = arith.constant 960 : i32
    %mul3A_11 = arith.muli %add3A, %mul3A_10 : i32
    %dma_start3A_12 = arith.constant 0 : i32
    %dma_start3A_13 = tpu.memref_slice %arg2[%mul3A_11, %dma_start3A_12] : memref<30720x128xf32, #tpu.memory_space<hbm>> -> memref<960x64xf32, #tpu.memory_space<hbm>>
    %dma_start3A_14 = arith.constant 0 : i32
    %dma_start3A_15 = tpu.memref_slice %arg2[%mul3A_11, %dma_start3A_14] : memref<30720x128xf32, #tpu.memory_space<hbm>> -> memref<960x64xf32, #tpu.memory_space<hbm>>
    tpu.enqueue_dma source(%dma_start3A_15 : memref<960x64xf32, #tpu.memory_space<hbm>>) target(%arg7 : memref<960x64xf32, #tpu.memory_space<vmem>>) target_semaphore(%arg9 : memref<!tpu.dma_semaphore, #tpu.memory_space<semaphore_mem>>)
    "tpu.region"() ({
      %run_scoped3A_38 = tpu.sem_alloc : memref<!tpu.dma_semaphore, #tpu.memory_space<semaphore_mem>>
      %dma_start3A_39 = arith.constant 0 : i32
      %dma_start3A_40 = tpu.memref_slice %arg8[%mul3A_2, %dma_start3A_39] : memref<5120x64xf32, #tpu.memory_space<vmem_shared>> -> memref<320x64xf32, #tpu.memory_space<vmem_shared>>
      %dma_start3A_41 = arith.constant 0 : i32
      %dma_start3A_42 = arith.constant 0 : i32
      %dma_start3A_43 = tpu.memref_slice %arg4[%dma_start3A_41, %dma_start3A_42] : memref<320x64xf32, #tpu.memory_space<hbm>> -> memref<320x64xf32, #tpu.memory_space<hbm>>
      tpu.enqueue_dma source(%dma_start3A_43 : memref<320x64xf32, #tpu.memory_space<hbm>>) target(%dma_start3A_40 : memref<320x64xf32, #tpu.memory_space<vmem_shared>>) target_semaphore(%run_scoped3A_38 : memref<!tpu.dma_semaphore, #tpu.memory_space<semaphore_mem>>)
      %dma_wait3A_44 = arith.constant 0 : i32
      %dma_wait3A_45 = tpu.memref_slice %arg8[%mul3A_2, %dma_wait3A_44] : memref<5120x64xf32, #tpu.memory_space<vmem_shared>> -> memref<320x64xf32, #tpu.memory_space<vmem_shared>>
      %dma_wait3A_46 = arith.constant 0 : i32
      %dma_wait3A_47 = arith.constant 0 : i32
      %dma_wait3A_48 = tpu.memref_slice %arg4[%dma_wait3A_46, %dma_wait3A_47] : memref<320x64xf32, #tpu.memory_space<hbm>> -> memref<320x64xf32, #tpu.memory_space<hbm>>
      tpu.wait_dma2 semaphore(%run_scoped3A_38 : memref<!tpu.dma_semaphore, #tpu.memory_space<semaphore_mem>>) src(%dma_wait3A_48 : memref<320x64xf32, #tpu.memory_space<hbm>>) dst(%dma_wait3A_45 : memref<320x64xf32, #tpu.memory_space<vmem_shared>>)
      tpu.yield
    }) : () -> ()
    %barrier3A = arith.constant 0 : index
    tpu.barrier barrier_id(%barrier3A)
    %dma_wait3A = arith.constant 0 : i32
    %dma_wait3A_16 = arith.constant 0 : i32
    %dma_wait3A_17 = tpu.memref_slice %arg3[%add3A, %dma_wait3A, %dma_wait3A_16] : memref<32x8x120xi32, #tpu.memory_space<hbm>> -> memref<1x8x120xi32, #tpu.memory_space<hbm>>
    %dma_wait3A_18 = tpu.memref_squeeze %dma_wait3A_17 : memref<1x8x120xi32, #tpu.memory_space<hbm>> -> memref<8x120xi32, #tpu.memory_space<hbm>>
    %dma_wait3A_19 = arith.constant 0 : i32
    %dma_wait3A_20 = arith.constant 0 : i32
    %dma_wait3A_21 = tpu.memref_slice %arg3[%add3A, %dma_wait3A_19, %dma_wait3A_20] : memref<32x8x120xi32, #tpu.memory_space<hbm>> -> memref<1x8x120xi32, #tpu.memory_space<hbm>>
    %dma_wait3A_22 = tpu.memref_squeeze %dma_wait3A_21 : memref<1x8x120xi32, #tpu.memory_space<hbm>> -> memref<8x120xi32, #tpu.memory_space<hbm>>
    tpu.wait_dma2 semaphore(%arg9 : memref<!tpu.dma_semaphore, #tpu.memory_space<semaphore_mem>>) src(%dma_wait3A_22 : memref<8x120xi32, #tpu.memory_space<hbm>>) dst(%arg6 : memref<8x120xi32, #tpu.memory_space<vmem>>)
    %dma_wait3A_23 = arith.constant 0 : i32
    %dma_wait3A_24 = tpu.memref_slice %arg2[%mul3A_11, %dma_wait3A_23] : memref<30720x128xf32, #tpu.memory_space<hbm>> -> memref<960x64xf32, #tpu.memory_space<hbm>>
    %dma_wait3A_25 = arith.constant 0 : i32
    %dma_wait3A_26 = tpu.memref_slice %arg2[%mul3A_11, %dma_wait3A_25] : memref<30720x128xf32, #tpu.memory_space<hbm>> -> memref<960x64xf32, #tpu.memory_space<hbm>>
    tpu.wait_dma2 semaphore(%arg9 : memref<!tpu.dma_semaphore, #tpu.memory_space<semaphore_mem>>) src(%dma_wait3A_26 : memref<960x64xf32, #tpu.memory_space<hbm>>) dst(%arg7 : memref<960x64xf32, #tpu.memory_space<vmem>>)
    %run_scoped3A = arith.constant 0 : i32
    "tpu.region"() ({
      %run_scoped3A_38 = tpu.sem_alloc : memref<!tpu.dma_semaphore, #tpu.memory_space<semaphore_mem>>
      %dma_start3A_39 = arith.constant 0 : i32
      %dma_start3A_40 = arith.constant 0 : i32
      %dma_start3A_41 = tpu.memref_slice %arg7[%dma_start3A_39, %dma_start3A_40] : memref<960x64xf32, #tpu.memory_space<vmem>> -> memref<120x64xf32, #tpu.memory_space<vmem>>
      %dma_start3A_42 = arith.constant 0 : i32
      %dma_start3A_43 = tpu.memref_slice %arg6[%run_scoped3A, %dma_start3A_42] : memref<8x120xi32, #tpu.memory_space<vmem>> -> memref<1x120xi32, #tpu.memory_space<vmem>>
      %dma_start3A_44 = tpu.memref_squeeze %dma_start3A_43 : memref<1x120xi32, #tpu.memory_space<vmem>> -> memref<120xi32, #tpu.memory_space<vmem>>
      %dma_start3A_45 = arith.constant 0 : i32
      %dma_start3A_46 = arith.constant 0 : i32
      %dma_start3A_47 = tpu.memref_slice %arg8[%dma_start3A_45, %dma_start3A_46] : memref<5120x64xf32, #tpu.memory_space<vmem_shared>> -> memref<5120x64xf32, #tpu.memory_space<vmem_shared>>
      tpu.enqueue_indirect_dma source(%dma_start3A_41 : memref<120x64xf32, #tpu.memory_space<vmem>>) target(%dma_start3A_47 : memref<5120x64xf32, #tpu.memory_space<vmem_shared>>) offsets(%dma_start3A_44 : memref<120xi32, #tpu.memory_space<vmem>>) semaphore(%run_scoped3A_38 : memref<!tpu.dma_semaphore, #tpu.memory_space<semaphore_mem>>) {add = true}
      %dma_wait3A_48 = arith.constant 0 : i32
      %dma_wait3A_49 = arith.constant 0 : i32
      %dma_wait3A_50 = tpu.memref_slice %arg7[%dma_wait3A_48, %dma_wait3A_49] : memref<960x64xf32, #tpu.memory_space<vmem>> -> memref<120x64xf32, #tpu.memory_space<vmem>>
      %dma_wait3A_51 = arith.constant 0 : i32
      %dma_wait3A_52 = tpu.memref_slice %arg6[%run_scoped3A, %dma_wait3A_51] : memref<8x120xi32, #tpu.memory_space<vmem>> -> memref<1x120xi32, #tpu.memory_space<vmem>>
      %dma_wait3A_53 = tpu.memref_squeeze %dma_wait3A_52 : memref<1x120xi32, #tpu.memory_space<vmem>> -> memref<120xi32, #tpu.memory_space<vmem>>
      %dma_wait3A_54 = arith.constant 0 : i32
      %dma_wait3A_55 = arith.constant 0 : i32
      %dma_wait3A_56 = tpu.memref_slice %arg8[%dma_wait3A_54, %dma_wait3A_55] : memref<5120x64xf32, #tpu.memory_space<vmem_shared>> -> memref<5120x64xf32, #tpu.memory_space<vmem_shared>>
      tpu.wait_indirect_dma semaphore(%run_scoped3A_38 : memref<!tpu.dma_semaphore, #tpu.memory_space<semaphore_mem>>) src(%dma_wait3A_50 : memref<120x64xf32, #tpu.memory_space<vmem>>) dst(%dma_wait3A_56 : memref<5120x64xf32, #tpu.memory_space<vmem_shared>>)
      tpu.yield
    }) : () -> ()
    %run_scoped3A_27 = arith.constant 1 : i32
    "tpu.region"() ({
      %run_scoped3A_38 = tpu.sem_alloc : memref<!tpu.dma_semaphore, #tpu.memory_space<semaphore_mem>>
      %dma_start3A_39 = arith.constant 120 : i32
      %dma_start3A_40 = arith.constant 0 : i32
      %dma_start3A_41 = tpu.memref_slice %arg7[%dma_start3A_39, %dma_start3A_40] : memref<960x64xf32, #tpu.memory_space<vmem>> -> memref<120x64xf32, #tpu.memory_space<vmem>>
      %dma_start3A_42 = arith.constant 0 : i32
      %dma_start3A_43 = tpu.memref_slice %arg6[%run_scoped3A_27, %dma_start3A_42] : memref<8x120xi32, #tpu.memory_space<vmem>> -> memref<1x120xi32, #tpu.memory_space<vmem>>
      %dma_start3A_44 = tpu.memref_squeeze %dma_start3A_43 : memref<1x120xi32, #tpu.memory_space<vmem>> -> memref<120xi32, #tpu.memory_space<vmem>>
      %dma_start3A_45 = arith.constant 0 : i32
      %dma_start3A_46 = arith.constant 0 : i32
      %dma_start3A_47 = tpu.memref_slice %arg8[%dma_start3A_45, %dma_start3A_46] : memref<5120x64xf32, #tpu.memory_space<vmem_shared>> -> memref<5120x64xf32, #tpu.memory_space<vmem_shared>>
      tpu.enqueue_indirect_dma source(%dma_start3A_41 : memref<120x64xf32, #tpu.memory_space<vmem>>) target(%dma_start3A_47 : memref<5120x64xf32, #tpu.memory_space<vmem_shared>>) offsets(%dma_start3A_44 : memref<120xi32, #tpu.memory_space<vmem>>) semaphore(%run_scoped3A_38 : memref<!tpu.dma_semaphore, #tpu.memory_space<semaphore_mem>>) {add = true}
      %dma_wait3A_48 = arith.constant 120 : i32
      %dma_wait3A_49 = arith.constant 0 : i32
      %dma_wait3A_50 = tpu.memref_slice %arg7[%dma_wait3A_48, %dma_wait3A_49] : memref<960x64xf32, #tpu.memory_space<vmem>> -> memref<120x64xf32, #tpu.memory_space<vmem>>
      %dma_wait3A_51 = arith.constant 0 : i32
      %dma_wait3A_52 = tpu.memref_slice %arg6[%run_scoped3A_27, %dma_wait3A_51] : memref<8x120xi32, #tpu.memory_space<vmem>> -> memref<1x120xi32, #tpu.memory_space<vmem>>
      %dma_wait3A_53 = tpu.memref_squeeze %dma_wait3A_52 : memref<1x120xi32, #tpu.memory_space<vmem>> -> memref<120xi32, #tpu.memory_space<vmem>>
      %dma_wait3A_54 = arith.constant 0 : i32
      %dma_wait3A_55 = arith.constant 0 : i32
      %dma_wait3A_56 = tpu.memref_slice %arg8[%dma_wait3A_54, %dma_wait3A_55] : memref<5120x64xf32, #tpu.memory_space<vmem_shared>> -> memref<5120x64xf32, #tpu.memory_space<vmem_shared>>
      tpu.wait_indirect_dma semaphore(%run_scoped3A_38 : memref<!tpu.dma_semaphore, #tpu.memory_space<semaphore_mem>>) src(%dma_wait3A_50 : memref<120x64xf32, #tpu.memory_space<vmem>>) dst(%dma_wait3A_56 : memref<5120x64xf32, #tpu.memory_space<vmem_shared>>)
      tpu.yield
    }) : () -> ()
    %run_scoped3A_28 = arith.constant 2 : i32
    "tpu.region"() ({
      %run_scoped3A_38 = tpu.sem_alloc : memref<!tpu.dma_semaphore, #tpu.memory_space<semaphore_mem>>
      %dma_start3A_39 = arith.constant 240 : i32
      %dma_start3A_40 = arith.constant 0 : i32
      %dma_start3A_41 = tpu.memref_slice %arg7[%dma_start3A_39, %dma_start3A_40] : memref<960x64xf32, #tpu.memory_space<vmem>> -> memref<120x64xf32, #tpu.memory_space<vmem>>
      %dma_start3A_42 = arith.constant 0 : i32
      %dma_start3A_43 = tpu.memref_slice %arg6[%run_scoped3A_28, %dma_start3A_42] : memref<8x120xi32, #tpu.memory_space<vmem>> -> memref<1x120xi32, #tpu.memory_space<vmem>>
      %dma_start3A_44 = tpu.memref_squeeze %dma_start3A_43 : memref<1x120xi32, #tpu.memory_space<vmem>> -> memref<120xi32, #tpu.memory_space<vmem>>
      %dma_start3A_45 = arith.constant 0 : i32
      %dma_start3A_46 = arith.constant 0 : i32
      %dma_start3A_47 = tpu.memref_slice %arg8[%dma_start3A_45, %dma_start3A_46] : memref<5120x64xf32, #tpu.memory_space<vmem_shared>> -> memref<5120x64xf32, #tpu.memory_space<vmem_shared>>
      tpu.enqueue_indirect_dma source(%dma_start3A_41 : memref<120x64xf32, #tpu.memory_space<vmem>>) target(%dma_start3A_47 : memref<5120x64xf32, #tpu.memory_space<vmem_shared>>) offsets(%dma_start3A_44 : memref<120xi32, #tpu.memory_space<vmem>>) semaphore(%run_scoped3A_38 : memref<!tpu.dma_semaphore, #tpu.memory_space<semaphore_mem>>) {add = true}
      %dma_wait3A_48 = arith.constant 240 : i32
      %dma_wait3A_49 = arith.constant 0 : i32
      %dma_wait3A_50 = tpu.memref_slice %arg7[%dma_wait3A_48, %dma_wait3A_49] : memref<960x64xf32, #tpu.memory_space<vmem>> -> memref<120x64xf32, #tpu.memory_space<vmem>>
      %dma_wait3A_51 = arith.constant 0 : i32
      %dma_wait3A_52 = tpu.memref_slice %arg6[%run_scoped3A_28, %dma_wait3A_51] : memref<8x120xi32, #tpu.memory_space<vmem>> -> memref<1x120xi32, #tpu.memory_space<vmem>>
      %dma_wait3A_53 = tpu.memref_squeeze %dma_wait3A_52 : memref<1x120xi32, #tpu.memory_space<vmem>> -> memref<120xi32, #tpu.memory_space<vmem>>
      %dma_wait3A_54 = arith.constant 0 : i32
      %dma_wait3A_55 = arith.constant 0 : i32
      %dma_wait3A_56 = tpu.memref_slice %arg8[%dma_wait3A_54, %dma_wait3A_55] : memref<5120x64xf32, #tpu.memory_space<vmem_shared>> -> memref<5120x64xf32, #tpu.memory_space<vmem_shared>>
      tpu.wait_indirect_dma semaphore(%run_scoped3A_38 : memref<!tpu.dma_semaphore, #tpu.memory_space<semaphore_mem>>) src(%dma_wait3A_50 : memref<120x64xf32, #tpu.memory_space<vmem>>) dst(%dma_wait3A_56 : memref<5120x64xf32, #tpu.memory_space<vmem_shared>>)
      tpu.yield
    }) : () -> ()
    %run_scoped3A_29 = arith.constant 3 : i32
    "tpu.region"() ({
      %run_scoped3A_38 = tpu.sem_alloc : memref<!tpu.dma_semaphore, #tpu.memory_space<semaphore_mem>>
      %dma_start3A_39 = arith.constant 360 : i32
      %dma_start3A_40 = arith.constant 0 : i32
      %dma_start3A_41 = tpu.memref_slice %arg7[%dma_start3A_39, %dma_start3A_40] : memref<960x64xf32, #tpu.memory_space<vmem>> -> memref<120x64xf32, #tpu.memory_space<vmem>>
      %dma_start3A_42 = arith.constant 0 : i32
      %dma_start3A_43 = tpu.memref_slice %arg6[%run_scoped3A_29, %dma_start3A_42] : memref<8x120xi32, #tpu.memory_space<vmem>> -> memref<1x120xi32, #tpu.memory_space<vmem>>
      %dma_start3A_44 = tpu.memref_squeeze %dma_start3A_43 : memref<1x120xi32, #tpu.memory_space<vmem>> -> memref<120xi32, #tpu.memory_space<vmem>>
      %dma_start3A_45 = arith.constant 0 : i32
      %dma_start3A_46 = arith.constant 0 : i32
      %dma_start3A_47 = tpu.memref_slice %arg8[%dma_start3A_45, %dma_start3A_46] : memref<5120x64xf32, #tpu.memory_space<vmem_shared>> -> memref<5120x64xf32, #tpu.memory_space<vmem_shared>>
      tpu.enqueue_indirect_dma source(%dma_start3A_41 : memref<120x64xf32, #tpu.memory_space<vmem>>) target(%dma_start3A_47 : memref<5120x64xf32, #tpu.memory_space<vmem_shared>>) offsets(%dma_start3A_44 : memref<120xi32, #tpu.memory_space<vmem>>) semaphore(%run_scoped3A_38 : memref<!tpu.dma_semaphore, #tpu.memory_space<semaphore_mem>>) {add = true}
      %dma_wait3A_48 = arith.constant 360 : i32
      %dma_wait3A_49 = arith.constant 0 : i32
      %dma_wait3A_50 = tpu.memref_slice %arg7[%dma_wait3A_48, %dma_wait3A_49] : memref<960x64xf32, #tpu.memory_space<vmem>> -> memref<120x64xf32, #tpu.memory_space<vmem>>
      %dma_wait3A_51 = arith.constant 0 : i32
      %dma_wait3A_52 = tpu.memref_slice %arg6[%run_scoped3A_29, %dma_wait3A_51] : memref<8x120xi32, #tpu.memory_space<vmem>> -> memref<1x120xi32, #tpu.memory_space<vmem>>
      %dma_wait3A_53 = tpu.memref_squeeze %dma_wait3A_52 : memref<1x120xi32, #tpu.memory_space<vmem>> -> memref<120xi32, #tpu.memory_space<vmem>>
      %dma_wait3A_54 = arith.constant 0 : i32
      %dma_wait3A_55 = arith.constant 0 : i32
      %dma_wait3A_56 = tpu.memref_slice %arg8[%dma_wait3A_54, %dma_wait3A_55] : memref<5120x64xf32, #tpu.memory_space<vmem_shared>> -> memref<5120x64xf32, #tpu.memory_space<vmem_shared>>
      tpu.wait_indirect_dma semaphore(%run_scoped3A_38 : memref<!tpu.dma_semaphore, #tpu.memory_space<semaphore_mem>>) src(%dma_wait3A_50 : memref<120x64xf32, #tpu.memory_space<vmem>>) dst(%dma_wait3A_56 : memref<5120x64xf32, #tpu.memory_space<vmem_shared>>)
      tpu.yield
    }) : () -> ()
    %run_scoped3A_30 = arith.constant 4 : i32
    "tpu.region"() ({
      %run_scoped3A_38 = tpu.sem_alloc : memref<!tpu.dma_semaphore, #tpu.memory_space<semaphore_mem>>
      %dma_start3A_39 = arith.constant 480 : i32
      %dma_start3A_40 = arith.constant 0 : i32
      %dma_start3A_41 = tpu.memref_slice %arg7[%dma_start3A_39, %dma_start3A_40] : memref<960x64xf32, #tpu.memory_space<vmem>> -> memref<120x64xf32, #tpu.memory_space<vmem>>
      %dma_start3A_42 = arith.constant 0 : i32
      %dma_start3A_43 = tpu.memref_slice %arg6[%run_scoped3A_30, %dma_start3A_42] : memref<8x120xi32, #tpu.memory_space<vmem>> -> memref<1x120xi32, #tpu.memory_space<vmem>>
      %dma_start3A_44 = tpu.memref_squeeze %dma_start3A_43 : memref<1x120xi32, #tpu.memory_space<vmem>> -> memref<120xi32, #tpu.memory_space<vmem>>
      %dma_start3A_45 = arith.constant 0 : i32
      %dma_start3A_46 = arith.constant 0 : i32
      %dma_start3A_47 = tpu.memref_slice %arg8[%dma_start3A_45, %dma_start3A_46] : memref<5120x64xf32, #tpu.memory_space<vmem_shared>> -> memref<5120x64xf32, #tpu.memory_space<vmem_shared>>
      tpu.enqueue_indirect_dma source(%dma_start3A_41 : memref<120x64xf32, #tpu.memory_space<vmem>>) target(%dma_start3A_47 : memref<5120x64xf32, #tpu.memory_space<vmem_shared>>) offsets(%dma_start3A_44 : memref<120xi32, #tpu.memory_space<vmem>>) semaphore(%run_scoped3A_38 : memref<!tpu.dma_semaphore, #tpu.memory_space<semaphore_mem>>) {add = true}
      %dma_wait3A_48 = arith.constant 480 : i32
      %dma_wait3A_49 = arith.constant 0 : i32
      %dma_wait3A_50 = tpu.memref_slice %arg7[%dma_wait3A_48, %dma_wait3A_49] : memref<960x64xf32, #tpu.memory_space<vmem>> -> memref<120x64xf32, #tpu.memory_space<vmem>>
      %dma_wait3A_51 = arith.constant 0 : i32
      %dma_wait3A_52 = tpu.memref_slice %arg6[%run_scoped3A_30, %dma_wait3A_51] : memref<8x120xi32, #tpu.memory_space<vmem>> -> memref<1x120xi32, #tpu.memory_space<vmem>>
      %dma_wait3A_53 = tpu.memref_squeeze %dma_wait3A_52 : memref<1x120xi32, #tpu.memory_space<vmem>> -> memref<120xi32, #tpu.memory_space<vmem>>
      %dma_wait3A_54 = arith.constant 0 : i32
      %dma_wait3A_55 = arith.constant 0 : i32
      %dma_wait3A_56 = tpu.memref_slice %arg8[%dma_wait3A_54, %dma_wait3A_55] : memref<5120x64xf32, #tpu.memory_space<vmem_shared>> -> memref<5120x64xf32, #tpu.memory_space<vmem_shared>>
      tpu.wait_indirect_dma semaphore(%run_scoped3A_38 : memref<!tpu.dma_semaphore, #tpu.memory_space<semaphore_mem>>) src(%dma_wait3A_50 : memref<120x64xf32, #tpu.memory_space<vmem>>) dst(%dma_wait3A_56 : memref<5120x64xf32, #tpu.memory_space<vmem_shared>>)
      tpu.yield
    }) : () -> ()
    %run_scoped3A_31 = arith.constant 5 : i32
    "tpu.region"() ({
      %run_scoped3A_38 = tpu.sem_alloc : memref<!tpu.dma_semaphore, #tpu.memory_space<semaphore_mem>>
      %dma_start3A_39 = arith.constant 600 : i32
      %dma_start3A_40 = arith.constant 0 : i32
      %dma_start3A_41 = tpu.memref_slice %arg7[%dma_start3A_39, %dma_start3A_40] : memref<960x64xf32, #tpu.memory_space<vmem>> -> memref<120x64xf32, #tpu.memory_space<vmem>>
      %dma_start3A_42 = arith.constant 0 : i32
      %dma_start3A_43 = tpu.memref_slice %arg6[%run_scoped3A_31, %dma_start3A_42] : memref<8x120xi32, #tpu.memory_space<vmem>> -> memref<1x120xi32, #tpu.memory_space<vmem>>
      %dma_start3A_44 = tpu.memref_squeeze %dma_start3A_43 : memref<1x120xi32, #tpu.memory_space<vmem>> -> memref<120xi32, #tpu.memory_space<vmem>>
      %dma_start3A_45 = arith.constant 0 : i32
      %dma_start3A_46 = arith.constant 0 : i32
      %dma_start3A_47 = tpu.memref_slice %arg8[%dma_start3A_45, %dma_start3A_46] : memref<5120x64xf32, #tpu.memory_space<vmem_shared>> -> memref<5120x64xf32, #tpu.memory_space<vmem_shared>>
      tpu.enqueue_indirect_dma source(%dma_start3A_41 : memref<120x64xf32, #tpu.memory_space<vmem>>) target(%dma_start3A_47 : memref<5120x64xf32, #tpu.memory_space<vmem_shared>>) offsets(%dma_start3A_44 : memref<120xi32, #tpu.memory_space<vmem>>) semaphore(%run_scoped3A_38 : memref<!tpu.dma_semaphore, #tpu.memory_space<semaphore_mem>>) {add = true}
      %dma_wait3A_48 = arith.constant 600 : i32
      %dma_wait3A_49 = arith.constant 0 : i32
      %dma_wait3A_50 = tpu.memref_slice %arg7[%dma_wait3A_48, %dma_wait3A_49] : memref<960x64xf32, #tpu.memory_space<vmem>> -> memref<120x64xf32, #tpu.memory_space<vmem>>
      %dma_wait3A_51 = arith.constant 0 : i32
      %dma_wait3A_52 = tpu.memref_slice %arg6[%run_scoped3A_31, %dma_wait3A_51] : memref<8x120xi32, #tpu.memory_space<vmem>> -> memref<1x120xi32, #tpu.memory_space<vmem>>
      %dma_wait3A_53 = tpu.memref_squeeze %dma_wait3A_52 : memref<1x120xi32, #tpu.memory_space<vmem>> -> memref<120xi32, #tpu.memory_space<vmem>>
      %dma_wait3A_54 = arith.constant 0 : i32
      %dma_wait3A_55 = arith.constant 0 : i32
      %dma_wait3A_56 = tpu.memref_slice %arg8[%dma_wait3A_54, %dma_wait3A_55] : memref<5120x64xf32, #tpu.memory_space<vmem_shared>> -> memref<5120x64xf32, #tpu.memory_space<vmem_shared>>
      tpu.wait_indirect_dma semaphore(%run_scoped3A_38 : memref<!tpu.dma_semaphore, #tpu.memory_space<semaphore_mem>>) src(%dma_wait3A_50 : memref<120x64xf32, #tpu.memory_space<vmem>>) dst(%dma_wait3A_56 : memref<5120x64xf32, #tpu.memory_space<vmem_shared>>)
      tpu.yield
    }) : () -> ()
    %run_scoped3A_32 = arith.constant 6 : i32
    "tpu.region"() ({
      %run_scoped3A_38 = tpu.sem_alloc : memref<!tpu.dma_semaphore, #tpu.memory_space<semaphore_mem>>
      %dma_start3A_39 = arith.constant 720 : i32
      %dma_start3A_40 = arith.constant 0 : i32
      %dma_start3A_41 = tpu.memref_slice %arg7[%dma_start3A_39, %dma_start3A_40] : memref<960x64xf32, #tpu.memory_space<vmem>> -> memref<120x64xf32, #tpu.memory_space<vmem>>
      %dma_start3A_42 = arith.constant 0 : i32
      %dma_start3A_43 = tpu.memref_slice %arg6[%run_scoped3A_32, %dma_start3A_42] : memref<8x120xi32, #tpu.memory_space<vmem>> -> memref<1x120xi32, #tpu.memory_space<vmem>>
      %dma_start3A_44 = tpu.memref_squeeze %dma_start3A_43 : memref<1x120xi32, #tpu.memory_space<vmem>> -> memref<120xi32, #tpu.memory_space<vmem>>
      %dma_start3A_45 = arith.constant 0 : i32
      %dma_start3A_46 = arith.constant 0 : i32
      %dma_start3A_47 = tpu.memref_slice %arg8[%dma_start3A_45, %dma_start3A_46] : memref<5120x64xf32, #tpu.memory_space<vmem_shared>> -> memref<5120x64xf32, #tpu.memory_space<vmem_shared>>
      tpu.enqueue_indirect_dma source(%dma_start3A_41 : memref<120x64xf32, #tpu.memory_space<vmem>>) target(%dma_start3A_47 : memref<5120x64xf32, #tpu.memory_space<vmem_shared>>) offsets(%dma_start3A_44 : memref<120xi32, #tpu.memory_space<vmem>>) semaphore(%run_scoped3A_38 : memref<!tpu.dma_semaphore, #tpu.memory_space<semaphore_mem>>) {add = true}
      %dma_wait3A_48 = arith.constant 720 : i32
      %dma_wait3A_49 = arith.constant 0 : i32
      %dma_wait3A_50 = tpu.memref_slice %arg7[%dma_wait3A_48, %dma_wait3A_49] : memref<960x64xf32, #tpu.memory_space<vmem>> -> memref<120x64xf32, #tpu.memory_space<vmem>>
      %dma_wait3A_51 = arith.constant 0 : i32
      %dma_wait3A_52 = tpu.memref_slice %arg6[%run_scoped3A_32, %dma_wait3A_51] : memref<8x120xi32, #tpu.memory_space<vmem>> -> memref<1x120xi32, #tpu.memory_space<vmem>>
      %dma_wait3A_53 = tpu.memref_squeeze %dma_wait3A_52 : memref<1x120xi32, #tpu.memory_space<vmem>> -> memref<120xi32, #tpu.memory_space<vmem>>
      %dma_wait3A_54 = arith.constant 0 : i32
      %dma_wait3A_55 = arith.constant 0 : i32
      %dma_wait3A_56 = tpu.memref_slice %arg8[%dma_wait3A_54, %dma_wait3A_55] : memref<5120x64xf32, #tpu.memory_space<vmem_shared>> -> memref<5120x64xf32, #tpu.memory_space<vmem_shared>>
      tpu.wait_indirect_dma semaphore(%run_scoped3A_38 : memref<!tpu.dma_semaphore, #tpu.memory_space<semaphore_mem>>) src(%dma_wait3A_50 : memref<120x64xf32, #tpu.memory_space<vmem>>) dst(%dma_wait3A_56 : memref<5120x64xf32, #tpu.memory_space<vmem_shared>>)
      tpu.yield
    }) : () -> ()
    %run_scoped3A_33 = arith.constant 7 : i32
    "tpu.region"() ({
      %run_scoped3A_38 = tpu.sem_alloc : memref<!tpu.dma_semaphore, #tpu.memory_space<semaphore_mem>>
      %dma_start3A_39 = arith.constant 840 : i32
      %dma_start3A_40 = arith.constant 0 : i32
      %dma_start3A_41 = tpu.memref_slice %arg7[%dma_start3A_39, %dma_start3A_40] : memref<960x64xf32, #tpu.memory_space<vmem>> -> memref<120x64xf32, #tpu.memory_space<vmem>>
      %dma_start3A_42 = arith.constant 0 : i32
      %dma_start3A_43 = tpu.memref_slice %arg6[%run_scoped3A_33, %dma_start3A_42] : memref<8x120xi32, #tpu.memory_space<vmem>> -> memref<1x120xi32, #tpu.memory_space<vmem>>
      %dma_start3A_44 = tpu.memref_squeeze %dma_start3A_43 : memref<1x120xi32, #tpu.memory_space<vmem>> -> memref<120xi32, #tpu.memory_space<vmem>>
      %dma_start3A_45 = arith.constant 0 : i32
      %dma_start3A_46 = arith.constant 0 : i32
      %dma_start3A_47 = tpu.memref_slice %arg8[%dma_start3A_45, %dma_start3A_46] : memref<5120x64xf32, #tpu.memory_space<vmem_shared>> -> memref<5120x64xf32, #tpu.memory_space<vmem_shared>>
      tpu.enqueue_indirect_dma source(%dma_start3A_41 : memref<120x64xf32, #tpu.memory_space<vmem>>) target(%dma_start3A_47 : memref<5120x64xf32, #tpu.memory_space<vmem_shared>>) offsets(%dma_start3A_44 : memref<120xi32, #tpu.memory_space<vmem>>) semaphore(%run_scoped3A_38 : memref<!tpu.dma_semaphore, #tpu.memory_space<semaphore_mem>>) {add = true}
      %dma_wait3A_48 = arith.constant 840 : i32
      %dma_wait3A_49 = arith.constant 0 : i32
      %dma_wait3A_50 = tpu.memref_slice %arg7[%dma_wait3A_48, %dma_wait3A_49] : memref<960x64xf32, #tpu.memory_space<vmem>> -> memref<120x64xf32, #tpu.memory_space<vmem>>
      %dma_wait3A_51 = arith.constant 0 : i32
      %dma_wait3A_52 = tpu.memref_slice %arg6[%run_scoped3A_33, %dma_wait3A_51] : memref<8x120xi32, #tpu.memory_space<vmem>> -> memref<1x120xi32, #tpu.memory_space<vmem>>
      %dma_wait3A_53 = tpu.memref_squeeze %dma_wait3A_52 : memref<1x120xi32, #tpu.memory_space<vmem>> -> memref<120xi32, #tpu.memory_space<vmem>>
      %dma_wait3A_54 = arith.constant 0 : i32
      %dma_wait3A_55 = arith.constant 0 : i32
      %dma_wait3A_56 = tpu.memref_slice %arg8[%dma_wait3A_54, %dma_wait3A_55] : memref<5120x64xf32, #tpu.memory_space<vmem_shared>> -> memref<5120x64xf32, #tpu.memory_space<vmem_shared>>
      tpu.wait_indirect_dma semaphore(%run_scoped3A_38 : memref<!tpu.dma_semaphore, #tpu.memory_space<semaphore_mem>>) src(%dma_wait3A_50 : memref<120x64xf32, #tpu.memory_space<vmem>>) dst(%dma_wait3A_56 : memref<5120x64xf32, #tpu.memory_space<vmem_shared>>)
      tpu.yield
    }) : () -> ()
    %barrier3A_34 = arith.constant 0 : index
    tpu.barrier barrier_id(%barrier3A_34)
    %mul3A_35 = arith.constant 5120 : i32
    %mul3A_36 = arith.muli %arg0, %mul3A_35 : i32
    %add3A_37 = arith.addi %mul3A_36, %mul3A_2 : i32
    "tpu.region"() ({
      %run_scoped3A_38 = tpu.sem_alloc : memref<!tpu.dma_semaphore, #tpu.memory_space<semaphore_mem>>
      %dma_start3A_39 = arith.constant 0 : i32
      %dma_start3A_40 = tpu.memref_slice %arg5[%add3A_37, %dma_start3A_39] : memref<10240x64xf32, #tpu.memory_space<hbm>> -> memref<320x64xf32, #tpu.memory_space<hbm>>
      %dma_start3A_41 = arith.constant 0 : i32
      %dma_start3A_42 = tpu.memref_slice %arg8[%mul3A_2, %dma_start3A_41] : memref<5120x64xf32, #tpu.memory_space<vmem_shared>> -> memref<320x64xf32, #tpu.memory_space<vmem_shared>>
      tpu.enqueue_dma source(%dma_start3A_42 : memref<320x64xf32, #tpu.memory_space<vmem_shared>>) target(%dma_start3A_40 : memref<320x64xf32, #tpu.memory_space<hbm>>) target_semaphore(%run_scoped3A_38 : memref<!tpu.dma_semaphore, #tpu.memory_space<semaphore_mem>>)
      %dma_wait3A_43 = arith.constant 0 : i32
      %dma_wait3A_44 = tpu.memref_slice %arg5[%add3A_37, %dma_wait3A_43] : memref<10240x64xf32, #tpu.memory_space<hbm>> -> memref<320x64xf32, #tpu.memory_space<hbm>>
      %dma_wait3A_45 = arith.constant 0 : i32
      %dma_wait3A_46 = tpu.memref_slice %arg8[%mul3A_2, %dma_wait3A_45] : memref<5120x64xf32, #tpu.memory_space<vmem_shared>> -> memref<320x64xf32, #tpu.memory_space<vmem_shared>>
      tpu.wait_dma2 semaphore(%run_scoped3A_38 : memref<!tpu.dma_semaphore, #tpu.memory_space<semaphore_mem>>) src(%dma_wait3A_46 : memref<320x64xf32, #tpu.memory_space<vmem_shared>>) dst(%dma_wait3A_44 : memref<320x64xf32, #tpu.memory_space<hbm>>)
      tpu.yield
    }) : () -> ()
    return
  }
}

module attributes {stable_mosaic.version = 14 : i64} {
  func.func @_prep_body(%arg0: memref<5000x128xf32, #tpu.memory_space<vmem>>, %arg1: memref<128x64xf32, #tpu.memory_space<vmem>>, %arg2: memref<64xf32, #tpu.memory_space<vmem>>, %arg3: memref<30000x64xf32, #tpu.memory_space<vmem>>, %arg4: memref<64x128xf32, #tpu.memory_space<vmem>>, %arg5: memref<128xf32, #tpu.memory_space<vmem>>, %arg6: memref<5120x128xf32, #tpu.memory_space<vmem>>, %arg7: memref<128x30720xbf16, #tpu.memory_space<vmem>>) attributes {dimension_semantics = [], scalar_prefetch = 0 : i64, scratch_operands = 0 : i64, tpu.core_type = #tpu.core_type<tc>} {
    %get3A = arith.constant 0 : index
    %get3A_0 = arith.constant 0 : index
    %get3A_1 = vector.load %arg0[%get3A, %get3A_0] : memref<5000x128xf32, #tpu.memory_space<vmem>>, vector<5000x128xf32>
    %get3A_2 = arith.constant 0 : index
    %get3A_3 = arith.constant 0 : index
    %get3A_4 = vector.load %arg1[%get3A_2, %get3A_3] : memref<128x64xf32, #tpu.memory_space<vmem>>, vector<128x64xf32>
    %dot_general3A = arith.constant dense<0.000000e+00> : vector<5000x64xf32>
    %dot_general3A_5 = tpu.matmul %get3A_1, %get3A_4, %dot_general3A {dimension_numbers = #tpu.dot_dimension_numbers<[1], [0], [0], [1], [0, 0, 1, 1], [], []>, transpose_lhs_hint = false} : vector<5000x128xf32>, vector<128x64xf32>, vector<5000x64xf32> -> vector<5000x64xf32>
    %get3A_6 = arith.constant 0 : index
    %get3A_7 = vector.load %arg2[%get3A_6] : memref<64xf32, #tpu.memory_space<vmem>>, vector<64xf32>
    %broadcast_in_dim3A = vector.shape_cast %get3A_7 : vector<64xf32> to vector<1x64xf32>
    %add3A = vector.broadcast %broadcast_in_dim3A : vector<1x64xf32> to vector<5000x64xf32>
    %add3A_8 = arith.addf %dot_general3A_5, %add3A : vector<5000x64xf32>
    %max3A = arith.constant 0.000000e+00 : f32
    %max3A_9 = vector.broadcast %max3A : f32 to vector<5000x64xf32>
    %max3A_10 = arith.maximumf %add3A_8, %max3A_9 : vector<5000x64xf32>
    %swap3A = arith.constant 0 : index
    %swap3A_11 = arith.constant 0 : index
    %swap3A_12 = vector.load %arg6[%swap3A, %swap3A_11] : memref<5120x128xf32, #tpu.memory_space<vmem>>, vector<5000x64xf32>
    tpu.vector_store %arg6[%swap3A, %swap3A_11], %max3A_10 {strides = array<i32>} : memref<5120x128xf32, #tpu.memory_space<vmem>>, vector<5000x64xf32>,
    %broadcast_in_dim3A_13 = arith.constant 0.000000e+00 : f32
    %broadcast_in_dim3A_14 = vector.broadcast %broadcast_in_dim3A_13 : f32 to vector<5000x64xf32>
    %swap3A_15 = arith.constant 0 : index
    %swap3A_16 = arith.constant 64 : index
    %swap3A_17 = vector.load %arg6[%swap3A_15, %swap3A_16] : memref<5120x128xf32, #tpu.memory_space<vmem>>, vector<5000x64xf32>
    tpu.vector_store %arg6[%swap3A_15, %swap3A_16], %broadcast_in_dim3A_14 {strides = array<i32>} : memref<5120x128xf32, #tpu.memory_space<vmem>>, vector<5000x64xf32>,
    %broadcast_in_dim3A_18 = arith.constant 0.000000e+00 : f32
    %broadcast_in_dim3A_19 = vector.broadcast %broadcast_in_dim3A_18 : f32 to vector<120x128xf32>
    %swap3A_20 = arith.constant 5000 : index
    %swap3A_21 = arith.constant 0 : index
    %swap3A_22 = vector.load %arg6[%swap3A_20, %swap3A_21] : memref<5120x128xf32, #tpu.memory_space<vmem>>, vector<120x128xf32>
    tpu.vector_store %arg6[%swap3A_20, %swap3A_21], %broadcast_in_dim3A_19 {strides = array<i32>} : memref<5120x128xf32, #tpu.memory_space<vmem>>, vector<120x128xf32>,
    %get3A_23 = arith.constant 0 : index
    %get3A_24 = arith.constant 0 : index
    %get3A_25 = vector.load %arg4[%get3A_23, %get3A_24] : memref<64x128xf32, #tpu.memory_space<vmem>>, vector<64x128xf32>
    %get3A_26 = arith.constant 0 : index
    %get3A_27 = arith.constant 0 : index
    %get3A_28 = vector.load %arg3[%get3A_26, %get3A_27] : memref<30000x64xf32, #tpu.memory_space<vmem>>, vector<30000x64xf32>
    %dot_general3A_29 = arith.constant dense<0.000000e+00> : vector<128x30000xf32>
    %dot_general3A_30 = tpu.matmul %get3A_25, %get3A_28, %dot_general3A_29 {dimension_numbers = #tpu.dot_dimension_numbers<[0], [1], [1], [0], [0, 1, 1, 0], [], []>, transpose_lhs_hint = false} : vector<64x128xf32>, vector<30000x64xf32>, vector<128x30000xf32> -> vector<128x30000xf32>
    %get3A_31 = arith.constant 0 : index
    %get3A_32 = vector.load %arg5[%get3A_31] : memref<128xf32, #tpu.memory_space<vmem>>, vector<128xf32>
    %broadcast_in_dim3A_33 = vector.shape_cast %get3A_32 : vector<128xf32> to vector<128x1xf32>
    %add3A_34 = vector.broadcast %broadcast_in_dim3A_33 : vector<128x1xf32> to vector<128x30000xf32>
    %add3A_35 = arith.addf %dot_general3A_30, %add3A_34 : vector<128x30000xf32>
    %max3A_36 = arith.constant 0.000000e+00 : f32
    %max3A_37 = vector.broadcast %max3A_36 : f32 to vector<128x30000xf32>
    %max3A_38 = arith.maximumf %add3A_35, %max3A_37 : vector<128x30000xf32>
    %convert_element_type3A = arith.truncf %max3A_38 : vector<128x30000xf32> to vector<128x30000xbf16>
    %swap3A_39 = arith.constant 0 : index
    %swap3A_40 = arith.constant 0 : index
    %swap3A_41 = vector.load %arg7[%swap3A_39, %swap3A_40] : memref<128x30720xbf16, #tpu.memory_space<vmem>>, vector<128x30000xbf16>
    tpu.vector_store %arg7[%swap3A_39, %swap3A_40], %convert_element_type3A {strides = array<i32>} : memref<128x30720xbf16, #tpu.memory_space<vmem>>, vector<128x30000xbf16>,
    %broadcast_in_dim3A_42 = arith.constant 0.000000e+00 : bf16
    %broadcast_in_dim3A_43 = vector.broadcast %broadcast_in_dim3A_42 : bf16 to vector<128x720xbf16>
    %swap3A_44 = arith.constant 0 : index
    %swap3A_45 = arith.constant 30000 : index
    %swap3A_46 = vector.load %arg7[%swap3A_44, %swap3A_45] : memref<128x30720xbf16, #tpu.memory_space<vmem>>, vector<128x720xbf16>
    tpu.vector_store %arg7[%swap3A_44, %swap3A_45], %broadcast_in_dim3A_43 {strides = array<i32>} : memref<128x30720xbf16, #tpu.memory_space<vmem>>, vector<128x720xbf16>,
    return
  }
}

module attributes {stable_mosaic.version = 14 : i64} {
  func.func @_msg_body(%arg0: i32, %arg1: memref<128x1536xbf16, #tpu.memory_space<vmem>>, %arg2: memref<1536x128xf32, #tpu.memory_space<vmem>>, %arg3: memref<64x8192xbf16, #tpu.memory_space<vmem>>, %arg4: memref<64x64xf32, #tpu.memory_space<vmem>>, %arg5: memref<1536x128xf32, #tpu.memory_space<vmem>>) attributes {dimension_semantics = [#tpu.dimension_semantics<arbitrary>], iteration_bounds = array<i64: 20>, scalar_prefetch = 0 : i64, scratch_operands = 0 : i64, tpu.core_type = #tpu.core_type<tc>, window_params = [{transform_indices = @transform_0, window_bounds = array<i64: 128, 1536>}, {transform_indices = @transform_1, window_bounds = array<i64: 1536, 128>}, {pipeline_mode = #tpu.pipeline_mode<synchronous>, transform_indices = @transform_2, window_bounds = array<i64: 64, 8192>}, {pipeline_mode = #tpu.pipeline_mode<synchronous>, transform_indices = @transform_3, window_bounds = array<i64: 64, 64>}, {transform_indices = @transform_4, window_bounds = array<i64: 1536, 128>}]} {
    %get3A = arith.constant 0 : index
    %get3A_0 = arith.constant 0 : index
    %get3A_1 = vector.load %arg2[%get3A, %get3A_0] : memref<1536x128xf32, #tpu.memory_space<vmem>>, vector<1536x64xf32>
    %transpose3A = tpu.transpose %get3A_1, [1, 0] : vector<1536x64xf32> -> vector<64x1536xf32>
    %convert_element_type3A = arith.truncf %transpose3A : vector<64x1536xf32> to vector<64x1536xbf16>
    %get3A_2 = arith.constant 0 : index
    %get3A_3 = arith.constant 0 : index
    %get3A_4 = vector.load %arg1[%get3A_2, %get3A_3] : memref<128x1536xbf16, #tpu.memory_space<vmem>>, vector<128x1536xbf16>
    %broadcast_in_dim3A = vector.shape_cast %convert_element_type3A : vector<64x1536xbf16> to vector<64x1x1536xbf16>
    %broadcast_in_dim3A_5 = vector.shape_cast %get3A_4 : vector<128x1536xbf16> to vector<1x128x1536xbf16>
    %mul3A = vector.broadcast %broadcast_in_dim3A : vector<64x1x1536xbf16> to vector<64x128x1536xbf16>
    %mul3A_6 = vector.broadcast %broadcast_in_dim3A_5 : vector<1x128x1536xbf16> to vector<64x128x1536xbf16>
    %mul3A_7 = arith.mulf %mul3A, %mul3A_6 : vector<64x128x1536xbf16>
    %reshape3A = vector.shape_cast %mul3A_7 : vector<64x128x1536xbf16> to vector<8192x1536xbf16>
    %get3A_8 = arith.constant 0 : index
    %get3A_9 = arith.constant 0 : index
    %get3A_10 = vector.load %arg3[%get3A_8, %get3A_9] : memref<64x8192xbf16, #tpu.memory_space<vmem>>, vector<64x8192xbf16>
    %dot_general3A = arith.constant dense<0.000000e+00> : vector<64x1536xf32>
    %dot_general3A_11 = tpu.matmul %get3A_10, %reshape3A, %dot_general3A {dimension_numbers = #tpu.dot_dimension_numbers<[1], [0], [0], [1], [0, 0, 1, 1], [], []>, transpose_lhs_hint = false} : vector<64x8192xbf16>, vector<8192x1536xbf16>, vector<64x1536xf32> -> vector<64x1536xf32>
    %transpose3A_12 = tpu.transpose %dot_general3A_11, [1, 0] : vector<64x1536xf32> -> vector<1536x64xf32>
    %get3A_13 = arith.constant 0 : index
    %get3A_14 = arith.constant 0 : index
    %get3A_15 = vector.load %arg4[%get3A_13, %get3A_14] : memref<64x64xf32, #tpu.memory_space<vmem>>, vector<64x64xf32>
    %dot_general3A_16 = arith.constant dense<0.000000e+00> : vector<1536x64xf32>
    %dot_general3A_17 = tpu.matmul %get3A_1, %get3A_15, %dot_general3A_16 {dimension_numbers = #tpu.dot_dimension_numbers<[1], [0], [0], [1], [0, 0, 1, 1], [], []>, transpose_lhs_hint = false} : vector<1536x64xf32>, vector<64x64xf32>, vector<1536x64xf32> -> vector<1536x64xf32>
    %add3A = arith.addf %transpose3A_12, %dot_general3A_17 : vector<1536x64xf32>
    %swap3A = arith.constant 0 : index
    %swap3A_18 = arith.constant 0 : index
    %swap3A_19 = vector.load %arg5[%swap3A, %swap3A_18] : memref<1536x128xf32, #tpu.memory_space<vmem>>, vector<1536x64xf32>
    tpu.vector_store %arg5[%swap3A, %swap3A_18], %add3A {strides = array<i32>} : memref<1536x128xf32, #tpu.memory_space<vmem>>, vector<1536x64xf32>,
    %broadcast_in_dim3A_20 = arith.constant 0.000000e+00 : f32
    %broadcast_in_dim3A_21 = vector.broadcast %broadcast_in_dim3A_20 : f32 to vector<1536x64xf32>
    %swap3A_22 = arith.constant 0 : index
    %swap3A_23 = arith.constant 64 : index
    %swap3A_24 = vector.load %arg5[%swap3A_22, %swap3A_23] : memref<1536x128xf32, #tpu.memory_space<vmem>>, vector<1536x64xf32>
    tpu.vector_store %arg5[%swap3A_22, %swap3A_23], %broadcast_in_dim3A_21 {strides = array<i32>} : memref<1536x128xf32, #tpu.memory_space<vmem>>, vector<1536x64xf32>,
    return
  }
  func.func @transform_0(%arg0: i32) -> (i32, i32) {
    %c0_i32 = arith.constant 0 : i32
    %c0_i32_0 = arith.constant 0 : i32
    return %c0_i32, %arg0 : i32, i32
  }
  func.func @transform_1(%arg0: i32) -> (i32, i32) {
    %c0_i32 = arith.constant 0 : i32
    %c0_i32_0 = arith.constant 0 : i32
    return %arg0, %c0_i32 : i32, i32
  }
  func.func @transform_2(%arg0: i32) -> (i32, i32) {
    %c0_i32 = arith.constant 0 : i32
    %c0_i32_0 = arith.constant 0 : i32
    %c0_i32_1 = arith.constant 0 : i32
    return %c0_i32, %c0_i32_0 : i32, i32
  }
  func.func @transform_3(%arg0: i32) -> (i32, i32) {
    %c0_i32 = arith.constant 0 : i32
    %c0_i32_0 = arith.constant 0 : i32
    %c0_i32_1 = arith.constant 0 : i32
    return %c0_i32, %c0_i32_0 : i32, i32
  }
  func.func @transform_4(%arg0: i32) -> (i32, i32) {
    %c0_i32 = arith.constant 0 : i32
    %c0_i32_0 = arith.constant 0 : i32
    return %arg0, %c0_i32 : i32, i32
  }
}

module attributes {stable_mosaic.version = 14 : i64} {
  func.func @_gru_body(%arg0: memref<10240x64xf32, #tpu.memory_space<vmem>>, %arg1: memref<10240x16xf32, #tpu.memory_space<vmem>>, %arg2: memref<5120x128xf32, #tpu.memory_space<vmem>>, %arg3: memref<64x64xf32, #tpu.memory_space<vmem>>, %arg4: memref<64xf32, #tpu.memory_space<vmem>>, %arg5: memref<64x192xf32, #tpu.memory_space<vmem>>, %arg6: memref<192xf32, #tpu.memory_space<vmem>>, %arg7: memref<64x192xf32, #tpu.memory_space<vmem>>, %arg8: memref<192xf32, #tpu.memory_space<vmem>>, %arg9: memref<5120x128xf32, #tpu.memory_space<vmem>>) attributes {dimension_semantics = [], scalar_prefetch = 0 : i64, scratch_operands = 0 : i64, tpu.core_type = #tpu.core_type<tc>} {
    %get3A = arith.constant 0 : index
    %get3A_0 = arith.constant 0 : index
    %get3A_1 = vector.load %arg2[%get3A, %get3A_0] : memref<5120x128xf32, #tpu.memory_space<vmem>>, vector<5000x64xf32>
    %get3A_2 = arith.constant 0 : index
    %get3A_3 = arith.constant 0 : index
    %get3A_4 = vector.load %arg1[%get3A_2, %get3A_3] : memref<10240x16xf32, #tpu.memory_space<vmem>>, vector<5000x1xf32>
    %get3A_5 = arith.constant 5120 : index
    %get3A_6 = arith.constant 0 : index
    %get3A_7 = vector.load %arg1[%get3A_5, %get3A_6] : memref<10240x16xf32, #tpu.memory_space<vmem>>, vector<5000x1xf32>
    %add3A = arith.addf %get3A_4, %get3A_7 : vector<5000x1xf32>
    %jit3A = arith.constant 1.000000e+00 : f32
    %max3A = vector.broadcast %jit3A : f32 to vector<5000x1xf32>
    %max3A_8 = arith.maximumf %max3A, %add3A : vector<5000x1xf32>
    %get3A_9 = arith.constant 0 : index
    %get3A_10 = arith.constant 0 : index
    %get3A_11 = vector.load %arg0[%get3A_9, %get3A_10] : memref<10240x64xf32, #tpu.memory_space<vmem>>, vector<5000x64xf32>
    %get3A_12 = arith.constant 5120 : index
    %get3A_13 = arith.constant 0 : index
    %get3A_14 = vector.load %arg0[%get3A_12, %get3A_13] : memref<10240x64xf32, #tpu.memory_space<vmem>>, vector<5000x64xf32>
    %add3A_15 = arith.addf %get3A_11, %get3A_14 : vector<5000x64xf32>
    %div3A = vector.broadcast %max3A_8 : vector<5000x1xf32> to vector<5000x64xf32>
    %div3A_16 = arith.divf %add3A_15, %div3A : vector<5000x64xf32>
    %get3A_17 = arith.constant 0 : index
    %get3A_18 = arith.constant 0 : index
    %get3A_19 = vector.load %arg3[%get3A_17, %get3A_18] : memref<64x64xf32, #tpu.memory_space<vmem>>, vector<64x64xf32>
    %dot_general3A = arith.constant dense<0.000000e+00> : vector<5000x64xf32>
    %dot_general3A_20 = tpu.matmul %get3A_1, %get3A_19, %dot_general3A {dimension_numbers = #tpu.dot_dimension_numbers<[1], [0], [0], [1], [0, 0, 1, 1], [], []>, transpose_lhs_hint = false} : vector<5000x64xf32>, vector<64x64xf32>, vector<5000x64xf32> -> vector<5000x64xf32>
    %add3A_21 = arith.addf %div3A_16, %dot_general3A_20 : vector<5000x64xf32>
    %get3A_22 = arith.constant 0 : index
    %get3A_23 = vector.load %arg4[%get3A_22] : memref<64xf32, #tpu.memory_space<vmem>>, vector<64xf32>
    %broadcast_in_dim3A = vector.shape_cast %get3A_23 : vector<64xf32> to vector<1x64xf32>
    %add3A_24 = vector.broadcast %broadcast_in_dim3A : vector<1x64xf32> to vector<5000x64xf32>
    %add3A_25 = arith.addf %add3A_21, %add3A_24 : vector<5000x64xf32>
    %max3A_26 = arith.constant 0.000000e+00 : f32
    %max3A_27 = vector.broadcast %max3A_26 : f32 to vector<5000x64xf32>
    %max3A_28 = arith.maximumf %add3A_25, %max3A_27 : vector<5000x64xf32>
    %get3A_29 = arith.constant 0 : index
    %get3A_30 = arith.constant 0 : index
    %get3A_31 = vector.load %arg5[%get3A_29, %get3A_30] : memref<64x192xf32, #tpu.memory_space<vmem>>, vector<64x192xf32>
    %dot_general3A_32 = arith.constant dense<0.000000e+00> : vector<5000x192xf32>
    %dot_general3A_33 = tpu.matmul %max3A_28, %get3A_31, %dot_general3A_32 {dimension_numbers = #tpu.dot_dimension_numbers<[1], [0], [0], [1], [0, 0, 1, 1], [], []>, transpose_lhs_hint = false} : vector<5000x64xf32>, vector<64x192xf32>, vector<5000x192xf32> -> vector<5000x192xf32>
    %get3A_34 = arith.constant 0 : index
    %get3A_35 = vector.load %arg6[%get3A_34] : memref<192xf32, #tpu.memory_space<vmem>>, vector<192xf32>
    %broadcast_in_dim3A_36 = vector.shape_cast %get3A_35 : vector<192xf32> to vector<1x192xf32>
    %add3A_37 = vector.broadcast %broadcast_in_dim3A_36 : vector<1x192xf32> to vector<5000x192xf32>
    %add3A_38 = arith.addf %dot_general3A_33, %add3A_37 : vector<5000x192xf32>
    %get3A_39 = arith.constant 0 : index
    %get3A_40 = arith.constant 0 : index
    %get3A_41 = vector.load %arg7[%get3A_39, %get3A_40] : memref<64x192xf32, #tpu.memory_space<vmem>>, vector<64x192xf32>
    %dot_general3A_42 = arith.constant dense<0.000000e+00> : vector<5000x192xf32>
    %dot_general3A_43 = tpu.matmul %get3A_1, %get3A_41, %dot_general3A_42 {dimension_numbers = #tpu.dot_dimension_numbers<[1], [0], [0], [1], [0, 0, 1, 1], [], []>, transpose_lhs_hint = false} : vector<5000x64xf32>, vector<64x192xf32>, vector<5000x192xf32> -> vector<5000x192xf32>
    %get3A_44 = arith.constant 0 : index
    %get3A_45 = vector.load %arg8[%get3A_44] : memref<192xf32, #tpu.memory_space<vmem>>, vector<192xf32>
    %broadcast_in_dim3A_46 = vector.shape_cast %get3A_45 : vector<192xf32> to vector<1x192xf32>
    %add3A_47 = vector.broadcast %broadcast_in_dim3A_46 : vector<1x192xf32> to vector<5000x192xf32>
    %add3A_48 = arith.addf %dot_general3A_43, %add3A_47 : vector<5000x192xf32>
    %slice3A = vector.extract_strided_slice %add3A_38 {offsets = [0, 0], sizes = [5000, 64], strides = [1, 1]} : vector<5000x192xf32> to vector<5000x64xf32>
    %slice3A_49 = vector.extract_strided_slice %add3A_48 {offsets = [0, 0], sizes = [5000, 64], strides = [1, 1]} : vector<5000x192xf32> to vector<5000x64xf32>
    %add3A_50 = arith.addf %slice3A, %slice3A_49 : vector<5000x64xf32>
    %logistic3A = arith.negf %add3A_50 : vector<5000x64xf32>
    %logistic3A_51 = math.exp %logistic3A : vector<5000x64xf32>
    %logistic3A_52 = arith.constant 1.000000e+00 : f32
    %logistic3A_53 = vector.broadcast %logistic3A_52 : f32 to vector<5000x64xf32>
    %logistic3A_54 = arith.addf %logistic3A_53, %logistic3A_51 : vector<5000x64xf32>
    %logistic3A_55 = arith.divf %logistic3A_53, %logistic3A_54 : vector<5000x64xf32>
    %slice3A_56 = vector.extract_strided_slice %add3A_38 {offsets = [0, 64], sizes = [5000, 64], strides = [1, 1]} : vector<5000x192xf32> to vector<5000x64xf32>
    %slice3A_57 = vector.extract_strided_slice %add3A_48 {offsets = [0, 64], sizes = [5000, 64], strides = [1, 1]} : vector<5000x192xf32> to vector<5000x64xf32>
    %add3A_58 = arith.addf %slice3A_56, %slice3A_57 : vector<5000x64xf32>
    %logistic3A_59 = arith.negf %add3A_58 : vector<5000x64xf32>
    %logistic3A_60 = math.exp %logistic3A_59 : vector<5000x64xf32>
    %logistic3A_61 = arith.constant 1.000000e+00 : f32
    %logistic3A_62 = vector.broadcast %logistic3A_61 : f32 to vector<5000x64xf32>
    %logistic3A_63 = arith.addf %logistic3A_62, %logistic3A_60 : vector<5000x64xf32>
    %logistic3A_64 = arith.divf %logistic3A_62, %logistic3A_63 : vector<5000x64xf32>
    %slice3A_65 = vector.extract_strided_slice %add3A_38 {offsets = [0, 128], sizes = [5000, 64], strides = [1, 1]} : vector<5000x192xf32> to vector<5000x64xf32>
    %slice3A_66 = vector.extract_strided_slice %add3A_48 {offsets = [0, 128], sizes = [5000, 64], strides = [1, 1]} : vector<5000x192xf32> to vector<5000x64xf32>
    %mul3A = arith.mulf %logistic3A_55, %slice3A_66 : vector<5000x64xf32>
    %add3A_67 = arith.addf %slice3A_65, %mul3A : vector<5000x64xf32>
    %tanh3A = math.tanh %add3A_67 : vector<5000x64xf32>
    %sub3A = arith.constant 1.000000e+00 : f32
    %sub3A_68 = vector.broadcast %sub3A : f32 to vector<5000x64xf32>
    %sub3A_69 = arith.subf %sub3A_68, %logistic3A_64 : vector<5000x64xf32>
    %mul3A_70 = arith.mulf %sub3A_69, %tanh3A : vector<5000x64xf32>
    %mul3A_71 = arith.mulf %logistic3A_64, %get3A_1 : vector<5000x64xf32>
    %add3A_72 = arith.addf %mul3A_70, %mul3A_71 : vector<5000x64xf32>
    %swap3A = arith.constant 0 : index
    %swap3A_73 = arith.constant 0 : index
    %swap3A_74 = vector.load %arg9[%swap3A, %swap3A_73] : memref<5120x128xf32, #tpu.memory_space<vmem>>, vector<5000x64xf32>
    tpu.vector_store %arg9[%swap3A, %swap3A_73], %add3A_72 {strides = array<i32>} : memref<5120x128xf32, #tpu.memory_space<vmem>>, vector<5000x64xf32>,
    %broadcast_in_dim3A_75 = arith.constant 0.000000e+00 : f32
    %broadcast_in_dim3A_76 = vector.broadcast %broadcast_in_dim3A_75 : f32 to vector<5000x64xf32>
    %swap3A_77 = arith.constant 0 : index
    %swap3A_78 = arith.constant 64 : index
    %swap3A_79 = vector.load %arg9[%swap3A_77, %swap3A_78] : memref<5120x128xf32, #tpu.memory_space<vmem>>, vector<5000x64xf32>
    tpu.vector_store %arg9[%swap3A_77, %swap3A_78], %broadcast_in_dim3A_76 {strides = array<i32>} : memref<5120x128xf32, #tpu.memory_space<vmem>>, vector<5000x64xf32>,
    %broadcast_in_dim3A_80 = arith.constant 0.000000e+00 : f32
    %broadcast_in_dim3A_81 = vector.broadcast %broadcast_in_dim3A_80 : f32 to vector<120x128xf32>
    %swap3A_82 = arith.constant 5000 : index
    %swap3A_83 = arith.constant 0 : index
    %swap3A_84 = vector.load %arg9[%swap3A_82, %swap3A_83] : memref<5120x128xf32, #tpu.memory_space<vmem>>, vector<120x128xf32>
    tpu.vector_store %arg9[%swap3A_82, %swap3A_83], %broadcast_in_dim3A_81 {strides = array<i32>} : memref<5120x128xf32, #tpu.memory_space<vmem>>, vector<120x128xf32>,
    return
  }
}

module attributes {stable_mosaic.version = 14 : i64} {
  func.func @_s2s_body(%arg0: memref<10240x64xf32, #tpu.memory_space<vmem>>, %arg1: memref<10240x16xf32, #tpu.memory_space<vmem>>, %arg2: memref<5120x128xf32, #tpu.memory_space<vmem>>, %arg3: memref<64x64xf32, #tpu.memory_space<vmem>>, %arg4: memref<64xf32, #tpu.memory_space<vmem>>, %arg5: memref<64x192xf32, #tpu.memory_space<vmem>>, %arg6: memref<192xf32, #tpu.memory_space<vmem>>, %arg7: memref<64x192xf32, #tpu.memory_space<vmem>>, %arg8: memref<192xf32, #tpu.memory_space<vmem>>, %arg9: memref<5000x1xi32, #tpu.memory_space<vmem>>, %arg10: memref<128x256xf32, #tpu.memory_space<vmem>>, %arg11: memref<256xf32, #tpu.memory_space<vmem>>, %arg12: memref<64x256xf32, #tpu.memory_space<vmem>>, %arg13: memref<256xf32, #tpu.memory_space<vmem>>, %arg14: memref<128x64xf32, #tpu.memory_space<vmem>>, %arg15: memref<64xf32, #tpu.memory_space<vmem>>, %arg16: memref<64x1xf32, #tpu.memory_space<vmem>>, %arg17: memref<1xf32, #tpu.memory_space<vmem>>, %arg18: memref<256x1xf32, #tpu.memory_space<vmem>>) attributes {dimension_semantics = [], scalar_prefetch = 0 : i64, scratch_operands = 0 : i64, tpu.core_type = #tpu.core_type<tc>} {
    %get3A = arith.constant 0 : index
    %get3A_0 = arith.constant 0 : index
    %get3A_1 = vector.load %arg2[%get3A, %get3A_0] : memref<5120x128xf32, #tpu.memory_space<vmem>>, vector<5000x64xf32>
    %get3A_2 = arith.constant 0 : index
    %get3A_3 = arith.constant 0 : index
    %get3A_4 = vector.load %arg1[%get3A_2, %get3A_3] : memref<10240x16xf32, #tpu.memory_space<vmem>>, vector<5000x1xf32>
    %get3A_5 = arith.constant 5120 : index
    %get3A_6 = arith.constant 0 : index
    %get3A_7 = vector.load %arg1[%get3A_5, %get3A_6] : memref<10240x16xf32, #tpu.memory_space<vmem>>, vector<5000x1xf32>
    %add3A = arith.addf %get3A_4, %get3A_7 : vector<5000x1xf32>
    %jit3A = arith.constant 1.000000e+00 : f32
    %max3A = vector.broadcast %jit3A : f32 to vector<5000x1xf32>
    %max3A_8 = arith.maximumf %max3A, %add3A : vector<5000x1xf32>
    %get3A_9 = arith.constant 0 : index
    %get3A_10 = arith.constant 0 : index
    %get3A_11 = vector.load %arg0[%get3A_9, %get3A_10] : memref<10240x64xf32, #tpu.memory_space<vmem>>, vector<5000x64xf32>
    %get3A_12 = arith.constant 5120 : index
    %get3A_13 = arith.constant 0 : index
    %get3A_14 = vector.load %arg0[%get3A_12, %get3A_13] : memref<10240x64xf32, #tpu.memory_space<vmem>>, vector<5000x64xf32>
    %add3A_15 = arith.addf %get3A_11, %get3A_14 : vector<5000x64xf32>
    %div3A = vector.broadcast %max3A_8 : vector<5000x1xf32> to vector<5000x64xf32>
    %div3A_16 = arith.divf %add3A_15, %div3A : vector<5000x64xf32>
    %get3A_17 = arith.constant 0 : index
    %get3A_18 = arith.constant 0 : index
    %get3A_19 = vector.load %arg3[%get3A_17, %get3A_18] : memref<64x64xf32, #tpu.memory_space<vmem>>, vector<64x64xf32>
    %dot_general3A = arith.constant dense<0.000000e+00> : vector<5000x64xf32>
    %dot_general3A_20 = tpu.matmul %get3A_1, %get3A_19, %dot_general3A {dimension_numbers = #tpu.dot_dimension_numbers<[1], [0], [0], [1], [0, 0, 1, 1], [], []>, transpose_lhs_hint = false} : vector<5000x64xf32>, vector<64x64xf32>, vector<5000x64xf32> -> vector<5000x64xf32>
    %add3A_21 = arith.addf %div3A_16, %dot_general3A_20 : vector<5000x64xf32>
    %get3A_22 = arith.constant 0 : index
    %get3A_23 = vector.load %arg4[%get3A_22] : memref<64xf32, #tpu.memory_space<vmem>>, vector<64xf32>
    %broadcast_in_dim3A = vector.shape_cast %get3A_23 : vector<64xf32> to vector<1x64xf32>
    %add3A_24 = vector.broadcast %broadcast_in_dim3A : vector<1x64xf32> to vector<5000x64xf32>
    %add3A_25 = arith.addf %add3A_21, %add3A_24 : vector<5000x64xf32>
    %max3A_26 = arith.constant 0.000000e+00 : f32
    %max3A_27 = vector.broadcast %max3A_26 : f32 to vector<5000x64xf32>
    %max3A_28 = arith.maximumf %add3A_25, %max3A_27 : vector<5000x64xf32>
    %get3A_29 = arith.constant 0 : index
    %get3A_30 = arith.constant 0 : index
    %get3A_31 = vector.load %arg5[%get3A_29, %get3A_30] : memref<64x192xf32, #tpu.memory_space<vmem>>, vector<64x192xf32>
    %dot_general3A_32 = arith.constant dense<0.000000e+00> : vector<5000x192xf32>
    %dot_general3A_33 = tpu.matmul %max3A_28, %get3A_31, %dot_general3A_32 {dimension_numbers = #tpu.dot_dimension_numbers<[1], [0], [0], [1], [0, 0, 1, 1], [], []>, transpose_lhs_hint = false} : vector<5000x64xf32>, vector<64x192xf32>, vector<5000x192xf32> -> vector<5000x192xf32>
    %get3A_34 = arith.constant 0 : index
    %get3A_35 = vector.load %arg6[%get3A_34] : memref<192xf32, #tpu.memory_space<vmem>>, vector<192xf32>
    %broadcast_in_dim3A_36 = vector.shape_cast %get3A_35 : vector<192xf32> to vector<1x192xf32>
    %add3A_37 = vector.broadcast %broadcast_in_dim3A_36 : vector<1x192xf32> to vector<5000x192xf32>
    %add3A_38 = arith.addf %dot_general3A_33, %add3A_37 : vector<5000x192xf32>
    %get3A_39 = arith.constant 0 : index
    %get3A_40 = arith.constant 0 : index
    %get3A_41 = vector.load %arg7[%get3A_39, %get3A_40] : memref<64x192xf32, #tpu.memory_space<vmem>>, vector<64x192xf32>
    %dot_general3A_42 = arith.constant dense<0.000000e+00> : vector<5000x192xf32>
    %dot_general3A_43 = tpu.matmul %get3A_1, %get3A_41, %dot_general3A_42 {dimension_numbers = #tpu.dot_dimension_numbers<[1], [0], [0], [1], [0, 0, 1, 1], [], []>, transpose_lhs_hint = false} : vector<5000x64xf32>, vector<64x192xf32>, vector<5000x192xf32> -> vector<5000x192xf32>
    %get3A_44 = arith.constant 0 : index
    %get3A_45 = vector.load %arg8[%get3A_44] : memref<192xf32, #tpu.memory_space<vmem>>, vector<192xf32>
    %broadcast_in_dim3A_46 = vector.shape_cast %get3A_45 : vector<192xf32> to vector<1x192xf32>
    %add3A_47 = vector.broadcast %broadcast_in_dim3A_46 : vector<1x192xf32> to vector<5000x192xf32>
    %add3A_48 = arith.addf %dot_general3A_43, %add3A_47 : vector<5000x192xf32>
    %slice3A = vector.extract_strided_slice %add3A_38 {offsets = [0, 0], sizes = [5000, 64], strides = [1, 1]} : vector<5000x192xf32> to vector<5000x64xf32>
    %slice3A_49 = vector.extract_strided_slice %add3A_48 {offsets = [0, 0], sizes = [5000, 64], strides = [1, 1]} : vector<5000x192xf32> to vector<5000x64xf32>
    %add3A_50 = arith.addf %slice3A, %slice3A_49 : vector<5000x64xf32>
    %logistic3A = arith.negf %add3A_50 : vector<5000x64xf32>
    %logistic3A_51 = math.exp %logistic3A : vector<5000x64xf32>
    %logistic3A_52 = arith.constant 1.000000e+00 : f32
    %logistic3A_53 = vector.broadcast %logistic3A_52 : f32 to vector<5000x64xf32>
    %logistic3A_54 = arith.addf %logistic3A_53, %logistic3A_51 : vector<5000x64xf32>
    %logistic3A_55 = arith.divf %logistic3A_53, %logistic3A_54 : vector<5000x64xf32>
    %slice3A_56 = vector.extract_strided_slice %add3A_38 {offsets = [0, 64], sizes = [5000, 64], strides = [1, 1]} : vector<5000x192xf32> to vector<5000x64xf32>
    %slice3A_57 = vector.extract_strided_slice %add3A_48 {offsets = [0, 64], sizes = [5000, 64], strides = [1, 1]} : vector<5000x192xf32> to vector<5000x64xf32>
    %add3A_58 = arith.addf %slice3A_56, %slice3A_57 : vector<5000x64xf32>
    %logistic3A_59 = arith.negf %add3A_58 : vector<5000x64xf32>
    %logistic3A_60 = math.exp %logistic3A_59 : vector<5000x64xf32>
    %logistic3A_61 = arith.constant 1.000000e+00 : f32
    %logistic3A_62 = vector.broadcast %logistic3A_61 : f32 to vector<5000x64xf32>
    %logistic3A_63 = arith.addf %logistic3A_62, %logistic3A_60 : vector<5000x64xf32>
    %logistic3A_64 = arith.divf %logistic3A_62, %logistic3A_63 : vector<5000x64xf32>
    %slice3A_65 = vector.extract_strided_slice %add3A_38 {offsets = [0, 128], sizes = [5000, 64], strides = [1, 1]} : vector<5000x192xf32> to vector<5000x64xf32>
    %slice3A_66 = vector.extract_strided_slice %add3A_48 {offsets = [0, 128], sizes = [5000, 64], strides = [1, 1]} : vector<5000x192xf32> to vector<5000x64xf32>
    %mul3A = arith.mulf %logistic3A_55, %slice3A_66 : vector<5000x64xf32>
    %add3A_67 = arith.addf %slice3A_65, %mul3A : vector<5000x64xf32>
    %tanh3A = math.tanh %add3A_67 : vector<5000x64xf32>
    %sub3A = arith.constant 1.000000e+00 : f32
    %sub3A_68 = vector.broadcast %sub3A : f32 to vector<5000x64xf32>
    %sub3A_69 = arith.subf %sub3A_68, %logistic3A_64 : vector<5000x64xf32>
    %mul3A_70 = arith.mulf %sub3A_69, %tanh3A : vector<5000x64xf32>
    %mul3A_71 = arith.mulf %logistic3A_64, %get3A_1 : vector<5000x64xf32>
    %add3A_72 = arith.addf %mul3A_70, %mul3A_71 : vector<5000x64xf32>
    %get3A_73 = arith.constant 0 : index
    %get3A_74 = arith.constant 0 : index
    %get3A_75 = vector.load %arg9[%get3A_73, %get3A_74] : memref<5000x1xi32, #tpu.memory_space<vmem>>, vector<5000x1xi32>
    %iota3A = tpu.iota {dimensions = array<i32: 1>} : vector<5000x256xi32>
    %eq3A = vector.broadcast %get3A_75 : vector<5000x1xi32> to vector<5000x256xi32>
    %eq3A_76 = arith.cmpi eq, %eq3A, %iota3A : vector<5000x256xi32>
    %convert_element_type3A = arith.extui %eq3A_76 : vector<5000x256xi1> to vector<5000x256xi32>
    %convert_element_type3A_77 = arith.sitofp %convert_element_type3A : vector<5000x256xi32> to vector<5000x256xf32>
    %broadcast_in_dim3A_78 = arith.constant 0.000000e+00 : f32
    %broadcast_in_dim3A_79 = vector.broadcast %broadcast_in_dim3A_78 : f32 to vector<256x128xf32>
    %broadcast_in_dim3A_80 = arith.constant 0.000000e+00 : f32
    %broadcast_in_dim3A_81 = vector.broadcast %broadcast_in_dim3A_80 : f32 to vector<256x64xf32>
    %broadcast_in_dim3A_82 = arith.constant 0.000000e+00 : f32
    %broadcast_in_dim3A_83 = vector.broadcast %broadcast_in_dim3A_82 : f32 to vector<256x64xf32>
    %get3A_84 = arith.constant 0 : index
    %get3A_85 = arith.constant 0 : index
    %get3A_86 = vector.load %arg10[%get3A_84, %get3A_85] : memref<128x256xf32, #tpu.memory_space<vmem>>, vector<128x256xf32>
    %dot_general3A_87 = arith.constant dense<0.000000e+00> : vector<256x256xf32>
    %dot_general3A_88 = tpu.matmul %broadcast_in_dim3A_79, %get3A_86, %dot_general3A_87 {dimension_numbers = #tpu.dot_dimension_numbers<[1], [0], [0], [1], [0, 0, 1, 1], [], []>, transpose_lhs_hint = false} : vector<256x128xf32>, vector<128x256xf32>, vector<256x256xf32> -> vector<256x256xf32>
    %get3A_89 = arith.constant 0 : index
    %get3A_90 = vector.load %arg11[%get3A_89] : memref<256xf32, #tpu.memory_space<vmem>>, vector<256xf32>
    %broadcast_in_dim3A_91 = vector.shape_cast %get3A_90 : vector<256xf32> to vector<1x256xf32>
    %add3A_92 = vector.broadcast %broadcast_in_dim3A_91 : vector<1x256xf32> to vector<256x256xf32>
    %add3A_93 = arith.addf %dot_general3A_88, %add3A_92 : vector<256x256xf32>
    %get3A_94 = arith.constant 0 : index
    %get3A_95 = arith.constant 0 : index
    %get3A_96 = vector.load %arg12[%get3A_94, %get3A_95] : memref<64x256xf32, #tpu.memory_space<vmem>>, vector<64x256xf32>
    %dot_general3A_97 = arith.constant dense<0.000000e+00> : vector<256x256xf32>
    %dot_general3A_98 = tpu.matmul %broadcast_in_dim3A_81, %get3A_96, %dot_general3A_97 {dimension_numbers = #tpu.dot_dimension_numbers<[1], [0], [0], [1], [0, 0, 1, 1], [], []>, transpose_lhs_hint = false} : vector<256x64xf32>, vector<64x256xf32>, vector<256x256xf32> -> vector<256x256xf32>
    %add3A_99 = arith.addf %add3A_93, %dot_general3A_98 : vector<256x256xf32>
    %get3A_100 = arith.constant 0 : index
    %get3A_101 = vector.load %arg13[%get3A_100] : memref<256xf32, #tpu.memory_space<vmem>>, vector<256xf32>
    %broadcast_in_dim3A_102 = vector.shape_cast %get3A_101 : vector<256xf32> to vector<1x256xf32>
    %add3A_103 = vector.broadcast %broadcast_in_dim3A_102 : vector<1x256xf32> to vector<256x256xf32>
    %add3A_104 = arith.addf %add3A_99, %add3A_103 : vector<256x256xf32>
    %slice3A_105 = vector.extract_strided_slice %add3A_104 {offsets = [0, 0], sizes = [256, 64], strides = [1, 1]} : vector<256x256xf32> to vector<256x64xf32>
    %logistic3A_106 = arith.negf %slice3A_105 : vector<256x64xf32>
    %logistic3A_107 = math.exp %logistic3A_106 : vector<256x64xf32>
    %logistic3A_108 = arith.constant 1.000000e+00 : f32
    %logistic3A_109 = vector.broadcast %logistic3A_108 : f32 to vector<256x64xf32>
    %logistic3A_110 = arith.addf %logistic3A_109, %logistic3A_107 : vector<256x64xf32>
    %logistic3A_111 = arith.divf %logistic3A_109, %logistic3A_110 : vector<256x64xf32>
    %slice3A_112 = vector.extract_strided_slice %add3A_104 {offsets = [0, 64], sizes = [256, 64], strides = [1, 1]} : vector<256x256xf32> to vector<256x64xf32>
    %logistic3A_113 = arith.negf %slice3A_112 : vector<256x64xf32>
    %logistic3A_114 = math.exp %logistic3A_113 : vector<256x64xf32>
    %logistic3A_115 = arith.constant 1.000000e+00 : f32
    %logistic3A_116 = vector.broadcast %logistic3A_115 : f32 to vector<256x64xf32>
    %logistic3A_117 = arith.addf %logistic3A_116, %logistic3A_114 : vector<256x64xf32>
    %logistic3A_118 = arith.divf %logistic3A_116, %logistic3A_117 : vector<256x64xf32>
    %slice3A_119 = vector.extract_strided_slice %add3A_104 {offsets = [0, 128], sizes = [256, 64], strides = [1, 1]} : vector<256x256xf32> to vector<256x64xf32>
    %tanh3A_120 = math.tanh %slice3A_119 : vector<256x64xf32>
    %slice3A_121 = vector.extract_strided_slice %add3A_104 {offsets = [0, 192], sizes = [256, 64], strides = [1, 1]} : vector<256x256xf32> to vector<256x64xf32>
    %logistic3A_122 = arith.negf %slice3A_121 : vector<256x64xf32>
    %logistic3A_123 = math.exp %logistic3A_122 : vector<256x64xf32>
    %logistic3A_124 = arith.constant 1.000000e+00 : f32
    %logistic3A_125 = vector.broadcast %logistic3A_124 : f32 to vector<256x64xf32>
    %logistic3A_126 = arith.addf %logistic3A_125, %logistic3A_123 : vector<256x64xf32>
    %logistic3A_127 = arith.divf %logistic3A_125, %logistic3A_126 : vector<256x64xf32>
    %mul3A_128 = arith.mulf %logistic3A_118, %broadcast_in_dim3A_83 : vector<256x64xf32>
    %mul3A_129 = arith.mulf %logistic3A_111, %tanh3A_120 : vector<256x64xf32>
    %add3A_130 = arith.addf %mul3A_128, %mul3A_129 : vector<256x64xf32>
    %tanh3A_131 = math.tanh %add3A_130 : vector<256x64xf32>
    %mul3A_132 = arith.mulf %logistic3A_127, %tanh3A_131 : vector<256x64xf32>
    %dot_general3A_133 = arith.constant dense<0.000000e+00> : vector<5000x64xf32>
    %dot_general3A_134 = tpu.matmul %convert_element_type3A_77, %mul3A_132, %dot_general3A_133 {dimension_numbers = #tpu.dot_dimension_numbers<[1], [0], [0], [1], [0, 0, 1, 1], [], []>, transpose_lhs_hint = false} : vector<5000x256xf32>, vector<256x64xf32>, vector<5000x64xf32> -> vector<5000x64xf32>
    %mul3A_135 = arith.mulf %add3A_72, %dot_general3A_134 : vector<5000x64xf32>
    %reduce_sum3A = arith.constant dense<0.000000e+00> : vector<5000xf32>
    %reduce_sum3A_136 = vector.multi_reduction <add>, %mul3A_135, %reduce_sum3A [1] : vector<5000x64xf32> to vector<5000xf32>
    %broadcast_in_dim3A_137 = vector.shape_cast %reduce_sum3A_136 : vector<5000xf32> to vector<5000x1xf32>
    %jit3A_138 = arith.constant -9.99999968E+37 : f32
    %broadcast_in_dim3A_139 = vector.shape_cast %broadcast_in_dim3A_137 : vector<5000x1xf32> to vector<5000x1xf32>
    %broadcast_in_dim3A_140 = vector.broadcast %broadcast_in_dim3A_139 : vector<5000x1xf32> to vector<5000x256xf32>
    %broadcast_in_dim3A_141 = vector.broadcast %jit3A_138 : f32 to vector<5000x256xf32>
    %select_n3A = arith.select %eq3A_76, %broadcast_in_dim3A_140, %broadcast_in_dim3A_141 : vector<5000x256xi1>, vector<5000x256xf32>
    %reduce_max3A = arith.constant dense<0xFF800000> : vector<256xf32>
    %reduce_max3A_142 = vector.multi_reduction <maximumf>, %select_n3A, %reduce_max3A [0] : vector<5000x256xf32> to vector<256xf32>
    %broadcast_in_dim3A_143 = vector.shape_cast %reduce_max3A_142 : vector<256xf32> to vector<1x256xf32>
    %lt3A = arith.constant -9.99999993E+36 : f32
    %lt3A_144 = vector.broadcast %lt3A : f32 to vector<1x256xf32>
    %lt3A_145 = arith.cmpf olt, %broadcast_in_dim3A_143, %lt3A_144 : vector<1x256xf32>
    %jit3A_146 = arith.constant 0.000000e+00 : f32
    %broadcast_in_dim3A_147 = vector.broadcast %jit3A_146 : f32 to vector<1x256xf32>
    %select_n3A_148 = arith.select %lt3A_145, %broadcast_in_dim3A_147, %broadcast_in_dim3A_143 : vector<1x256xi1>, vector<1x256xf32>
    %mul3A_149 = vector.broadcast %select_n3A_148 : vector<1x256xf32> to vector<5000x256xf32>
    %mul3A_150 = arith.mulf %convert_element_type3A_77, %mul3A_149 : vector<5000x256xf32>
    %reduce_sum3A_151 = arith.constant dense<0.000000e+00> : vector<5000xf32>
    %reduce_sum3A_152 = vector.multi_reduction <add>, %mul3A_150, %reduce_sum3A_151 [1] : vector<5000x256xf32> to vector<5000xf32>
    %broadcast_in_dim3A_153 = vector.shape_cast %reduce_sum3A_152 : vector<5000xf32> to vector<5000x1xf32>
    %sub3A_154 = arith.subf %broadcast_in_dim3A_137, %broadcast_in_dim3A_153 : vector<5000x1xf32>
    %exp3A = math.exp %sub3A_154 : vector<5000x1xf32>
    %mul3A_155 = vector.broadcast %exp3A : vector<5000x1xf32> to vector<5000x256xf32>
    %mul3A_156 = arith.mulf %convert_element_type3A_77, %mul3A_155 : vector<5000x256xf32>
    %reduce_sum3A_157 = arith.constant dense<0.000000e+00> : vector<256xf32>
    %reduce_sum3A_158 = vector.multi_reduction <add>, %mul3A_156, %reduce_sum3A_157 [0] : vector<5000x256xf32> to vector<256xf32>
    %broadcast_in_dim3A_159 = vector.shape_cast %reduce_sum3A_158 : vector<256xf32> to vector<1x256xf32>
    %mul3A_160 = vector.broadcast %broadcast_in_dim3A_159 : vector<1x256xf32> to vector<5000x256xf32>
    %mul3A_161 = arith.mulf %convert_element_type3A_77, %mul3A_160 : vector<5000x256xf32>
    %reduce_sum3A_162 = arith.constant dense<0.000000e+00> : vector<5000xf32>
    %reduce_sum3A_163 = vector.multi_reduction <add>, %mul3A_161, %reduce_sum3A_162 [1] : vector<5000x256xf32> to vector<5000xf32>
    %broadcast_in_dim3A_164 = vector.shape_cast %reduce_sum3A_163 : vector<5000xf32> to vector<5000x1xf32>
    %add3A_165 = arith.constant 1.000000e-16 : f32
    %add3A_166 = vector.broadcast %add3A_165 : f32 to vector<5000x1xf32>
    %add3A_167 = arith.addf %broadcast_in_dim3A_164, %add3A_166 : vector<5000x1xf32>
    %div3A_168 = arith.divf %exp3A, %add3A_167 : vector<5000x1xf32>
    %mul3A_169 = vector.broadcast %div3A_168 : vector<5000x1xf32> to vector<5000x256xf32>
    %mul3A_170 = arith.mulf %convert_element_type3A_77, %mul3A_169 : vector<5000x256xf32>
    %dot_general3A_171 = arith.constant dense<0.000000e+00> : vector<256x64xf32>
    %dot_general3A_172 = tpu.matmul %mul3A_170, %add3A_72, %dot_general3A_171 {dimension_numbers = #tpu.dot_dimension_numbers<[0], [0], [1], [1], [0, 1, 1, 1], [], []>, transpose_lhs_hint = false} : vector<5000x256xf32>, vector<5000x64xf32>, vector<256x64xf32> -> vector<256x64xf32>
    %concatenate3A = tpu.concatenate %mul3A_132, %dot_general3A_172 in 1 : vector<256x64xf32>, vector<256x64xf32> -> vector<256x128xf32>
    %get3A_173 = arith.constant 0 : index
    %get3A_174 = arith.constant 0 : index
    %get3A_175 = vector.load %arg10[%get3A_173, %get3A_174] : memref<128x256xf32, #tpu.memory_space<vmem>>, vector<128x256xf32>
    %dot_general3A_176 = arith.constant dense<0.000000e+00> : vector<256x256xf32>
    %dot_general3A_177 = tpu.matmul %concatenate3A, %get3A_175, %dot_general3A_176 {dimension_numbers = #tpu.dot_dimension_numbers<[1], [0], [0], [1], [0, 0, 1, 1], [], []>, transpose_lhs_hint = false} : vector<256x128xf32>, vector<128x256xf32>, vector<256x256xf32> -> vector<256x256xf32>
    %get3A_178 = arith.constant 0 : index
    %get3A_179 = vector.load %arg11[%get3A_178] : memref<256xf32, #tpu.memory_space<vmem>>, vector<256xf32>
    %broadcast_in_dim3A_180 = vector.shape_cast %get3A_179 : vector<256xf32> to vector<1x256xf32>
    %add3A_181 = vector.broadcast %broadcast_in_dim3A_180 : vector<1x256xf32> to vector<256x256xf32>
    %add3A_182 = arith.addf %dot_general3A_177, %add3A_181 : vector<256x256xf32>
    %get3A_183 = arith.constant 0 : index
    %get3A_184 = arith.constant 0 : index
    %get3A_185 = vector.load %arg12[%get3A_183, %get3A_184] : memref<64x256xf32, #tpu.memory_space<vmem>>, vector<64x256xf32>
    %dot_general3A_186 = arith.constant dense<0.000000e+00> : vector<256x256xf32>
    %dot_general3A_187 = tpu.matmul %mul3A_132, %get3A_185, %dot_general3A_186 {dimension_numbers = #tpu.dot_dimension_numbers<[1], [0], [0], [1], [0, 0, 1, 1], [], []>, transpose_lhs_hint = false} : vector<256x64xf32>, vector<64x256xf32>, vector<256x256xf32> -> vector<256x256xf32>
    %add3A_188 = arith.addf %add3A_182, %dot_general3A_187 : vector<256x256xf32>
    %get3A_189 = arith.constant 0 : index
    %get3A_190 = vector.load %arg13[%get3A_189] : memref<256xf32, #tpu.memory_space<vmem>>, vector<256xf32>
    %broadcast_in_dim3A_191 = vector.shape_cast %get3A_190 : vector<256xf32> to vector<1x256xf32>
    %add3A_192 = vector.broadcast %broadcast_in_dim3A_191 : vector<1x256xf32> to vector<256x256xf32>
    %add3A_193 = arith.addf %add3A_188, %add3A_192 : vector<256x256xf32>
    %slice3A_194 = vector.extract_strided_slice %add3A_193 {offsets = [0, 0], sizes = [256, 64], strides = [1, 1]} : vector<256x256xf32> to vector<256x64xf32>
    %logistic3A_195 = arith.negf %slice3A_194 : vector<256x64xf32>
    %logistic3A_196 = math.exp %logistic3A_195 : vector<256x64xf32>
    %logistic3A_197 = arith.constant 1.000000e+00 : f32
    %logistic3A_198 = vector.broadcast %logistic3A_197 : f32 to vector<256x64xf32>
    %logistic3A_199 = arith.addf %logistic3A_198, %logistic3A_196 : vector<256x64xf32>
    %logistic3A_200 = arith.divf %logistic3A_198, %logistic3A_199 : vector<256x64xf32>
    %slice3A_201 = vector.extract_strided_slice %add3A_193 {offsets = [0, 64], sizes = [256, 64], strides = [1, 1]} : vector<256x256xf32> to vector<256x64xf32>
    %logistic3A_202 = arith.negf %slice3A_201 : vector<256x64xf32>
    %logistic3A_203 = math.exp %logistic3A_202 : vector<256x64xf32>
    %logistic3A_204 = arith.constant 1.000000e+00 : f32
    %logistic3A_205 = vector.broadcast %logistic3A_204 : f32 to vector<256x64xf32>
    %logistic3A_206 = arith.addf %logistic3A_205, %logistic3A_203 : vector<256x64xf32>
    %logistic3A_207 = arith.divf %logistic3A_205, %logistic3A_206 : vector<256x64xf32>
    %slice3A_208 = vector.extract_strided_slice %add3A_193 {offsets = [0, 128], sizes = [256, 64], strides = [1, 1]} : vector<256x256xf32> to vector<256x64xf32>
    %tanh3A_209 = math.tanh %slice3A_208 : vector<256x64xf32>
    %slice3A_210 = vector.extract_strided_slice %add3A_193 {offsets = [0, 192], sizes = [256, 64], strides = [1, 1]} : vector<256x256xf32> to vector<256x64xf32>
    %logistic3A_211 = arith.negf %slice3A_210 : vector<256x64xf32>
    %logistic3A_212 = math.exp %logistic3A_211 : vector<256x64xf32>
    %logistic3A_213 = arith.constant 1.000000e+00 : f32
    %logistic3A_214 = vector.broadcast %logistic3A_213 : f32 to vector<256x64xf32>
    %logistic3A_215 = arith.addf %logistic3A_214, %logistic3A_212 : vector<256x64xf32>
    %logistic3A_216 = arith.divf %logistic3A_214, %logistic3A_215 : vector<256x64xf32>
    %mul3A_217 = arith.mulf %logistic3A_207, %add3A_130 : vector<256x64xf32>
    %mul3A_218 = arith.mulf %logistic3A_200, %tanh3A_209 : vector<256x64xf32>
    %add3A_219 = arith.addf %mul3A_217, %mul3A_218 : vector<256x64xf32>
    %tanh3A_220 = math.tanh %add3A_219 : vector<256x64xf32>
    %mul3A_221 = arith.mulf %logistic3A_216, %tanh3A_220 : vector<256x64xf32>
    %dot_general3A_222 = arith.constant dense<0.000000e+00> : vector<5000x64xf32>
    %dot_general3A_223 = tpu.matmul %convert_element_type3A_77, %mul3A_221, %dot_general3A_222 {dimension_numbers = #tpu.dot_dimension_numbers<[1], [0], [0], [1], [0, 0, 1, 1], [], []>, transpose_lhs_hint = false} : vector<5000x256xf32>, vector<256x64xf32>, vector<5000x64xf32> -> vector<5000x64xf32>
    %mul3A_224 = arith.mulf %add3A_72, %dot_general3A_223 : vector<5000x64xf32>
    %reduce_sum3A_225 = arith.constant dense<0.000000e+00> : vector<5000xf32>
    %reduce_sum3A_226 = vector.multi_reduction <add>, %mul3A_224, %reduce_sum3A_225 [1] : vector<5000x64xf32> to vector<5000xf32>
    %broadcast_in_dim3A_227 = vector.shape_cast %reduce_sum3A_226 : vector<5000xf32> to vector<5000x1xf32>
    %jit3A_228 = arith.constant -9.99999968E+37 : f32
    %broadcast_in_dim3A_229 = vector.shape_cast %broadcast_in_dim3A_227 : vector<5000x1xf32> to vector<5000x1xf32>
    %broadcast_in_dim3A_230 = vector.broadcast %broadcast_in_dim3A_229 : vector<5000x1xf32> to vector<5000x256xf32>
    %broadcast_in_dim3A_231 = vector.broadcast %jit3A_228 : f32 to vector<5000x256xf32>
    %select_n3A_232 = arith.select %eq3A_76, %broadcast_in_dim3A_230, %broadcast_in_dim3A_231 : vector<5000x256xi1>, vector<5000x256xf32>
    %reduce_max3A_233 = arith.constant dense<0xFF800000> : vector<256xf32>
    %reduce_max3A_234 = vector.multi_reduction <maximumf>, %select_n3A_232, %reduce_max3A_233 [0] : vector<5000x256xf32> to vector<256xf32>
    %broadcast_in_dim3A_235 = vector.shape_cast %reduce_max3A_234 : vector<256xf32> to vector<1x256xf32>
    %lt3A_236 = arith.constant -9.99999993E+36 : f32
    %lt3A_237 = vector.broadcast %lt3A_236 : f32 to vector<1x256xf32>
    %lt3A_238 = arith.cmpf olt, %broadcast_in_dim3A_235, %lt3A_237 : vector<1x256xf32>
    %jit3A_239 = arith.constant 0.000000e+00 : f32
    %broadcast_in_dim3A_240 = vector.broadcast %jit3A_239 : f32 to vector<1x256xf32>
    %select_n3A_241 = arith.select %lt3A_238, %broadcast_in_dim3A_240, %broadcast_in_dim3A_235 : vector<1x256xi1>, vector<1x256xf32>
    %mul3A_242 = vector.broadcast %select_n3A_241 : vector<1x256xf32> to vector<5000x256xf32>
    %mul3A_243 = arith.mulf %convert_element_type3A_77, %mul3A_242 : vector<5000x256xf32>
    %reduce_sum3A_244 = arith.constant dense<0.000000e+00> : vector<5000xf32>
    %reduce_sum3A_245 = vector.multi_reduction <add>, %mul3A_243, %reduce_sum3A_244 [1] : vector<5000x256xf32> to vector<5000xf32>
    %broadcast_in_dim3A_246 = vector.shape_cast %reduce_sum3A_245 : vector<5000xf32> to vector<5000x1xf32>
    %sub3A_247 = arith.subf %broadcast_in_dim3A_227, %broadcast_in_dim3A_246 : vector<5000x1xf32>
    %exp3A_248 = math.exp %sub3A_247 : vector<5000x1xf32>
    %mul3A_249 = vector.broadcast %exp3A_248 : vector<5000x1xf32> to vector<5000x256xf32>
    %mul3A_250 = arith.mulf %convert_element_type3A_77, %mul3A_249 : vector<5000x256xf32>
    %reduce_sum3A_251 = arith.constant dense<0.000000e+00> : vector<256xf32>
    %reduce_sum3A_252 = vector.multi_reduction <add>, %mul3A_250, %reduce_sum3A_251 [0] : vector<5000x256xf32> to vector<256xf32>
    %broadcast_in_dim3A_253 = vector.shape_cast %reduce_sum3A_252 : vector<256xf32> to vector<1x256xf32>
    %mul3A_254 = vector.broadcast %broadcast_in_dim3A_253 : vector<1x256xf32> to vector<5000x256xf32>
    %mul3A_255 = arith.mulf %convert_element_type3A_77, %mul3A_254 : vector<5000x256xf32>
    %reduce_sum3A_256 = arith.constant dense<0.000000e+00> : vector<5000xf32>
    %reduce_sum3A_257 = vector.multi_reduction <add>, %mul3A_255, %reduce_sum3A_256 [1] : vector<5000x256xf32> to vector<5000xf32>
    %broadcast_in_dim3A_258 = vector.shape_cast %reduce_sum3A_257 : vector<5000xf32> to vector<5000x1xf32>
    %add3A_259 = arith.constant 1.000000e-16 : f32
    %add3A_260 = vector.broadcast %add3A_259 : f32 to vector<5000x1xf32>
    %add3A_261 = arith.addf %broadcast_in_dim3A_258, %add3A_260 : vector<5000x1xf32>
    %div3A_262 = arith.divf %exp3A_248, %add3A_261 : vector<5000x1xf32>
    %mul3A_263 = vector.broadcast %div3A_262 : vector<5000x1xf32> to vector<5000x256xf32>
    %mul3A_264 = arith.mulf %convert_element_type3A_77, %mul3A_263 : vector<5000x256xf32>
    %dot_general3A_265 = arith.constant dense<0.000000e+00> : vector<256x64xf32>
    %dot_general3A_266 = tpu.matmul %mul3A_264, %add3A_72, %dot_general3A_265 {dimension_numbers = #tpu.dot_dimension_numbers<[0], [0], [1], [1], [0, 1, 1, 1], [], []>, transpose_lhs_hint = false} : vector<5000x256xf32>, vector<5000x64xf32>, vector<256x64xf32> -> vector<256x64xf32>
    %concatenate3A_267 = tpu.concatenate %mul3A_221, %dot_general3A_266 in 1 : vector<256x64xf32>, vector<256x64xf32> -> vector<256x128xf32>
    %get3A_268 = arith.constant 0 : index
    %get3A_269 = arith.constant 0 : index
    %get3A_270 = vector.load %arg10[%get3A_268, %get3A_269] : memref<128x256xf32, #tpu.memory_space<vmem>>, vector<128x256xf32>
    %dot_general3A_271 = arith.constant dense<0.000000e+00> : vector<256x256xf32>
    %dot_general3A_272 = tpu.matmul %concatenate3A_267, %get3A_270, %dot_general3A_271 {dimension_numbers = #tpu.dot_dimension_numbers<[1], [0], [0], [1], [0, 0, 1, 1], [], []>, transpose_lhs_hint = false} : vector<256x128xf32>, vector<128x256xf32>, vector<256x256xf32> -> vector<256x256xf32>
    %get3A_273 = arith.constant 0 : index
    %get3A_274 = vector.load %arg11[%get3A_273] : memref<256xf32, #tpu.memory_space<vmem>>, vector<256xf32>
    %broadcast_in_dim3A_275 = vector.shape_cast %get3A_274 : vector<256xf32> to vector<1x256xf32>
    %add3A_276 = vector.broadcast %broadcast_in_dim3A_275 : vector<1x256xf32> to vector<256x256xf32>
    %add3A_277 = arith.addf %dot_general3A_272, %add3A_276 : vector<256x256xf32>
    %get3A_278 = arith.constant 0 : index
    %get3A_279 = arith.constant 0 : index
    %get3A_280 = vector.load %arg12[%get3A_278, %get3A_279] : memref<64x256xf32, #tpu.memory_space<vmem>>, vector<64x256xf32>
    %dot_general3A_281 = arith.constant dense<0.000000e+00> : vector<256x256xf32>
    %dot_general3A_282 = tpu.matmul %mul3A_221, %get3A_280, %dot_general3A_281 {dimension_numbers = #tpu.dot_dimension_numbers<[1], [0], [0], [1], [0, 0, 1, 1], [], []>, transpose_lhs_hint = false} : vector<256x64xf32>, vector<64x256xf32>, vector<256x256xf32> -> vector<256x256xf32>
    %add3A_283 = arith.addf %add3A_277, %dot_general3A_282 : vector<256x256xf32>
    %get3A_284 = arith.constant 0 : index
    %get3A_285 = vector.load %arg13[%get3A_284] : memref<256xf32, #tpu.memory_space<vmem>>, vector<256xf32>
    %broadcast_in_dim3A_286 = vector.shape_cast %get3A_285 : vector<256xf32> to vector<1x256xf32>
    %add3A_287 = vector.broadcast %broadcast_in_dim3A_286 : vector<1x256xf32> to vector<256x256xf32>
    %add3A_288 = arith.addf %add3A_283, %add3A_287 : vector<256x256xf32>
    %slice3A_289 = vector.extract_strided_slice %add3A_288 {offsets = [0, 0], sizes = [256, 64], strides = [1, 1]} : vector<256x256xf32> to vector<256x64xf32>
    %logistic3A_290 = arith.negf %slice3A_289 : vector<256x64xf32>
    %logistic3A_291 = math.exp %logistic3A_290 : vector<256x64xf32>
    %logistic3A_292 = arith.constant 1.000000e+00 : f32
    %logistic3A_293 = vector.broadcast %logistic3A_292 : f32 to vector<256x64xf32>
    %logistic3A_294 = arith.addf %logistic3A_293, %logistic3A_291 : vector<256x64xf32>
    %logistic3A_295 = arith.divf %logistic3A_293, %logistic3A_294 : vector<256x64xf32>
    %slice3A_296 = vector.extract_strided_slice %add3A_288 {offsets = [0, 64], sizes = [256, 64], strides = [1, 1]} : vector<256x256xf32> to vector<256x64xf32>
    %logistic3A_297 = arith.negf %slice3A_296 : vector<256x64xf32>
    %logistic3A_298 = math.exp %logistic3A_297 : vector<256x64xf32>
    %logistic3A_299 = arith.constant 1.000000e+00 : f32
    %logistic3A_300 = vector.broadcast %logistic3A_299 : f32 to vector<256x64xf32>
    %logistic3A_301 = arith.addf %logistic3A_300, %logistic3A_298 : vector<256x64xf32>
    %logistic3A_302 = arith.divf %logistic3A_300, %logistic3A_301 : vector<256x64xf32>
    %slice3A_303 = vector.extract_strided_slice %add3A_288 {offsets = [0, 128], sizes = [256, 64], strides = [1, 1]} : vector<256x256xf32> to vector<256x64xf32>
    %tanh3A_304 = math.tanh %slice3A_303 : vector<256x64xf32>
    %slice3A_305 = vector.extract_strided_slice %add3A_288 {offsets = [0, 192], sizes = [256, 64], strides = [1, 1]} : vector<256x256xf32> to vector<256x64xf32>
    %logistic3A_306 = arith.negf %slice3A_305 : vector<256x64xf32>
    %logistic3A_307 = math.exp %logistic3A_306 : vector<256x64xf32>
    %logistic3A_308 = arith.constant 1.000000e+00 : f32
    %logistic3A_309 = vector.broadcast %logistic3A_308 : f32 to vector<256x64xf32>
    %logistic3A_310 = arith.addf %logistic3A_309, %logistic3A_307 : vector<256x64xf32>
    %logistic3A_311 = arith.divf %logistic3A_309, %logistic3A_310 : vector<256x64xf32>
    %mul3A_312 = arith.mulf %logistic3A_302, %add3A_219 : vector<256x64xf32>
    %mul3A_313 = arith.mulf %logistic3A_295, %tanh3A_304 : vector<256x64xf32>
    %add3A_314 = arith.addf %mul3A_312, %mul3A_313 : vector<256x64xf32>
    %tanh3A_315 = math.tanh %add3A_314 : vector<256x64xf32>
    %mul3A_316 = arith.mulf %logistic3A_311, %tanh3A_315 : vector<256x64xf32>
    %dot_general3A_317 = arith.constant dense<0.000000e+00> : vector<5000x64xf32>
    %dot_general3A_318 = tpu.matmul %convert_element_type3A_77, %mul3A_316, %dot_general3A_317 {dimension_numbers = #tpu.dot_dimension_numbers<[1], [0], [0], [1], [0, 0, 1, 1], [], []>, transpose_lhs_hint = false} : vector<5000x256xf32>, vector<256x64xf32>, vector<5000x64xf32> -> vector<5000x64xf32>
    %mul3A_319 = arith.mulf %add3A_72, %dot_general3A_318 : vector<5000x64xf32>
    %reduce_sum3A_320 = arith.constant dense<0.000000e+00> : vector<5000xf32>
    %reduce_sum3A_321 = vector.multi_reduction <add>, %mul3A_319, %reduce_sum3A_320 [1] : vector<5000x64xf32> to vector<5000xf32>
    %broadcast_in_dim3A_322 = vector.shape_cast %reduce_sum3A_321 : vector<5000xf32> to vector<5000x1xf32>
    %jit3A_323 = arith.constant -9.99999968E+37 : f32
    %broadcast_in_dim3A_324 = vector.shape_cast %broadcast_in_dim3A_322 : vector<5000x1xf32> to vector<5000x1xf32>
    %broadcast_in_dim3A_325 = vector.broadcast %broadcast_in_dim3A_324 : vector<5000x1xf32> to vector<5000x256xf32>
    %broadcast_in_dim3A_326 = vector.broadcast %jit3A_323 : f32 to vector<5000x256xf32>
    %select_n3A_327 = arith.select %eq3A_76, %broadcast_in_dim3A_325, %broadcast_in_dim3A_326 : vector<5000x256xi1>, vector<5000x256xf32>
    %reduce_max3A_328 = arith.constant dense<0xFF800000> : vector<256xf32>
    %reduce_max3A_329 = vector.multi_reduction <maximumf>, %select_n3A_327, %reduce_max3A_328 [0] : vector<5000x256xf32> to vector<256xf32>
    %broadcast_in_dim3A_330 = vector.shape_cast %reduce_max3A_329 : vector<256xf32> to vector<1x256xf32>
    %lt3A_331 = arith.constant -9.99999993E+36 : f32
    %lt3A_332 = vector.broadcast %lt3A_331 : f32 to vector<1x256xf32>
    %lt3A_333 = arith.cmpf olt, %broadcast_in_dim3A_330, %lt3A_332 : vector<1x256xf32>
    %jit3A_334 = arith.constant 0.000000e+00 : f32
    %broadcast_in_dim3A_335 = vector.broadcast %jit3A_334 : f32 to vector<1x256xf32>
    %select_n3A_336 = arith.select %lt3A_333, %broadcast_in_dim3A_335, %broadcast_in_dim3A_330 : vector<1x256xi1>, vector<1x256xf32>
    %mul3A_337 = vector.broadcast %select_n3A_336 : vector<1x256xf32> to vector<5000x256xf32>
    %mul3A_338 = arith.mulf %convert_element_type3A_77, %mul3A_337 : vector<5000x256xf32>
    %reduce_sum3A_339 = arith.constant dense<0.000000e+00> : vector<5000xf32>
    %reduce_sum3A_340 = vector.multi_reduction <add>, %mul3A_338, %reduce_sum3A_339 [1] : vector<5000x256xf32> to vector<5000xf32>
    %broadcast_in_dim3A_341 = vector.shape_cast %reduce_sum3A_340 : vector<5000xf32> to vector<5000x1xf32>
    %sub3A_342 = arith.subf %broadcast_in_dim3A_322, %broadcast_in_dim3A_341 : vector<5000x1xf32>
    %exp3A_343 = math.exp %sub3A_342 : vector<5000x1xf32>
    %mul3A_344 = vector.broadcast %exp3A_343 : vector<5000x1xf32> to vector<5000x256xf32>
    %mul3A_345 = arith.mulf %convert_element_type3A_77, %mul3A_344 : vector<5000x256xf32>
    %reduce_sum3A_346 = arith.constant dense<0.000000e+00> : vector<256xf32>
    %reduce_sum3A_347 = vector.multi_reduction <add>, %mul3A_345, %reduce_sum3A_346 [0] : vector<5000x256xf32> to vector<256xf32>
    %broadcast_in_dim3A_348 = vector.shape_cast %reduce_sum3A_347 : vector<256xf32> to vector<1x256xf32>
    %mul3A_349 = vector.broadcast %broadcast_in_dim3A_348 : vector<1x256xf32> to vector<5000x256xf32>
    %mul3A_350 = arith.mulf %convert_element_type3A_77, %mul3A_349 : vector<5000x256xf32>
    %reduce_sum3A_351 = arith.constant dense<0.000000e+00> : vector<5000xf32>
    %reduce_sum3A_352 = vector.multi_reduction <add>, %mul3A_350, %reduce_sum3A_351 [1] : vector<5000x256xf32> to vector<5000xf32>
    %broadcast_in_dim3A_353 = vector.shape_cast %reduce_sum3A_352 : vector<5000xf32> to vector<5000x1xf32>
    %add3A_354 = arith.constant 1.000000e-16 : f32
    %add3A_355 = vector.broadcast %add3A_354 : f32 to vector<5000x1xf32>
    %add3A_356 = arith.addf %broadcast_in_dim3A_353, %add3A_355 : vector<5000x1xf32>
    %div3A_357 = arith.divf %exp3A_343, %add3A_356 : vector<5000x1xf32>
    %mul3A_358 = vector.broadcast %div3A_357 : vector<5000x1xf32> to vector<5000x256xf32>
    %mul3A_359 = arith.mulf %convert_element_type3A_77, %mul3A_358 : vector<5000x256xf32>
    %dot_general3A_360 = arith.constant dense<0.000000e+00> : vector<256x64xf32>
    %dot_general3A_361 = tpu.matmul %mul3A_359, %add3A_72, %dot_general3A_360 {dimension_numbers = #tpu.dot_dimension_numbers<[0], [0], [1], [1], [0, 1, 1, 1], [], []>, transpose_lhs_hint = false} : vector<5000x256xf32>, vector<5000x64xf32>, vector<256x64xf32> -> vector<256x64xf32>
    %concatenate3A_362 = tpu.concatenate %mul3A_316, %dot_general3A_361 in 1 : vector<256x64xf32>, vector<256x64xf32> -> vector<256x128xf32>
    %get3A_363 = arith.constant 0 : index
    %get3A_364 = arith.constant 0 : index
    %get3A_365 = vector.load %arg14[%get3A_363, %get3A_364] : memref<128x64xf32, #tpu.memory_space<vmem>>, vector<128x64xf32>
    %dot_general3A_366 = arith.constant dense<0.000000e+00> : vector<256x64xf32>
    %dot_general3A_367 = tpu.matmul %concatenate3A_362, %get3A_365, %dot_general3A_366 {dimension_numbers = #tpu.dot_dimension_numbers<[1], [0], [0], [1], [0, 0, 1, 1], [], []>, transpose_lhs_hint = false} : vector<256x128xf32>, vector<128x64xf32>, vector<256x64xf32> -> vector<256x64xf32>
    %get3A_368 = arith.constant 0 : index
    %get3A_369 = vector.load %arg15[%get3A_368] : memref<64xf32, #tpu.memory_space<vmem>>, vector<64xf32>
    %broadcast_in_dim3A_370 = vector.shape_cast %get3A_369 : vector<64xf32> to vector<1x64xf32>
    %add3A_371 = vector.broadcast %broadcast_in_dim3A_370 : vector<1x64xf32> to vector<256x64xf32>
    %add3A_372 = arith.addf %dot_general3A_367, %add3A_371 : vector<256x64xf32>
    %max3A_373 = arith.constant 0.000000e+00 : f32
    %max3A_374 = vector.broadcast %max3A_373 : f32 to vector<256x64xf32>
    %max3A_375 = arith.maximumf %add3A_372, %max3A_374 : vector<256x64xf32>
    %get3A_376 = arith.constant 0 : index
    %get3A_377 = arith.constant 0 : index
    %get3A_378 = vector.load %arg16[%get3A_376, %get3A_377] : memref<64x1xf32, #tpu.memory_space<vmem>>, vector<64x1xf32>
    %dot_general3A_379 = arith.constant dense<0.000000e+00> : vector<256x1xf32>
    %dot_general3A_380 = tpu.matmul %max3A_375, %get3A_378, %dot_general3A_379 {dimension_numbers = #tpu.dot_dimension_numbers<[1], [0], [0], [1], [0, 0, 1, 1], [], []>, transpose_lhs_hint = false} : vector<256x64xf32>, vector<64x1xf32>, vector<256x1xf32> -> vector<256x1xf32>
    %get3A_381 = arith.constant 0 : index
    %get3A_382 = vector.load %arg17[%get3A_381] : memref<1xf32, #tpu.memory_space<vmem>>, vector<1xf32>
    %broadcast_in_dim3A_383 = vector.shape_cast %get3A_382 : vector<1xf32> to vector<1x1xf32>
    %add3A_384 = vector.broadcast %broadcast_in_dim3A_383 : vector<1x1xf32> to vector<256x1xf32>
    %add3A_385 = arith.addf %dot_general3A_380, %add3A_384 : vector<256x1xf32>
    %swap3A = arith.constant 0 : index
    %swap3A_386 = arith.constant 0 : index
    %swap3A_387 = vector.load %arg18[%swap3A, %swap3A_386] : memref<256x1xf32, #tpu.memory_space<vmem>>, vector<256x1xf32>
    tpu.vector_store %arg18[%swap3A, %swap3A_386], %add3A_385 {strides = array<i32>} : memref<256x1xf32, #tpu.memory_space<vmem>>, vector<256x1xf32>,
    return
  }
}

</mosaic_0001>

<sc_bundles>
// kernel: kernel.16.cloned.1.call-start
scs
__scs_entry_jumppad:
0x0: {  	(pc) =	sbr.rel $0x88, $3  }
0x1: {  	(tag) =	ssettag $0x0;
	lr =	simm.s32 $0x1  }
0x2: {  	[smem:$0x3F89] =	sst lr;
	_ =	strace $0xD0000000  }
0x3: {  	_ = 	snop  }
0x4: {  	_ = 	snop  }
0x5: {  	_ = 	snop  }
0x6: {  	_ = 	snop  }
0x7: {  	_ = 	snop  }
__scs_overlays_trampoline_lowered:
0x8: {  	[smem:$0x3F98] =	sst s0  }
0x9: {  	[smem:$0x3F99] =	sst s1  }
0xa: {  	[smem:$0x3F9A] =	sst s2  }
0xb: {  	[smem:$0x3F9B] =	sst s3  }
0xc: {  	[smem:$0x3F9C] =	sst s4  }
0xd: {  	[smem:$0x3F9D] =	sst s5  }
0xe: {  	[smem:$0x3F9E] =	sst s6  }
0xf: {  	[smem:$0x3F9F] =	sst s7  }
0x10: {  	[smem:$0x3FA0] =	sst s8  }
0x11: {  	[smem:$0x3FA1] =	sst s9;
	s0 =	simm.s32 @!p0 $0x0  }
0x12: {  	s1 =	sld [smem:$0x3F87];
	s0 =	simm.s32 @p0 $0x1  }
0x13: {  	[smem:$0x3FA2] =	sst s0;
	s0 =	simm.s32 @!p1 $0x0  }
0x14: {  	s2 =	sld [smem:$0x3F86];
	s0 =	simm.s32 @p1 $0x1  }
0x15: {  	[smem:$0x3FA3] =	sst s0;
	s0 =	simm.s32 @!p2 $0x0  }
0x16: {  	s3 =	sld [smem:$0x3FDB];
	s0 =	simm.s32 @p2 $0x1  }
0x17: {  	s4 =	simm.s32 $0x1BF5;
	[smem:$0x3FA5] =	sst s0  }
0x18: {  	s0 =	sld [smem:$0x3F88];
	_ =	swait.ge [sflag:s4], $0x0  }
0x19: {  	s7 =	sld [smem:$0x3F89]  }
0x1a: {  	s8 =	sadd.s32 $0xFFFFE003, lr  }
0x1b: {  	s9 =	sadd.s32 $0xFFFFFEF7, lr;
	s5 =	simm.s32 $0xFFFFFFFF;
	p2 =	slt.u32 s8, $0xFFFFF086  }
0x1c: {  	p1 =	slt.u32 s9, $0xF7A;
	s5 =	simm.s32 @!p2 $0x0  }
0x1d: {  	s5 =	simm.s32 @p1 $0x1;
	p0 =	seq.s32 s7, s2  }
0x1e: {  	s7 =	smul.u32 @!p0 $0xF7A, s2;
	p2 =	seq.s32 @!p0 s5, $0x0  }
0x1f: {  	s9 =	smul.u32 $0xF7A, s1;
	s8 =	simm.s32 @!p0 $0x1BF5;
	p2 =	por !p2, p0  }
0x20: {  	[sflag:s8] =	ssyncset.s32 @!p0 $0xFFFFF086;
	s6 =	sadd.s32 @!p0 s3, s7;
	s7 =	simm.s32 @!p0 $0x108  }
0x21: {  	s3 =	sadd.s32 s3, s9;
	s6 =	sadd.s32 @!p0 $0x88, s6;
	s7 =	simm.s32 @p2 $0x1082  }
0x22: {  	[simem:s7], [sflag:s8] =	dma.local @!p0 [hbm:s6], $0xF7A  }
0x23: {  	s9 =	sor.u32 $0xD0000000, s2;
	s6 =	simm.s32 $0x108;
	_ =	swait.ge @!p0 [sflag:s8], $0x0  }
0x24: {  	s3 =	sadd.s32 $0x88, s3;
	s6 =	simm.s32 @!p1 $0x1082;
	[sflag:s4] =	ssyncset.s32 $0xFFFFF086  }
0x25: {  	[simem:s6], [sflag:s4] =	dma.local [hbm:s3], $0xF7A  }
0x26: {  	[smem:$0x3F89] =	sst s1;
	(tag) =	ssettag s2;
	_ =	strace s9  }
0x27: {  	s1 =	sld [smem:$0x3F99]  }
0x28: {  	s2 =	sld [smem:$0x3F9A]  }
0x29: {  	s4 =	sld [smem:$0x3F9C]  }
0x2a: {  	p0 =	seq.s32 s5, $0x0;
	s5 =	sld [smem:$0x3F9D]  }
0x2b: {  	s6 =	sld [smem:$0x3F9E]  }
0x2c: {  	s7 =	sld [smem:$0x3F9F]  }
0x2d: {  	s3 =	simm.s32 $0x108;
	s8 =	sld [smem:$0x3FA0]  }
0x2e: {  	s3 =	simm.s32 @!p0 $0x1082;
	s9 =	sld [smem:$0x3FA1]  }
0x2f: {  	lr =	sadd.s32 s0, s3;
	s0 =	sld [smem:$0x3F98]  }
0x30: {  	s3 =	sld [smem:$0x3F9B]  }
0x31: {  	[smem:$0x3FA4] =	sst s10  }
0x32: {  	s10 =	sld [smem:$0x3FA2];
	_ =	sdelay $0x3  }
0x33: {  	p0 =	seq.s32 s10, $0x1;
	s10 =	sld [smem:$0x3FA4];
	_ =	sdelay $0x3  }
0x34: {  	[smem:$0x3FA4] =	sst s10  }
0x35: {  	s10 =	sld [smem:$0x3FA3];
	_ =	sdelay $0x3  }
0x36: {  	p1 =	seq.s32 s10, $0x1;
	s10 =	sld [smem:$0x3FA4];
	_ =	sdelay $0x3  }
0x37: {  	[smem:$0x3FA4] =	sst s10  }
0x38: {  	s10 =	sld [smem:$0x3FA5]  }
0x39: {  	_ = 	snop;
	(pc) =	sbr.ind lr, $3  }
0x3a: {  	_ = 	snop  }
0x3b: {  	_ = 	snop  }
0x3c: {  	p2 =	seq.s32 s10, $0x1;
	s10 =	sld [smem:$0x3FA4]  }
0x3d: {  	_ =	shalt  }
0x3e: {  	_ =	shalt  }
0x3f: {  	_ =	shalt  }
0x40: {  	_ =	shalt  }
0x41: {  	_ =	shalt  }
0x42: {  	_ =	shalt  }
0x43: {  	_ =	shalt  }
0x44: {  	_ =	shalt  }
0x45: {  	_ =	shalt  }
0x46: {  	_ =	shalt  }
0x47: {  	_ =	shalt  }
0x48: {  	_ =	shalt  }
0x49: {  	_ =	shalt  }
0x4a: {  	_ =	shalt  }
0x4b: {  	_ =	shalt  }
0x4c: {  	_ =	shalt  }
0x4d: {  	_ =	shalt  }
0x4e: {  	_ =	shalt  }
0x4f: {  	_ =	shalt  }
0x50: {  	_ =	shalt  }
0x51: {  	_ =	shalt  }
0x52: {  	_ =	shalt  }
0x53: {  	_ =	shalt  }
0x54: {  	_ =	shalt  }
0x55: {  	_ =	shalt  }
0x56: {  	_ =	shalt  }
0x57: {  	_ =	shalt  }
0x58: {  	_ =	shalt  }
0x59: {  	_ =	shalt  }
0x5a: {  	_ =	shalt  }
0x5b: {  	_ =	shalt  }
0x5c: {  	_ =	shalt  }
0x5d: {  	_ =	shalt  }
0x5e: {  	_ =	shalt  }
0x5f: {  	_ =	shalt  }
0x60: {  	_ =	shalt  }
0x61: {  	_ =	shalt  }
0x62: {  	_ =	shalt  }
0x63: {  	_ =	shalt  }
0x64: {  	_ =	shalt  }
0x65: {  	_ =	shalt  }
0x66: {  	_ =	shalt  }
0x67: {  	_ =	shalt  }
0x68: {  	_ =	shalt  }
0x69: {  	_ =	shalt  }
0x6a: {  	_ =	shalt  }
0x6b: {  	_ =	shalt  }
0x6c: {  	_ =	shalt  }
0x6d: {  	_ =	shalt  }
0x6e: {  	_ =	shalt  }
0x6f: {  	_ =	shalt  }
0x70: {  	_ =	shalt  }
0x71: {  	_ =	shalt  }
0x72: {  	_ =	shalt  }
0x73: {  	_ =	shalt  }
0x74: {  	_ =	shalt  }
0x75: {  	_ =	shalt  }
0x76: {  	_ =	shalt  }
0x77: {  	_ =	shalt  }
0x78: {  	_ =	shalt  }
0x79: {  	_ =	shalt  }
0x7a: {  	_ =	shalt  }
0x7b: {  	_ =	shalt  }
0x7c: {  	_ =	shalt  }
0x7d: {  	_ =	shalt  }
0x7e: {  	_ =	shalt  }
0x7f: {  	_ =	shalt  }
0x80: {  	_ =	shalt  }
0x81: {  	_ =	shalt  }
0x82: {  	_ =	shalt  }
0x83: {  	_ =	shalt  }
0x84: {  	_ =	shalt  }
0x85: {  	_ =	shalt  }
0x86: {  	_ =	shalt  }
0x87: {  	_ =	shalt  }
.Lfunc_end0:
.L_simem_size_0:
called_computation_lowered:
.L_overlay_start_0:
0x88: {  	s2 =	sld [smem:$0x3FD9]  }
0x89: {  	s3 =	sld [smem:$0x3FFE];
	_ =	sdelay $0x1  }
0x8a: {  	s1 =	srdreg.scid  }
0x8b: {  	s0 =	sand.u32 $0x1, s1  }
0x8c: {  	s17 =	sshll.u32 s0, $0xA;
	s2 =	sadd.s32 s3, s2  }
0x8d: {  	s2 =	sadd.s32 s2, s17  }
0x8e: {  	[smem:$0x3FB0] =	sst s2  }
0x8f: {  	_ = 	snop  }
0x90: {  	(tm) =	ssettm $0x1  }
0x91: {  	s18 =	sld [smem:$0x3FFB];
	_ =	sdelay $0x3  }
0x92: {  	_ =	strace s18  }
0x93: {  	s2 =	sld [smem:$0x3FFC];
	_ =	sdelay $0x3  }
0x94: {  	_ =	strace s2  }
0x95: {  	s2 =	sld [smem:$0x3FFD];
	_ =	sdelay $0x3  }
0x96: {  	_ =	strace s2  }
0x97: {  	_ =	strace $0x8FFFFFFF  }
0x98: {  	s19 =	sld [smem:$0x3FDB];
	_ =	sdelay $0x1  }
0x99: {  	s20 =	simm.s32 $_scs_section_size  }
0x9a: {  	s4 =	simm.s32 $_size__tile_overlayer_lowered;
	s5 =	simm.s32 $_tile_overlayer_lowered  }
0x9b: {  	s6 =	simm.s32 $0x1BFF;
	s21 =	sshll.u32 s5, $0x1;
	s3 =	sadd.s32 s20, s19  }
0x9c: {  	s22 =	simm.s32 $0x0;
	s4 =	sshll.u32 s4, $0x1;
	s5 =	sadd.s32 s21, s3  }
0x9d: {  	[timem:s22], [sflag:s6] =	dma.local [hbm:s5], s4  }
0x9e: {  	_ =	swait.ge [sflag:s6], s4  }
0x9f: {  	s4 =	ssub.s32 $0x0, s4;
	[sflag:s6] =	ssyncset.done $0x0  }
0xa0: {  	[sflag:s6] =	ssyncadd.s32 s4;
	_ =	sdelay $0x1  }
0xa1: {  	s23 =	simm.s32 $0x1B8B  }
0xa2: {  	_ =	swait.ge [sflag:s23], $0x1  }
0xa3: {  	[sflag:s23] =	ssyncset.done $0x0  }
0xa4: {  	[sflag:s23] =	ssyncadd.s32 $0xFFFFFFFF  }
0xa5: {  	s4 =	sld [smem:$0x0]  }
0xa6: {  	s5 =	sand.u32 $0xFFFFFFFE, s1  }
0xa7: {  	p0 =	sne.s32 s1, s5  }
0xa8: {  	s5 =	sshll.u32 @p0 s5, $0xE  }
0xa9: {  	s5 =	sadd.s32 @p0 $0x11B8D, s5;
	s6 =	sshll.u32 @p0 s4, $0x11  }
0xaa: {  	s5 =	sor.u32 @p0 s6, s5  }
0xab: {  	[sflag:s5] =	ssyncadd.remote.s32 @p0 $0x1;
	_ =	sdelay $0x1  }
0xac: {  	s5 =	simm.s32 @p0 $0x1B8D  }
0xad: {  	_ =	swait.eq @p0 [sflag:s5], $0x1  }
0xae: {  	[sflag:s5] =	ssyncadd.s32 @p0 $0xFFFFFFFF  }
0xaf: {  	s6 =	sshll.u32 @!p0 s1, $0xE  }
0xb0: {  	s6 =	sor.u32 @!p0 $0x4000, s6;
	s5 =	simm.s32 @!p0 $0x1B8D  }
0xb1: {  	s4 =	sshll.u32 @!p0 s4, $0x11;
	s6 =	sadd.s32 @!p0 $0x11B8D, s6;
	_ =	swait.eq @!p0 [sflag:s5], $0x1  }
0xb2: {  	s4 =	sor.u32 @!p0 s4, s6;
	[sflag:s5] =	ssyncadd.s32 @!p0 $0xFFFFFFFF  }
0xb3: {  	s25 =	simm.s32 $0x1B8E;
	s24 =	sld [smem:$0x3FFE];
	[sflag:s4] =	ssyncadd.remote.s32 @!p0 $0x1  }
0xb4: {  	s26 =	simm.s32 $execute0_lowered;
	[smem:$0x3FD2] =	sst s25  }
0xb5: {  	s5 =	sshll.u32 s26, $0x1;
	_ =	strace $0x80000049;
	[dreg:$0x1] =	wrdreg $0xFFFFFFFF  }
0xb6: {  	s28 =	simm.s32 $_size_execute0_lowered;
	s3 =	sadd.s32 s3, s5;
	[dreg:$0x0] =	wrdreg $0x0  }
0xb7: {  	s5 =	sshll.u32 s28, $0x1;
	[dreg:$0x2] =	wrdreg s3  }
0xb8: {  	[dreg:$0x3] =	wrdreg s5  }
0xb9: {  	[dreg:$0x4] =	wrdreg $0xC0  }
0xba: {  	_ =	task [dreg:s22], $0x5FFFF  }
0xbb: {  	[dreg:$0x1] =	wrdreg $0xFFFFFFFF  }
0xbc: {  	[dreg:$0x0] =	wrdreg $0x60  }
0xbd: {  	[dreg:$0x2] =	wrdreg s24  }
0xbe: {  	[dreg:$0x3] =	wrdreg $0xB400  }
0xbf: {  	[dreg:$0x4] =	wrdreg $0x9  }
0xc0: {  	_ =	task.clear_ibuf [dreg:s22], $0x5FFFF;
	_ =	strace $0x90000049  }
0xc1: {  	s29 =	simm.s32 $0x9;
	_ =	strace $0x8000004B  }
0xc2: {  	_ =	swait.ge [sflag:s29], $0x1  }
0xc3: {  	[sflag:s29] =	ssyncadd.s32 $0xFFFFFFFF  }
0xc4: {  	_ =	strace $0x9000004B  }
0xc5: {  	_ =	sfence  }
0xc6: {  	s30 =	sld [smem:$0x0];
	_ =	sdelay $0x2  }
0xc7: {  	s31 =	sshll.u32 s1, $0xD;
	s1 =	sshrl.u32 s1, $0x2  }
0xc8: {  	s4 =	sand.u32 $0x4000, s31;
	s1 =	sadd.s32 s1, s30  }
0xc9: {  	s0 =	sor.u32 s4, s0;
	s1 =	sshll.u32 s1, $0x11  }
0xca: {  	s0 =	sor.u32 s1, s0  }
0xcb: {  	s0 =	sadd.s32 $0x8F2B, s0  }
0xcc: {  	[sflag:s0] =	ssyncadd.remote.s32 $0x1  }
0xcd: {  	_ =	sfence.sel $0xFFFF  }
0xce: {  	[dreg:$0x0] =	wrdreg $0xFFFFFFFF;
	(pc) =	sbr.abs _section_cstart, $3  }
0xcf: {  	[dreg:$0x1] =	wrdreg $0xFFFFFFFF  }
0xd0: {  	_ =	task.clear_ibuf [dreg:s22], $0x2FFFF;
	_ =	strace $0x9FFFFFFF  }
0xd1: {  	(tm) =	ssettm $0x7FFFFFFF  }
tec
execute0_lowered:
.L_overlay_start_1:
0x0: {  	(tag) =	ssettag $0x1  }
0x1: {  	s18 =	rddreg [dreg:$0x0];
	s1 =	stileid.u32  }
0x2: {  	s2 =	rddreg [dreg:$0x1];
	s4 =	smul.u32 $0x5000, s1  }
0x3: {  	s0 =	rddreg [dreg:$0x2];
	s3 =	simm.s32 $0x0  }
0x4: {  	[smem:$0x7FF] =	sst s3;
	s29 =	sshll.u32 s1, $0x6;
	s5 =	sshrl.u32 s4, $0x2  }
0x5: {  	_ =	strace $0x8000004A;
	s4 =	sadd.s32 $0x19600, s18;
	s6 =	sadd.s32 s5, s2  }
0x6: {  	s5 =	sor.u32 $0x1C01, s29;
	s7 =	sshrl.u32 s6, $0x3;
	s6 =	simm.s32 $0x1  }
0x7: {  	[spmem:s7], [sflag:s5] =	dma.local [hbm:s4], $0x280  }
0x8: {  	s8 =	srdreg.scid;
	s9 =	simm.s32 $0x3C0;
	_ =	swait.ge [sflag:s6], $0x280  }
0x9: {  	s19 =	sand.u32 $0x1, s8;
	s30 =	sshll.u32 s1, $0x1;
	[sflag:s6] =	ssyncset.done $0x0  }
0xa: {  	s8 =	sadd.s32 $0x19A00, s18;
	s10 =	sor.u32 s19, s30;
	[sflag:s6] =	ssyncadd.s32 $0xFFFFFD80  }
0xb: {  	[tilespmem:s9], [sflag:$0x1] =	stream.linear.gather [hbm4b:s8+s3], $0x780, $0x38;
	[tilespmem:$0x1F40] =	vst v63  }
0xc: {  	s10 =	smul.u32 $0x78, s10;
	_ =	swait.ge [sflag:s6], $0x780  }
0xd: {  	[sflag:s6] =	ssyncset.done $0x0  }
0xe: {  	s10 =	sadd.s32 s10, s18;
	[sflag:s6] =	ssyncadd.s32 $0xFFFFF880  }
0xf: {  	s10 =	sadd.s32 $0x18600, s10;
	[bflag:$0x0] =	sbarrier.arrive $0xFFFF  }
0x10: {  	[tilespmem:s3], [sflag:$0x1] =	stream.linear.gather [hbm4b:s10+s3], $0x3C0, $0x38;
	[tilespmem:$0x1F40] =	vst v63  }
0x11: {  	_ =	swait.ge [sflag:s6], $0x3C0  }
0x12: {  	[sflag:s6] =	ssyncset.done $0x0  }
0x13: {  	s11 =	simm.s32 $0x78;
	[sflag:s6] =	ssyncadd.s32 $0xFFFFFC40  }
0x14: {  	[spmem:s2] =	stream.indirect.scatter.add.f32 [tilespmem:s9], [sflag:$0x1], $0x10, s3, s11, $0xb8;
	[tilespmem:$0x1F40] =	vst v63  }
0x15: {  	_ =	swait.ge [sflag:s6], $0x780  }
0x16: {  	[sflag:s6] =	ssyncset.done $0x0  }
0x17: {  	[sflag:s6] =	ssyncadd.s32 $0xFFFFF880  }
0x18: {  	[spmem:s2] =	stream.indirect.scatter.add.f32 [tilespmem:s9], [sflag:$0x1], $0x10, s11, s11, $0xb8;
	[tilespmem:$0x1F40] =	vst v63  }
0x19: {  	_ =	swait.ge [sflag:s6], $0x780  }
0x1a: {  	[sflag:s6] =	ssyncset.done $0x0  }
0x1b: {  	s12 =	simm.s32 $0xF0;
	[sflag:s6] =	ssyncadd.s32 $0xFFFFF880  }
0x1c: {  	[spmem:s2] =	stream.indirect.scatter.add.f32 [tilespmem:s9], [sflag:$0x1], $0x10, s12, s11, $0xb8;
	[tilespmem:$0x1F40] =	vst v63  }
0x1d: {  	_ =	swait.ge [sflag:s6], $0x780  }
0x1e: {  	[sflag:s6] =	ssyncset.done $0x0  }
0x1f: {  	s13 =	simm.s32 $0x168;
	[sflag:s6] =	ssyncadd.s32 $0xFFFFF880  }
0x20: {  	[spmem:s2] =	stream.indirect.scatter.add.f32 [tilespmem:s9], [sflag:$0x1], $0x10, s13, s11, $0xb8;
	[tilespmem:$0x1F40] =	vst v63  }
0x21: {  	_ =	swait.ge [sflag:s6], $0x780  }
0x22: {  	[sflag:s6] =	ssyncset.done $0x0  }
0x23: {  	s14 =	simm.s32 $0x1E0;
	[sflag:s6] =	ssyncadd.s32 $0xFFFFF880  }
0x24: {  	[spmem:s2] =	stream.indirect.scatter.add.f32 [tilespmem:s9], [sflag:$0x1], $0x10, s14, s11, $0xb8;
	[tilespmem:$0x1F40] =	vst v63  }
0x25: {  	_ =	swait.ge [sflag:s6], $0x780  }
0x26: {  	[sflag:s6] =	ssyncset.done $0x0  }
0x27: {  	s15 =	simm.s32 $0x258;
	[sflag:s6] =	ssyncadd.s32 $0xFFFFF880  }
0x28: {  	[spmem:s2] =	stream.indirect.scatter.add.f32 [tilespmem:s9], [sflag:$0x1], $0x10, s15, s11, $0xb8;
	[tilespmem:$0x1F40] =	vst v63  }
0x29: {  	_ =	swait.ge [sflag:s6], $0x780  }
0x2a: {  	[sflag:s6] =	ssyncset.done $0x0  }
0x2b: {  	s16 =	simm.s32 $0x2D0;
	[sflag:s6] =	ssyncadd.s32 $0xFFFFF880  }
0x2c: {  	[spmem:s2] =	stream.indirect.scatter.add.f32 [tilespmem:s9], [sflag:$0x1], $0x10, s16, s11, $0xb8;
	[tilespmem:$0x1F40] =	vst v63  }
0x2d: {  	s20 =	smul.u32 $0x2800, s19;
	s19 =	ssub.s32 $0x2, s19;
	_ =	swait.ge [sflag:s6], $0x780  }
0x2e: {  	s17 =	simm.s32 $0x348;
	s31 =	sshrl.u32 s19, $0x1;
	[sflag:s6] =	ssyncset.done $0x0  }
0x2f: {  	s21 =	smul.u32 $0x280, s1;
	s19 =	ssub.s32 s19, s31;
	[sflag:s6] =	ssyncadd.s32 $0xFFFFF880  }
0x30: {  	[spmem:s2] =	stream.indirect.scatter.add.f32 [tilespmem:s9], [sflag:$0x1], $0x10, s17, s11, $0xb8;
	[tilespmem:$0x1F40] =	vst v63  }
0x31: {  	s19 =	smax.u32 s19, $0x1;
	_ =	swait.ge [sflag:s6], $0x780  }
0x32: {  	s20 =	sadd.s32 s21, s20;
	p0 =	sne.s32 s19, $0x1;
	[sflag:s6] =	ssyncset.done $0x0  }
.Ltmp0:
0x33: {  	s18 =	sadd.s32 s20, s18;
	[sflag:s6] =	ssyncadd.s32 $0xFFFFF880;
	(pc) =	sbr.rel @!p0 .LBB2_2-.Ltmp0, $4  }
0x34: {  	s18 =	sadd.s32 $0x19C00, s18;
	[bflag:$0x0] =	sbarrier.arrive $0xFFFF  }
0x35: {  	[hbm:s18], [sflag:s5] =	dma.local [spmem:s7], $0x280  }
0x36: {  	_ =	swait.ge [sflag:s6], $0x280  }
0x37: {  	s19 =	sadd.s32 $0xFFFFFFFF, s19;
	[sflag:s6] =	ssyncset.done $0x0  }
.LBB2_1:
0x38: {  	p0 =	sne.s32 s19, $0x1;
	s19 =	sadd.s32 $0xFFFFFFFF, s19;
	[sflag:s6] =	ssyncadd.s32 $0xFFFFFD80  }
0x39: {  	[spmem:s7], [sflag:s5] =	dma.local [hbm:s4], $0x280  }
0x3a: {  	_ =	swait.ge [sflag:s6], $0x280  }
0x3b: {  	[sflag:s6] =	ssyncset.done $0x0  }
0x3c: {  	[sflag:s6] =	ssyncadd.s32 $0xFFFFFD80  }
0x3d: {  	[tilespmem:s9], [sflag:$0x1] =	stream.linear.gather [hbm4b:s8+s3], $0x780, $0x38;
	[tilespmem:$0x1F40] =	vst v63  }
0x3e: {  	_ =	swait.ge [sflag:s6], $0x780  }
0x3f: {  	[sflag:s6] =	ssyncset.done $0x0  }
0x40: {  	[sflag:s6] =	ssyncadd.s32 $0xFFFFF880  }
0x41: {  	[bflag:$0x0] =	sbarrier.arrive $0xFFFF  }
0x42: {  	[tilespmem:s3], [sflag:$0x1] =	stream.linear.gather [hbm4b:s10+s3], $0x3C0, $0x38;
	[tilespmem:$0x1F40] =	vst v63  }
0x43: {  	_ =	swait.ge [sflag:s6], $0x3C0  }
0x44: {  	[sflag:s6] =	ssyncset.done $0x0  }
0x45: {  	[sflag:s6] =	ssyncadd.s32 $0xFFFFFC40  }
0x46: {  	[spmem:s2] =	stream.indirect.scatter.add.f32 [tilespmem:s9], [sflag:$0x1], $0x10, s3, s11, $0xb8;
	[tilespmem:$0x1F40] =	vst v63  }
0x47: {  	_ =	swait.ge [sflag:s6], $0x780  }
0x48: {  	[sflag:s6] =	ssyncset.done $0x0  }
0x49: {  	[sflag:s6] =	ssyncadd.s32 $0xFFFFF880  }
0x4a: {  	[spmem:s2] =	stream.indirect.scatter.add.f32 [tilespmem:s9], [sflag:$0x1], $0x10, s11, s11, $0xb8;
	[tilespmem:$0x1F40] =	vst v63  }
0x4b: {  	_ =	swait.ge [sflag:s6], $0x780  }
0x4c: {  	[sflag:s6] =	ssyncset.done $0x0  }
0x4d: {  	[sflag:s6] =	ssyncadd.s32 $0xFFFFF880  }
0x4e: {  	[spmem:s2] =	stream.indirect.scatter.add.f32 [tilespmem:s9], [sflag:$0x1], $0x10, s12, s11, $0xb8;
	[tilespmem:$0x1F40] =	vst v63  }
0x4f: {  	_ =	swait.ge [sflag:s6], $0x780  }
0x50: {  	[sflag:s6] =	ssyncset.done $0x0  }
0x51: {  	[sflag:s6] =	ssyncadd.s32 $0xFFFFF880  }
0x52: {  	[spmem:s2] =	stream.indirect.scatter.add.f32 [tilespmem:s9], [sflag:$0x1], $0x10, s13, s11, $0xb8;
	[tilespmem:$0x1F40] =	vst v63  }
0x53: {  	_ =	swait.ge [sflag:s6], $0x780  }
0x54: {  	[sflag:s6] =	ssyncset.done $0x0  }
0x55: {  	[sflag:s6] =	ssyncadd.s32 $0xFFFFF880  }
0x56: {  	[spmem:s2] =	stream.indirect.scatter.add.f32 [tilespmem:s9], [sflag:$0x1], $0x10, s14, s11, $0xb8;
	[tilespmem:$0x1F40] =	vst v63  }
0x57: {  	_ =	swait.ge [sflag:s6], $0x780  }
0x58: {  	[sflag:s6] =	ssyncset.done $0x0  }
0x59: {  	[sflag:s6] =	ssyncadd.s32 $0xFFFFF880  }
0x5a: {  	[spmem:s2] =	stream.indirect.scatter.add.f32 [tilespmem:s9], [sflag:$0x1], $0x10, s15, s11, $0xb8;
	[tilespmem:$0x1F40] =	vst v63  }
0x5b: {  	_ =	swait.ge [sflag:s6], $0x780  }
0x5c: {  	[sflag:s6] =	ssyncset.done $0x0  }
0x5d: {  	[sflag:s6] =	ssyncadd.s32 $0xFFFFF880  }
0x5e: {  	[spmem:s2] =	stream.indirect.scatter.add.f32 [tilespmem:s9], [sflag:$0x1], $0x10, s16, s11, $0xb8;
	[tilespmem:$0x1F40] =	vst v63  }
0x5f: {  	_ =	swait.ge [sflag:s6], $0x780  }
0x60: {  	[sflag:s6] =	ssyncset.done $0x0  }
0x61: {  	[sflag:s6] =	ssyncadd.s32 $0xFFFFF880  }
0x62: {  	[spmem:s2] =	stream.indirect.scatter.add.f32 [tilespmem:s9], [sflag:$0x1], $0x10, s17, s11, $0xb8;
	[tilespmem:$0x1F40] =	vst v63  }
0x63: {  	_ =	swait.ge [sflag:s6], $0x780  }
0x64: {  	[sflag:s6] =	ssyncset.done $0x0  }
.Ltmp1:
0x65: {  	[sflag:s6] =	ssyncadd.s32 $0xFFFFF880;
	(pc) =	sbr.rel @p0 .LBB2_1-.Ltmp1, $4  }
0x66: {  	[bflag:$0x0] =	sbarrier.arrive $0xFFFF  }
0x67: {  	[hbm:s18], [sflag:s5] =	dma.local [spmem:s7], $0x280  }
0x68: {  	_ =	swait.ge [sflag:s6], $0x280  }
0x69: {  	[sflag:s6] =	ssyncset.done $0x0  }
.LBB2_2:
0x6a: {  	[sflag:s6] =	ssyncadd.s32 $0xFFFFFD80  }
0x6b: {  	_ =	sfence.sel $0x180000  }
0x6c: {  	[bflag:$0x0] =	sbarrier.arrive $0xFFFF  }
0x6d: {  	p0 =	sne.s32 s1, $0x0;
	_ =	strace $0x9000004A  }
0x6e: {  	s0 =	sadd.s32 @!p0 $0x100000, s0;
	[bflag:$0x2] =	sbarrier.arrive $0xFFFF  }
0x6f: {  	[sflag:s0] =	ssyncadd.tile.s32 @!p0 $0x1;
	_ =	shalt  }
.Lfunc_end2:
_tile_overlayer_lowered:
.L_overlay_start_2:
0x70: {  	(tag) =	ssettag $0x2  }
0x71: {  	s0 =	rddreg [dreg:$0x0];
	s2 =	stileid.u32  }
0x72: {  	s1 =	rddreg [dreg:$0x1];
	p0 =	sne.s32 s2, $0x0  }
0x73: {  	s3 =	rddreg [dreg:$0x2];
	[bflag:$0x3] =	sbarrier.arrive $0xFFFF;
	s2 =	simm.s32 @!p0 $0x1C01  }
0x74: {  	[timem:s3], [sflag:s2] =	dma.local @!p0 [hbm:s0], s1  }
0x75: {  	s0 =	simm.s32 @!p0 $0x1  }
0x76: {  	_ =	swait.ge @!p0 [sflag:s0], s1  }
0x77: {  	s1 =	ssub.s32 @!p0 $0x0, s1;
	[sflag:s0] =	ssyncset.done @!p0 $0x0  }
0x78: {  	[sflag:s0] =	ssyncadd.s32 @!p0 s1  }
0x79: {  	[bflag:$0x3] =	sbarrier.arrive $0xFFFF  }
0x7a: {  	_ =	shalt  }

// kernel: kernel.19.cloned.1.call-start
scs
__scs_entry_jumppad:
0x0: {  	(pc) =	sbr.rel $0x88, $3  }
0x1: {  	(tag) =	ssettag $0x0;
	lr =	simm.s32 $0x1  }
0x2: {  	[smem:$0x3F89] =	sst lr;
	_ =	strace $0xD0000000  }
0x3: {  	_ = 	snop  }
0x4: {  	_ = 	snop  }
0x5: {  	_ = 	snop  }
0x6: {  	_ = 	snop  }
0x7: {  	_ = 	snop  }
__scs_overlays_trampoline_lowered:
0x8: {  	[smem:$0x3F98] =	sst s0  }
0x9: {  	[smem:$0x3F99] =	sst s1  }
0xa: {  	[smem:$0x3F9A] =	sst s2  }
0xb: {  	[smem:$0x3F9B] =	sst s3  }
0xc: {  	[smem:$0x3F9C] =	sst s4  }
0xd: {  	[smem:$0x3F9D] =	sst s5  }
0xe: {  	[smem:$0x3F9E] =	sst s6  }
0xf: {  	[smem:$0x3F9F] =	sst s7  }
0x10: {  	[smem:$0x3FA0] =	sst s8  }
0x11: {  	[smem:$0x3FA1] =	sst s9;
	s0 =	simm.s32 @!p0 $0x0  }
0x12: {  	s1 =	sld [smem:$0x3F87];
	s0 =	simm.s32 @p0 $0x1  }
0x13: {  	[smem:$0x3FA2] =	sst s0;
	s0 =	simm.s32 @!p1 $0x0  }
0x14: {  	s2 =	sld [smem:$0x3F86];
	s0 =	simm.s32 @p1 $0x1  }
0x15: {  	[smem:$0x3FA3] =	sst s0;
	s0 =	simm.s32 @!p2 $0x0  }
0x16: {  	s3 =	sld [smem:$0x3FDB];
	s0 =	simm.s32 @p2 $0x1  }
0x17: {  	s4 =	simm.s32 $0x1BF5;
	[smem:$0x3FA5] =	sst s0  }
0x18: {  	s0 =	sld [smem:$0x3F88];
	_ =	swait.ge [sflag:s4], $0x0  }
0x19: {  	s7 =	sld [smem:$0x3F89]  }
0x1a: {  	s8 =	sadd.s32 $0xFFFFE003, lr  }
0x1b: {  	s9 =	sadd.s32 $0xFFFFFEF7, lr;
	s5 =	simm.s32 $0xFFFFFFFF;
	p2 =	slt.u32 s8, $0xFFFFF086  }
0x1c: {  	p1 =	slt.u32 s9, $0xF7A;
	s5 =	simm.s32 @!p2 $0x0  }
0x1d: {  	s5 =	simm.s32 @p1 $0x1;
	p0 =	seq.s32 s7, s2  }
0x1e: {  	s7 =	smul.u32 @!p0 $0xF7A, s2;
	p2 =	seq.s32 @!p0 s5, $0x0  }
0x1f: {  	s9 =	smul.u32 $0xF7A, s1;
	s8 =	simm.s32 @!p0 $0x1BF5;
	p2 =	por !p2, p0  }
0x20: {  	[sflag:s8] =	ssyncset.s32 @!p0 $0xFFFFF086;
	s6 =	sadd.s32 @!p0 s3, s7;
	s7 =	simm.s32 @!p0 $0x108  }
0x21: {  	s3 =	sadd.s32 s3, s9;
	s6 =	sadd.s32 @!p0 $0x88, s6;
	s7 =	simm.s32 @p2 $0x1082  }
0x22: {  	[simem:s7], [sflag:s8] =	dma.local @!p0 [hbm:s6], $0xF7A  }
0x23: {  	s9 =	sor.u32 $0xD0000000, s2;
	s6 =	simm.s32 $0x108;
	_ =	swait.ge @!p0 [sflag:s8], $0x0  }
0x24: {  	s3 =	sadd.s32 $0x88, s3;
	s6 =	simm.s32 @!p1 $0x1082;
	[sflag:s4] =	ssyncset.s32 $0xFFFFF086  }
0x25: {  	[simem:s6], [sflag:s4] =	dma.local [hbm:s3], $0xF7A  }
0x26: {  	[smem:$0x3F89] =	sst s1;
	(tag) =	ssettag s2;
	_ =	strace s9  }
0x27: {  	s1 =	sld [smem:$0x3F99]  }
0x28: {  	s2 =	sld [smem:$0x3F9A]  }
0x29: {  	s4 =	sld [smem:$0x3F9C]  }
0x2a: {  	p0 =	seq.s32 s5, $0x0;
	s5 =	sld [smem:$0x3F9D]  }
0x2b: {  	s6 =	sld [smem:$0x3F9E]  }
0x2c: {  	s7 =	sld [smem:$0x3F9F]  }
0x2d: {  	s3 =	simm.s32 $0x108;
	s8 =	sld [smem:$0x3FA0]  }
0x2e: {  	s3 =	simm.s32 @!p0 $0x1082;
	s9 =	sld [smem:$0x3FA1]  }
0x2f: {  	lr =	sadd.s32 s0, s3;
	s0 =	sld [smem:$0x3F98]  }
0x30: {  	s3 =	sld [smem:$0x3F9B]  }
0x31: {  	[smem:$0x3FA4] =	sst s10  }
0x32: {  	s10 =	sld [smem:$0x3FA2];
	_ =	sdelay $0x3  }
0x33: {  	p0 =	seq.s32 s10, $0x1;
	s10 =	sld [smem:$0x3FA4];
	_ =	sdelay $0x3  }
0x34: {  	[smem:$0x3FA4] =	sst s10  }
0x35: {  	s10 =	sld [smem:$0x3FA3];
	_ =	sdelay $0x3  }
0x36: {  	p1 =	seq.s32 s10, $0x1;
	s10 =	sld [smem:$0x3FA4];
	_ =	sdelay $0x3  }
0x37: {  	[smem:$0x3FA4] =	sst s10  }
0x38: {  	s10 =	sld [smem:$0x3FA5]  }
0x39: {  	_ = 	snop;
	(pc) =	sbr.ind lr, $3  }
0x3a: {  	_ = 	snop  }
0x3b: {  	_ = 	snop  }
0x3c: {  	p2 =	seq.s32 s10, $0x1;
	s10 =	sld [smem:$0x3FA4]  }
0x3d: {  	_ =	shalt  }
0x3e: {  	_ =	shalt  }
0x3f: {  	_ =	shalt  }
0x40: {  	_ =	shalt  }
0x41: {  	_ =	shalt  }
0x42: {  	_ =	shalt  }
0x43: {  	_ =	shalt  }
0x44: {  	_ =	shalt  }
0x45: {  	_ =	shalt  }
0x46: {  	_ =	shalt  }
0x47: {  	_ =	shalt  }
0x48: {  	_ =	shalt  }
0x49: {  	_ =	shalt  }
0x4a: {  	_ =	shalt  }
0x4b: {  	_ =	shalt  }
0x4c: {  	_ =	shalt  }
0x4d: {  	_ =	shalt  }
0x4e: {  	_ =	shalt  }
0x4f: {  	_ =	shalt  }
0x50: {  	_ =	shalt  }
0x51: {  	_ =	shalt  }
0x52: {  	_ =	shalt  }
0x53: {  	_ =	shalt  }
0x54: {  	_ =	shalt  }
0x55: {  	_ =	shalt  }
0x56: {  	_ =	shalt  }
0x57: {  	_ =	shalt  }
0x58: {  	_ =	shalt  }
0x59: {  	_ =	shalt  }
0x5a: {  	_ =	shalt  }
0x5b: {  	_ =	shalt  }
0x5c: {  	_ =	shalt  }
0x5d: {  	_ =	shalt  }
0x5e: {  	_ =	shalt  }
0x5f: {  	_ =	shalt  }
0x60: {  	_ =	shalt  }
0x61: {  	_ =	shalt  }
0x62: {  	_ =	shalt  }
0x63: {  	_ =	shalt  }
0x64: {  	_ =	shalt  }
0x65: {  	_ =	shalt  }
0x66: {  	_ =	shalt  }
0x67: {  	_ =	shalt  }
0x68: {  	_ =	shalt  }
0x69: {  	_ =	shalt  }
0x6a: {  	_ =	shalt  }
0x6b: {  	_ =	shalt  }
0x6c: {  	_ =	shalt  }
0x6d: {  	_ =	shalt  }
0x6e: {  	_ =	shalt  }
0x6f: {  	_ =	shalt  }
0x70: {  	_ =	shalt  }
0x71: {  	_ =	shalt  }
0x72: {  	_ =	shalt  }
0x73: {  	_ =	shalt  }
0x74: {  	_ =	shalt  }
0x75: {  	_ =	shalt  }
0x76: {  	_ =	shalt  }
0x77: {  	_ =	shalt  }
0x78: {  	_ =	shalt  }
0x79: {  	_ =	shalt  }
0x7a: {  	_ =	shalt  }
0x7b: {  	_ =	shalt  }
0x7c: {  	_ =	shalt  }
0x7d: {  	_ =	shalt  }
0x7e: {  	_ =	shalt  }
0x7f: {  	_ =	shalt  }
0x80: {  	_ =	shalt  }
0x81: {  	_ =	shalt  }
0x82: {  	_ =	shalt  }
0x83: {  	_ =	shalt  }
0x84: {  	_ =	shalt  }
0x85: {  	_ =	shalt  }
0x86: {  	_ =	shalt  }
0x87: {  	_ =	shalt  }
.Lfunc_end0:
.L_simem_size_0:
called_computation.1_lowered:
.L_overlay_start_0:
0x88: {  	s2 =	sld [smem:$0x3FD9]  }
0x89: {  	s3 =	sld [smem:$0x3FFE];
	_ =	sdelay $0x1  }
0x8a: {  	s1 =	srdreg.scid  }
0x8b: {  	s0 =	sand.u32 $0x1, s1  }
0x8c: {  	s16 =	sshll.u32 s0, $0xA;
	s2 =	sadd.s32 s3, s2  }
0x8d: {  	s2 =	sadd.s32 s2, s16  }
0x8e: {  	[smem:$0x3FB0] =	sst s2  }
0x8f: {  	_ = 	snop  }
0x90: {  	(tm) =	ssettm $0x1  }
0x91: {  	s17 =	sld [smem:$0x3FFB];
	_ =	sdelay $0x3  }
0x92: {  	_ =	strace s17  }
0x93: {  	s2 =	sld [smem:$0x3FFC];
	_ =	sdelay $0x3  }
0x94: {  	_ =	strace s2  }
0x95: {  	s2 =	sld [smem:$0x3FFD];
	_ =	sdelay $0x3  }
0x96: {  	_ =	strace s2  }
0x97: {  	_ =	strace $0x8FFFFFFF  }
0x98: {  	s18 =	sld [smem:$0x3FDB];
	_ =	sdelay $0x1  }
0x99: {  	s19 =	simm.s32 $_scs_section_size  }
0x9a: {  	s4 =	simm.s32 $_size__tile_overlayer_lowered;
	s5 =	simm.s32 $_tile_overlayer_lowered  }
0x9b: {  	s22 =	simm.s32 $0x1BFF;
	s21 =	sshll.u32 s5, $0x1;
	s2 =	sadd.s32 s19, s18  }
0x9c: {  	s6 =	simm.s32 $0x0;
	s20 =	sshll.u32 s4, $0x1;
	s4 =	sadd.s32 s21, s2  }
0x9d: {  	[timem:s6], [sflag:s22] =	dma.local [hbm:s4], s20  }
0x9e: {  	_ =	swait.ge [sflag:s22], s20  }
0x9f: {  	s3 =	ssub.s32 $0x0, s20;
	[sflag:s22] =	ssyncset.done $0x0  }
0xa0: {  	[sflag:s22] =	ssyncadd.s32 s3;
	_ =	sdelay $0x1  }
0xa1: {  	s23 =	simm.s32 $0x1B8B  }
0xa2: {  	_ =	swait.ge [sflag:s23], $0x1  }
0xa3: {  	[sflag:s23] =	ssyncset.done $0x0  }
0xa4: {  	s25 =	simm.s32 $0x1B8E;
	s24 =	sld [smem:$0x3FFE];
	[sflag:s23] =	ssyncadd.s32 $0xFFFFFFFF  }
0xa5: {  	s26 =	simm.s32 $execute0_lowered;
	[smem:$0x3FD2] =	sst s25  }
0xa6: {  	s4 =	sshll.u32 s26, $0x1;
	_ =	strace $0x80000046;
	[dreg:$0x1] =	wrdreg $0xFFFFFFFF  }
0xa7: {  	s28 =	simm.s32 $_size_execute0_lowered;
	s2 =	sadd.s32 s2, s4;
	[dreg:$0x0] =	wrdreg $0x0  }
0xa8: {  	s4 =	sshll.u32 s28, $0x1;
	[dreg:$0x2] =	wrdreg s2  }
0xa9: {  	[dreg:$0x3] =	wrdreg s4  }
0xaa: {  	[dreg:$0x4] =	wrdreg $0xC0  }
0xab: {  	_ =	task [dreg:s6], $0x5FFFF  }
0xac: {  	[dreg:$0x1] =	wrdreg $0xFFFFFFFF  }
0xad: {  	[dreg:$0x0] =	wrdreg $0x60  }
0xae: {  	[dreg:$0x2] =	wrdreg s24  }
0xaf: {  	[dreg:$0x3] =	wrdreg $0xF3C00  }
0xb0: {  	[dreg:$0x4] =	wrdreg $0xA  }
0xb1: {  	_ =	task.clear_ibuf [dreg:s6], $0x5FFFF;
	_ =	strace $0x90000046  }
0xb2: {  	s29 =	simm.s32 $0xA;
	_ =	strace $0x80000048  }
0xb3: {  	_ =	swait.ge [sflag:s29], $0x1  }
0xb4: {  	[sflag:s29] =	ssyncadd.s32 $0xFFFFFFFF  }
0xb5: {  	_ =	strace $0x90000048  }
0xb6: {  	_ =	sfence  }
0xb7: {  	s30 =	sld [smem:$0x0];
	_ =	sdelay $0x2  }
0xb8: {  	s31 =	sshll.u32 s1, $0xD;
	s1 =	sshrl.u32 s1, $0x2  }
0xb9: {  	s3 =	sand.u32 $0x4000, s31;
	s1 =	sadd.s32 s1, s30  }
0xba: {  	s0 =	sor.u32 s3, s0;
	s1 =	sshll.u32 s1, $0x11  }
0xbb: {  	s0 =	sor.u32 s1, s0  }
0xbc: {  	s0 =	sadd.s32 $0x8F2B, s0  }
0xbd: {  	[sflag:s0] =	ssyncadd.remote.s32 $0x1  }
0xbe: {  	_ =	sfence.sel $0xFFFF  }
0xbf: {  	[dreg:$0x0] =	wrdreg $0xFFFFFFFF;
	(pc) =	sbr.abs _section_cstart, $3  }
0xc0: {  	[dreg:$0x1] =	wrdreg $0xFFFFFFFF  }
0xc1: {  	_ =	task.clear_ibuf [dreg:s6], $0x2FFFF;
	_ =	strace $0x9FFFFFFF  }
0xc2: {  	(tm) =	ssettm $0x7FFFFFFF  }
0xc3: {  	_ =	shalt  }
tec
execute0_lowered:
.L_overlay_start_1:
0x0: {  	(tag) =	ssettag $0x1  }
0x1: {  	s26 =	rddreg [dreg:$0x0]  }
0x2: {  	s2 =	rddreg [dreg:$0x1]  }
0x3: {  	s1 =	stileid.u32;
	s0 =	rddreg [dreg:$0x2]  }
0x4: {  	s3 =	simm.s32 $0x0;
	s9 =	srdreg.scid;
	s4 =	smul.u32 $0x1400, s1  }
0x5: {  	s5 =	simm.s32 $0x40;
	s6 =	simm.s32 $0x80;
	s8 =	simm.s32 $0x3C0  }
0x6: {  	s7 =	simm.s32 $0x2;
	[smem:$0x7FF] =	sst s3;
	s4 =	sadd.s32 s4, s26  }
0x7: {  	s10 =	smul.u32 $0x14000, s1;
	_ =	strace $0x80000047;
	s4 =	sadd.s32 $0x4600, s4  }
0x8: {  	[tilespmem:s8], [sflag:$0x2] =	stream.strided.gather [hbm4b:s4+s5], $0x5000, s6, s5, $0x38;
	[tilespmem:$0x143C0] =	vst v63  }
0x9: {  	s28 =	sand.u32 $0x1, s9;
	_ =	swait.ge [sflag:s7], $0x5000  }
0xa: {  	s30 =	sshll.u32 s1, $0x1;
	s10 =	sshrl.u32 s10, $0x2;
	[sflag:s7] =	ssyncset.done $0x0  }
0xb: {  	s29 =	sor.u32 s28, s30;
	s9 =	sadd.s32 s10, s2;
	[sflag:s7] =	ssyncadd.s32 $0xFFFFB000  }
0xc: {  	[spmem:s9] =	stream.linear.scatter [tilespmem:s8], [sflag:$0x2], $0x5000, $0x38;
	[tilespmem:$0x143C0] =	vst v63  }
0xd: {  	s31 =	smul.u32 $0x78, s29;
	_ =	swait.ge [sflag:s7], $0x5000  }
0xe: {  	[sflag:s7] =	ssyncset.done $0x0  }
0xf: {  	s10 =	sadd.s32 s31, s26;
	[sflag:s7] =	ssyncadd.s32 $0xFFFFB000  }
0x10: {  	s10 =	sadd.s32 $0x79A00, s10;
	[bflag:$0x0] =	sbarrier.arrive $0xFFFF  }
0x11: {  	[tilespmem:s3], [sflag:$0x2] =	stream.linear.gather [hbm4b:s10+s3], $0x3C0, $0x38;
	[tilespmem:$0x143C0] =	vst v63  }
0x12: {  	_ =	swait.ge [sflag:s7], $0x3C0  }
0x13: {  	[sflag:s7] =	ssyncset.done $0x0  }
0x14: {  	s11 =	simm.s32 $0x78;
	[sflag:s7] =	ssyncadd.s32 $0xFFFFFC40  }
0x15: {  	[tilespmem:s8], [sflag:$0x1] =	stream.indirect.gather [spmem:s2], $0x40, s3, s11, $0xb8;
	[tilespmem:$0x143C0] =	vst v63  }
0x16: {  	s12 =	simm.s32 $0x21C0  }
0x17: {  	[tilespmem:s12], [sflag:$0x1] =	stream.indirect.gather [spmem:s2], $0x40, s11, s11, $0xb8;
	[tilespmem:$0x143C0] =	vst v63  }
0x18: {  	s13 =	simm.s32 $0xF0;
	s14 =	simm.s32 $0x3FC0  }
0x19: {  	[tilespmem:s14], [sflag:$0x1] =	stream.indirect.gather [spmem:s2], $0x40, s13, s11, $0xb8;
	[tilespmem:$0x143C0] =	vst v63  }
0x1a: {  	s15 =	simm.s32 $0x168;
	s16 =	simm.s32 $0x5DC0  }
0x1b: {  	[tilespmem:s16], [sflag:$0x1] =	stream.indirect.gather [spmem:s2], $0x40, s15, s11, $0xb8;
	[tilespmem:$0x143C0] =	vst v63  }
0x1c: {  	s17 =	simm.s32 $0x1E0;
	s18 =	simm.s32 $0x7BC0  }
0x1d: {  	[tilespmem:s18], [sflag:$0x1] =	stream.indirect.gather [spmem:s2], $0x40, s17, s11, $0xb8;
	[tilespmem:$0x143C0] =	vst v63  }
0x1e: {  	s19 =	simm.s32 $0x258;
	s20 =	simm.s32 $0x99C0  }
0x1f: {  	[tilespmem:s20], [sflag:$0x1] =	stream.indirect.gather [spmem:s2], $0x40, s19, s11, $0xb8;
	[tilespmem:$0x143C0] =	vst v63  }
0x20: {  	s21 =	simm.s32 $0x2D0;
	s22 =	simm.s32 $0xB7C0  }
0x21: {  	[tilespmem:s22], [sflag:$0x1] =	stream.indirect.gather [spmem:s2], $0x40, s21, s11, $0xb8;
	[tilespmem:$0x143C0] =	vst v63  }
0x22: {  	s23 =	simm.s32 $0x348;
	s24 =	simm.s32 $0xD5C0;
	s25 =	simm.s32 $0x1  }
0x23: {  	[tilespmem:s24], [sflag:$0x1] =	stream.indirect.gather [spmem:s2], $0x40, s23, s11, $0xb8;
	[tilespmem:$0x143C0] =	vst v63  }
0x24: {  	_ =	swait.ge [sflag:s25], $0x1E00  }
0x25: {  	[sflag:s25] =	ssyncset.done $0x0  }
0x26: {  	[sflag:s25] =	ssyncadd.s32 $0xFFFFE200  }
0x27: {  	_ =	swait.ge [sflag:s25], $0x1E00  }
0x28: {  	[sflag:s25] =	ssyncset.done $0x0  }
0x29: {  	[sflag:s25] =	ssyncadd.s32 $0xFFFFE200  }
0x2a: {  	_ =	swait.ge [sflag:s25], $0x1E00  }
0x2b: {  	[sflag:s25] =	ssyncset.done $0x0  }
0x2c: {  	[sflag:s25] =	ssyncadd.s32 $0xFFFFE200  }
0x2d: {  	_ =	swait.ge [sflag:s25], $0x1E00  }
0x2e: {  	[sflag:s25] =	ssyncset.done $0x0  }
0x2f: {  	[sflag:s25] =	ssyncadd.s32 $0xFFFFE200  }
0x30: {  	_ =	swait.ge [sflag:s25], $0x1E00  }
0x31: {  	[sflag:s25] =	ssyncset.done $0x0  }
0x32: {  	[sflag:s25] =	ssyncadd.s32 $0xFFFFE200  }
0x33: {  	_ =	swait.ge [sflag:s25], $0x1E00  }
0x34: {  	[sflag:s25] =	ssyncset.done $0x0  }
0x35: {  	s28 =	ssub.s32 $0x2, s28;
	[sflag:s25] =	ssyncadd.s32 $0xFFFFE200  }
0x36: {  	s30 =	sshrl.u32 s28, $0x1;
	_ =	swait.ge [sflag:s25], $0x1E00  }
0x37: {  	s28 =	ssub.s32 s28, s30;
	[sflag:s25] =	ssyncset.done $0x0  }
0x38: {  	s29 =	smul.u32 $0x3C00, s29;
	s28 =	smax.u32 s28, $0x1;
	[sflag:s25] =	ssyncadd.s32 $0xFFFFE200  }
0x39: {  	p0 =	sne.s32 s28, $0x1;
	_ =	swait.ge [sflag:s25], $0x1E00  }
.Ltmp0:
0x3a: {  	s26 =	sadd.s32 s29, s26;
	[sflag:s25] =	ssyncset.done $0x0;
	(pc) =	sbr.rel @!p0 .LBB2_2-.Ltmp0, $4  }
0x3b: {  	s26 =	sadd.s32 $0x7AA00, s26;
	[sflag:s25] =	ssyncadd.s32 $0xFFFFE200  }
0x3c: {  	[hbm4b:s26+s5] =	stream.strided.scatter [tilespmem:s8], [sflag:$0x2], $0xF000, s6, s5, $0x38;
	[tilespmem:$0x143C0] =	vst v63  }
0x3d: {  	_ =	swait.ge [sflag:s7], $0xF000  }
0x3e: {  	s28 =	sadd.s32 $0xFFFFFFFF, s28;
	[sflag:s7] =	ssyncset.done $0x0  }
.LBB2_1:
0x3f: {  	p0 =	sne.s32 s28, $0x1;
	s28 =	sadd.s32 $0xFFFFFFFF, s28;
	[sflag:s7] =	ssyncadd.s32 $0xFFFF1000  }
0x40: {  	[tilespmem:s8], [sflag:$0x2] =	stream.strided.gather [hbm4b:s4+s5], $0x5000, s6, s5, $0x38;
	[tilespmem:$0x143C0] =	vst v63  }
0x41: {  	_ =	swait.ge [sflag:s7], $0x5000  }
0x42: {  	[sflag:s7] =	ssyncset.done $0x0  }
0x43: {  	[sflag:s7] =	ssyncadd.s32 $0xFFFFB000  }
0x44: {  	[spmem:s9] =	stream.linear.scatter [tilespmem:s8], [sflag:$0x2], $0x5000, $0x38;
	[tilespmem:$0x143C0] =	vst v63  }
0x45: {  	_ =	swait.ge [sflag:s7], $0x5000  }
0x46: {  	[sflag:s7] =	ssyncset.done $0x0  }
0x47: {  	[sflag:s7] =	ssyncadd.s32 $0xFFFFB000  }
0x48: {  	[bflag:$0x0] =	sbarrier.arrive $0xFFFF  }
0x49: {  	[tilespmem:s3], [sflag:$0x2] =	stream.linear.gather [hbm4b:s10+s3], $0x3C0, $0x38;
	[tilespmem:$0x143C0] =	vst v63  }
0x4a: {  	_ =	swait.ge [sflag:s7], $0x3C0  }
0x4b: {  	[sflag:s7] =	ssyncset.done $0x0  }
0x4c: {  	[sflag:s7] =	ssyncadd.s32 $0xFFFFFC40  }
0x4d: {  	[tilespmem:s8], [sflag:$0x1] =	stream.indirect.gather [spmem:s2], $0x40, s3, s11, $0xb8;
	[tilespmem:$0x143C0] =	vst v63  }
0x4e: {  	_ = 	snop  }
0x4f: {  	[tilespmem:s12], [sflag:$0x1] =	stream.indirect.gather [spmem:s2], $0x40, s11, s11, $0xb8;
	[tilespmem:$0x143C0] =	vst v63  }
0x50: {  	_ = 	snop  }
0x51: {  	[tilespmem:s14], [sflag:$0x1] =	stream.indirect.gather [spmem:s2], $0x40, s13, s11, $0xb8;
	[tilespmem:$0x143C0] =	vst v63  }
0x52: {  	_ = 	snop  }
0x53: {  	[tilespmem:s16], [sflag:$0x1] =	stream.indirect.gather [spmem:s2], $0x40, s15, s11, $0xb8;
	[tilespmem:$0x143C0] =	vst v63  }
0x54: {  	_ = 	snop  }
0x55: {  	[tilespmem:s18], [sflag:$0x1] =	stream.indirect.gather [spmem:s2], $0x40, s17, s11, $0xb8;
	[tilespmem:$0x143C0] =	vst v63  }
0x56: {  	_ = 	snop  }
0x57: {  	[tilespmem:s20], [sflag:$0x1] =	stream.indirect.gather [spmem:s2], $0x40, s19, s11, $0xb8;
	[tilespmem:$0x143C0] =	vst v63  }
0x58: {  	_ = 	snop  }
0x59: {  	[tilespmem:s22], [sflag:$0x1] =	stream.indirect.gather [spmem:s2], $0x40, s21, s11, $0xb8;
	[tilespmem:$0x143C0] =	vst v63  }
0x5a: {  	_ = 	snop  }
0x5b: {  	[tilespmem:s24], [sflag:$0x1] =	stream.indirect.gather [spmem:s2], $0x40, s23, s11, $0xb8;
	[tilespmem:$0x143C0] =	vst v63  }
0x5c: {  	_ =	swait.ge [sflag:s25], $0x1E00  }
0x5d: {  	[sflag:s25] =	ssyncset.done $0x0  }
0x5e: {  	[sflag:s25] =	ssyncadd.s32 $0xFFFFE200  }
0x5f: {  	_ =	swait.ge [sflag:s25], $0x1E00  }
0x60: {  	[sflag:s25] =	ssyncset.done $0x0  }
0x61: {  	[sflag:s25] =	ssyncadd.s32 $0xFFFFE200  }
0x62: {  	_ =	swait.ge [sflag:s25], $0x1E00  }
0x63: {  	[sflag:s25] =	ssyncset.done $0x0  }
0x64: {  	[sflag:s25] =	ssyncadd.s32 $0xFFFFE200  }
0x65: {  	_ =	swait.ge [sflag:s25], $0x1E00  }
0x66: {  	[sflag:s25] =	ssyncset.done $0x0  }
0x67: {  	[sflag:s25] =	ssyncadd.s32 $0xFFFFE200  }
0x68: {  	_ =	swait.ge [sflag:s25], $0x1E00  }
0x69: {  	[sflag:s25] =	ssyncset.done $0x0  }
0x6a: {  	[sflag:s25] =	ssyncadd.s32 $0xFFFFE200  }
0x6b: {  	_ =	swait.ge [sflag:s25], $0x1E00  }
0x6c: {  	[sflag:s25] =	ssyncset.done $0x0  }
0x6d: {  	[sflag:s25] =	ssyncadd.s32 $0xFFFFE200  }
0x6e: {  	_ =	swait.ge [sflag:s25], $0x1E00  }
0x6f: {  	[sflag:s25] =	ssyncset.done $0x0  }
0x70: {  	[sflag:s25] =	ssyncadd.s32 $0xFFFFE200  }
0x71: {  	_ =	swait.ge [sflag:s25], $0x1E00  }
.Ltmp1:
0x72: {  	[sflag:s25] =	ssyncset.done $0x0;
	(pc) =	sbr.rel @p0 .LBB2_1-.Ltmp1, $4  }
0x73: {  	[sflag:s25] =	ssyncadd.s32 $0xFFFFE200  }
0x74: {  	[hbm4b:s26+s5] =	stream.strided.scatter [tilespmem:s8], [sflag:$0x2], $0xF000, s6, s5, $0x38;
	[tilespmem:$0x143C0] =	vst v63  }
0x75: {  	_ =	swait.ge [sflag:s7], $0xF000  }
0x76: {  	[sflag:s7] =	ssyncset.done $0x0  }
.LBB2_2:
0x77: {  	[sflag:s7] =	ssyncadd.s32 $0xFFFF1000  }
0x78: {  	_ =	sfence.sel $0x180000  }
0x79: {  	[bflag:$0x0] =	sbarrier.arrive $0xFFFF  }
0x7a: {  	p0 =	sne.s32 s1, $0x0;
	_ =	strace $0x90000047  }
0x7b: {  	s0 =	sadd.s32 @!p0 $0x100000, s0;
	[bflag:$0x2] =	sbarrier.arrive $0xFFFF  }
0x7c: {  	[sflag:s0] =	ssyncadd.tile.s32 @!p0 $0x1;
	_ =	shalt  }
.Lfunc_end2:
_tile_overlayer_lowered:
.L_overlay_start_2:
0x7d: {  	(tag) =	ssettag $0x2  }
0x7e: {  	s0 =	rddreg [dreg:$0x0];
	s2 =	stileid.u32  }
0x7f: {  	s1 =	rddreg [dreg:$0x1];
	p0 =	sne.s32 s2, $0x0  }
0x80: {  	s3 =	rddreg [dreg:$0x2];
	[bflag:$0x3] =	sbarrier.arrive $0xFFFF;
	s2 =	simm.s32 @!p0 $0x1C02  }
0x81: {  	[timem:s3], [sflag:s2] =	dma.local @!p0 [hbm:s0], s1  }
0x82: {  	s0 =	simm.s32 @!p0 $0x2  }
0x83: {  	_ =	swait.ge @!p0 [sflag:s0], s1  }
0x84: {  	s1 =	ssub.s32 @!p0 $0x0, s1;
	[sflag:s0] =	ssyncset.done @!p0 $0x0  }
0x85: {  	[sflag:s0] =	ssyncadd.s32 @!p0 s1  }
0x86: {  	[bflag:$0x3] =	sbarrier.arrive $0xFFFF  }
0x87: {  	_ =	shalt  }

// kernel: kernel.22.cloned.1.call-start
scs
__scs_entry_jumppad:
0x0: {  	(pc) =	sbr.rel $0x88, $3  }
0x1: {  	(tag) =	ssettag $0x0;
	lr =	simm.s32 $0x1  }
0x2: {  	[smem:$0x3F89] =	sst lr;
	_ =	strace $0xD0000000  }
0x3: {  	_ = 	snop  }
0x4: {  	_ = 	snop  }
0x5: {  	_ = 	snop  }
0x6: {  	_ = 	snop  }
0x7: {  	_ = 	snop  }
__scs_overlays_trampoline_lowered:
0x8: {  	[smem:$0x3F98] =	sst s0  }
0x9: {  	[smem:$0x3F99] =	sst s1  }
0xa: {  	[smem:$0x3F9A] =	sst s2  }
0xb: {  	[smem:$0x3F9B] =	sst s3  }
0xc: {  	[smem:$0x3F9C] =	sst s4  }
0xd: {  	[smem:$0x3F9D] =	sst s5  }
0xe: {  	[smem:$0x3F9E] =	sst s6  }
0xf: {  	[smem:$0x3F9F] =	sst s7  }
0x10: {  	[smem:$0x3FA0] =	sst s8  }
0x11: {  	[smem:$0x3FA1] =	sst s9;
	s0 =	simm.s32 @!p0 $0x0  }
0x12: {  	s1 =	sld [smem:$0x3F87];
	s0 =	simm.s32 @p0 $0x1  }
0x13: {  	[smem:$0x3FA2] =	sst s0;
	s0 =	simm.s32 @!p1 $0x0  }
0x14: {  	s2 =	sld [smem:$0x3F86];
	s0 =	simm.s32 @p1 $0x1  }
0x15: {  	[smem:$0x3FA3] =	sst s0;
	s0 =	simm.s32 @!p2 $0x0  }
0x16: {  	s3 =	sld [smem:$0x3FDB];
	s0 =	simm.s32 @p2 $0x1  }
0x17: {  	s4 =	simm.s32 $0x1BF5;
	[smem:$0x3FA5] =	sst s0  }
0x18: {  	s0 =	sld [smem:$0x3F88];
	_ =	swait.ge [sflag:s4], $0x0  }
0x19: {  	s7 =	sld [smem:$0x3F89]  }
0x1a: {  	s8 =	sadd.s32 $0xFFFFE003, lr  }
0x1b: {  	s9 =	sadd.s32 $0xFFFFFEF7, lr;
	s5 =	simm.s32 $0xFFFFFFFF;
	p2 =	slt.u32 s8, $0xFFFFF086  }
0x1c: {  	p1 =	slt.u32 s9, $0xF7A;
	s5 =	simm.s32 @!p2 $0x0  }
0x1d: {  	s5 =	simm.s32 @p1 $0x1;
	p0 =	seq.s32 s7, s2  }
0x1e: {  	s7 =	smul.u32 @!p0 $0xF7A, s2;
	p2 =	seq.s32 @!p0 s5, $0x0  }
0x1f: {  	s9 =	smul.u32 $0xF7A, s1;
	s8 =	simm.s32 @!p0 $0x1BF5;
	p2 =	por !p2, p0  }
0x20: {  	[sflag:s8] =	ssyncset.s32 @!p0 $0xFFFFF086;
	s6 =	sadd.s32 @!p0 s3, s7;
	s7 =	simm.s32 @!p0 $0x108  }
0x21: {  	s3 =	sadd.s32 s3, s9;
	s6 =	sadd.s32 @!p0 $0x88, s6;
	s7 =	simm.s32 @p2 $0x1082  }
0x22: {  	[simem:s7], [sflag:s8] =	dma.local @!p0 [hbm:s6], $0xF7A  }
0x23: {  	s9 =	sor.u32 $0xD0000000, s2;
	s6 =	simm.s32 $0x108;
	_ =	swait.ge @!p0 [sflag:s8], $0x0  }
0x24: {  	s3 =	sadd.s32 $0x88, s3;
	s6 =	simm.s32 @!p1 $0x1082;
	[sflag:s4] =	ssyncset.s32 $0xFFFFF086  }
0x25: {  	[simem:s6], [sflag:s4] =	dma.local [hbm:s3], $0xF7A  }
0x26: {  	[smem:$0x3F89] =	sst s1;
	(tag) =	ssettag s2;
	_ =	strace s9  }
0x27: {  	s1 =	sld [smem:$0x3F99]  }
0x28: {  	s2 =	sld [smem:$0x3F9A]  }
0x29: {  	s4 =	sld [smem:$0x3F9C]  }
0x2a: {  	p0 =	seq.s32 s5, $0x0;
	s5 =	sld [smem:$0x3F9D]  }
0x2b: {  	s6 =	sld [smem:$0x3F9E]  }
0x2c: {  	s7 =	sld [smem:$0x3F9F]  }
0x2d: {  	s3 =	simm.s32 $0x108;
	s8 =	sld [smem:$0x3FA0]  }
0x2e: {  	s3 =	simm.s32 @!p0 $0x1082;
	s9 =	sld [smem:$0x3FA1]  }
0x2f: {  	lr =	sadd.s32 s0, s3;
	s0 =	sld [smem:$0x3F98]  }
0x30: {  	s3 =	sld [smem:$0x3F9B]  }
0x31: {  	[smem:$0x3FA4] =	sst s10  }
0x32: {  	s10 =	sld [smem:$0x3FA2];
	_ =	sdelay $0x3  }
0x33: {  	p0 =	seq.s32 s10, $0x1;
	s10 =	sld [smem:$0x3FA4];
	_ =	sdelay $0x3  }
0x34: {  	[smem:$0x3FA4] =	sst s10  }
0x35: {  	s10 =	sld [smem:$0x3FA3];
	_ =	sdelay $0x3  }
0x36: {  	p1 =	seq.s32 s10, $0x1;
	s10 =	sld [smem:$0x3FA4];
	_ =	sdelay $0x3  }
0x37: {  	[smem:$0x3FA4] =	sst s10  }
0x38: {  	s10 =	sld [smem:$0x3FA5]  }
0x39: {  	_ = 	snop;
	(pc) =	sbr.ind lr, $3  }
0x3a: {  	_ = 	snop  }
0x3b: {  	_ = 	snop  }
0x3c: {  	p2 =	seq.s32 s10, $0x1;
	s10 =	sld [smem:$0x3FA4]  }
0x3d: {  	_ =	shalt  }
0x3e: {  	_ =	shalt  }
0x3f: {  	_ =	shalt  }
0x40: {  	_ =	shalt  }
0x41: {  	_ =	shalt  }
0x42: {  	_ =	shalt  }
0x43: {  	_ =	shalt  }
0x44: {  	_ =	shalt  }
0x45: {  	_ =	shalt  }
0x46: {  	_ =	shalt  }
0x47: {  	_ =	shalt  }
0x48: {  	_ =	shalt  }
0x49: {  	_ =	shalt  }
0x4a: {  	_ =	shalt  }
0x4b: {  	_ =	shalt  }
0x4c: {  	_ =	shalt  }
0x4d: {  	_ =	shalt  }
0x4e: {  	_ =	shalt  }
0x4f: {  	_ =	shalt  }
0x50: {  	_ =	shalt  }
0x51: {  	_ =	shalt  }
0x52: {  	_ =	shalt  }
0x53: {  	_ =	shalt  }
0x54: {  	_ =	shalt  }
0x55: {  	_ =	shalt  }
0x56: {  	_ =	shalt  }
0x57: {  	_ =	shalt  }
0x58: {  	_ =	shalt  }
0x59: {  	_ =	shalt  }
0x5a: {  	_ =	shalt  }
0x5b: {  	_ =	shalt  }
0x5c: {  	_ =	shalt  }
0x5d: {  	_ =	shalt  }
0x5e: {  	_ =	shalt  }
0x5f: {  	_ =	shalt  }
0x60: {  	_ =	shalt  }
0x61: {  	_ =	shalt  }
0x62: {  	_ =	shalt  }
0x63: {  	_ =	shalt  }
0x64: {  	_ =	shalt  }
0x65: {  	_ =	shalt  }
0x66: {  	_ =	shalt  }
0x67: {  	_ =	shalt  }
0x68: {  	_ =	shalt  }
0x69: {  	_ =	shalt  }
0x6a: {  	_ =	shalt  }
0x6b: {  	_ =	shalt  }
0x6c: {  	_ =	shalt  }
0x6d: {  	_ =	shalt  }
0x6e: {  	_ =	shalt  }
0x6f: {  	_ =	shalt  }
0x70: {  	_ =	shalt  }
0x71: {  	_ =	shalt  }
0x72: {  	_ =	shalt  }
0x73: {  	_ =	shalt  }
0x74: {  	_ =	shalt  }
0x75: {  	_ =	shalt  }
0x76: {  	_ =	shalt  }
0x77: {  	_ =	shalt  }
0x78: {  	_ =	shalt  }
0x79: {  	_ =	shalt  }
0x7a: {  	_ =	shalt  }
0x7b: {  	_ =	shalt  }
0x7c: {  	_ =	shalt  }
0x7d: {  	_ =	shalt  }
0x7e: {  	_ =	shalt  }
0x7f: {  	_ =	shalt  }
0x80: {  	_ =	shalt  }
0x81: {  	_ =	shalt  }
0x82: {  	_ =	shalt  }
0x83: {  	_ =	shalt  }
0x84: {  	_ =	shalt  }
0x85: {  	_ =	shalt  }
0x86: {  	_ =	shalt  }
0x87: {  	_ =	shalt  }
.Lfunc_end0:
.L_simem_size_0:
called_computation.2_lowered:
.L_overlay_start_0:
0x88: {  	s2 =	sld [smem:$0x3FD9]  }
0x89: {  	s3 =	sld [smem:$0x3FFE];
	_ =	sdelay $0x1  }
0x8a: {  	s1 =	srdreg.scid  }
0x8b: {  	s0 =	sand.u32 $0x1, s1  }
0x8c: {  	s17 =	sshll.u32 s0, $0xA;
	s2 =	sadd.s32 s3, s2  }
0x8d: {  	s2 =	sadd.s32 s2, s17  }
0x8e: {  	[smem:$0x3FB0] =	sst s2  }
0x8f: {  	_ = 	snop  }
0x90: {  	(tm) =	ssettm $0x1  }
0x91: {  	s18 =	sld [smem:$0x3FFB];
	_ =	sdelay $0x3  }
0x92: {  	_ =	strace s18  }
0x93: {  	s2 =	sld [smem:$0x3FFC];
	_ =	sdelay $0x3  }
0x94: {  	_ =	strace s2  }
0x95: {  	s2 =	sld [smem:$0x3FFD];
	_ =	sdelay $0x3  }
0x96: {  	_ =	strace s2  }
0x97: {  	_ =	strace $0x8FFFFFFF  }
0x98: {  	s19 =	sld [smem:$0x3FDB];
	_ =	sdelay $0x1  }
0x99: {  	s20 =	simm.s32 $_scs_section_size  }
0x9a: {  	s4 =	simm.s32 $_size__tile_overlayer_lowered;
	s5 =	simm.s32 $_tile_overlayer_lowered  }
0x9b: {  	s6 =	simm.s32 $0x1BFF;
	s21 =	sshll.u32 s5, $0x1;
	s3 =	sadd.s32 s20, s19  }
0x9c: {  	s22 =	simm.s32 $0x0;
	s4 =	sshll.u32 s4, $0x1;
	s5 =	sadd.s32 s21, s3  }
0x9d: {  	[timem:s22], [sflag:s6] =	dma.local [hbm:s5], s4  }
0x9e: {  	_ =	swait.ge [sflag:s6], s4  }
0x9f: {  	s4 =	ssub.s32 $0x0, s4;
	[sflag:s6] =	ssyncset.done $0x0  }
0xa0: {  	[sflag:s6] =	ssyncadd.s32 s4;
	_ =	sdelay $0x1  }
0xa1: {  	s23 =	simm.s32 $0x1B8B  }
0xa2: {  	_ =	swait.ge [sflag:s23], $0x1  }
0xa3: {  	[sflag:s23] =	ssyncset.done $0x0  }
0xa4: {  	[sflag:s23] =	ssyncadd.s32 $0xFFFFFFFF  }
0xa5: {  	s4 =	sld [smem:$0x0]  }
0xa6: {  	s5 =	sand.u32 $0xFFFFFFFE, s1  }
0xa7: {  	p0 =	sne.s32 s1, s5  }
0xa8: {  	s5 =	sshll.u32 @p0 s5, $0xE  }
0xa9: {  	s5 =	sadd.s32 @p0 $0x11B8D, s5;
	s6 =	sshll.u32 @p0 s4, $0x11  }
0xaa: {  	s5 =	sor.u32 @p0 s6, s5  }
0xab: {  	[sflag:s5] =	ssyncadd.remote.s32 @p0 $0x1;
	_ =	sdelay $0x1  }
0xac: {  	s5 =	simm.s32 @p0 $0x1B8D  }
0xad: {  	_ =	swait.eq @p0 [sflag:s5], $0x1  }
0xae: {  	[sflag:s5] =	ssyncadd.s32 @p0 $0xFFFFFFFF  }
0xaf: {  	s6 =	sshll.u32 @!p0 s1, $0xE  }
0xb0: {  	s6 =	sor.u32 @!p0 $0x4000, s6;
	s5 =	simm.s32 @!p0 $0x1B8D  }
0xb1: {  	s4 =	sshll.u32 @!p0 s4, $0x11;
	s6 =	sadd.s32 @!p0 $0x11B8D, s6;
	_ =	swait.eq @!p0 [sflag:s5], $0x1  }
0xb2: {  	s4 =	sor.u32 @!p0 s4, s6;
	[sflag:s5] =	ssyncadd.s32 @!p0 $0xFFFFFFFF  }
0xb3: {  	s25 =	simm.s32 $0x1B8E;
	s24 =	sld [smem:$0x3FFE];
	[sflag:s4] =	ssyncadd.remote.s32 @!p0 $0x1  }
0xb4: {  	s26 =	simm.s32 $execute0_lowered;
	[smem:$0x3FD2] =	sst s25  }
0xb5: {  	s5 =	sshll.u32 s26, $0x1;
	_ =	strace $0x8000004C;
	[dreg:$0x1] =	wrdreg $0xFFFFFFFF  }
0xb6: {  	s28 =	simm.s32 $_size_execute0_lowered;
	s3 =	sadd.s32 s3, s5;
	[dreg:$0x0] =	wrdreg $0x0  }
0xb7: {  	s5 =	sshll.u32 s28, $0x1;
	[dreg:$0x2] =	wrdreg s3  }
0xb8: {  	[dreg:$0x3] =	wrdreg s5  }
0xb9: {  	[dreg:$0x4] =	wrdreg $0xC0  }
0xba: {  	_ =	task [dreg:s22], $0x5FFFF  }
0xbb: {  	[dreg:$0x1] =	wrdreg $0xFFFFFFFF  }
0xbc: {  	[dreg:$0x0] =	wrdreg $0x60  }
0xbd: {  	[dreg:$0x2] =	wrdreg s24  }
0xbe: {  	[dreg:$0x3] =	wrdreg $0xF3C00  }
0xbf: {  	[dreg:$0x4] =	wrdreg $0xA  }
0xc0: {  	_ =	task.clear_ibuf [dreg:s22], $0x5FFFF;
	_ =	strace $0x9000004C  }
0xc1: {  	s29 =	simm.s32 $0xA;
	_ =	strace $0x8000004E  }
0xc2: {  	_ =	swait.ge [sflag:s29], $0x1  }
0xc3: {  	[sflag:s29] =	ssyncadd.s32 $0xFFFFFFFF  }
0xc4: {  	_ =	strace $0x9000004E  }
0xc5: {  	_ =	sfence  }
0xc6: {  	s30 =	sld [smem:$0x0];
	_ =	sdelay $0x2  }
0xc7: {  	s31 =	sshll.u32 s1, $0xD;
	s1 =	sshrl.u32 s1, $0x2  }
0xc8: {  	s4 =	sand.u32 $0x4000, s31;
	s1 =	sadd.s32 s1, s30  }
0xc9: {  	s0 =	sor.u32 s4, s0;
	s1 =	sshll.u32 s1, $0x11  }
0xca: {  	s0 =	sor.u32 s1, s0  }
0xcb: {  	s0 =	sadd.s32 $0x8F2B, s0  }
0xcc: {  	[sflag:s0] =	ssyncadd.remote.s32 $0x1  }
0xcd: {  	_ =	sfence.sel $0xFFFF  }
0xce: {  	[dreg:$0x0] =	wrdreg $0xFFFFFFFF;
	(pc) =	sbr.abs _section_cstart, $3  }
0xcf: {  	[dreg:$0x1] =	wrdreg $0xFFFFFFFF  }
0xd0: {  	_ =	task.clear_ibuf [dreg:s22], $0x2FFFF;
	_ =	strace $0x9FFFFFFF  }
0xd1: {  	(tm) =	ssettm $0x7FFFFFFF  }
tec
execute0_lowered:
.L_overlay_start_1:
0x0: {  	(tag) =	ssettag $0x1  }
0x1: {  	s1 =	srdreg.scid  }
0x2: {  	s0 =	stileid.u32;
	s29 =	rddreg [dreg:$0x0]  }
0x3: {  	s2 =	rddreg [dreg:$0x1];
	s30 =	sand.u32 $0x1, s1;
	s24 =	sshll.u32 s0, $0x1  }
0x4: {  	s3 =	simm.s32 $0x0;
	s6 =	smul.u32 $0x14000, s0;
	s4 =	sor.u32 s30, s24  }
0x5: {  	s9 =	simm.s32 $0x80;
	s10 =	simm.s32 $0x3C0;
	s5 =	smul.u32 $0x3C00, s4  }
0x6: {  	[smem:$0x7FF] =	sst s3;
	s4 =	smul.u32 $0x78, s4;
	s8 =	sshrl.u32 s6, $0x2  }
0x7: {  	s26 =	sshll.u32 s0, $0x6;
	_ =	strace $0x8000004D;
	s11 =	sadd.s32 s8, s2  }
0x8: {  	s8 =	simm.s32 $0x40;
	s7 =	sadd.s32 s5, s29;
	s25 =	sadd.s32 s4, s29  }
0x9: {  	s4 =	sadd.s32 $0x1EC00, s29;
	s12 =	sshrl.u32 s11, $0x3;
	s5 =	sadd.s32 $0x18600, s25  }
0xa: {  	[tilespmem:s3], [sflag:$0x1] =	stream.linear.gather [hbm4b:s5+s3], $0x3C0, $0x38;
	[tilespmem:$0x143C0] =	vst v63  }
0xb: {  	s11 =	simm.s32 $0x2;
	s6 =	sadd.s32 $0xF2A00, s7;
	s7 =	sor.u32 $0x1C02, s26  }
0xc: {  	[tilespmem:s10], [sflag:$0x1] =	stream.strided.gather [hbm4b:s6+s8], $0xF000, s9, s8, $0x38;
	[tilespmem:$0x143C0] =	vst v63  }
0xd: {  	[spmem:s12], [sflag:s7] =	dma.local [hbm:s4], $0xA00  }
0xe: {  	_ =	swait.ge [sflag:s11], $0xA00  }
0xf: {  	[sflag:s11] =	ssyncset.done $0x0  }
0x10: {  	[sflag:s11] =	ssyncadd.s32 $0xFFFFF600  }
0x11: {  	s13 =	simm.s32 $0x1;
	[bflag:$0x0] =	sbarrier.arrive $0xFFFF  }
0x12: {  	_ =	swait.ge [sflag:s13], $0x3C0  }
0x13: {  	[sflag:s13] =	ssyncset.done $0x0  }
0x14: {  	[sflag:s13] =	ssyncadd.s32 $0xFFFFFC40  }
0x15: {  	_ =	swait.ge [sflag:s13], $0xF000  }
0x16: {  	[sflag:s13] =	ssyncset.done $0x0  }
0x17: {  	s14 =	simm.s32 $0x78;
	[sflag:s13] =	ssyncadd.s32 $0xFFFF1000  }
0x18: {  	[spmem:s2] =	stream.indirect.scatter.add.f32 [tilespmem:s10], [sflag:$0x2], $0x40, s3, s14, $0xb8;
	[tilespmem:$0x143C0] =	vst v63  }
0x19: {  	_ =	swait.ge [sflag:s11], $0x1E00  }
0x1a: {  	[sflag:s11] =	ssyncset.done $0x0  }
0x1b: {  	s15 =	simm.s32 $0x21C0;
	[sflag:s11] =	ssyncadd.s32 $0xFFFFE200  }
0x1c: {  	[spmem:s2] =	stream.indirect.scatter.add.f32 [tilespmem:s15], [sflag:$0x2], $0x40, s14, s14, $0xb8;
	[tilespmem:$0x143C0] =	vst v63  }
0x1d: {  	_ =	swait.ge [sflag:s11], $0x1E00  }
0x1e: {  	[sflag:s11] =	ssyncset.done $0x0  }
0x1f: {  	s16 =	simm.s32 $0xF0;
	s17 =	simm.s32 $0x3FC0;
	[sflag:s11] =	ssyncadd.s32 $0xFFFFE200  }
0x20: {  	[spmem:s2] =	stream.indirect.scatter.add.f32 [tilespmem:s17], [sflag:$0x2], $0x40, s16, s14, $0xb8;
	[tilespmem:$0x143C0] =	vst v63  }
0x21: {  	_ =	swait.ge [sflag:s11], $0x1E00  }
0x22: {  	[sflag:s11] =	ssyncset.done $0x0  }
0x23: {  	s18 =	simm.s32 $0x168;
	s19 =	simm.s32 $0x5DC0;
	[sflag:s11] =	ssyncadd.s32 $0xFFFFE200  }
0x24: {  	[spmem:s2] =	stream.indirect.scatter.add.f32 [tilespmem:s19], [sflag:$0x2], $0x40, s18, s14, $0xb8;
	[tilespmem:$0x143C0] =	vst v63  }
0x25: {  	_ =	swait.ge [sflag:s11], $0x1E00  }
0x26: {  	[sflag:s11] =	ssyncset.done $0x0  }
0x27: {  	s20 =	simm.s32 $0x1E0;
	s21 =	simm.s32 $0x7BC0;
	[sflag:s11] =	ssyncadd.s32 $0xFFFFE200  }
0x28: {  	[spmem:s2] =	stream.indirect.scatter.add.f32 [tilespmem:s21], [sflag:$0x2], $0x40, s20, s14, $0xb8;
	[tilespmem:$0x143C0] =	vst v63  }
0x29: {  	_ =	swait.ge [sflag:s11], $0x1E00  }
0x2a: {  	[sflag:s11] =	ssyncset.done $0x0  }
0x2b: {  	s22 =	simm.s32 $0x258;
	s23 =	simm.s32 $0x99C0;
	[sflag:s11] =	ssyncadd.s32 $0xFFFFE200  }
0x2c: {  	[spmem:s2] =	stream.indirect.scatter.add.f32 [tilespmem:s23], [sflag:$0x2], $0x40, s22, s14, $0xb8;
	[tilespmem:$0x143C0] =	vst v63  }
0x2d: {  	_ =	swait.ge [sflag:s11], $0x1E00  }
0x2e: {  	s31 =	smul.u32 $0xA00, s0;
	s24 =	simm.s32 $0x2D0;
	[sflag:s11] =	ssyncset.done $0x0  }
0x2f: {  	s1 =	smul.u32 $0xA000, s30;
	s25 =	simm.s32 $0xB7C0;
	[sflag:s11] =	ssyncadd.s32 $0xFFFFE200  }
0x30: {  	[spmem:s2] =	stream.indirect.scatter.add.f32 [tilespmem:s25], [sflag:$0x2], $0x40, s24, s14, $0xb8;
	[tilespmem:$0x143C0] =	vst v63  }
0x31: {  	s28 =	simm.s32 $0xD5C0;
	s30 =	ssub.s32 $0x2, s30;
	_ =	swait.ge [sflag:s11], $0x1E00  }
0x32: {  	s1 =	sadd.s32 s31, s1;
	s31 =	sshrl.u32 s30, $0x1;
	[sflag:s11] =	ssyncset.done $0x0  }
0x33: {  	s30 =	ssub.s32 s30, s31;
	s26 =	simm.s32 $0x348;
	[sflag:s11] =	ssyncadd.s32 $0xFFFFE200  }
0x34: {  	[spmem:s2] =	stream.indirect.scatter.add.f32 [tilespmem:s28], [sflag:$0x2], $0x40, s26, s14, $0xb8;
	[tilespmem:$0x143C0] =	vst v63  }
0x35: {  	s31 =	smax.u32 s30, $0x1;
	_ =	swait.ge [sflag:s11], $0x1E00  }
0x36: {  	p0 =	sne.s32 s31, $0x1;
	[sflag:s11] =	ssyncset.done $0x0  }
.Ltmp0:
0x37: {  	s1 =	sadd.s32 s1, s29;
	[sflag:s11] =	ssyncadd.s32 $0xFFFFE200;
	(pc) =	sbr.rel @!p0 .LBB2_2-.Ltmp0, $4  }
0x38: {  	s29 =	sadd.s32 $0x1F600, s1;
	[bflag:$0x0] =	sbarrier.arrive $0xFFFF  }
0x39: {  	[hbm:s29], [sflag:s7] =	dma.local [spmem:s12], $0xA00  }
0x3a: {  	_ =	swait.ge [sflag:s11], $0xA00  }
0x3b: {  	s30 =	sadd.s32 $0xFFFFFFFF, s31;
	[sflag:s11] =	ssyncset.done $0x0  }
.LBB2_1:
0x3c: {  	p0 =	sne.s32 s30, $0x1;
	s30 =	sadd.s32 $0xFFFFFFFF, s30;
	[sflag:s11] =	ssyncadd.s32 $0xFFFFF600  }
0x3d: {  	[tilespmem:s3], [sflag:$0x1] =	stream.linear.gather [hbm4b:s5+s3], $0x3C0, $0x38;
	[tilespmem:$0x143C0] =	vst v63  }
0x3e: {  	_ = 	snop  }
0x3f: {  	[tilespmem:s10], [sflag:$0x1] =	stream.strided.gather [hbm4b:s6+s8], $0xF000, s9, s8, $0x38;
	[tilespmem:$0x143C0] =	vst v63  }
0x40: {  	[spmem:s12], [sflag:s7] =	dma.local [hbm:s4], $0xA00  }
0x41: {  	_ =	swait.ge [sflag:s11], $0xA00  }
0x42: {  	[sflag:s11] =	ssyncset.done $0x0  }
0x43: {  	[sflag:s11] =	ssyncadd.s32 $0xFFFFF600  }
0x44: {  	[bflag:$0x0] =	sbarrier.arrive $0xFFFF  }
0x45: {  	_ =	swait.ge [sflag:s13], $0x3C0  }
0x46: {  	[sflag:s13] =	ssyncset.done $0x0  }
0x47: {  	[sflag:s13] =	ssyncadd.s32 $0xFFFFFC40  }
0x48: {  	_ =	swait.ge [sflag:s13], $0xF000  }
0x49: {  	[sflag:s13] =	ssyncset.done $0x0  }
0x4a: {  	[sflag:s13] =	ssyncadd.s32 $0xFFFF1000  }
0x4b: {  	[spmem:s2] =	stream.indirect.scatter.add.f32 [tilespmem:s10], [sflag:$0x2], $0x40, s3, s14, $0xb8;
	[tilespmem:$0x143C0] =	vst v63  }
0x4c: {  	_ =	swait.ge [sflag:s11], $0x1E00  }
0x4d: {  	[sflag:s11] =	ssyncset.done $0x0  }
0x4e: {  	[sflag:s11] =	ssyncadd.s32 $0xFFFFE200  }
0x4f: {  	[spmem:s2] =	stream.indirect.scatter.add.f32 [tilespmem:s15], [sflag:$0x2], $0x40, s14, s14, $0xb8;
	[tilespmem:$0x143C0] =	vst v63  }
0x50: {  	_ =	swait.ge [sflag:s11], $0x1E00  }
0x51: {  	[sflag:s11] =	ssyncset.done $0x0  }
0x52: {  	[sflag:s11] =	ssyncadd.s32 $0xFFFFE200  }
0x53: {  	[spmem:s2] =	stream.indirect.scatter.add.f32 [tilespmem:s17], [sflag:$0x2], $0x40, s16, s14, $0xb8;
	[tilespmem:$0x143C0] =	vst v63  }
0x54: {  	_ =	swait.ge [sflag:s11], $0x1E00  }
0x55: {  	[sflag:s11] =	ssyncset.done $0x0  }
0x56: {  	[sflag:s11] =	ssyncadd.s32 $0xFFFFE200  }
0x57: {  	[spmem:s2] =	stream.indirect.scatter.add.f32 [tilespmem:s19], [sflag:$0x2], $0x40, s18, s14, $0xb8;
	[tilespmem:$0x143C0] =	vst v63  }
0x58: {  	_ =	swait.ge [sflag:s11], $0x1E00  }
0x59: {  	[sflag:s11] =	ssyncset.done $0x0  }
0x5a: {  	[sflag:s11] =	ssyncadd.s32 $0xFFFFE200  }
0x5b: {  	[spmem:s2] =	stream.indirect.scatter.add.f32 [tilespmem:s21], [sflag:$0x2], $0x40, s20, s14, $0xb8;
	[tilespmem:$0x143C0] =	vst v63  }
0x5c: {  	_ =	swait.ge [sflag:s11], $0x1E00  }
0x5d: {  	[sflag:s11] =	ssyncset.done $0x0  }
0x5e: {  	[sflag:s11] =	ssyncadd.s32 $0xFFFFE200  }
0x5f: {  	[spmem:s2] =	stream.indirect.scatter.add.f32 [tilespmem:s23], [sflag:$0x2], $0x40, s22, s14, $0xb8;
	[tilespmem:$0x143C0] =	vst v63  }
0x60: {  	_ =	swait.ge [sflag:s11], $0x1E00  }
0x61: {  	[sflag:s11] =	ssyncset.done $0x0  }
0x62: {  	[sflag:s11] =	ssyncadd.s32 $0xFFFFE200  }
0x63: {  	[spmem:s2] =	stream.indirect.scatter.add.f32 [tilespmem:s25], [sflag:$0x2], $0x40, s24, s14, $0xb8;
	[tilespmem:$0x143C0] =	vst v63  }
0x64: {  	_ =	swait.ge [sflag:s11], $0x1E00  }
0x65: {  	[sflag:s11] =	ssyncset.done $0x0  }
0x66: {  	[sflag:s11] =	ssyncadd.s32 $0xFFFFE200  }
0x67: {  	[spmem:s2] =	stream.indirect.scatter.add.f32 [tilespmem:s28], [sflag:$0x2], $0x40, s26, s14, $0xb8;
	[tilespmem:$0x143C0] =	vst v63  }
0x68: {  	_ =	swait.ge [sflag:s11], $0x1E00  }
0x69: {  	[sflag:s11] =	ssyncset.done $0x0  }
.Ltmp1:
0x6a: {  	[sflag:s11] =	ssyncadd.s32 $0xFFFFE200;
	(pc) =	sbr.rel @p0 .LBB2_1-.Ltmp1, $4  }
0x6b: {  	[bflag:$0x0] =	sbarrier.arrive $0xFFFF  }
0x6c: {  	[hbm:s29], [sflag:s7] =	dma.local [spmem:s12], $0xA00  }
0x6d: {  	_ =	swait.ge [sflag:s11], $0xA00  }
0x6e: {  	[sflag:s11] =	ssyncset.done $0x0  }
.LBB2_2:
0x6f: {  	[sflag:s11] =	ssyncadd.s32 $0xFFFFF600  }
0x70: {  	_ =	sfence.sel $0x180000  }
0x71: {  	[bflag:$0x0] =	sbarrier.arrive $0xFFFF  }
0x72: {  	_ =	strace $0x9000004D  }
0x73: {  	[bflag:$0x2] =	sbarrier.arrive $0xFFFF  }
0x74: {  	p0 =	sne.s32 s0, $0x0;
	s0 =	rddreg [dreg:$0x2]  }
0x75: {  	s0 =	sadd.s32 @!p0 $0x100000, s0  }
0x76: {  	[sflag:s0] =	ssyncadd.tile.s32 @!p0 $0x1;
	_ =	shalt  }
.Lfunc_end2:
_tile_overlayer_lowered:
.L_overlay_start_2:
0x77: {  	(tag) =	ssettag $0x2  }
0x78: {  	s0 =	rddreg [dreg:$0x0];
	s2 =	stileid.u32  }
0x79: {  	s1 =	rddreg [dreg:$0x1];
	p0 =	sne.s32 s2, $0x0  }
0x7a: {  	s3 =	rddreg [dreg:$0x2];
	[bflag:$0x3] =	sbarrier.arrive $0xFFFF;
	s2 =	simm.s32 @!p0 $0x1C02  }
0x7b: {  	[timem:s3], [sflag:s2] =	dma.local @!p0 [hbm:s0], s1  }
0x7c: {  	s0 =	simm.s32 @!p0 $0x2  }
0x7d: {  	_ =	swait.ge @!p0 [sflag:s0], s1  }
0x7e: {  	s1 =	ssub.s32 @!p0 $0x0, s1;
	[sflag:s0] =	ssyncset.done @!p0 $0x0  }
0x7f: {  	[sflag:s0] =	ssyncadd.s32 @!p0 s1  }
0x80: {  	[bflag:$0x3] =	sbarrier.arrive $0xFFFF  }
0x81: {  	_ =	shalt  }

// kernel: kernel.25.cloned.1.call-start
scs
__scs_entry_jumppad:
0x0: {  	(pc) =	sbr.rel $0x88, $3  }
0x1: {  	(tag) =	ssettag $0x0;
	lr =	simm.s32 $0x1  }
0x2: {  	[smem:$0x3F89] =	sst lr;
	_ =	strace $0xD0000000  }
0x3: {  	_ = 	snop  }
0x4: {  	_ = 	snop  }
0x5: {  	_ = 	snop  }
0x6: {  	_ = 	snop  }
0x7: {  	_ = 	snop  }
__scs_overlays_trampoline_lowered:
0x8: {  	[smem:$0x3F98] =	sst s0  }
0x9: {  	[smem:$0x3F99] =	sst s1  }
0xa: {  	[smem:$0x3F9A] =	sst s2  }
0xb: {  	[smem:$0x3F9B] =	sst s3  }
0xc: {  	[smem:$0x3F9C] =	sst s4  }
0xd: {  	[smem:$0x3F9D] =	sst s5  }
0xe: {  	[smem:$0x3F9E] =	sst s6  }
0xf: {  	[smem:$0x3F9F] =	sst s7  }
0x10: {  	[smem:$0x3FA0] =	sst s8  }
0x11: {  	[smem:$0x3FA1] =	sst s9;
	s0 =	simm.s32 @!p0 $0x0  }
0x12: {  	s1 =	sld [smem:$0x3F87];
	s0 =	simm.s32 @p0 $0x1  }
0x13: {  	[smem:$0x3FA2] =	sst s0;
	s0 =	simm.s32 @!p1 $0x0  }
0x14: {  	s2 =	sld [smem:$0x3F86];
	s0 =	simm.s32 @p1 $0x1  }
0x15: {  	[smem:$0x3FA3] =	sst s0;
	s0 =	simm.s32 @!p2 $0x0  }
0x16: {  	s3 =	sld [smem:$0x3FDB];
	s0 =	simm.s32 @p2 $0x1  }
0x17: {  	s4 =	simm.s32 $0x1BF5;
	[smem:$0x3FA5] =	sst s0  }
0x18: {  	s0 =	sld [smem:$0x3F88];
	_ =	swait.ge [sflag:s4], $0x0  }
0x19: {  	s7 =	sld [smem:$0x3F89]  }
0x1a: {  	s8 =	sadd.s32 $0xFFFFE003, lr  }
0x1b: {  	s9 =	sadd.s32 $0xFFFFFEF7, lr;
	s5 =	simm.s32 $0xFFFFFFFF;
	p2 =	slt.u32 s8, $0xFFFFF086  }
0x1c: {  	p1 =	slt.u32 s9, $0xF7A;
	s5 =	simm.s32 @!p2 $0x0  }
0x1d: {  	s5 =	simm.s32 @p1 $0x1;
	p0 =	seq.s32 s7, s2  }
0x1e: {  	s7 =	smul.u32 @!p0 $0xF7A, s2;
	p2 =	seq.s32 @!p0 s5, $0x0  }
0x1f: {  	s9 =	smul.u32 $0xF7A, s1;
	s8 =	simm.s32 @!p0 $0x1BF5;
	p2 =	por !p2, p0  }
0x20: {  	[sflag:s8] =	ssyncset.s32 @!p0 $0xFFFFF086;
	s6 =	sadd.s32 @!p0 s3, s7;
	s7 =	simm.s32 @!p0 $0x108  }
0x21: {  	s3 =	sadd.s32 s3, s9;
	s6 =	sadd.s32 @!p0 $0x88, s6;
	s7 =	simm.s32 @p2 $0x1082  }
0x22: {  	[simem:s7], [sflag:s8] =	dma.local @!p0 [hbm:s6], $0xF7A  }
0x23: {  	s9 =	sor.u32 $0xD0000000, s2;
	s6 =	simm.s32 $0x108;
	_ =	swait.ge @!p0 [sflag:s8], $0x0  }
0x24: {  	s3 =	sadd.s32 $0x88, s3;
	s6 =	simm.s32 @!p1 $0x1082;
	[sflag:s4] =	ssyncset.s32 $0xFFFFF086  }
0x25: {  	[simem:s6], [sflag:s4] =	dma.local [hbm:s3], $0xF7A  }
0x26: {  	[smem:$0x3F89] =	sst s1;
	(tag) =	ssettag s2;
	_ =	strace s9  }
0x27: {  	s1 =	sld [smem:$0x3F99]  }
0x28: {  	s2 =	sld [smem:$0x3F9A]  }
0x29: {  	s4 =	sld [smem:$0x3F9C]  }
0x2a: {  	p0 =	seq.s32 s5, $0x0;
	s5 =	sld [smem:$0x3F9D]  }
0x2b: {  	s6 =	sld [smem:$0x3F9E]  }
0x2c: {  	s7 =	sld [smem:$0x3F9F]  }
0x2d: {  	s3 =	simm.s32 $0x108;
	s8 =	sld [smem:$0x3FA0]  }
0x2e: {  	s3 =	simm.s32 @!p0 $0x1082;
	s9 =	sld [smem:$0x3FA1]  }
0x2f: {  	lr =	sadd.s32 s0, s3;
	s0 =	sld [smem:$0x3F98]  }
0x30: {  	s3 =	sld [smem:$0x3F9B]  }
0x31: {  	[smem:$0x3FA4] =	sst s10  }
0x32: {  	s10 =	sld [smem:$0x3FA2];
	_ =	sdelay $0x3  }
0x33: {  	p0 =	seq.s32 s10, $0x1;
	s10 =	sld [smem:$0x3FA4];
	_ =	sdelay $0x3  }
0x34: {  	[smem:$0x3FA4] =	sst s10  }
0x35: {  	s10 =	sld [smem:$0x3FA3];
	_ =	sdelay $0x3  }
0x36: {  	p1 =	seq.s32 s10, $0x1;
	s10 =	sld [smem:$0x3FA4];
	_ =	sdelay $0x3  }
0x37: {  	[smem:$0x3FA4] =	sst s10  }
0x38: {  	s10 =	sld [smem:$0x3FA5]  }
0x39: {  	_ = 	snop;
	(pc) =	sbr.ind lr, $3  }
0x3a: {  	_ = 	snop  }
0x3b: {  	_ = 	snop  }
0x3c: {  	p2 =	seq.s32 s10, $0x1;
	s10 =	sld [smem:$0x3FA4]  }
0x3d: {  	_ =	shalt  }
0x3e: {  	_ =	shalt  }
0x3f: {  	_ =	shalt  }
0x40: {  	_ =	shalt  }
0x41: {  	_ =	shalt  }
0x42: {  	_ =	shalt  }
0x43: {  	_ =	shalt  }
0x44: {  	_ =	shalt  }
0x45: {  	_ =	shalt  }
0x46: {  	_ =	shalt  }
0x47: {  	_ =	shalt  }
0x48: {  	_ =	shalt  }
0x49: {  	_ =	shalt  }
0x4a: {  	_ =	shalt  }
0x4b: {  	_ =	shalt  }
0x4c: {  	_ =	shalt  }
0x4d: {  	_ =	shalt  }
0x4e: {  	_ =	shalt  }
0x4f: {  	_ =	shalt  }
0x50: {  	_ =	shalt  }
0x51: {  	_ =	shalt  }
0x52: {  	_ =	shalt  }
0x53: {  	_ =	shalt  }
0x54: {  	_ =	shalt  }
0x55: {  	_ =	shalt  }
0x56: {  	_ =	shalt  }
0x57: {  	_ =	shalt  }
0x58: {  	_ =	shalt  }
0x59: {  	_ =	shalt  }
0x5a: {  	_ =	shalt  }
0x5b: {  	_ =	shalt  }
0x5c: {  	_ =	shalt  }
0x5d: {  	_ =	shalt  }
0x5e: {  	_ =	shalt  }
0x5f: {  	_ =	shalt  }
0x60: {  	_ =	shalt  }
0x61: {  	_ =	shalt  }
0x62: {  	_ =	shalt  }
0x63: {  	_ =	shalt  }
0x64: {  	_ =	shalt  }
0x65: {  	_ =	shalt  }
0x66: {  	_ =	shalt  }
0x67: {  	_ =	shalt  }
0x68: {  	_ =	shalt  }
0x69: {  	_ =	shalt  }
0x6a: {  	_ =	shalt  }
0x6b: {  	_ =	shalt  }
0x6c: {  	_ =	shalt  }
0x6d: {  	_ =	shalt  }
0x6e: {  	_ =	shalt  }
0x6f: {  	_ =	shalt  }
0x70: {  	_ =	shalt  }
0x71: {  	_ =	shalt  }
0x72: {  	_ =	shalt  }
0x73: {  	_ =	shalt  }
0x74: {  	_ =	shalt  }
0x75: {  	_ =	shalt  }
0x76: {  	_ =	shalt  }
0x77: {  	_ =	shalt  }
0x78: {  	_ =	shalt  }
0x79: {  	_ =	shalt  }
0x7a: {  	_ =	shalt  }
0x7b: {  	_ =	shalt  }
0x7c: {  	_ =	shalt  }
0x7d: {  	_ =	shalt  }
0x7e: {  	_ =	shalt  }
0x7f: {  	_ =	shalt  }
0x80: {  	_ =	shalt  }
0x81: {  	_ =	shalt  }
0x82: {  	_ =	shalt  }
0x83: {  	_ =	shalt  }
0x84: {  	_ =	shalt  }
0x85: {  	_ =	shalt  }
0x86: {  	_ =	shalt  }
0x87: {  	_ =	shalt  }
.Lfunc_end0:
.L_simem_size_0:
called_computation.3_lowered:
.L_overlay_start_0:
0x88: {  	s2 =	sld [smem:$0x3FD9]  }
0x89: {  	s3 =	sld [smem:$0x3FFE];
	_ =	sdelay $0x1  }
0x8a: {  	s1 =	srdreg.scid  }
0x8b: {  	s0 =	sand.u32 $0x1, s1  }
0x8c: {  	s16 =	sshll.u32 s0, $0xA;
	s2 =	sadd.s32 s3, s2  }
0x8d: {  	s2 =	sadd.s32 s2, s16  }
0x8e: {  	[smem:$0x3FB0] =	sst s2  }
0x8f: {  	_ = 	snop  }
0x90: {  	(tm) =	ssettm $0x1  }
0x91: {  	s17 =	sld [smem:$0x3FFB];
	_ =	sdelay $0x3  }
0x92: {  	_ =	strace s17  }
0x93: {  	s2 =	sld [smem:$0x3FFC];
	_ =	sdelay $0x3  }
0x94: {  	_ =	strace s2  }
0x95: {  	s2 =	sld [smem:$0x3FFD];
	_ =	sdelay $0x3  }
0x96: {  	_ =	strace s2  }
0x97: {  	_ =	strace $0x8FFFFFFF  }
0x98: {  	s18 =	sld [smem:$0x3FDB];
	_ =	sdelay $0x1  }
0x99: {  	s19 =	simm.s32 $_scs_section_size  }
0x9a: {  	s4 =	simm.s32 $_size__tile_overlayer_lowered;
	s5 =	simm.s32 $_tile_overlayer_lowered  }
0x9b: {  	s22 =	simm.s32 $0x1BFF;
	s21 =	sshll.u32 s5, $0x1;
	s2 =	sadd.s32 s19, s18  }
0x9c: {  	s6 =	simm.s32 $0x0;
	s20 =	sshll.u32 s4, $0x1;
	s4 =	sadd.s32 s21, s2  }
0x9d: {  	[timem:s6], [sflag:s22] =	dma.local [hbm:s4], s20  }
0x9e: {  	_ =	swait.ge [sflag:s22], s20  }
0x9f: {  	s3 =	ssub.s32 $0x0, s20;
	[sflag:s22] =	ssyncset.done $0x0  }
0xa0: {  	[sflag:s22] =	ssyncadd.s32 s3;
	_ =	sdelay $0x1  }
0xa1: {  	s23 =	simm.s32 $0x1B8B  }
0xa2: {  	_ =	swait.ge [sflag:s23], $0x1  }
0xa3: {  	[sflag:s23] =	ssyncset.done $0x0  }
0xa4: {  	s25 =	simm.s32 $0x1B8E;
	s24 =	sld [smem:$0x3FFE];
	[sflag:s23] =	ssyncadd.s32 $0xFFFFFFFF  }
0xa5: {  	s26 =	simm.s32 $execute0_lowered;
	[smem:$0x3FD2] =	sst s25  }
0xa6: {  	s4 =	sshll.u32 s26, $0x1;
	_ =	strace $0x8000004F;
	[dreg:$0x1] =	wrdreg $0xFFFFFFFF  }
0xa7: {  	s28 =	simm.s32 $_size_execute0_lowered;
	s2 =	sadd.s32 s2, s4;
	[dreg:$0x0] =	wrdreg $0x0  }
0xa8: {  	s4 =	sshll.u32 s28, $0x1;
	[dreg:$0x2] =	wrdreg s2  }
0xa9: {  	[dreg:$0x3] =	wrdreg s4  }
0xaa: {  	[dreg:$0x4] =	wrdreg $0xC0  }
0xab: {  	_ =	task [dreg:s6], $0x5FFFF  }
0xac: {  	[dreg:$0x1] =	wrdreg $0xFFFFFFFF  }
0xad: {  	[dreg:$0x0] =	wrdreg $0x60  }
0xae: {  	[dreg:$0x2] =	wrdreg s24  }
0xaf: {  	[dreg:$0x3] =	wrdreg $0xF3C00  }
0xb0: {  	[dreg:$0x4] =	wrdreg $0x9  }
0xb1: {  	_ =	task.clear_ibuf [dreg:s6], $0x5FFFF;
	_ =	strace $0x9000004F  }
0xb2: {  	s29 =	simm.s32 $0x9;
	_ =	strace $0x80000051  }
0xb3: {  	_ =	swait.ge [sflag:s29], $0x1  }
0xb4: {  	[sflag:s29] =	ssyncadd.s32 $0xFFFFFFFF  }
0xb5: {  	_ =	strace $0x90000051  }
0xb6: {  	_ =	sfence  }
0xb7: {  	s30 =	sld [smem:$0x0];
	_ =	sdelay $0x2  }
0xb8: {  	s31 =	sshll.u32 s1, $0xD;
	s1 =	sshrl.u32 s1, $0x2  }
0xb9: {  	s3 =	sand.u32 $0x4000, s31;
	s1 =	sadd.s32 s1, s30  }
0xba: {  	s0 =	sor.u32 s3, s0;
	s1 =	sshll.u32 s1, $0x11  }
0xbb: {  	s0 =	sor.u32 s1, s0  }
0xbc: {  	s0 =	sadd.s32 $0x8F2B, s0  }
0xbd: {  	[sflag:s0] =	ssyncadd.remote.s32 $0x1  }
0xbe: {  	_ =	sfence.sel $0xFFFF  }
0xbf: {  	[dreg:$0x0] =	wrdreg $0xFFFFFFFF;
	(pc) =	sbr.abs _section_cstart, $3  }
0xc0: {  	[dreg:$0x1] =	wrdreg $0xFFFFFFFF  }
0xc1: {  	_ =	task.clear_ibuf [dreg:s6], $0x2FFFF;
	_ =	strace $0x9FFFFFFF  }
0xc2: {  	(tm) =	ssettm $0x7FFFFFFF  }
0xc3: {  	_ =	shalt  }
tec
execute0_lowered:
.L_overlay_start_1:
0x0: {  	(tag) =	ssettag $0x1  }
0x1: {  	s26 =	rddreg [dreg:$0x0]  }
0x2: {  	s2 =	rddreg [dreg:$0x1]  }
0x3: {  	s1 =	stileid.u32;
	s0 =	rddreg [dreg:$0x2]  }
0x4: {  	s3 =	simm.s32 $0x0;
	s9 =	srdreg.scid;
	s4 =	smul.u32 $0x1400, s1  }
0x5: {  	s5 =	simm.s32 $0x40;
	s6 =	simm.s32 $0x80;
	s8 =	simm.s32 $0x3C0  }
0x6: {  	s7 =	simm.s32 $0x2;
	[smem:$0x7FF] =	sst s3;
	s4 =	sadd.s32 s4, s26  }
0x7: {  	s10 =	smul.u32 $0x14000, s1;
	_ =	strace $0x80000050;
	s4 =	sadd.s32 $0x4600, s4  }
0x8: {  	[tilespmem:s8], [sflag:$0x2] =	stream.strided.gather [hbm4b:s4+s5], $0x5000, s6, s5, $0x38;
	[tilespmem:$0x143C0] =	vst v63  }
0x9: {  	s28 =	sand.u32 $0x1, s9;
	_ =	swait.ge [sflag:s7], $0x5000  }
0xa: {  	s30 =	sshll.u32 s1, $0x1;
	s10 =	sshrl.u32 s10, $0x2;
	[sflag:s7] =	ssyncset.done $0x0  }
0xb: {  	s29 =	sor.u32 s28, s30;
	s9 =	sadd.s32 s10, s2;
	[sflag:s7] =	ssyncadd.s32 $0xFFFFB000  }
0xc: {  	[spmem:s9] =	stream.linear.scatter [tilespmem:s8], [sflag:$0x2], $0x5000, $0x38;
	[tilespmem:$0x143C0] =	vst v63  }
0xd: {  	s31 =	smul.u32 $0x78, s29;
	_ =	swait.ge [sflag:s7], $0x5000  }
0xe: {  	[sflag:s7] =	ssyncset.done $0x0  }
0xf: {  	s10 =	sadd.s32 s31, s26;
	[sflag:s7] =	ssyncadd.s32 $0xFFFFB000  }
0x10: {  	s10 =	sadd.s32 $0x79A00, s10;
	[bflag:$0x0] =	sbarrier.arrive $0xFFFF  }
0x11: {  	[tilespmem:s3], [sflag:$0x2] =	stream.linear.gather [hbm4b:s10+s3], $0x3C0, $0x38;
	[tilespmem:$0x143C0] =	vst v63  }
0x12: {  	_ =	swait.ge [sflag:s7], $0x3C0  }
0x13: {  	[sflag:s7] =	ssyncset.done $0x0  }
0x14: {  	s11 =	simm.s32 $0x78;
	[sflag:s7] =	ssyncadd.s32 $0xFFFFFC40  }
0x15: {  	[tilespmem:s8], [sflag:$0x1] =	stream.indirect.gather [spmem:s2], $0x40, s3, s11, $0xb8;
	[tilespmem:$0x143C0] =	vst v63  }
0x16: {  	s12 =	simm.s32 $0x21C0  }
0x17: {  	[tilespmem:s12], [sflag:$0x1] =	stream.indirect.gather [spmem:s2], $0x40, s11, s11, $0xb8;
	[tilespmem:$0x143C0] =	vst v63  }
0x18: {  	s13 =	simm.s32 $0xF0;
	s14 =	simm.s32 $0x3FC0  }
0x19: {  	[tilespmem:s14], [sflag:$0x1] =	stream.indirect.gather [spmem:s2], $0x40, s13, s11, $0xb8;
	[tilespmem:$0x143C0] =	vst v63  }
0x1a: {  	s15 =	simm.s32 $0x168;
	s16 =	simm.s32 $0x5DC0  }
0x1b: {  	[tilespmem:s16], [sflag:$0x1] =	stream.indirect.gather [spmem:s2], $0x40, s15, s11, $0xb8;
	[tilespmem:$0x143C0] =	vst v63  }
0x1c: {  	s17 =	simm.s32 $0x1E0;
	s18 =	simm.s32 $0x7BC0  }
0x1d: {  	[tilespmem:s18], [sflag:$0x1] =	stream.indirect.gather [spmem:s2], $0x40, s17, s11, $0xb8;
	[tilespmem:$0x143C0] =	vst v63  }
0x1e: {  	s19 =	simm.s32 $0x258;
	s20 =	simm.s32 $0x99C0  }
0x1f: {  	[tilespmem:s20], [sflag:$0x1] =	stream.indirect.gather [spmem:s2], $0x40, s19, s11, $0xb8;
	[tilespmem:$0x143C0] =	vst v63  }
0x20: {  	s21 =	simm.s32 $0x2D0;
	s22 =	simm.s32 $0xB7C0  }
0x21: {  	[tilespmem:s22], [sflag:$0x1] =	stream.indirect.gather [spmem:s2], $0x40, s21, s11, $0xb8;
	[tilespmem:$0x143C0] =	vst v63  }
0x22: {  	s23 =	simm.s32 $0x348;
	s24 =	simm.s32 $0xD5C0;
	s25 =	simm.s32 $0x1  }
0x23: {  	[tilespmem:s24], [sflag:$0x1] =	stream.indirect.gather [spmem:s2], $0x40, s23, s11, $0xb8;
	[tilespmem:$0x143C0] =	vst v63  }
0x24: {  	_ =	swait.ge [sflag:s25], $0x1E00  }
0x25: {  	[sflag:s25] =	ssyncset.done $0x0  }
0x26: {  	[sflag:s25] =	ssyncadd.s32 $0xFFFFE200  }
0x27: {  	_ =	swait.ge [sflag:s25], $0x1E00  }
0x28: {  	[sflag:s25] =	ssyncset.done $0x0  }
0x29: {  	[sflag:s25] =	ssyncadd.s32 $0xFFFFE200  }
0x2a: {  	_ =	swait.ge [sflag:s25], $0x1E00  }
0x2b: {  	[sflag:s25] =	ssyncset.done $0x0  }
0x2c: {  	[sflag:s25] =	ssyncadd.s32 $0xFFFFE200  }
0x2d: {  	_ =	swait.ge [sflag:s25], $0x1E00  }
0x2e: {  	[sflag:s25] =	ssyncset.done $0x0  }
0x2f: {  	[sflag:s25] =	ssyncadd.s32 $0xFFFFE200  }
0x30: {  	_ =	swait.ge [sflag:s25], $0x1E00  }
0x31: {  	[sflag:s25] =	ssyncset.done $0x0  }
0x32: {  	[sflag:s25] =	ssyncadd.s32 $0xFFFFE200  }
0x33: {  	_ =	swait.ge [sflag:s25], $0x1E00  }
0x34: {  	[sflag:s25] =	ssyncset.done $0x0  }
0x35: {  	s28 =	ssub.s32 $0x2, s28;
	[sflag:s25] =	ssyncadd.s32 $0xFFFFE200  }
0x36: {  	s30 =	sshrl.u32 s28, $0x1;
	_ =	swait.ge [sflag:s25], $0x1E00  }
0x37: {  	s28 =	ssub.s32 s28, s30;
	[sflag:s25] =	ssyncset.done $0x0  }
0x38: {  	s29 =	smul.u32 $0x3C00, s29;
	s28 =	smax.u32 s28, $0x1;
	[sflag:s25] =	ssyncadd.s32 $0xFFFFE200  }
0x39: {  	p0 =	sne.s32 s28, $0x1;
	_ =	swait.ge [sflag:s25], $0x1E00  }
.Ltmp0:
0x3a: {  	s26 =	sadd.s32 s29, s26;
	[sflag:s25] =	ssyncset.done $0x0;
	(pc) =	sbr.rel @!p0 .LBB2_2-.Ltmp0, $4  }
0x3b: {  	s26 =	sadd.s32 $0x7AA00, s26;
	[sflag:s25] =	ssyncadd.s32 $0xFFFFE200  }
0x3c: {  	[hbm4b:s26+s5] =	stream.strided.scatter [tilespmem:s8], [sflag:$0x2], $0xF000, s6, s5, $0x38;
	[tilespmem:$0x143C0] =	vst v63  }
0x3d: {  	_ =	swait.ge [sflag:s7], $0xF000  }
0x3e: {  	s28 =	sadd.s32 $0xFFFFFFFF, s28;
	[sflag:s7] =	ssyncset.done $0x0  }
.LBB2_1:
0x3f: {  	p0 =	sne.s32 s28, $0x1;
	s28 =	sadd.s32 $0xFFFFFFFF, s28;
	[sflag:s7] =	ssyncadd.s32 $0xFFFF1000  }
0x40: {  	[tilespmem:s8], [sflag:$0x2] =	stream.strided.gather [hbm4b:s4+s5], $0x5000, s6, s5, $0x38;
	[tilespmem:$0x143C0] =	vst v63  }
0x41: {  	_ =	swait.ge [sflag:s7], $0x5000  }
0x42: {  	[sflag:s7] =	ssyncset.done $0x0  }
0x43: {  	[sflag:s7] =	ssyncadd.s32 $0xFFFFB000  }
0x44: {  	[spmem:s9] =	stream.linear.scatter [tilespmem:s8], [sflag:$0x2], $0x5000, $0x38;
	[tilespmem:$0x143C0] =	vst v63  }
0x45: {  	_ =	swait.ge [sflag:s7], $0x5000  }
0x46: {  	[sflag:s7] =	ssyncset.done $0x0  }
0x47: {  	[sflag:s7] =	ssyncadd.s32 $0xFFFFB000  }
0x48: {  	[bflag:$0x0] =	sbarrier.arrive $0xFFFF  }
0x49: {  	[tilespmem:s3], [sflag:$0x2] =	stream.linear.gather [hbm4b:s10+s3], $0x3C0, $0x38;
	[tilespmem:$0x143C0] =	vst v63  }
0x4a: {  	_ =	swait.ge [sflag:s7], $0x3C0  }
0x4b: {  	[sflag:s7] =	ssyncset.done $0x0  }
0x4c: {  	[sflag:s7] =	ssyncadd.s32 $0xFFFFFC40  }
0x4d: {  	[tilespmem:s8], [sflag:$0x1] =	stream.indirect.gather [spmem:s2], $0x40, s3, s11, $0xb8;
	[tilespmem:$0x143C0] =	vst v63  }
0x4e: {  	_ = 	snop  }
0x4f: {  	[tilespmem:s12], [sflag:$0x1] =	stream.indirect.gather [spmem:s2], $0x40, s11, s11, $0xb8;
	[tilespmem:$0x143C0] =	vst v63  }
0x50: {  	_ = 	snop  }
0x51: {  	[tilespmem:s14], [sflag:$0x1] =	stream.indirect.gather [spmem:s2], $0x40, s13, s11, $0xb8;
	[tilespmem:$0x143C0] =	vst v63  }
0x52: {  	_ = 	snop  }
0x53: {  	[tilespmem:s16], [sflag:$0x1] =	stream.indirect.gather [spmem:s2], $0x40, s15, s11, $0xb8;
	[tilespmem:$0x143C0] =	vst v63  }
0x54: {  	_ = 	snop  }
0x55: {  	[tilespmem:s18], [sflag:$0x1] =	stream.indirect.gather [spmem:s2], $0x40, s17, s11, $0xb8;
	[tilespmem:$0x143C0] =	vst v63  }
0x56: {  	_ = 	snop  }
0x57: {  	[tilespmem:s20], [sflag:$0x1] =	stream.indirect.gather [spmem:s2], $0x40, s19, s11, $0xb8;
	[tilespmem:$0x143C0] =	vst v63  }
0x58: {  	_ = 	snop  }
0x59: {  	[tilespmem:s22], [sflag:$0x1] =	stream.indirect.gather [spmem:s2], $0x40, s21, s11, $0xb8;
	[tilespmem:$0x143C0] =	vst v63  }
0x5a: {  	_ = 	snop  }
0x5b: {  	[tilespmem:s24], [sflag:$0x1] =	stream.indirect.gather [spmem:s2], $0x40, s23, s11, $0xb8;
	[tilespmem:$0x143C0] =	vst v63  }
0x5c: {  	_ =	swait.ge [sflag:s25], $0x1E00  }
0x5d: {  	[sflag:s25] =	ssyncset.done $0x0  }
0x5e: {  	[sflag:s25] =	ssyncadd.s32 $0xFFFFE200  }
0x5f: {  	_ =	swait.ge [sflag:s25], $0x1E00  }
0x60: {  	[sflag:s25] =	ssyncset.done $0x0  }
0x61: {  	[sflag:s25] =	ssyncadd.s32 $0xFFFFE200  }
0x62: {  	_ =	swait.ge [sflag:s25], $0x1E00  }
0x63: {  	[sflag:s25] =	ssyncset.done $0x0  }
0x64: {  	[sflag:s25] =	ssyncadd.s32 $0xFFFFE200  }
0x65: {  	_ =	swait.ge [sflag:s25], $0x1E00  }
0x66: {  	[sflag:s25] =	ssyncset.done $0x0  }
0x67: {  	[sflag:s25] =	ssyncadd.s32 $0xFFFFE200  }
0x68: {  	_ =	swait.ge [sflag:s25], $0x1E00  }
0x69: {  	[sflag:s25] =	ssyncset.done $0x0  }
0x6a: {  	[sflag:s25] =	ssyncadd.s32 $0xFFFFE200  }
0x6b: {  	_ =	swait.ge [sflag:s25], $0x1E00  }
0x6c: {  	[sflag:s25] =	ssyncset.done $0x0  }
0x6d: {  	[sflag:s25] =	ssyncadd.s32 $0xFFFFE200  }
0x6e: {  	_ =	swait.ge [sflag:s25], $0x1E00  }
0x6f: {  	[sflag:s25] =	ssyncset.done $0x0  }
0x70: {  	[sflag:s25] =	ssyncadd.s32 $0xFFFFE200  }
0x71: {  	_ =	swait.ge [sflag:s25], $0x1E00  }
.Ltmp1:
0x72: {  	[sflag:s25] =	ssyncset.done $0x0;
	(pc) =	sbr.rel @p0 .LBB2_1-.Ltmp1, $4  }
0x73: {  	[sflag:s25] =	ssyncadd.s32 $0xFFFFE200  }
0x74: {  	[hbm4b:s26+s5] =	stream.strided.scatter [tilespmem:s8], [sflag:$0x2], $0xF000, s6, s5, $0x38;
	[tilespmem:$0x143C0] =	vst v63  }
0x75: {  	_ =	swait.ge [sflag:s7], $0xF000  }
0x76: {  	[sflag:s7] =	ssyncset.done $0x0  }
.LBB2_2:
0x77: {  	[sflag:s7] =	ssyncadd.s32 $0xFFFF1000  }
0x78: {  	_ =	sfence.sel $0x180000  }
0x79: {  	[bflag:$0x0] =	sbarrier.arrive $0xFFFF  }
0x7a: {  	p0 =	sne.s32 s1, $0x0;
	_ =	strace $0x90000050  }
0x7b: {  	s0 =	sadd.s32 @!p0 $0x100000, s0;
	[bflag:$0x2] =	sbarrier.arrive $0xFFFF  }
0x7c: {  	[sflag:s0] =	ssyncadd.tile.s32 @!p0 $0x1;
	_ =	shalt  }
.Lfunc_end2:
_tile_overlayer_lowered:
.L_overlay_start_2:
0x7d: {  	(tag) =	ssettag $0x2  }
0x7e: {  	s0 =	rddreg [dreg:$0x0];
	s2 =	stileid.u32  }
0x7f: {  	s1 =	rddreg [dreg:$0x1];
	p0 =	sne.s32 s2, $0x0  }
0x80: {  	s3 =	rddreg [dreg:$0x2];
	[bflag:$0x3] =	sbarrier.arrive $0xFFFF;
	s2 =	simm.s32 @!p0 $0x1C02  }
0x81: {  	[timem:s3], [sflag:s2] =	dma.local @!p0 [hbm:s0], s1  }
0x82: {  	s0 =	simm.s32 @!p0 $0x2  }
0x83: {  	_ =	swait.ge @!p0 [sflag:s0], s1  }
0x84: {  	s1 =	ssub.s32 @!p0 $0x0, s1;
	[sflag:s0] =	ssyncset.done @!p0 $0x0  }
0x85: {  	[sflag:s0] =	ssyncadd.s32 @!p0 s1  }
0x86: {  	[bflag:$0x3] =	sbarrier.arrive $0xFFFF  }
0x87: {  	_ =	shalt  }

// kernel: kernel.28.cloned.1.call-start
scs
__scs_entry_jumppad:
0x0: {  	(pc) =	sbr.rel $0x88, $3  }
0x1: {  	(tag) =	ssettag $0x0;
	lr =	simm.s32 $0x1  }
0x2: {  	[smem:$0x3F89] =	sst lr;
	_ =	strace $0xD0000000  }
0x3: {  	_ = 	snop  }
0x4: {  	_ = 	snop  }
0x5: {  	_ = 	snop  }
0x6: {  	_ = 	snop  }
0x7: {  	_ = 	snop  }
__scs_overlays_trampoline_lowered:
0x8: {  	[smem:$0x3F98] =	sst s0  }
0x9: {  	[smem:$0x3F99] =	sst s1  }
0xa: {  	[smem:$0x3F9A] =	sst s2  }
0xb: {  	[smem:$0x3F9B] =	sst s3  }
0xc: {  	[smem:$0x3F9C] =	sst s4  }
0xd: {  	[smem:$0x3F9D] =	sst s5  }
0xe: {  	[smem:$0x3F9E] =	sst s6  }
0xf: {  	[smem:$0x3F9F] =	sst s7  }
0x10: {  	[smem:$0x3FA0] =	sst s8  }
0x11: {  	[smem:$0x3FA1] =	sst s9;
	s0 =	simm.s32 @!p0 $0x0  }
0x12: {  	s1 =	sld [smem:$0x3F87];
	s0 =	simm.s32 @p0 $0x1  }
0x13: {  	[smem:$0x3FA2] =	sst s0;
	s0 =	simm.s32 @!p1 $0x0  }
0x14: {  	s2 =	sld [smem:$0x3F86];
	s0 =	simm.s32 @p1 $0x1  }
0x15: {  	[smem:$0x3FA3] =	sst s0;
	s0 =	simm.s32 @!p2 $0x0  }
0x16: {  	s3 =	sld [smem:$0x3FDB];
	s0 =	simm.s32 @p2 $0x1  }
0x17: {  	s4 =	simm.s32 $0x1BF5;
	[smem:$0x3FA5] =	sst s0  }
0x18: {  	s0 =	sld [smem:$0x3F88];
	_ =	swait.ge [sflag:s4], $0x0  }
0x19: {  	s7 =	sld [smem:$0x3F89]  }
0x1a: {  	s8 =	sadd.s32 $0xFFFFE003, lr  }
0x1b: {  	s9 =	sadd.s32 $0xFFFFFEF7, lr;
	s5 =	simm.s32 $0xFFFFFFFF;
	p2 =	slt.u32 s8, $0xFFFFF086  }
0x1c: {  	p1 =	slt.u32 s9, $0xF7A;
	s5 =	simm.s32 @!p2 $0x0  }
0x1d: {  	s5 =	simm.s32 @p1 $0x1;
	p0 =	seq.s32 s7, s2  }
0x1e: {  	s7 =	smul.u32 @!p0 $0xF7A, s2;
	p2 =	seq.s32 @!p0 s5, $0x0  }
0x1f: {  	s9 =	smul.u32 $0xF7A, s1;
	s8 =	simm.s32 @!p0 $0x1BF5;
	p2 =	por !p2, p0  }
0x20: {  	[sflag:s8] =	ssyncset.s32 @!p0 $0xFFFFF086;
	s6 =	sadd.s32 @!p0 s3, s7;
	s7 =	simm.s32 @!p0 $0x108  }
0x21: {  	s3 =	sadd.s32 s3, s9;
	s6 =	sadd.s32 @!p0 $0x88, s6;
	s7 =	simm.s32 @p2 $0x1082  }
0x22: {  	[simem:s7], [sflag:s8] =	dma.local @!p0 [hbm:s6], $0xF7A  }
0x23: {  	s9 =	sor.u32 $0xD0000000, s2;
	s6 =	simm.s32 $0x108;
	_ =	swait.ge @!p0 [sflag:s8], $0x0  }
0x24: {  	s3 =	sadd.s32 $0x88, s3;
	s6 =	simm.s32 @!p1 $0x1082;
	[sflag:s4] =	ssyncset.s32 $0xFFFFF086  }
0x25: {  	[simem:s6], [sflag:s4] =	dma.local [hbm:s3], $0xF7A  }
0x26: {  	[smem:$0x3F89] =	sst s1;
	(tag) =	ssettag s2;
	_ =	strace s9  }
0x27: {  	s1 =	sld [smem:$0x3F99]  }
0x28: {  	s2 =	sld [smem:$0x3F9A]  }
0x29: {  	s4 =	sld [smem:$0x3F9C]  }
0x2a: {  	p0 =	seq.s32 s5, $0x0;
	s5 =	sld [smem:$0x3F9D]  }
0x2b: {  	s6 =	sld [smem:$0x3F9E]  }
0x2c: {  	s7 =	sld [smem:$0x3F9F]  }
0x2d: {  	s3 =	simm.s32 $0x108;
	s8 =	sld [smem:$0x3FA0]  }
0x2e: {  	s3 =	simm.s32 @!p0 $0x1082;
	s9 =	sld [smem:$0x3FA1]  }
0x2f: {  	lr =	sadd.s32 s0, s3;
	s0 =	sld [smem:$0x3F98]  }
0x30: {  	s3 =	sld [smem:$0x3F9B]  }
0x31: {  	[smem:$0x3FA4] =	sst s10  }
0x32: {  	s10 =	sld [smem:$0x3FA2];
	_ =	sdelay $0x3  }
0x33: {  	p0 =	seq.s32 s10, $0x1;
	s10 =	sld [smem:$0x3FA4];
	_ =	sdelay $0x3  }
0x34: {  	[smem:$0x3FA4] =	sst s10  }
0x35: {  	s10 =	sld [smem:$0x3FA3];
	_ =	sdelay $0x3  }
0x36: {  	p1 =	seq.s32 s10, $0x1;
	s10 =	sld [smem:$0x3FA4];
	_ =	sdelay $0x3  }
0x37: {  	[smem:$0x3FA4] =	sst s10  }
0x38: {  	s10 =	sld [smem:$0x3FA5]  }
0x39: {  	_ = 	snop;
	(pc) =	sbr.ind lr, $3  }
0x3a: {  	_ = 	snop  }
0x3b: {  	_ = 	snop  }
0x3c: {  	p2 =	seq.s32 s10, $0x1;
	s10 =	sld [smem:$0x3FA4]  }
0x3d: {  	_ =	shalt  }
0x3e: {  	_ =	shalt  }
0x3f: {  	_ =	shalt  }
0x40: {  	_ =	shalt  }
0x41: {  	_ =	shalt  }
0x42: {  	_ =	shalt  }
0x43: {  	_ =	shalt  }
0x44: {  	_ =	shalt  }
0x45: {  	_ =	shalt  }
0x46: {  	_ =	shalt  }
0x47: {  	_ =	shalt  }
0x48: {  	_ =	shalt  }
0x49: {  	_ =	shalt  }
0x4a: {  	_ =	shalt  }
0x4b: {  	_ =	shalt  }
0x4c: {  	_ =	shalt  }
0x4d: {  	_ =	shalt  }
0x4e: {  	_ =	shalt  }
0x4f: {  	_ =	shalt  }
0x50: {  	_ =	shalt  }
0x51: {  	_ =	shalt  }
0x52: {  	_ =	shalt  }
0x53: {  	_ =	shalt  }
0x54: {  	_ =	shalt  }
0x55: {  	_ =	shalt  }
0x56: {  	_ =	shalt  }
0x57: {  	_ =	shalt  }
0x58: {  	_ =	shalt  }
0x59: {  	_ =	shalt  }
0x5a: {  	_ =	shalt  }
0x5b: {  	_ =	shalt  }
0x5c: {  	_ =	shalt  }
0x5d: {  	_ =	shalt  }
0x5e: {  	_ =	shalt  }
0x5f: {  	_ =	shalt  }
0x60: {  	_ =	shalt  }
0x61: {  	_ =	shalt  }
0x62: {  	_ =	shalt  }
0x63: {  	_ =	shalt  }
0x64: {  	_ =	shalt  }
0x65: {  	_ =	shalt  }
0x66: {  	_ =	shalt  }
0x67: {  	_ =	shalt  }
0x68: {  	_ =	shalt  }
0x69: {  	_ =	shalt  }
0x6a: {  	_ =	shalt  }
0x6b: {  	_ =	shalt  }
0x6c: {  	_ =	shalt  }
0x6d: {  	_ =	shalt  }
0x6e: {  	_ =	shalt  }
0x6f: {  	_ =	shalt  }
0x70: {  	_ =	shalt  }
0x71: {  	_ =	shalt  }
0x72: {  	_ =	shalt  }
0x73: {  	_ =	shalt  }
0x74: {  	_ =	shalt  }
0x75: {  	_ =	shalt  }
0x76: {  	_ =	shalt  }
0x77: {  	_ =	shalt  }
0x78: {  	_ =	shalt  }
0x79: {  	_ =	shalt  }
0x7a: {  	_ =	shalt  }
0x7b: {  	_ =	shalt  }
0x7c: {  	_ =	shalt  }
0x7d: {  	_ =	shalt  }
0x7e: {  	_ =	shalt  }
0x7f: {  	_ =	shalt  }
0x80: {  	_ =	shalt  }
0x81: {  	_ =	shalt  }
0x82: {  	_ =	shalt  }
0x83: {  	_ =	shalt  }
0x84: {  	_ =	shalt  }
0x85: {  	_ =	shalt  }
0x86: {  	_ =	shalt  }
0x87: {  	_ =	shalt  }
.Lfunc_end0:
.L_simem_size_0:
called_computation.4_lowered:
.L_overlay_start_0:
0x88: {  	s2 =	sld [smem:$0x3FD9]  }
0x89: {  	s3 =	sld [smem:$0x3FFE];
	_ =	sdelay $0x1  }
0x8a: {  	s1 =	srdreg.scid  }
0x8b: {  	s0 =	sand.u32 $0x1, s1  }
0x8c: {  	s16 =	sshll.u32 s0, $0xA;
	s2 =	sadd.s32 s3, s2  }
0x8d: {  	s2 =	sadd.s32 s2, s16  }
0x8e: {  	[smem:$0x3FB0] =	sst s2  }
0x8f: {  	_ = 	snop  }
0x90: {  	(tm) =	ssettm $0x1  }
0x91: {  	s17 =	sld [smem:$0x3FFB];
	_ =	sdelay $0x3  }
0x92: {  	_ =	strace s17  }
0x93: {  	s2 =	sld [smem:$0x3FFC];
	_ =	sdelay $0x3  }
0x94: {  	_ =	strace s2  }
0x95: {  	s2 =	sld [smem:$0x3FFD];
	_ =	sdelay $0x3  }
0x96: {  	_ =	strace s2  }
0x97: {  	_ =	strace $0x8FFFFFFF  }
0x98: {  	s18 =	sld [smem:$0x3FDB];
	_ =	sdelay $0x1  }
0x99: {  	s19 =	simm.s32 $_scs_section_size  }
0x9a: {  	s4 =	simm.s32 $_size__tile_overlayer_lowered;
	s5 =	simm.s32 $_tile_overlayer_lowered  }
0x9b: {  	s22 =	simm.s32 $0x1BFF;
	s21 =	sshll.u32 s5, $0x1;
	s2 =	sadd.s32 s19, s18  }
0x9c: {  	s6 =	simm.s32 $0x0;
	s20 =	sshll.u32 s4, $0x1;
	s4 =	sadd.s32 s21, s2  }
0x9d: {  	[timem:s6], [sflag:s22] =	dma.local [hbm:s4], s20  }
0x9e: {  	_ =	swait.ge [sflag:s22], s20  }
0x9f: {  	s3 =	ssub.s32 $0x0, s20;
	[sflag:s22] =	ssyncset.done $0x0  }
0xa0: {  	[sflag:s22] =	ssyncadd.s32 s3;
	_ =	sdelay $0x1  }
0xa1: {  	s23 =	simm.s32 $0x1B8B  }
0xa2: {  	_ =	swait.ge [sflag:s23], $0x1  }
0xa3: {  	[sflag:s23] =	ssyncset.done $0x0  }
0xa4: {  	s25 =	simm.s32 $0x1B8E;
	s24 =	sld [smem:$0x3FFE];
	[sflag:s23] =	ssyncadd.s32 $0xFFFFFFFF  }
0xa5: {  	s26 =	simm.s32 $execute0_lowered;
	[smem:$0x3FD2] =	sst s25  }
0xa6: {  	s4 =	sshll.u32 s26, $0x1;
	_ =	strace $0x80000052;
	[dreg:$0x1] =	wrdreg $0xFFFFFFFF  }
0xa7: {  	s28 =	simm.s32 $_size_execute0_lowered;
	s2 =	sadd.s32 s2, s4;
	[dreg:$0x0] =	wrdreg $0x0  }
0xa8: {  	s4 =	sshll.u32 s28, $0x1;
	[dreg:$0x2] =	wrdreg s2  }
0xa9: {  	[dreg:$0x3] =	wrdreg s4  }
0xaa: {  	[dreg:$0x4] =	wrdreg $0xC0  }
0xab: {  	_ =	task [dreg:s6], $0x5FFFF  }
0xac: {  	[dreg:$0x1] =	wrdreg $0xFFFFFFFF  }
0xad: {  	[dreg:$0x0] =	wrdreg $0x60  }
0xae: {  	[dreg:$0x2] =	wrdreg s24  }
0xaf: {  	[dreg:$0x3] =	wrdreg $0xF3C00  }
0xb0: {  	[dreg:$0x4] =	wrdreg $0x9  }
0xb1: {  	_ =	task.clear_ibuf [dreg:s6], $0x5FFFF;
	_ =	strace $0x90000052  }
0xb2: {  	s29 =	simm.s32 $0x9;
	_ =	strace $0x80000054  }
0xb3: {  	_ =	swait.ge [sflag:s29], $0x1  }
0xb4: {  	[sflag:s29] =	ssyncadd.s32 $0xFFFFFFFF  }
0xb5: {  	_ =	strace $0x90000054  }
0xb6: {  	_ =	sfence  }
0xb7: {  	s30 =	sld [smem:$0x0];
	_ =	sdelay $0x2  }
0xb8: {  	s31 =	sshll.u32 s1, $0xD;
	s1 =	sshrl.u32 s1, $0x2  }
0xb9: {  	s3 =	sand.u32 $0x4000, s31;
	s1 =	sadd.s32 s1, s30  }
0xba: {  	s0 =	sor.u32 s3, s0;
	s1 =	sshll.u32 s1, $0x11  }
0xbb: {  	s0 =	sor.u32 s1, s0  }
0xbc: {  	s0 =	sadd.s32 $0x8F2B, s0  }
0xbd: {  	[sflag:s0] =	ssyncadd.remote.s32 $0x1  }
0xbe: {  	_ =	sfence.sel $0xFFFF  }
0xbf: {  	[dreg:$0x0] =	wrdreg $0xFFFFFFFF;
	(pc) =	sbr.abs _section_cstart, $3  }
0xc0: {  	[dreg:$0x1] =	wrdreg $0xFFFFFFFF  }
0xc1: {  	_ =	task.clear_ibuf [dreg:s6], $0x2FFFF;
	_ =	strace $0x9FFFFFFF  }
0xc2: {  	(tm) =	ssettm $0x7FFFFFFF  }
0xc3: {  	_ =	shalt  }
tec
execute0_lowered:
.L_overlay_start_1:
0x0: {  	(tag) =	ssettag $0x1  }
0x1: {  	s1 =	srdreg.scid  }
0x2: {  	s0 =	stileid.u32;
	s29 =	rddreg [dreg:$0x0]  }
0x3: {  	s2 =	rddreg [dreg:$0x1];
	s30 =	sand.u32 $0x1, s1;
	s24 =	sshll.u32 s0, $0x1  }
0x4: {  	s3 =	simm.s32 $0x0;
	s6 =	smul.u32 $0x14000, s0;
	s4 =	sor.u32 s30, s24  }
0x5: {  	s9 =	simm.s32 $0x80;
	s10 =	simm.s32 $0x3C0;
	s5 =	smul.u32 $0x3C00, s4  }
0x6: {  	[smem:$0x7FF] =	sst s3;
	s4 =	smul.u32 $0x78, s4;
	s8 =	sshrl.u32 s6, $0x2  }
0x7: {  	s26 =	sshll.u32 s0, $0x6;
	_ =	strace $0x80000053;
	s11 =	sadd.s32 s8, s2  }
0x8: {  	s8 =	simm.s32 $0x40;
	s7 =	sadd.s32 s5, s29;
	s25 =	sadd.s32 s4, s29  }
0x9: {  	s4 =	sadd.s32 $0x1EC00, s29;
	s12 =	sshrl.u32 s11, $0x3;
	s5 =	sadd.s32 $0x18600, s25  }
0xa: {  	[tilespmem:s3], [sflag:$0x1] =	stream.linear.gather [hbm4b:s5+s3], $0x3C0, $0x38;
	[tilespmem:$0x143C0] =	vst v63  }
0xb: {  	s11 =	simm.s32 $0x2;
	s6 =	sadd.s32 $0xF2A00, s7;
	s7 =	sor.u32 $0x1C02, s26  }
0xc: {  	[tilespmem:s10], [sflag:$0x1] =	stream.strided.gather [hbm4b:s6+s8], $0xF000, s9, s8, $0x38;
	[tilespmem:$0x143C0] =	vst v63  }
0xd: {  	[spmem:s12], [sflag:s7] =	dma.local [hbm:s4], $0xA00  }
0xe: {  	_ =	swait.ge [sflag:s11], $0xA00  }
0xf: {  	[sflag:s11] =	ssyncset.done $0x0  }
0x10: {  	[sflag:s11] =	ssyncadd.s32 $0xFFFFF600  }
0x11: {  	s13 =	simm.s32 $0x1;
	[bflag:$0x0] =	sbarrier.arrive $0xFFFF  }
0x12: {  	_ =	swait.ge [sflag:s13], $0x3C0  }
0x13: {  	[sflag:s13] =	ssyncset.done $0x0  }
0x14: {  	[sflag:s13] =	ssyncadd.s32 $0xFFFFFC40  }
0x15: {  	_ =	swait.ge [sflag:s13], $0xF000  }
0x16: {  	[sflag:s13] =	ssyncset.done $0x0  }
0x17: {  	s14 =	simm.s32 $0x78;
	[sflag:s13] =	ssyncadd.s32 $0xFFFF1000  }
0x18: {  	[spmem:s2] =	stream.indirect.scatter.add.f32 [tilespmem:s10], [sflag:$0x2], $0x40, s3, s14, $0xb8;
	[tilespmem:$0x143C0] =	vst v63  }
0x19: {  	_ =	swait.ge [sflag:s11], $0x1E00  }
0x1a: {  	[sflag:s11] =	ssyncset.done $0x0  }
0x1b: {  	s15 =	simm.s32 $0x21C0;
	[sflag:s11] =	ssyncadd.s32 $0xFFFFE200  }
0x1c: {  	[spmem:s2] =	stream.indirect.scatter.add.f32 [tilespmem:s15], [sflag:$0x2], $0x40, s14, s14, $0xb8;
	[tilespmem:$0x143C0] =	vst v63  }
0x1d: {  	_ =	swait.ge [sflag:s11], $0x1E00  }
0x1e: {  	[sflag:s11] =	ssyncset.done $0x0  }
0x1f: {  	s16 =	simm.s32 $0xF0;
	s17 =	simm.s32 $0x3FC0;
	[sflag:s11] =	ssyncadd.s32 $0xFFFFE200  }
0x20: {  	[spmem:s2] =	stream.indirect.scatter.add.f32 [tilespmem:s17], [sflag:$0x2], $0x40, s16, s14, $0xb8;
	[tilespmem:$0x143C0] =	vst v63  }
0x21: {  	_ =	swait.ge [sflag:s11], $0x1E00  }
0x22: {  	[sflag:s11] =	ssyncset.done $0x0  }
0x23: {  	s18 =	simm.s32 $0x168;
	s19 =	simm.s32 $0x5DC0;
	[sflag:s11] =	ssyncadd.s32 $0xFFFFE200  }
0x24: {  	[spmem:s2] =	stream.indirect.scatter.add.f32 [tilespmem:s19], [sflag:$0x2], $0x40, s18, s14, $0xb8;
	[tilespmem:$0x143C0] =	vst v63  }
0x25: {  	_ =	swait.ge [sflag:s11], $0x1E00  }
0x26: {  	[sflag:s11] =	ssyncset.done $0x0  }
0x27: {  	s20 =	simm.s32 $0x1E0;
	s21 =	simm.s32 $0x7BC0;
	[sflag:s11] =	ssyncadd.s32 $0xFFFFE200  }
0x28: {  	[spmem:s2] =	stream.indirect.scatter.add.f32 [tilespmem:s21], [sflag:$0x2], $0x40, s20, s14, $0xb8;
	[tilespmem:$0x143C0] =	vst v63  }
0x29: {  	_ =	swait.ge [sflag:s11], $0x1E00  }
0x2a: {  	[sflag:s11] =	ssyncset.done $0x0  }
0x2b: {  	s22 =	simm.s32 $0x258;
	s23 =	simm.s32 $0x99C0;
	[sflag:s11] =	ssyncadd.s32 $0xFFFFE200  }
0x2c: {  	[spmem:s2] =	stream.indirect.scatter.add.f32 [tilespmem:s23], [sflag:$0x2], $0x40, s22, s14, $0xb8;
	[tilespmem:$0x143C0] =	vst v63  }
0x2d: {  	_ =	swait.ge [sflag:s11], $0x1E00  }
0x2e: {  	s31 =	smul.u32 $0xA00, s0;
	s24 =	simm.s32 $0x2D0;
	[sflag:s11] =	ssyncset.done $0x0  }
0x2f: {  	s1 =	smul.u32 $0xA000, s30;
	s25 =	simm.s32 $0xB7C0;
	[sflag:s11] =	ssyncadd.s32 $0xFFFFE200  }
0x30: {  	[spmem:s2] =	stream.indirect.scatter.add.f32 [tilespmem:s25], [sflag:$0x2], $0x40, s24, s14, $0xb8;
	[tilespmem:$0x143C0] =	vst v63  }
0x31: {  	s28 =	simm.s32 $0xD5C0;
	s30 =	ssub.s32 $0x2, s30;
	_ =	swait.ge [sflag:s11], $0x1E00  }
0x32: {  	s1 =	sadd.s32 s31, s1;
	s31 =	sshrl.u32 s30, $0x1;
	[sflag:s11] =	ssyncset.done $0x0  }
0x33: {  	s30 =	ssub.s32 s30, s31;
	s26 =	simm.s32 $0x348;
	[sflag:s11] =	ssyncadd.s32 $0xFFFFE200  }
0x34: {  	[spmem:s2] =	stream.indirect.scatter.add.f32 [tilespmem:s28], [sflag:$0x2], $0x40, s26, s14, $0xb8;
	[tilespmem:$0x143C0] =	vst v63  }
0x35: {  	s31 =	smax.u32 s30, $0x1;
	_ =	swait.ge [sflag:s11], $0x1E00  }
0x36: {  	p0 =	sne.s32 s31, $0x1;
	[sflag:s11] =	ssyncset.done $0x0  }
.Ltmp0:
0x37: {  	s1 =	sadd.s32 s1, s29;
	[sflag:s11] =	ssyncadd.s32 $0xFFFFE200;
	(pc) =	sbr.rel @!p0 .LBB2_2-.Ltmp0, $4  }
0x38: {  	s29 =	sadd.s32 $0x1F600, s1;
	[bflag:$0x0] =	sbarrier.arrive $0xFFFF  }
0x39: {  	[hbm:s29], [sflag:s7] =	dma.local [spmem:s12], $0xA00  }
0x3a: {  	_ =	swait.ge [sflag:s11], $0xA00  }
0x3b: {  	s30 =	sadd.s32 $0xFFFFFFFF, s31;
	[sflag:s11] =	ssyncset.done $0x0  }
.LBB2_1:
0x3c: {  	p0 =	sne.s32 s30, $0x1;
	s30 =	sadd.s32 $0xFFFFFFFF, s30;
	[sflag:s11] =	ssyncadd.s32 $0xFFFFF600  }
0x3d: {  	[tilespmem:s3], [sflag:$0x1] =	stream.linear.gather [hbm4b:s5+s3], $0x3C0, $0x38;
	[tilespmem:$0x143C0] =	vst v63  }
0x3e: {  	_ = 	snop  }
0x3f: {  	[tilespmem:s10], [sflag:$0x1] =	stream.strided.gather [hbm4b:s6+s8], $0xF000, s9, s8, $0x38;
	[tilespmem:$0x143C0] =	vst v63  }
0x40: {  	[spmem:s12], [sflag:s7] =	dma.local [hbm:s4], $0xA00  }
0x41: {  	_ =	swait.ge [sflag:s11], $0xA00  }
0x42: {  	[sflag:s11] =	ssyncset.done $0x0  }
0x43: {  	[sflag:s11] =	ssyncadd.s32 $0xFFFFF600  }
0x44: {  	[bflag:$0x0] =	sbarrier.arrive $0xFFFF  }
0x45: {  	_ =	swait.ge [sflag:s13], $0x3C0  }
0x46: {  	[sflag:s13] =	ssyncset.done $0x0  }
0x47: {  	[sflag:s13] =	ssyncadd.s32 $0xFFFFFC40  }
0x48: {  	_ =	swait.ge [sflag:s13], $0xF000  }
0x49: {  	[sflag:s13] =	ssyncset.done $0x0  }
0x4a: {  	[sflag:s13] =	ssyncadd.s32 $0xFFFF1000  }
0x4b: {  	[spmem:s2] =	stream.indirect.scatter.add.f32 [tilespmem:s10], [sflag:$0x2], $0x40, s3, s14, $0xb8;
	[tilespmem:$0x143C0] =	vst v63  }
0x4c: {  	_ =	swait.ge [sflag:s11], $0x1E00  }
0x4d: {  	[sflag:s11] =	ssyncset.done $0x0  }
0x4e: {  	[sflag:s11] =	ssyncadd.s32 $0xFFFFE200  }
0x4f: {  	[spmem:s2] =	stream.indirect.scatter.add.f32 [tilespmem:s15], [sflag:$0x2], $0x40, s14, s14, $0xb8;
	[tilespmem:$0x143C0] =	vst v63  }
0x50: {  	_ =	swait.ge [sflag:s11], $0x1E00  }
0x51: {  	[sflag:s11] =	ssyncset.done $0x0  }
0x52: {  	[sflag:s11] =	ssyncadd.s32 $0xFFFFE200  }
0x53: {  	[spmem:s2] =	stream.indirect.scatter.add.f32 [tilespmem:s17], [sflag:$0x2], $0x40, s16, s14, $0xb8;
	[tilespmem:$0x143C0] =	vst v63  }
0x54: {  	_ =	swait.ge [sflag:s11], $0x1E00  }
0x55: {  	[sflag:s11] =	ssyncset.done $0x0  }
0x56: {  	[sflag:s11] =	ssyncadd.s32 $0xFFFFE200  }
0x57: {  	[spmem:s2] =	stream.indirect.scatter.add.f32 [tilespmem:s19], [sflag:$0x2], $0x40, s18, s14, $0xb8;
	[tilespmem:$0x143C0] =	vst v63  }
0x58: {  	_ =	swait.ge [sflag:s11], $0x1E00  }
0x59: {  	[sflag:s11] =	ssyncset.done $0x0  }
0x5a: {  	[sflag:s11] =	ssyncadd.s32 $0xFFFFE200  }
0x5b: {  	[spmem:s2] =	stream.indirect.scatter.add.f32 [tilespmem:s21], [sflag:$0x2], $0x40, s20, s14, $0xb8;
	[tilespmem:$0x143C0] =	vst v63  }
0x5c: {  	_ =	swait.ge [sflag:s11], $0x1E00  }
0x5d: {  	[sflag:s11] =	ssyncset.done $0x0  }
0x5e: {  	[sflag:s11] =	ssyncadd.s32 $0xFFFFE200  }
0x5f: {  	[spmem:s2] =	stream.indirect.scatter.add.f32 [tilespmem:s23], [sflag:$0x2], $0x40, s22, s14, $0xb8;
	[tilespmem:$0x143C0] =	vst v63  }
0x60: {  	_ =	swait.ge [sflag:s11], $0x1E00  }
0x61: {  	[sflag:s11] =	ssyncset.done $0x0  }
0x62: {  	[sflag:s11] =	ssyncadd.s32 $0xFFFFE200  }
0x63: {  	[spmem:s2] =	stream.indirect.scatter.add.f32 [tilespmem:s25], [sflag:$0x2], $0x40, s24, s14, $0xb8;
	[tilespmem:$0x143C0] =	vst v63  }
0x64: {  	_ =	swait.ge [sflag:s11], $0x1E00  }
0x65: {  	[sflag:s11] =	ssyncset.done $0x0  }
0x66: {  	[sflag:s11] =	ssyncadd.s32 $0xFFFFE200  }
0x67: {  	[spmem:s2] =	stream.indirect.scatter.add.f32 [tilespmem:s28], [sflag:$0x2], $0x40, s26, s14, $0xb8;
	[tilespmem:$0x143C0] =	vst v63  }
0x68: {  	_ =	swait.ge [sflag:s11], $0x1E00  }
0x69: {  	[sflag:s11] =	ssyncset.done $0x0  }
.Ltmp1:
0x6a: {  	[sflag:s11] =	ssyncadd.s32 $0xFFFFE200;
	(pc) =	sbr.rel @p0 .LBB2_1-.Ltmp1, $4  }
0x6b: {  	[bflag:$0x0] =	sbarrier.arrive $0xFFFF  }
0x6c: {  	[hbm:s29], [sflag:s7] =	dma.local [spmem:s12], $0xA00  }
0x6d: {  	_ =	swait.ge [sflag:s11], $0xA00  }
0x6e: {  	[sflag:s11] =	ssyncset.done $0x0  }
.LBB2_2:
0x6f: {  	[sflag:s11] =	ssyncadd.s32 $0xFFFFF600  }
0x70: {  	_ =	sfence.sel $0x180000  }
0x71: {  	[bflag:$0x0] =	sbarrier.arrive $0xFFFF  }
0x72: {  	_ =	strace $0x90000053  }
0x73: {  	[bflag:$0x2] =	sbarrier.arrive $0xFFFF  }
0x74: {  	p0 =	sne.s32 s0, $0x0;
	s0 =	rddreg [dreg:$0x2]  }
0x75: {  	s0 =	sadd.s32 @!p0 $0x100000, s0  }
0x76: {  	[sflag:s0] =	ssyncadd.tile.s32 @!p0 $0x1;
	_ =	shalt  }
.Lfunc_end2:
_tile_overlayer_lowered:
.L_overlay_start_2:
0x77: {  	(tag) =	ssettag $0x2  }
0x78: {  	s0 =	rddreg [dreg:$0x0];
	s2 =	stileid.u32  }
0x79: {  	s1 =	rddreg [dreg:$0x1];
	p0 =	sne.s32 s2, $0x0  }
0x7a: {  	s3 =	rddreg [dreg:$0x2];
	[bflag:$0x3] =	sbarrier.arrive $0xFFFF;
	s2 =	simm.s32 @!p0 $0x1C02  }
0x7b: {  	[timem:s3], [sflag:s2] =	dma.local @!p0 [hbm:s0], s1  }
0x7c: {  	s0 =	simm.s32 @!p0 $0x2  }
0x7d: {  	_ =	swait.ge @!p0 [sflag:s0], s1  }
0x7e: {  	s1 =	ssub.s32 @!p0 $0x0, s1;
	[sflag:s0] =	ssyncset.done @!p0 $0x0  }
0x7f: {  	[sflag:s0] =	ssyncadd.s32 @!p0 s1  }
0x80: {  	[bflag:$0x3] =	sbarrier.arrive $0xFFFF  }
0x81: {  	_ =	shalt  }

// kernel: kernel.31.cloned.1.call-start
scs
__scs_entry_jumppad:
0x0: {  	(pc) =	sbr.rel $0x88, $3  }
0x1: {  	(tag) =	ssettag $0x0;
	lr =	simm.s32 $0x1  }
0x2: {  	[smem:$0x3F89] =	sst lr;
	_ =	strace $0xD0000000  }
0x3: {  	_ = 	snop  }
0x4: {  	_ = 	snop  }
0x5: {  	_ = 	snop  }
0x6: {  	_ = 	snop  }
0x7: {  	_ = 	snop  }
__scs_overlays_trampoline_lowered:
0x8: {  	[smem:$0x3F98] =	sst s0  }
0x9: {  	[smem:$0x3F99] =	sst s1  }
0xa: {  	[smem:$0x3F9A] =	sst s2  }
0xb: {  	[smem:$0x3F9B] =	sst s3  }
0xc: {  	[smem:$0x3F9C] =	sst s4  }
0xd: {  	[smem:$0x3F9D] =	sst s5  }
0xe: {  	[smem:$0x3F9E] =	sst s6  }
0xf: {  	[smem:$0x3F9F] =	sst s7  }
0x10: {  	[smem:$0x3FA0] =	sst s8  }
0x11: {  	[smem:$0x3FA1] =	sst s9;
	s0 =	simm.s32 @!p0 $0x0  }
0x12: {  	s1 =	sld [smem:$0x3F87];
	s0 =	simm.s32 @p0 $0x1  }
0x13: {  	[smem:$0x3FA2] =	sst s0;
	s0 =	simm.s32 @!p1 $0x0  }
0x14: {  	s2 =	sld [smem:$0x3F86];
	s0 =	simm.s32 @p1 $0x1  }
0x15: {  	[smem:$0x3FA3] =	sst s0;
	s0 =	simm.s32 @!p2 $0x0  }
0x16: {  	s3 =	sld [smem:$0x3FDB];
	s0 =	simm.s32 @p2 $0x1  }
0x17: {  	s4 =	simm.s32 $0x1BF5;
	[smem:$0x3FA5] =	sst s0  }
0x18: {  	s0 =	sld [smem:$0x3F88];
	_ =	swait.ge [sflag:s4], $0x0  }
0x19: {  	s7 =	sld [smem:$0x3F89]  }
0x1a: {  	s8 =	sadd.s32 $0xFFFFE003, lr  }
0x1b: {  	s9 =	sadd.s32 $0xFFFFFEF7, lr;
	s5 =	simm.s32 $0xFFFFFFFF;
	p2 =	slt.u32 s8, $0xFFFFF086  }
0x1c: {  	p1 =	slt.u32 s9, $0xF7A;
	s5 =	simm.s32 @!p2 $0x0  }
0x1d: {  	s5 =	simm.s32 @p1 $0x1;
	p0 =	seq.s32 s7, s2  }
0x1e: {  	s7 =	smul.u32 @!p0 $0xF7A, s2;
	p2 =	seq.s32 @!p0 s5, $0x0  }
0x1f: {  	s9 =	smul.u32 $0xF7A, s1;
	s8 =	simm.s32 @!p0 $0x1BF5;
	p2 =	por !p2, p0  }
0x20: {  	[sflag:s8] =	ssyncset.s32 @!p0 $0xFFFFF086;
	s6 =	sadd.s32 @!p0 s3, s7;
	s7 =	simm.s32 @!p0 $0x108  }
0x21: {  	s3 =	sadd.s32 s3, s9;
	s6 =	sadd.s32 @!p0 $0x88, s6;
	s7 =	simm.s32 @p2 $0x1082  }
0x22: {  	[simem:s7], [sflag:s8] =	dma.local @!p0 [hbm:s6], $0xF7A  }
0x23: {  	s9 =	sor.u32 $0xD0000000, s2;
	s6 =	simm.s32 $0x108;
	_ =	swait.ge @!p0 [sflag:s8], $0x0  }
0x24: {  	s3 =	sadd.s32 $0x88, s3;
	s6 =	simm.s32 @!p1 $0x1082;
	[sflag:s4] =	ssyncset.s32 $0xFFFFF086  }
0x25: {  	[simem:s6], [sflag:s4] =	dma.local [hbm:s3], $0xF7A  }
0x26: {  	[smem:$0x3F89] =	sst s1;
	(tag) =	ssettag s2;
	_ =	strace s9  }
0x27: {  	s1 =	sld [smem:$0x3F99]  }
0x28: {  	s2 =	sld [smem:$0x3F9A]  }
0x29: {  	s4 =	sld [smem:$0x3F9C]  }
0x2a: {  	p0 =	seq.s32 s5, $0x0;
	s5 =	sld [smem:$0x3F9D]  }
0x2b: {  	s6 =	sld [smem:$0x3F9E]  }
0x2c: {  	s7 =	sld [smem:$0x3F9F]  }
0x2d: {  	s3 =	simm.s32 $0x108;
	s8 =	sld [smem:$0x3FA0]  }
0x2e: {  	s3 =	simm.s32 @!p0 $0x1082;
	s9 =	sld [smem:$0x3FA1]  }
0x2f: {  	lr =	sadd.s32 s0, s3;
	s0 =	sld [smem:$0x3F98]  }
0x30: {  	s3 =	sld [smem:$0x3F9B]  }
0x31: {  	[smem:$0x3FA4] =	sst s10  }
0x32: {  	s10 =	sld [smem:$0x3FA2];
	_ =	sdelay $0x3  }
0x33: {  	p0 =	seq.s32 s10, $0x1;
	s10 =	sld [smem:$0x3FA4];
	_ =	sdelay $0x3  }
0x34: {  	[smem:$0x3FA4] =	sst s10  }
0x35: {  	s10 =	sld [smem:$0x3FA3];
	_ =	sdelay $0x3  }
0x36: {  	p1 =	seq.s32 s10, $0x1;
	s10 =	sld [smem:$0x3FA4];
	_ =	sdelay $0x3  }
0x37: {  	[smem:$0x3FA4] =	sst s10  }
0x38: {  	s10 =	sld [smem:$0x3FA5]  }
0x39: {  	_ = 	snop;
	(pc) =	sbr.ind lr, $3  }
0x3a: {  	_ = 	snop  }
0x3b: {  	_ = 	snop  }
0x3c: {  	p2 =	seq.s32 s10, $0x1;
	s10 =	sld [smem:$0x3FA4]  }
0x3d: {  	_ =	shalt  }
0x3e: {  	_ =	shalt  }
0x3f: {  	_ =	shalt  }
0x40: {  	_ =	shalt  }
0x41: {  	_ =	shalt  }
0x42: {  	_ =	shalt  }
0x43: {  	_ =	shalt  }
0x44: {  	_ =	shalt  }
0x45: {  	_ =	shalt  }
0x46: {  	_ =	shalt  }
0x47: {  	_ =	shalt  }
0x48: {  	_ =	shalt  }
0x49: {  	_ =	shalt  }
0x4a: {  	_ =	shalt  }
0x4b: {  	_ =	shalt  }
0x4c: {  	_ =	shalt  }
0x4d: {  	_ =	shalt  }
0x4e: {  	_ =	shalt  }
0x4f: {  	_ =	shalt  }
0x50: {  	_ =	shalt  }
0x51: {  	_ =	shalt  }
0x52: {  	_ =	shalt  }
0x53: {  	_ =	shalt  }
0x54: {  	_ =	shalt  }
0x55: {  	_ =	shalt  }
0x56: {  	_ =	shalt  }
0x57: {  	_ =	shalt  }
0x58: {  	_ =	shalt  }
0x59: {  	_ =	shalt  }
0x5a: {  	_ =	shalt  }
0x5b: {  	_ =	shalt  }
0x5c: {  	_ =	shalt  }
0x5d: {  	_ =	shalt  }
0x5e: {  	_ =	shalt  }
0x5f: {  	_ =	shalt  }
0x60: {  	_ =	shalt  }
0x61: {  	_ =	shalt  }
0x62: {  	_ =	shalt  }
0x63: {  	_ =	shalt  }
0x64: {  	_ =	shalt  }
0x65: {  	_ =	shalt  }
0x66: {  	_ =	shalt  }
0x67: {  	_ =	shalt  }
0x68: {  	_ =	shalt  }
0x69: {  	_ =	shalt  }
0x6a: {  	_ =	shalt  }
0x6b: {  	_ =	shalt  }
0x6c: {  	_ =	shalt  }
0x6d: {  	_ =	shalt  }
0x6e: {  	_ =	shalt  }
0x6f: {  	_ =	shalt  }
0x70: {  	_ =	shalt  }
0x71: {  	_ =	shalt  }
0x72: {  	_ =	shalt  }
0x73: {  	_ =	shalt  }
0x74: {  	_ =	shalt  }
0x75: {  	_ =	shalt  }
0x76: {  	_ =	shalt  }
0x77: {  	_ =	shalt  }
0x78: {  	_ =	shalt  }
0x79: {  	_ =	shalt  }
0x7a: {  	_ =	shalt  }
0x7b: {  	_ =	shalt  }
0x7c: {  	_ =	shalt  }
0x7d: {  	_ =	shalt  }
0x7e: {  	_ =	shalt  }
0x7f: {  	_ =	shalt  }
0x80: {  	_ =	shalt  }
0x81: {  	_ =	shalt  }
0x82: {  	_ =	shalt  }
0x83: {  	_ =	shalt  }
0x84: {  	_ =	shalt  }
0x85: {  	_ =	shalt  }
0x86: {  	_ =	shalt  }
0x87: {  	_ =	shalt  }
.Lfunc_end0:
.L_simem_size_0:
called_computation.5_lowered:
.L_overlay_start_0:
0x88: {  	s2 =	sld [smem:$0x3FD9]  }
0x89: {  	s3 =	sld [smem:$0x3FFE];
	_ =	sdelay $0x1  }
0x8a: {  	s1 =	srdreg.scid  }
0x8b: {  	s0 =	sand.u32 $0x1, s1  }
0x8c: {  	s16 =	sshll.u32 s0, $0xA;
	s2 =	sadd.s32 s3, s2  }
0x8d: {  	s2 =	sadd.s32 s2, s16  }
0x8e: {  	[smem:$0x3FB0] =	sst s2  }
0x8f: {  	_ = 	snop  }
0x90: {  	(tm) =	ssettm $0x1  }
0x91: {  	s17 =	sld [smem:$0x3FFB];
	_ =	sdelay $0x3  }
0x92: {  	_ =	strace s17  }
0x93: {  	s2 =	sld [smem:$0x3FFC];
	_ =	sdelay $0x3  }
0x94: {  	_ =	strace s2  }
0x95: {  	s2 =	sld [smem:$0x3FFD];
	_ =	sdelay $0x3  }
0x96: {  	_ =	strace s2  }
0x97: {  	_ =	strace $0x8FFFFFFF  }
0x98: {  	s18 =	sld [smem:$0x3FDB];
	_ =	sdelay $0x1  }
0x99: {  	s19 =	simm.s32 $_scs_section_size  }
0x9a: {  	s4 =	simm.s32 $_size__tile_overlayer_lowered;
	s5 =	simm.s32 $_tile_overlayer_lowered  }
0x9b: {  	s22 =	simm.s32 $0x1BFF;
	s21 =	sshll.u32 s5, $0x1;
	s2 =	sadd.s32 s19, s18  }
0x9c: {  	s6 =	simm.s32 $0x0;
	s20 =	sshll.u32 s4, $0x1;
	s4 =	sadd.s32 s21, s2  }
0x9d: {  	[timem:s6], [sflag:s22] =	dma.local [hbm:s4], s20  }
0x9e: {  	_ =	swait.ge [sflag:s22], s20  }
0x9f: {  	s3 =	ssub.s32 $0x0, s20;
	[sflag:s22] =	ssyncset.done $0x0  }
0xa0: {  	[sflag:s22] =	ssyncadd.s32 s3;
	_ =	sdelay $0x1  }
0xa1: {  	s23 =	simm.s32 $0x1B8B  }
0xa2: {  	_ =	swait.ge [sflag:s23], $0x1  }
0xa3: {  	[sflag:s23] =	ssyncset.done $0x0  }
0xa4: {  	s25 =	simm.s32 $0x1B8E;
	s24 =	sld [smem:$0x3FFE];
	[sflag:s23] =	ssyncadd.s32 $0xFFFFFFFF  }
0xa5: {  	s26 =	simm.s32 $execute0_lowered;
	[smem:$0x3FD2] =	sst s25  }
0xa6: {  	s4 =	sshll.u32 s26, $0x1;
	_ =	strace $0x80000055;
	[dreg:$0x1] =	wrdreg $0xFFFFFFFF  }
0xa7: {  	s28 =	simm.s32 $_size_execute0_lowered;
	s2 =	sadd.s32 s2, s4;
	[dreg:$0x0] =	wrdreg $0x0  }
0xa8: {  	s4 =	sshll.u32 s28, $0x1;
	[dreg:$0x2] =	wrdreg s2  }
0xa9: {  	[dreg:$0x3] =	wrdreg s4  }
0xaa: {  	[dreg:$0x4] =	wrdreg $0xC0  }
0xab: {  	_ =	task [dreg:s6], $0x5FFFF  }
0xac: {  	[dreg:$0x1] =	wrdreg $0xFFFFFFFF  }
0xad: {  	[dreg:$0x0] =	wrdreg $0x60  }
0xae: {  	[dreg:$0x2] =	wrdreg s24  }
0xaf: {  	[dreg:$0x3] =	wrdreg $0xF3C00  }
0xb0: {  	[dreg:$0x4] =	wrdreg $0x9  }
0xb1: {  	_ =	task.clear_ibuf [dreg:s6], $0x5FFFF;
	_ =	strace $0x90000055  }
0xb2: {  	s29 =	simm.s32 $0x9;
	_ =	strace $0x80000057  }
0xb3: {  	_ =	swait.ge [sflag:s29], $0x1  }
0xb4: {  	[sflag:s29] =	ssyncadd.s32 $0xFFFFFFFF  }
0xb5: {  	_ =	strace $0x90000057  }
0xb6: {  	_ =	sfence  }
0xb7: {  	s30 =	sld [smem:$0x0];
	_ =	sdelay $0x2  }
0xb8: {  	s31 =	sshll.u32 s1, $0xD;
	s1 =	sshrl.u32 s1, $0x2  }
0xb9: {  	s3 =	sand.u32 $0x4000, s31;
	s1 =	sadd.s32 s1, s30  }
0xba: {  	s0 =	sor.u32 s3, s0;
	s1 =	sshll.u32 s1, $0x11  }
0xbb: {  	s0 =	sor.u32 s1, s0  }
0xbc: {  	s0 =	sadd.s32 $0x8F2B, s0  }
0xbd: {  	[sflag:s0] =	ssyncadd.remote.s32 $0x1  }
0xbe: {  	_ =	sfence.sel $0xFFFF  }
0xbf: {  	[dreg:$0x0] =	wrdreg $0xFFFFFFFF;
	(pc) =	sbr.abs _section_cstart, $3  }
0xc0: {  	[dreg:$0x1] =	wrdreg $0xFFFFFFFF  }
0xc1: {  	_ =	task.clear_ibuf [dreg:s6], $0x2FFFF;
	_ =	strace $0x9FFFFFFF  }
0xc2: {  	(tm) =	ssettm $0x7FFFFFFF  }
0xc3: {  	_ =	shalt  }
tec
execute0_lowered:
.L_overlay_start_1:
0x0: {  	(tag) =	ssettag $0x1  }
0x1: {  	s26 =	rddreg [dreg:$0x0]  }
0x2: {  	s2 =	rddreg [dreg:$0x1]  }
0x3: {  	s1 =	stileid.u32;
	s0 =	rddreg [dreg:$0x2]  }
0x4: {  	s3 =	simm.s32 $0x0;
	s9 =	srdreg.scid;
	s4 =	smul.u32 $0x1400, s1  }
0x5: {  	s5 =	simm.s32 $0x40;
	s6 =	simm.s32 $0x80;
	s8 =	simm.s32 $0x3C0  }
0x6: {  	s7 =	simm.s32 $0x2;
	[smem:$0x7FF] =	sst s3;
	s4 =	sadd.s32 s4, s26  }
0x7: {  	s10 =	smul.u32 $0x14000, s1;
	_ =	strace $0x80000056;
	s4 =	sadd.s32 $0x4600, s4  }
0x8: {  	[tilespmem:s8], [sflag:$0x2] =	stream.strided.gather [hbm4b:s4+s5], $0x5000, s6, s5, $0x38;
	[tilespmem:$0x143C0] =	vst v63  }
0x9: {  	s28 =	sand.u32 $0x1, s9;
	_ =	swait.ge [sflag:s7], $0x5000  }
0xa: {  	s30 =	sshll.u32 s1, $0x1;
	s10 =	sshrl.u32 s10, $0x2;
	[sflag:s7] =	ssyncset.done $0x0  }
0xb: {  	s29 =	sor.u32 s28, s30;
	s9 =	sadd.s32 s10, s2;
	[sflag:s7] =	ssyncadd.s32 $0xFFFFB000  }
0xc: {  	[spmem:s9] =	stream.linear.scatter [tilespmem:s8], [sflag:$0x2], $0x5000, $0x38;
	[tilespmem:$0x143C0] =	vst v63  }
0xd: {  	s31 =	smul.u32 $0x78, s29;
	_ =	swait.ge [sflag:s7], $0x5000  }
0xe: {  	[sflag:s7] =	ssyncset.done $0x0  }
0xf: {  	s10 =	sadd.s32 s31, s26;
	[sflag:s7] =	ssyncadd.s32 $0xFFFFB000  }
0x10: {  	s10 =	sadd.s32 $0x79A00, s10;
	[bflag:$0x0] =	sbarrier.arrive $0xFFFF  }
0x11: {  	[tilespmem:s3], [sflag:$0x2] =	stream.linear.gather [hbm4b:s10+s3], $0x3C0, $0x38;
	[tilespmem:$0x143C0] =	vst v63  }
0x12: {  	_ =	swait.ge [sflag:s7], $0x3C0  }
0x13: {  	[sflag:s7] =	ssyncset.done $0x0  }
0x14: {  	s11 =	simm.s32 $0x78;
	[sflag:s7] =	ssyncadd.s32 $0xFFFFFC40  }
0x15: {  	[tilespmem:s8], [sflag:$0x1] =	stream.indirect.gather [spmem:s2], $0x40, s3, s11, $0xb8;
	[tilespmem:$0x143C0] =	vst v63  }
0x16: {  	s12 =	simm.s32 $0x21C0  }
0x17: {  	[tilespmem:s12], [sflag:$0x1] =	stream.indirect.gather [spmem:s2], $0x40, s11, s11, $0xb8;
	[tilespmem:$0x143C0] =	vst v63  }
0x18: {  	s13 =	simm.s32 $0xF0;
	s14 =	simm.s32 $0x3FC0  }
0x19: {  	[tilespmem:s14], [sflag:$0x1] =	stream.indirect.gather [spmem:s2], $0x40, s13, s11, $0xb8;
	[tilespmem:$0x143C0] =	vst v63  }
0x1a: {  	s15 =	simm.s32 $0x168;
	s16 =	simm.s32 $0x5DC0  }
0x1b: {  	[tilespmem:s16], [sflag:$0x1] =	stream.indirect.gather [spmem:s2], $0x40, s15, s11, $0xb8;
	[tilespmem:$0x143C0] =	vst v63  }
0x1c: {  	s17 =	simm.s32 $0x1E0;
	s18 =	simm.s32 $0x7BC0  }
0x1d: {  	[tilespmem:s18], [sflag:$0x1] =	stream.indirect.gather [spmem:s2], $0x40, s17, s11, $0xb8;
	[tilespmem:$0x143C0] =	vst v63  }
0x1e: {  	s19 =	simm.s32 $0x258;
	s20 =	simm.s32 $0x99C0  }
0x1f: {  	[tilespmem:s20], [sflag:$0x1] =	stream.indirect.gather [spmem:s2], $0x40, s19, s11, $0xb8;
	[tilespmem:$0x143C0] =	vst v63  }
0x20: {  	s21 =	simm.s32 $0x2D0;
	s22 =	simm.s32 $0xB7C0  }
0x21: {  	[tilespmem:s22], [sflag:$0x1] =	stream.indirect.gather [spmem:s2], $0x40, s21, s11, $0xb8;
	[tilespmem:$0x143C0] =	vst v63  }
0x22: {  	s23 =	simm.s32 $0x348;
	s24 =	simm.s32 $0xD5C0;
	s25 =	simm.s32 $0x1  }
0x23: {  	[tilespmem:s24], [sflag:$0x1] =	stream.indirect.gather [spmem:s2], $0x40, s23, s11, $0xb8;
	[tilespmem:$0x143C0] =	vst v63  }
0x24: {  	_ =	swait.ge [sflag:s25], $0x1E00  }
0x25: {  	[sflag:s25] =	ssyncset.done $0x0  }
0x26: {  	[sflag:s25] =	ssyncadd.s32 $0xFFFFE200  }
0x27: {  	_ =	swait.ge [sflag:s25], $0x1E00  }
0x28: {  	[sflag:s25] =	ssyncset.done $0x0  }
0x29: {  	[sflag:s25] =	ssyncadd.s32 $0xFFFFE200  }
0x2a: {  	_ =	swait.ge [sflag:s25], $0x1E00  }
0x2b: {  	[sflag:s25] =	ssyncset.done $0x0  }
0x2c: {  	[sflag:s25] =	ssyncadd.s32 $0xFFFFE200  }
0x2d: {  	_ =	swait.ge [sflag:s25], $0x1E00  }
0x2e: {  	[sflag:s25] =	ssyncset.done $0x0  }
0x2f: {  	[sflag:s25] =	ssyncadd.s32 $0xFFFFE200  }
0x30: {  	_ =	swait.ge [sflag:s25], $0x1E00  }
0x31: {  	[sflag:s25] =	ssyncset.done $0x0  }
0x32: {  	[sflag:s25] =	ssyncadd.s32 $0xFFFFE200  }
0x33: {  	_ =	swait.ge [sflag:s25], $0x1E00  }
0x34: {  	[sflag:s25] =	ssyncset.done $0x0  }
0x35: {  	s28 =	ssub.s32 $0x2, s28;
	[sflag:s25] =	ssyncadd.s32 $0xFFFFE200  }
0x36: {  	s30 =	sshrl.u32 s28, $0x1;
	_ =	swait.ge [sflag:s25], $0x1E00  }
0x37: {  	s28 =	ssub.s32 s28, s30;
	[sflag:s25] =	ssyncset.done $0x0  }
0x38: {  	s29 =	smul.u32 $0x3C00, s29;
	s28 =	smax.u32 s28, $0x1;
	[sflag:s25] =	ssyncadd.s32 $0xFFFFE200  }
0x39: {  	p0 =	sne.s32 s28, $0x1;
	_ =	swait.ge [sflag:s25], $0x1E00  }
.Ltmp0:
0x3a: {  	s26 =	sadd.s32 s29, s26;
	[sflag:s25] =	ssyncset.done $0x0;
	(pc) =	sbr.rel @!p0 .LBB2_2-.Ltmp0, $4  }
0x3b: {  	s26 =	sadd.s32 $0x7AA00, s26;
	[sflag:s25] =	ssyncadd.s32 $0xFFFFE200  }
0x3c: {  	[hbm4b:s26+s5] =	stream.strided.scatter [tilespmem:s8], [sflag:$0x2], $0xF000, s6, s5, $0x38;
	[tilespmem:$0x143C0] =	vst v63  }
0x3d: {  	_ =	swait.ge [sflag:s7], $0xF000  }
0x3e: {  	s28 =	sadd.s32 $0xFFFFFFFF, s28;
	[sflag:s7] =	ssyncset.done $0x0  }
.LBB2_1:
0x3f: {  	p0 =	sne.s32 s28, $0x1;
	s28 =	sadd.s32 $0xFFFFFFFF, s28;
	[sflag:s7] =	ssyncadd.s32 $0xFFFF1000  }
0x40: {  	[tilespmem:s8], [sflag:$0x2] =	stream.strided.gather [hbm4b:s4+s5], $0x5000, s6, s5, $0x38;
	[tilespmem:$0x143C0] =	vst v63  }
0x41: {  	_ =	swait.ge [sflag:s7], $0x5000  }
0x42: {  	[sflag:s7] =	ssyncset.done $0x0  }
0x43: {  	[sflag:s7] =	ssyncadd.s32 $0xFFFFB000  }
0x44: {  	[spmem:s9] =	stream.linear.scatter [tilespmem:s8], [sflag:$0x2], $0x5000, $0x38;
	[tilespmem:$0x143C0] =	vst v63  }
0x45: {  	_ =	swait.ge [sflag:s7], $0x5000  }
0x46: {  	[sflag:s7] =	ssyncset.done $0x0  }
0x47: {  	[sflag:s7] =	ssyncadd.s32 $0xFFFFB000  }
0x48: {  	[bflag:$0x0] =	sbarrier.arrive $0xFFFF  }
0x49: {  	[tilespmem:s3], [sflag:$0x2] =	stream.linear.gather [hbm4b:s10+s3], $0x3C0, $0x38;
	[tilespmem:$0x143C0] =	vst v63  }
0x4a: {  	_ =	swait.ge [sflag:s7], $0x3C0  }
0x4b: {  	[sflag:s7] =	ssyncset.done $0x0  }
0x4c: {  	[sflag:s7] =	ssyncadd.s32 $0xFFFFFC40  }
0x4d: {  	[tilespmem:s8], [sflag:$0x1] =	stream.indirect.gather [spmem:s2], $0x40, s3, s11, $0xb8;
	[tilespmem:$0x143C0] =	vst v63  }
0x4e: {  	_ = 	snop  }
0x4f: {  	[tilespmem:s12], [sflag:$0x1] =	stream.indirect.gather [spmem:s2], $0x40, s11, s11, $0xb8;
	[tilespmem:$0x143C0] =	vst v63  }
0x50: {  	_ = 	snop  }
0x51: {  	[tilespmem:s14], [sflag:$0x1] =	stream.indirect.gather [spmem:s2], $0x40, s13, s11, $0xb8;
	[tilespmem:$0x143C0] =	vst v63  }
0x52: {  	_ = 	snop  }
0x53: {  	[tilespmem:s16], [sflag:$0x1] =	stream.indirect.gather [spmem:s2], $0x40, s15, s11, $0xb8;
	[tilespmem:$0x143C0] =	vst v63  }
0x54: {  	_ = 	snop  }
0x55: {  	[tilespmem:s18], [sflag:$0x1] =	stream.indirect.gather [spmem:s2], $0x40, s17, s11, $0xb8;
	[tilespmem:$0x143C0] =	vst v63  }
0x56: {  	_ = 	snop  }
0x57: {  	[tilespmem:s20], [sflag:$0x1] =	stream.indirect.gather [spmem:s2], $0x40, s19, s11, $0xb8;
	[tilespmem:$0x143C0] =	vst v63  }
0x58: {  	_ = 	snop  }
0x59: {  	[tilespmem:s22], [sflag:$0x1] =	stream.indirect.gather [spmem:s2], $0x40, s21, s11, $0xb8;
	[tilespmem:$0x143C0] =	vst v63  }
0x5a: {  	_ = 	snop  }
0x5b: {  	[tilespmem:s24], [sflag:$0x1] =	stream.indirect.gather [spmem:s2], $0x40, s23, s11, $0xb8;
	[tilespmem:$0x143C0] =	vst v63  }
0x5c: {  	_ =	swait.ge [sflag:s25], $0x1E00  }
0x5d: {  	[sflag:s25] =	ssyncset.done $0x0  }
0x5e: {  	[sflag:s25] =	ssyncadd.s32 $0xFFFFE200  }
0x5f: {  	_ =	swait.ge [sflag:s25], $0x1E00  }
0x60: {  	[sflag:s25] =	ssyncset.done $0x0  }
0x61: {  	[sflag:s25] =	ssyncadd.s32 $0xFFFFE200  }
0x62: {  	_ =	swait.ge [sflag:s25], $0x1E00  }
0x63: {  	[sflag:s25] =	ssyncset.done $0x0  }
0x64: {  	[sflag:s25] =	ssyncadd.s32 $0xFFFFE200  }
0x65: {  	_ =	swait.ge [sflag:s25], $0x1E00  }
0x66: {  	[sflag:s25] =	ssyncset.done $0x0  }
0x67: {  	[sflag:s25] =	ssyncadd.s32 $0xFFFFE200  }
0x68: {  	_ =	swait.ge [sflag:s25], $0x1E00  }
0x69: {  	[sflag:s25] =	ssyncset.done $0x0  }
0x6a: {  	[sflag:s25] =	ssyncadd.s32 $0xFFFFE200  }
0x6b: {  	_ =	swait.ge [sflag:s25], $0x1E00  }
0x6c: {  	[sflag:s25] =	ssyncset.done $0x0  }
0x6d: {  	[sflag:s25] =	ssyncadd.s32 $0xFFFFE200  }
0x6e: {  	_ =	swait.ge [sflag:s25], $0x1E00  }
0x6f: {  	[sflag:s25] =	ssyncset.done $0x0  }
0x70: {  	[sflag:s25] =	ssyncadd.s32 $0xFFFFE200  }
0x71: {  	_ =	swait.ge [sflag:s25], $0x1E00  }
.Ltmp1:
0x72: {  	[sflag:s25] =	ssyncset.done $0x0;
	(pc) =	sbr.rel @p0 .LBB2_1-.Ltmp1, $4  }
0x73: {  	[sflag:s25] =	ssyncadd.s32 $0xFFFFE200  }
0x74: {  	[hbm4b:s26+s5] =	stream.strided.scatter [tilespmem:s8], [sflag:$0x2], $0xF000, s6, s5, $0x38;
	[tilespmem:$0x143C0] =	vst v63  }
0x75: {  	_ =	swait.ge [sflag:s7], $0xF000  }
0x76: {  	[sflag:s7] =	ssyncset.done $0x0  }
.LBB2_2:
0x77: {  	[sflag:s7] =	ssyncadd.s32 $0xFFFF1000  }
0x78: {  	_ =	sfence.sel $0x180000  }
0x79: {  	[bflag:$0x0] =	sbarrier.arrive $0xFFFF  }
0x7a: {  	p0 =	sne.s32 s1, $0x0;
	_ =	strace $0x90000056  }
0x7b: {  	s0 =	sadd.s32 @!p0 $0x100000, s0;
	[bflag:$0x2] =	sbarrier.arrive $0xFFFF  }
0x7c: {  	[sflag:s0] =	ssyncadd.tile.s32 @!p0 $0x1;
	_ =	shalt  }
.Lfunc_end2:
_tile_overlayer_lowered:
.L_overlay_start_2:
0x7d: {  	(tag) =	ssettag $0x2  }
0x7e: {  	s0 =	rddreg [dreg:$0x0];
	s2 =	stileid.u32  }
0x7f: {  	s1 =	rddreg [dreg:$0x1];
	p0 =	sne.s32 s2, $0x0  }
0x80: {  	s3 =	rddreg [dreg:$0x2];
	[bflag:$0x3] =	sbarrier.arrive $0xFFFF;
	s2 =	simm.s32 @!p0 $0x1C02  }
0x81: {  	[timem:s3], [sflag:s2] =	dma.local @!p0 [hbm:s0], s1  }
0x82: {  	s0 =	simm.s32 @!p0 $0x2  }
0x83: {  	_ =	swait.ge @!p0 [sflag:s0], s1  }
0x84: {  	s1 =	ssub.s32 @!p0 $0x0, s1;
	[sflag:s0] =	ssyncset.done @!p0 $0x0  }
0x85: {  	[sflag:s0] =	ssyncadd.s32 @!p0 s1  }
0x86: {  	[bflag:$0x3] =	sbarrier.arrive $0xFFFF  }
0x87: {  	_ =	shalt  }

// kernel: kernel.34.cloned.1.call-start
scs
__scs_entry_jumppad:
0x0: {  	(pc) =	sbr.rel $0x88, $3  }
0x1: {  	(tag) =	ssettag $0x0;
	lr =	simm.s32 $0x1  }
0x2: {  	[smem:$0x3F89] =	sst lr;
	_ =	strace $0xD0000000  }
0x3: {  	_ = 	snop  }
0x4: {  	_ = 	snop  }
0x5: {  	_ = 	snop  }
0x6: {  	_ = 	snop  }
0x7: {  	_ = 	snop  }
__scs_overlays_trampoline_lowered:
0x8: {  	[smem:$0x3F98] =	sst s0  }
0x9: {  	[smem:$0x3F99] =	sst s1  }
0xa: {  	[smem:$0x3F9A] =	sst s2  }
0xb: {  	[smem:$0x3F9B] =	sst s3  }
0xc: {  	[smem:$0x3F9C] =	sst s4  }
0xd: {  	[smem:$0x3F9D] =	sst s5  }
0xe: {  	[smem:$0x3F9E] =	sst s6  }
0xf: {  	[smem:$0x3F9F] =	sst s7  }
0x10: {  	[smem:$0x3FA0] =	sst s8  }
0x11: {  	[smem:$0x3FA1] =	sst s9;
	s0 =	simm.s32 @!p0 $0x0  }
0x12: {  	s1 =	sld [smem:$0x3F87];
	s0 =	simm.s32 @p0 $0x1  }
0x13: {  	[smem:$0x3FA2] =	sst s0;
	s0 =	simm.s32 @!p1 $0x0  }
0x14: {  	s2 =	sld [smem:$0x3F86];
	s0 =	simm.s32 @p1 $0x1  }
0x15: {  	[smem:$0x3FA3] =	sst s0;
	s0 =	simm.s32 @!p2 $0x0  }
0x16: {  	s3 =	sld [smem:$0x3FDB];
	s0 =	simm.s32 @p2 $0x1  }
0x17: {  	s4 =	simm.s32 $0x1BF5;
	[smem:$0x3FA5] =	sst s0  }
0x18: {  	s0 =	sld [smem:$0x3F88];
	_ =	swait.ge [sflag:s4], $0x0  }
0x19: {  	s7 =	sld [smem:$0x3F89]  }
0x1a: {  	s8 =	sadd.s32 $0xFFFFE003, lr  }
0x1b: {  	s9 =	sadd.s32 $0xFFFFFEF7, lr;
	s5 =	simm.s32 $0xFFFFFFFF;
	p2 =	slt.u32 s8, $0xFFFFF086  }
0x1c: {  	p1 =	slt.u32 s9, $0xF7A;
	s5 =	simm.s32 @!p2 $0x0  }
0x1d: {  	s5 =	simm.s32 @p1 $0x1;
	p0 =	seq.s32 s7, s2  }
0x1e: {  	s7 =	smul.u32 @!p0 $0xF7A, s2;
	p2 =	seq.s32 @!p0 s5, $0x0  }
0x1f: {  	s9 =	smul.u32 $0xF7A, s1;
	s8 =	simm.s32 @!p0 $0x1BF5;
	p2 =	por !p2, p0  }
0x20: {  	[sflag:s8] =	ssyncset.s32 @!p0 $0xFFFFF086;
	s6 =	sadd.s32 @!p0 s3, s7;
	s7 =	simm.s32 @!p0 $0x108  }
0x21: {  	s3 =	sadd.s32 s3, s9;
	s6 =	sadd.s32 @!p0 $0x88, s6;
	s7 =	simm.s32 @p2 $0x1082  }
0x22: {  	[simem:s7], [sflag:s8] =	dma.local @!p0 [hbm:s6], $0xF7A  }
0x23: {  	s9 =	sor.u32 $0xD0000000, s2;
	s6 =	simm.s32 $0x108;
	_ =	swait.ge @!p0 [sflag:s8], $0x0  }
0x24: {  	s3 =	sadd.s32 $0x88, s3;
	s6 =	simm.s32 @!p1 $0x1082;
	[sflag:s4] =	ssyncset.s32 $0xFFFFF086  }
0x25: {  	[simem:s6], [sflag:s4] =	dma.local [hbm:s3], $0xF7A  }
0x26: {  	[smem:$0x3F89] =	sst s1;
	(tag) =	ssettag s2;
	_ =	strace s9  }
0x27: {  	s1 =	sld [smem:$0x3F99]  }
0x28: {  	s2 =	sld [smem:$0x3F9A]  }
0x29: {  	s4 =	sld [smem:$0x3F9C]  }
0x2a: {  	p0 =	seq.s32 s5, $0x0;
	s5 =	sld [smem:$0x3F9D]  }
0x2b: {  	s6 =	sld [smem:$0x3F9E]  }
0x2c: {  	s7 =	sld [smem:$0x3F9F]  }
0x2d: {  	s3 =	simm.s32 $0x108;
	s8 =	sld [smem:$0x3FA0]  }
0x2e: {  	s3 =	simm.s32 @!p0 $0x1082;
	s9 =	sld [smem:$0x3FA1]  }
0x2f: {  	lr =	sadd.s32 s0, s3;
	s0 =	sld [smem:$0x3F98]  }
0x30: {  	s3 =	sld [smem:$0x3F9B]  }
0x31: {  	[smem:$0x3FA4] =	sst s10  }
0x32: {  	s10 =	sld [smem:$0x3FA2];
	_ =	sdelay $0x3  }
0x33: {  	p0 =	seq.s32 s10, $0x1;
	s10 =	sld [smem:$0x3FA4];
	_ =	sdelay $0x3  }
0x34: {  	[smem:$0x3FA4] =	sst s10  }
0x35: {  	s10 =	sld [smem:$0x3FA3];
	_ =	sdelay $0x3  }
0x36: {  	p1 =	seq.s32 s10, $0x1;
	s10 =	sld [smem:$0x3FA4];
	_ =	sdelay $0x3  }
0x37: {  	[smem:$0x3FA4] =	sst s10  }
0x38: {  	s10 =	sld [smem:$0x3FA5]  }
0x39: {  	_ = 	snop;
	(pc) =	sbr.ind lr, $3  }
0x3a: {  	_ = 	snop  }
0x3b: {  	_ = 	snop  }
0x3c: {  	p2 =	seq.s32 s10, $0x1;
	s10 =	sld [smem:$0x3FA4]  }
0x3d: {  	_ =	shalt  }
0x3e: {  	_ =	shalt  }
0x3f: {  	_ =	shalt  }
0x40: {  	_ =	shalt  }
0x41: {  	_ =	shalt  }
0x42: {  	_ =	shalt  }
0x43: {  	_ =	shalt  }
0x44: {  	_ =	shalt  }
0x45: {  	_ =	shalt  }
0x46: {  	_ =	shalt  }
0x47: {  	_ =	shalt  }
0x48: {  	_ =	shalt  }
0x49: {  	_ =	shalt  }
0x4a: {  	_ =	shalt  }
0x4b: {  	_ =	shalt  }
0x4c: {  	_ =	shalt  }
0x4d: {  	_ =	shalt  }
0x4e: {  	_ =	shalt  }
0x4f: {  	_ =	shalt  }
0x50: {  	_ =	shalt  }
0x51: {  	_ =	shalt  }
0x52: {  	_ =	shalt  }
0x53: {  	_ =	shalt  }
0x54: {  	_ =	shalt  }
0x55: {  	_ =	shalt  }
0x56: {  	_ =	shalt  }
0x57: {  	_ =	shalt  }
0x58: {  	_ =	shalt  }
0x59: {  	_ =	shalt  }
0x5a: {  	_ =	shalt  }
0x5b: {  	_ =	shalt  }
0x5c: {  	_ =	shalt  }
0x5d: {  	_ =	shalt  }
0x5e: {  	_ =	shalt  }
0x5f: {  	_ =	shalt  }
0x60: {  	_ =	shalt  }
0x61: {  	_ =	shalt  }
0x62: {  	_ =	shalt  }
0x63: {  	_ =	shalt  }
0x64: {  	_ =	shalt  }
0x65: {  	_ =	shalt  }
0x66: {  	_ =	shalt  }
0x67: {  	_ =	shalt  }
0x68: {  	_ =	shalt  }
0x69: {  	_ =	shalt  }
0x6a: {  	_ =	shalt  }
0x6b: {  	_ =	shalt  }
0x6c: {  	_ =	shalt  }
0x6d: {  	_ =	shalt  }
0x6e: {  	_ =	shalt  }
0x6f: {  	_ =	shalt  }
0x70: {  	_ =	shalt  }
0x71: {  	_ =	shalt  }
0x72: {  	_ =	shalt  }
0x73: {  	_ =	shalt  }
0x74: {  	_ =	shalt  }
0x75: {  	_ =	shalt  }
0x76: {  	_ =	shalt  }
0x77: {  	_ =	shalt  }
0x78: {  	_ =	shalt  }
0x79: {  	_ =	shalt  }
0x7a: {  	_ =	shalt  }
0x7b: {  	_ =	shalt  }
0x7c: {  	_ =	shalt  }
0x7d: {  	_ =	shalt  }
0x7e: {  	_ =	shalt  }
0x7f: {  	_ =	shalt  }
0x80: {  	_ =	shalt  }
0x81: {  	_ =	shalt  }
0x82: {  	_ =	shalt  }
0x83: {  	_ =	shalt  }
0x84: {  	_ =	shalt  }
0x85: {  	_ =	shalt  }
0x86: {  	_ =	shalt  }
0x87: {  	_ =	shalt  }
.Lfunc_end0:
.L_simem_size_0:
called_computation.6_lowered:
.L_overlay_start_0:
0x88: {  	s2 =	sld [smem:$0x3FD9]  }
0x89: {  	s3 =	sld [smem:$0x3FFE];
	_ =	sdelay $0x1  }
0x8a: {  	s1 =	srdreg.scid  }
0x8b: {  	s0 =	sand.u32 $0x1, s1  }
0x8c: {  	s16 =	sshll.u32 s0, $0xA;
	s2 =	sadd.s32 s3, s2  }
0x8d: {  	s2 =	sadd.s32 s2, s16  }
0x8e: {  	[smem:$0x3FB0] =	sst s2  }
0x8f: {  	_ = 	snop  }
0x90: {  	(tm) =	ssettm $0x1  }
0x91: {  	s17 =	sld [smem:$0x3FFB];
	_ =	sdelay $0x3  }
0x92: {  	_ =	strace s17  }
0x93: {  	s2 =	sld [smem:$0x3FFC];
	_ =	sdelay $0x3  }
0x94: {  	_ =	strace s2  }
0x95: {  	s2 =	sld [smem:$0x3FFD];
	_ =	sdelay $0x3  }
0x96: {  	_ =	strace s2  }
0x97: {  	_ =	strace $0x8FFFFFFF  }
0x98: {  	s18 =	sld [smem:$0x3FDB];
	_ =	sdelay $0x1  }
0x99: {  	s19 =	simm.s32 $_scs_section_size  }
0x9a: {  	s4 =	simm.s32 $_size__tile_overlayer_lowered;
	s5 =	simm.s32 $_tile_overlayer_lowered  }
0x9b: {  	s22 =	simm.s32 $0x1BFF;
	s21 =	sshll.u32 s5, $0x1;
	s2 =	sadd.s32 s19, s18  }
0x9c: {  	s6 =	simm.s32 $0x0;
	s20 =	sshll.u32 s4, $0x1;
	s4 =	sadd.s32 s21, s2  }
0x9d: {  	[timem:s6], [sflag:s22] =	dma.local [hbm:s4], s20  }
0x9e: {  	_ =	swait.ge [sflag:s22], s20  }
0x9f: {  	s3 =	ssub.s32 $0x0, s20;
	[sflag:s22] =	ssyncset.done $0x0  }
0xa0: {  	[sflag:s22] =	ssyncadd.s32 s3;
	_ =	sdelay $0x1  }
0xa1: {  	s23 =	simm.s32 $0x1B8B  }
0xa2: {  	_ =	swait.ge [sflag:s23], $0x1  }
0xa3: {  	[sflag:s23] =	ssyncset.done $0x0  }
0xa4: {  	s25 =	simm.s32 $0x1B8E;
	s24 =	sld [smem:$0x3FFE];
	[sflag:s23] =	ssyncadd.s32 $0xFFFFFFFF  }
0xa5: {  	s26 =	simm.s32 $execute0_lowered;
	[smem:$0x3FD2] =	sst s25  }
0xa6: {  	s4 =	sshll.u32 s26, $0x1;
	_ =	strace $0x80000058;
	[dreg:$0x1] =	wrdreg $0xFFFFFFFF  }
0xa7: {  	s28 =	simm.s32 $_size_execute0_lowered;
	s2 =	sadd.s32 s2, s4;
	[dreg:$0x0] =	wrdreg $0x0  }
0xa8: {  	s4 =	sshll.u32 s28, $0x1;
	[dreg:$0x2] =	wrdreg s2  }
0xa9: {  	[dreg:$0x3] =	wrdreg s4  }
0xaa: {  	[dreg:$0x4] =	wrdreg $0xC0  }
0xab: {  	_ =	task [dreg:s6], $0x5FFFF  }
0xac: {  	[dreg:$0x1] =	wrdreg $0xFFFFFFFF  }
0xad: {  	[dreg:$0x0] =	wrdreg $0x60  }
0xae: {  	[dreg:$0x2] =	wrdreg s24  }
0xaf: {  	[dreg:$0x3] =	wrdreg $0xF3C00  }
0xb0: {  	[dreg:$0x4] =	wrdreg $0x9  }
0xb1: {  	_ =	task.clear_ibuf [dreg:s6], $0x5FFFF;
	_ =	strace $0x90000058  }
0xb2: {  	s29 =	simm.s32 $0x9;
	_ =	strace $0x8000005A  }
0xb3: {  	_ =	swait.ge [sflag:s29], $0x1  }
0xb4: {  	[sflag:s29] =	ssyncadd.s32 $0xFFFFFFFF  }
0xb5: {  	_ =	strace $0x9000005A  }
0xb6: {  	_ =	sfence  }
0xb7: {  	s30 =	sld [smem:$0x0];
	_ =	sdelay $0x2  }
0xb8: {  	s31 =	sshll.u32 s1, $0xD;
	s1 =	sshrl.u32 s1, $0x2  }
0xb9: {  	s3 =	sand.u32 $0x4000, s31;
	s1 =	sadd.s32 s1, s30  }
0xba: {  	s0 =	sor.u32 s3, s0;
	s1 =	sshll.u32 s1, $0x11  }
0xbb: {  	s0 =	sor.u32 s1, s0  }
0xbc: {  	s0 =	sadd.s32 $0x8F2B, s0  }
0xbd: {  	[sflag:s0] =	ssyncadd.remote.s32 $0x1  }
0xbe: {  	_ =	sfence.sel $0xFFFF  }
0xbf: {  	[dreg:$0x0] =	wrdreg $0xFFFFFFFF;
	(pc) =	sbr.abs _section_cstart, $3  }
0xc0: {  	[dreg:$0x1] =	wrdreg $0xFFFFFFFF  }
0xc1: {  	_ =	task.clear_ibuf [dreg:s6], $0x2FFFF;
	_ =	strace $0x9FFFFFFF  }
0xc2: {  	(tm) =	ssettm $0x7FFFFFFF  }
0xc3: {  	_ =	shalt  }
tec
execute0_lowered:
.L_overlay_start_1:
0x0: {  	(tag) =	ssettag $0x1  }
0x1: {  	s1 =	srdreg.scid  }
0x2: {  	s0 =	stileid.u32;
	s29 =	rddreg [dreg:$0x0]  }
0x3: {  	s2 =	rddreg [dreg:$0x1];
	s30 =	sand.u32 $0x1, s1;
	s24 =	sshll.u32 s0, $0x1  }
0x4: {  	s3 =	simm.s32 $0x0;
	s6 =	smul.u32 $0x14000, s0;
	s4 =	sor.u32 s30, s24  }
0x5: {  	s9 =	simm.s32 $0x80;
	s10 =	simm.s32 $0x3C0;
	s5 =	smul.u32 $0x3C00, s4  }
0x6: {  	[smem:$0x7FF] =	sst s3;
	s4 =	smul.u32 $0x78, s4;
	s8 =	sshrl.u32 s6, $0x2  }
0x7: {  	s26 =	sshll.u32 s0, $0x6;
	_ =	strace $0x80000059;
	s11 =	sadd.s32 s8, s2  }
0x8: {  	s8 =	simm.s32 $0x40;
	s7 =	sadd.s32 s5, s29;
	s25 =	sadd.s32 s4, s29  }
0x9: {  	s4 =	sadd.s32 $0x1EC00, s29;
	s12 =	sshrl.u32 s11, $0x3;
	s5 =	sadd.s32 $0x18600, s25  }
0xa: {  	[tilespmem:s3], [sflag:$0x1] =	stream.linear.gather [hbm4b:s5+s3], $0x3C0, $0x38;
	[tilespmem:$0x143C0] =	vst v63  }
0xb: {  	s11 =	simm.s32 $0x2;
	s6 =	sadd.s32 $0xF2A00, s7;
	s7 =	sor.u32 $0x1C02, s26  }
0xc: {  	[tilespmem:s10], [sflag:$0x1] =	stream.strided.gather [hbm4b:s6+s8], $0xF000, s9, s8, $0x38;
	[tilespmem:$0x143C0] =	vst v63  }
0xd: {  	[spmem:s12], [sflag:s7] =	dma.local [hbm:s4], $0xA00  }
0xe: {  	_ =	swait.ge [sflag:s11], $0xA00  }
0xf: {  	[sflag:s11] =	ssyncset.done $0x0  }
0x10: {  	[sflag:s11] =	ssyncadd.s32 $0xFFFFF600  }
0x11: {  	s13 =	simm.s32 $0x1;
	[bflag:$0x0] =	sbarrier.arrive $0xFFFF  }
0x12: {  	_ =	swait.ge [sflag:s13], $0x3C0  }
0x13: {  	[sflag:s13] =	ssyncset.done $0x0  }
0x14: {  	[sflag:s13] =	ssyncadd.s32 $0xFFFFFC40  }
0x15: {  	_ =	swait.ge [sflag:s13], $0xF000  }
0x16: {  	[sflag:s13] =	ssyncset.done $0x0  }
0x17: {  	s14 =	simm.s32 $0x78;
	[sflag:s13] =	ssyncadd.s32 $0xFFFF1000  }
0x18: {  	[spmem:s2] =	stream.indirect.scatter.add.f32 [tilespmem:s10], [sflag:$0x2], $0x40, s3, s14, $0xb8;
	[tilespmem:$0x143C0] =	vst v63  }
0x19: {  	_ =	swait.ge [sflag:s11], $0x1E00  }
0x1a: {  	[sflag:s11] =	ssyncset.done $0x0  }
0x1b: {  	s15 =	simm.s32 $0x21C0;
	[sflag:s11] =	ssyncadd.s32 $0xFFFFE200  }
0x1c: {  	[spmem:s2] =	stream.indirect.scatter.add.f32 [tilespmem:s15], [sflag:$0x2], $0x40, s14, s14, $0xb8;
	[tilespmem:$0x143C0] =	vst v63  }
0x1d: {  	_ =	swait.ge [sflag:s11], $0x1E00  }
0x1e: {  	[sflag:s11] =	ssyncset.done $0x0  }
0x1f: {  	s16 =	simm.s32 $0xF0;
	s17 =	simm.s32 $0x3FC0;
	[sflag:s11] =	ssyncadd.s32 $0xFFFFE200  }
0x20: {  	[spmem:s2] =	stream.indirect.scatter.add.f32 [tilespmem:s17], [sflag:$0x2], $0x40, s16, s14, $0xb8;
	[tilespmem:$0x143C0] =	vst v63  }
0x21: {  	_ =	swait.ge [sflag:s11], $0x1E00  }
0x22: {  	[sflag:s11] =	ssyncset.done $0x0  }
0x23: {  	s18 =	simm.s32 $0x168;
	s19 =	simm.s32 $0x5DC0;
	[sflag:s11] =	ssyncadd.s32 $0xFFFFE200  }
0x24: {  	[spmem:s2] =	stream.indirect.scatter.add.f32 [tilespmem:s19], [sflag:$0x2], $0x40, s18, s14, $0xb8;
	[tilespmem:$0x143C0] =	vst v63  }
0x25: {  	_ =	swait.ge [sflag:s11], $0x1E00  }
0x26: {  	[sflag:s11] =	ssyncset.done $0x0  }
0x27: {  	s20 =	simm.s32 $0x1E0;
	s21 =	simm.s32 $0x7BC0;
	[sflag:s11] =	ssyncadd.s32 $0xFFFFE200  }
0x28: {  	[spmem:s2] =	stream.indirect.scatter.add.f32 [tilespmem:s21], [sflag:$0x2], $0x40, s20, s14, $0xb8;
	[tilespmem:$0x143C0] =	vst v63  }
0x29: {  	_ =	swait.ge [sflag:s11], $0x1E00  }
0x2a: {  	[sflag:s11] =	ssyncset.done $0x0  }
0x2b: {  	s22 =	simm.s32 $0x258;
	s23 =	simm.s32 $0x99C0;
	[sflag:s11] =	ssyncadd.s32 $0xFFFFE200  }
0x2c: {  	[spmem:s2] =	stream.indirect.scatter.add.f32 [tilespmem:s23], [sflag:$0x2], $0x40, s22, s14, $0xb8;
	[tilespmem:$0x143C0] =	vst v63  }
0x2d: {  	_ =	swait.ge [sflag:s11], $0x1E00  }
0x2e: {  	s31 =	smul.u32 $0xA00, s0;
	s24 =	simm.s32 $0x2D0;
	[sflag:s11] =	ssyncset.done $0x0  }
0x2f: {  	s1 =	smul.u32 $0xA000, s30;
	s25 =	simm.s32 $0xB7C0;
	[sflag:s11] =	ssyncadd.s32 $0xFFFFE200  }
0x30: {  	[spmem:s2] =	stream.indirect.scatter.add.f32 [tilespmem:s25], [sflag:$0x2], $0x40, s24, s14, $0xb8;
	[tilespmem:$0x143C0] =	vst v63  }
0x31: {  	s28 =	simm.s32 $0xD5C0;
	s30 =	ssub.s32 $0x2, s30;
	_ =	swait.ge [sflag:s11], $0x1E00  }
0x32: {  	s1 =	sadd.s32 s31, s1;
	s31 =	sshrl.u32 s30, $0x1;
	[sflag:s11] =	ssyncset.done $0x0  }
0x33: {  	s30 =	ssub.s32 s30, s31;
	s26 =	simm.s32 $0x348;
	[sflag:s11] =	ssyncadd.s32 $0xFFFFE200  }
0x34: {  	[spmem:s2] =	stream.indirect.scatter.add.f32 [tilespmem:s28], [sflag:$0x2], $0x40, s26, s14, $0xb8;
	[tilespmem:$0x143C0] =	vst v63  }
0x35: {  	s31 =	smax.u32 s30, $0x1;
	_ =	swait.ge [sflag:s11], $0x1E00  }
0x36: {  	p0 =	sne.s32 s31, $0x1;
	[sflag:s11] =	ssyncset.done $0x0  }
.Ltmp0:
0x37: {  	s1 =	sadd.s32 s1, s29;
	[sflag:s11] =	ssyncadd.s32 $0xFFFFE200;
	(pc) =	sbr.rel @!p0 .LBB2_2-.Ltmp0, $4  }
0x38: {  	s29 =	sadd.s32 $0x1F600, s1;
	[bflag:$0x0] =	sbarrier.arrive $0xFFFF  }
0x39: {  	[hbm:s29], [sflag:s7] =	dma.local [spmem:s12], $0xA00  }
0x3a: {  	_ =	swait.ge [sflag:s11], $0xA00  }
0x3b: {  	s30 =	sadd.s32 $0xFFFFFFFF, s31;
	[sflag:s11] =	ssyncset.done $0x0  }
.LBB2_1:
0x3c: {  	p0 =	sne.s32 s30, $0x1;
	s30 =	sadd.s32 $0xFFFFFFFF, s30;
	[sflag:s11] =	ssyncadd.s32 $0xFFFFF600  }
0x3d: {  	[tilespmem:s3], [sflag:$0x1] =	stream.linear.gather [hbm4b:s5+s3], $0x3C0, $0x38;
	[tilespmem:$0x143C0] =	vst v63  }
0x3e: {  	_ = 	snop  }
0x3f: {  	[tilespmem:s10], [sflag:$0x1] =	stream.strided.gather [hbm4b:s6+s8], $0xF000, s9, s8, $0x38;
	[tilespmem:$0x143C0] =	vst v63  }
0x40: {  	[spmem:s12], [sflag:s7] =	dma.local [hbm:s4], $0xA00  }
0x41: {  	_ =	swait.ge [sflag:s11], $0xA00  }
0x42: {  	[sflag:s11] =	ssyncset.done $0x0  }
0x43: {  	[sflag:s11] =	ssyncadd.s32 $0xFFFFF600  }
0x44: {  	[bflag:$0x0] =	sbarrier.arrive $0xFFFF  }
0x45: {  	_ =	swait.ge [sflag:s13], $0x3C0  }
0x46: {  	[sflag:s13] =	ssyncset.done $0x0  }
0x47: {  	[sflag:s13] =	ssyncadd.s32 $0xFFFFFC40  }
0x48: {  	_ =	swait.ge [sflag:s13], $0xF000  }
0x49: {  	[sflag:s13] =	ssyncset.done $0x0  }
0x4a: {  	[sflag:s13] =	ssyncadd.s32 $0xFFFF1000  }
0x4b: {  	[spmem:s2] =	stream.indirect.scatter.add.f32 [tilespmem:s10], [sflag:$0x2], $0x40, s3, s14, $0xb8;
	[tilespmem:$0x143C0] =	vst v63  }
0x4c: {  	_ =	swait.ge [sflag:s11], $0x1E00  }
0x4d: {  	[sflag:s11] =	ssyncset.done $0x0  }
0x4e: {  	[sflag:s11] =	ssyncadd.s32 $0xFFFFE200  }
0x4f: {  	[spmem:s2] =	stream.indirect.scatter.add.f32 [tilespmem:s15], [sflag:$0x2], $0x40, s14, s14, $0xb8;
	[tilespmem:$0x143C0] =	vst v63  }
0x50: {  	_ =	swait.ge [sflag:s11], $0x1E00  }
0x51: {  	[sflag:s11] =	ssyncset.done $0x0  }
0x52: {  	[sflag:s11] =	ssyncadd.s32 $0xFFFFE200  }
0x53: {  	[spmem:s2] =	stream.indirect.scatter.add.f32 [tilespmem:s17], [sflag:$0x2], $0x40, s16, s14, $0xb8;
	[tilespmem:$0x143C0] =	vst v63  }
0x54: {  	_ =	swait.ge [sflag:s11], $0x1E00  }
0x55: {  	[sflag:s11] =	ssyncset.done $0x0  }
0x56: {  	[sflag:s11] =	ssyncadd.s32 $0xFFFFE200  }
0x57: {  	[spmem:s2] =	stream.indirect.scatter.add.f32 [tilespmem:s19], [sflag:$0x2], $0x40, s18, s14, $0xb8;
	[tilespmem:$0x143C0] =	vst v63  }
0x58: {  	_ =	swait.ge [sflag:s11], $0x1E00  }
0x59: {  	[sflag:s11] =	ssyncset.done $0x0  }
0x5a: {  	[sflag:s11] =	ssyncadd.s32 $0xFFFFE200  }
0x5b: {  	[spmem:s2] =	stream.indirect.scatter.add.f32 [tilespmem:s21], [sflag:$0x2], $0x40, s20, s14, $0xb8;
	[tilespmem:$0x143C0] =	vst v63  }
0x5c: {  	_ =	swait.ge [sflag:s11], $0x1E00  }
0x5d: {  	[sflag:s11] =	ssyncset.done $0x0  }
0x5e: {  	[sflag:s11] =	ssyncadd.s32 $0xFFFFE200  }
0x5f: {  	[spmem:s2] =	stream.indirect.scatter.add.f32 [tilespmem:s23], [sflag:$0x2], $0x40, s22, s14, $0xb8;
	[tilespmem:$0x143C0] =	vst v63  }
0x60: {  	_ =	swait.ge [sflag:s11], $0x1E00  }
0x61: {  	[sflag:s11] =	ssyncset.done $0x0  }
0x62: {  	[sflag:s11] =	ssyncadd.s32 $0xFFFFE200  }
0x63: {  	[spmem:s2] =	stream.indirect.scatter.add.f32 [tilespmem:s25], [sflag:$0x2], $0x40, s24, s14, $0xb8;
	[tilespmem:$0x143C0] =	vst v63  }
0x64: {  	_ =	swait.ge [sflag:s11], $0x1E00  }
0x65: {  	[sflag:s11] =	ssyncset.done $0x0  }
0x66: {  	[sflag:s11] =	ssyncadd.s32 $0xFFFFE200  }
0x67: {  	[spmem:s2] =	stream.indirect.scatter.add.f32 [tilespmem:s28], [sflag:$0x2], $0x40, s26, s14, $0xb8;
	[tilespmem:$0x143C0] =	vst v63  }
0x68: {  	_ =	swait.ge [sflag:s11], $0x1E00  }
0x69: {  	[sflag:s11] =	ssyncset.done $0x0  }
.Ltmp1:
0x6a: {  	[sflag:s11] =	ssyncadd.s32 $0xFFFFE200;
	(pc) =	sbr.rel @p0 .LBB2_1-.Ltmp1, $4  }
0x6b: {  	[bflag:$0x0] =	sbarrier.arrive $0xFFFF  }
0x6c: {  	[hbm:s29], [sflag:s7] =	dma.local [spmem:s12], $0xA00  }
0x6d: {  	_ =	swait.ge [sflag:s11], $0xA00  }
0x6e: {  	[sflag:s11] =	ssyncset.done $0x0  }
.LBB2_2:
0x6f: {  	[sflag:s11] =	ssyncadd.s32 $0xFFFFF600  }
0x70: {  	_ =	sfence.sel $0x180000  }
0x71: {  	[bflag:$0x0] =	sbarrier.arrive $0xFFFF  }
0x72: {  	_ =	strace $0x90000059  }
0x73: {  	[bflag:$0x2] =	sbarrier.arrive $0xFFFF  }
0x74: {  	p0 =	sne.s32 s0, $0x0;
	s0 =	rddreg [dreg:$0x2]  }
0x75: {  	s0 =	sadd.s32 @!p0 $0x100000, s0  }
0x76: {  	[sflag:s0] =	ssyncadd.tile.s32 @!p0 $0x1;
	_ =	shalt  }
.Lfunc_end2:
_tile_overlayer_lowered:
.L_overlay_start_2:
0x77: {  	(tag) =	ssettag $0x2  }
0x78: {  	s0 =	rddreg [dreg:$0x0];
	s2 =	stileid.u32  }
0x79: {  	s1 =	rddreg [dreg:$0x1];
	p0 =	sne.s32 s2, $0x0  }
0x7a: {  	s3 =	rddreg [dreg:$0x2];
	[bflag:$0x3] =	sbarrier.arrive $0xFFFF;
	s2 =	simm.s32 @!p0 $0x1C02  }
0x7b: {  	[timem:s3], [sflag:s2] =	dma.local @!p0 [hbm:s0], s1  }
0x7c: {  	s0 =	simm.s32 @!p0 $0x2  }
0x7d: {  	_ =	swait.ge @!p0 [sflag:s0], s1  }
0x7e: {  	s1 =	ssub.s32 @!p0 $0x0, s1;
	[sflag:s0] =	ssyncset.done @!p0 $0x0  }
0x7f: {  	[sflag:s0] =	ssyncadd.s32 @!p0 s1  }
0x80: {  	[bflag:$0x3] =	sbarrier.arrive $0xFFFF  }
0x81: {  	_ =	shalt  }

</sc_bundles>
